<compile_context>
chip_gen: v7x
topology: tpu7x:2x2x1
jax: 0.10.2.dev20260603
libtpu: 0.0.44.dev20260713+nightly
codegen_flags: <defaults>
</compile_context>

<pallas_src>
import functools

import jax
import jax.numpy as jnp
from jax import lax
from jax.experimental import pallas as pl
from jax.experimental.pallas import tpu as pltpu
from jax.experimental.pallas import tpu_sc as plsc

_B, _N, _C = 8, 1024, 384
_G, _K, _D = 6, 1024, 64
_ROWS = _B * _N
_TR = 512
_GRID = _ROWS // _TR
_RG = _ROWS * _G
_DENOM = float(_ROWS * _G * _D)

_NC, _NS = 2, 16
_NW = _NC * _NS
_CHUNK = _RG // _NW
_BATCH = 128
_NB = _CHUNK // _BATCH
_LANES = 16


_KC = 128
_NKC = _K // _KC


def _dist_body(enc_ref, dec_ref, cbt2_ref, codes_ref, losssum_ref):
    step = pl.program_id(0)
    z = enc_ref[...] - dec_ref[...]
    lanef = lax.broadcasted_iota(jnp.int32, (_TR, _KC), 1).astype(jnp.float32)
    total = jnp.sum(z * z)
    code_cols = []
    for g in range(_G):
        zg = z[:, g * _D:(g + 1) * _D]
        cbt2 = cbt2_ref[g]
        cross2 = lax.dot_general(
            zg, cbt2, (((1,), (0,)), ((), ())),
            preferred_element_type=jnp.float32,
            precision=lax.Precision.DEFAULT)
        cbsq = 0.25 * jnp.sum(cbt2 * cbt2, axis=0, keepdims=True)
        mval = None
        midxf = None
        for j in range(_NKC):
            sl = slice(j * _KC, (j + 1) * _KC)
            dj = cross2[:, sl] + cbsq[:, sl]
            if j == 0:
                mval = dj
                midxf = jnp.zeros((_TR, _KC), jnp.float32)
            else:
                better = dj < mval
                mval = jnp.where(better, dj, mval)
                midxf = jnp.where(better, jnp.float32(j), midxf)
        m = jnp.min(mval, axis=1, keepdims=True)
        kf = jnp.where(mval == m, midxf * jnp.float32(_KC) + lanef,
                       jnp.float32(_K))
        code_cols.append(jnp.min(kf, axis=1, keepdims=True))
        total += jnp.sum(m)

    codes_ref[...] = jnp.concatenate(code_cols, axis=1).astype(jnp.int32)

    total2d = total[None, None]

    @pl.when(step == 0)
    def _():
        losssum_ref[...] = total2d

    @pl.when(step != 0)
    def _():
        losssum_ref[...] += total2d


def _distances(enc2d, dec2d, cbt):
    return pl.pallas_call(
        _dist_body,
        grid=(_GRID,),
        in_specs=[
            pl.BlockSpec((_TR, _C), lambda i: (i, 0)),
            pl.BlockSpec((_TR, _C), lambda i: (i, 0)),
            pl.BlockSpec((_G, _D, _K), lambda i: (0, 0, 0)),
        ],
        out_specs=[
            pl.BlockSpec((_TR, _G), lambda i: (i, 0)),
            pl.BlockSpec((1, 1), lambda i: (0, 0)),
        ],
        out_shape=[
            jax.ShapeDtypeStruct((_ROWS, _G), jnp.int32),
            jax.ShapeDtypeStruct((1, 1), jnp.float32),
        ],
    )(enc2d, dec2d, cbt)


def _gather_body(idx_hbm, cb_hbm, out_hbm, idx_v, rows_v, sem, out_sem):
    wid = lax.axis_index("s") * _NC + lax.axis_index("c")
    base = wid * _CHUNK
    pltpu.sync_copy(idx_hbm.at[wid], idx_v)
    lane = lax.iota(jnp.int32, _LANES)
    for b in range(_NB):
        for q in range(_BATCH // _LANES):
            sl = pl.ds(q * _LANES, _LANES)
            rv = lane + jnp.int32(base + b * _BATCH + q * _LANES)
            idx_v[b, sl] = idx_v[b, sl] + lax.rem(rv, jnp.int32(_G)) * jnp.int32(_K)
    copies = [
        pltpu.async_copy(cb_hbm.at[idx_v.at[b]],
                         rows_v.at[pl.ds(b * _BATCH, _BATCH)], sem)
        for b in range(_NB)
    ]
    outs = []
    for b, c in enumerate(copies):
        c.wait()
        outs.append(pltpu.async_copy(
            rows_v.at[pl.ds(b * _BATCH, _BATCH)],
            out_hbm.at[pl.ds(base + b * _BATCH, _BATCH)], out_sem))
    for o in outs:
        o.wait()


@functools.cache
def _gather():
    return pl.kernel(
        _gather_body,
        mesh=plsc.VectorSubcoreMesh(core_axis_name="c", subcore_axis_name="s"),
        compiler_params=pltpu.CompilerParams(use_tc_tiling_on_sc=False),
        out_type=jax.ShapeDtypeStruct((_RG, _D), jnp.float32),
        scratch_types=[
            pltpu.VMEM((_NB, _BATCH), jnp.int32),
            pltpu.VMEM((_CHUNK, _D), jnp.float32),
            pltpu.SemaphoreType.DMA,
            pltpu.SemaphoreType.DMA,
        ],
    )


def kernel(enc, dec, codebook):
    enc2d = enc.reshape(_ROWS, _C)
    dec2d = dec.reshape(_ROWS, _C)
    cbt = -2.0 * jnp.transpose(codebook, (0, 2, 1))
    codes_rg, losssum = _distances(enc2d, dec2d, cbt)

    codes = codes_rg.reshape(_B, _N, _G)
    idx = codes_rg.reshape(_NW, _NB, _BATCH)
    cb_flat = codebook.reshape(_G * _K, _D)

    zq = _gather()(idx, cb_flat)
    dec_refine = (dec2d + zq.reshape(_ROWS, _C)).reshape(_B, _N, _C)

    loss = losssum[0, 0] / _DENOM
    return (dec_refine, loss, loss, codes)

# --- scband reference (transcript-rebuilt; emitter-appended) ---
"""Pipeline reference for scband-cross-scale-rvq-57913339020072 (READ-ONLY COPY).

The authoritative reference and input builder live on the scoring server;
editing this copy changes nothing except your own understanding.
"""

import jax, jax.numpy as jnp
import numpy as np

B, N, C = 8, 1024, 384
G, K, D = 6, 1024, 64

def setup_inputs(seed: int = 0) -> dict:
    key = jax.random.key(seed)
    k1, k2, k3 = jax.random.split(key, 3)
    enc = jax.random.normal(k1, (B, N, C), dtype=jnp.float32)
    dec = jax.random.normal(k2, (B, N, C), dtype=jnp.float32)
    codebook = jax.random.normal(k3, (G, K, D), dtype=jnp.float32)
    return {"enc": enc, "dec": dec, "codebook": codebook}

def _product_vq(residual, codebook):
    # ProductVectorQuantize: split channels into G groups, nearest-neighbor quantize each group
    b, n, c = residual.shape
    g, k, d = codebook.shape
    z = residual.reshape(b, n, g, d)
    # squared L2 distances: ||z||^2 - 2 z.cb + ||cb||^2  -> [b, n, g, k]
    z_sq = jnp.sum(z * z, axis=-1, keepdims=True)
    cb_sq = jnp.sum(codebook * codebook, axis=-1)  # [g, k]
    cross = jnp.einsum('bngd,gkd->bngk', z, codebook)
    dist = z_sq - 2.0 * cross + cb_sq[None, None, :, :]
    codes = jnp.argmin(dist, axis=-1)  # [b, n, g] int
    g_idx = jnp.arange(g)[None, None, :]
    z_q = codebook[g_idx, codes]  # gather -> [b, n, g, d]
    cm_loss = jnp.mean((z - jax.lax.stop_gradient(z_q)) ** 2)
    cb_loss = jnp.mean((jax.lax.stop_gradient(z) - z_q) ** 2)
    # straight-through estimator
    z_q_st = z + jax.lax.stop_gradient(z_q - z)
    residual_q = z_q_st.reshape(b, n, c)
    return residual_q, codes, cm_loss, cb_loss

def reference(enc, dec, codebook):
    # CrossScaleRVQ.csrvq with transmit=True, freeze_vq=False, backbone='transformer' (dims=3)
    residual = enc - dec  # pre_fuse
    residual_q, codes, cm_loss, cb_loss = _product_vq(residual, codebook)
    dec_refine = residual_q + dec  # post_fuse
    return (dec_refine, cm_loss, cb_loss, codes)

if __name__ == "__main__":
    import jax
    _d = setup_inputs()
    print(jax.jit(kernel)(*tuple(_d.values())))

</pallas_src>

<mosaic_0001>
#map = affine_map<(d0, d1) -> (0, 0, 0)>
#map1 = affine_map<(d0, d1) -> (0, 0)>
module attributes {stable_mosaic.version = 14 : i64} {
  func.func @_gather_body(%arg0: i32, %arg1: i32, %arg2: memref<32x12x128xi32, #tpu.memory_space<hbm>>, %arg3: memref<6144x64xf32, #tpu.memory_space<hbm>>, %arg4: memref<49152x64xf32, #tpu.memory_space<hbm>>, %arg5: memref<12x128xi32, #tpu.memory_space<vmem>>, %arg6: memref<1536x64xf32, #tpu.memory_space<vmem>>, %arg7: memref<!tpu.dma_semaphore, #tpu.memory_space<semaphore_mem>>, %arg8: memref<!tpu.dma_semaphore, #tpu.memory_space<semaphore_mem>>) attributes {dimension_semantics = [#tpu.dimension_semantics<core_parallel>, #tpu.dimension_semantics<subcore_parallel>], iteration_bounds = array<i64: 2, 16>, scalar_prefetch = 0 : i64, scratch_operands = 4 : i64, tpu.core_type = #tpu.core_type<sc_vector_subcore>, window_params = [{transform_indices = #map}, {transform_indices = #map1}, {transform_indices = #map1}]} {
    %mul3A = arith.constant 2 : i32
    %mul3A_0 = arith.muli %arg1, %mul3A : i32
    %add3A = arith.addi %mul3A_0, %arg0 : i32
    %mul3A_1 = arith.constant 1536 : i32
    %mul3A_2 = arith.muli %add3A, %mul3A_1 : i32
    "tpu.region"() ({
      %run_scoped3A = tpu.sem_alloc : memref<!tpu.dma_semaphore, #tpu.memory_space<semaphore_mem>>
      %dma_start3A_2806 = arith.constant 0 : i32
      %dma_start3A_2807 = arith.constant 0 : i32
      %dma_start3A_2808 = tpu.memref_slice %arg2[%add3A, %dma_start3A_2806, %dma_start3A_2807] : memref<32x12x128xi32, #tpu.memory_space<hbm>> -> memref<1x12x128xi32, #tpu.memory_space<hbm>>
      %dma_start3A_2809 = tpu.memref_squeeze %dma_start3A_2808 : memref<1x12x128xi32, #tpu.memory_space<hbm>> -> memref<12x128xi32, #tpu.memory_space<hbm>>
      %dma_start3A_2810 = arith.constant 0 : i32
      %dma_start3A_2811 = arith.constant 0 : i32
      %dma_start3A_2812 = tpu.memref_slice %arg2[%add3A, %dma_start3A_2810, %dma_start3A_2811] : memref<32x12x128xi32, #tpu.memory_space<hbm>> -> memref<1x12x128xi32, #tpu.memory_space<hbm>>
      %dma_start3A_2813 = tpu.memref_squeeze %dma_start3A_2812 : memref<1x12x128xi32, #tpu.memory_space<hbm>> -> memref<12x128xi32, #tpu.memory_space<hbm>>
      tpu.enqueue_dma source(%dma_start3A_2813 : memref<12x128xi32, #tpu.memory_space<hbm>>) target(%arg5 : memref<12x128xi32, #tpu.memory_space<vmem>>) target_semaphore(%run_scoped3A : memref<!tpu.dma_semaphore, #tpu.memory_space<semaphore_mem>>)
      %dma_wait3A_2814 = arith.constant 0 : i32
      %dma_wait3A_2815 = arith.constant 0 : i32
      %dma_wait3A_2816 = tpu.memref_slice %arg2[%add3A, %dma_wait3A_2814, %dma_wait3A_2815] : memref<32x12x128xi32, #tpu.memory_space<hbm>> -> memref<1x12x128xi32, #tpu.memory_space<hbm>>
      %dma_wait3A_2817 = tpu.memref_squeeze %dma_wait3A_2816 : memref<1x12x128xi32, #tpu.memory_space<hbm>> -> memref<12x128xi32, #tpu.memory_space<hbm>>
      %dma_wait3A_2818 = arith.constant 0 : i32
      %dma_wait3A_2819 = arith.constant 0 : i32
      %dma_wait3A_2820 = tpu.memref_slice %arg2[%add3A, %dma_wait3A_2818, %dma_wait3A_2819] : memref<32x12x128xi32, #tpu.memory_space<hbm>> -> memref<1x12x128xi32, #tpu.memory_space<hbm>>
      %dma_wait3A_2821 = tpu.memref_squeeze %dma_wait3A_2820 : memref<1x12x128xi32, #tpu.memory_space<hbm>> -> memref<12x128xi32, #tpu.memory_space<hbm>>
      tpu.wait_dma2 semaphore(%run_scoped3A : memref<!tpu.dma_semaphore, #tpu.memory_space<semaphore_mem>>) src(%dma_wait3A_2821 : memref<12x128xi32, #tpu.memory_space<hbm>>) dst(%arg5 : memref<12x128xi32, #tpu.memory_space<vmem>>)
      tpu.yield
    }) : () -> ()
    %iota3A = tpu.iota {dimensions = array<i32: 0>} : vector<16xi32>
    %add3A_3 = arith.constant 0 : i32
    %add3A_4 = arith.addi %mul3A_2, %add3A_3 : i32
    %add3A_5 = arith.constant 0 : i32
    %add3A_6 = arith.addi %add3A_4, %add3A_5 : i32
    %add3A_7 = vector.broadcast %add3A_6 : i32 to vector<16xi32>
    %add3A_8 = arith.addi %iota3A, %add3A_7 : vector<16xi32>
    %get3A = arith.constant 0 : i32
    %get3A_9 = arith.index_cast %get3A : i32 to index
    %get3A_10 = arith.constant 0 : index
    %get3A_11 = tpu.vector_load %arg5[%get3A_9, %get3A_10] {strides = array<i32>} : memref<12x128xi32, #tpu.memory_space<vmem>>, vector<1x16xi32>,
    %get3A_12 = vector.shape_cast %get3A_11 : vector<1x16xi32> to vector<16xi32>
    %rem3A = arith.constant 6 : i32
    %rem3A_13 = vector.broadcast %rem3A : i32 to vector<16xi32>
    %rem3A_14 = arith.remsi %add3A_8, %rem3A_13 : vector<16xi32>
    %mul3A_15 = arith.constant 1024 : i32
    %mul3A_16 = vector.broadcast %mul3A_15 : i32 to vector<16xi32>
    %mul3A_17 = arith.muli %rem3A_14, %mul3A_16 : vector<16xi32>
    %add3A_18 = arith.addi %get3A_12, %mul3A_17 : vector<16xi32>
    %swap3A = arith.constant 0 : i32
    %swap3A_19 = arith.index_cast %swap3A : i32 to index
    %swap3A_20 = arith.constant 0 : index
    %swap3A_21 = tpu.vector_load %arg5[%swap3A_19, %swap3A_20] {strides = array<i32>} : memref<12x128xi32, #tpu.memory_space<vmem>>, vector<1x16xi32>,
    %swap3A_22 = vector.shape_cast %swap3A_21 : vector<1x16xi32> to vector<16xi32>
    %swap3A_23 = vector.shape_cast %add3A_18 : vector<16xi32> to vector<1x16xi32>
    tpu.vector_store %arg5[%swap3A_19, %swap3A_20], %swap3A_23 {strides = array<i32>} : memref<12x128xi32, #tpu.memory_space<vmem>>, vector<1x16xi32>,
    %add3A_24 = arith.constant 0 : i32
    %add3A_25 = arith.addi %mul3A_2, %add3A_24 : i32
    %add3A_26 = arith.constant 16 : i32
    %add3A_27 = arith.addi %add3A_25, %add3A_26 : i32
    %add3A_28 = vector.broadcast %add3A_27 : i32 to vector<16xi32>
    %add3A_29 = arith.addi %iota3A, %add3A_28 : vector<16xi32>
    %get3A_30 = arith.constant 0 : i32
    %get3A_31 = arith.index_cast %get3A_30 : i32 to index
    %get3A_32 = arith.constant 16 : index
    %get3A_33 = tpu.vector_load %arg5[%get3A_31, %get3A_32] {strides = array<i32>} : memref<12x128xi32, #tpu.memory_space<vmem>>, vector<1x16xi32>,
    %get3A_34 = vector.shape_cast %get3A_33 : vector<1x16xi32> to vector<16xi32>
    %rem3A_35 = arith.constant 6 : i32
    %rem3A_36 = vector.broadcast %rem3A_35 : i32 to vector<16xi32>
    %rem3A_37 = arith.remsi %add3A_29, %rem3A_36 : vector<16xi32>
    %mul3A_38 = arith.constant 1024 : i32
    %mul3A_39 = vector.broadcast %mul3A_38 : i32 to vector<16xi32>
    %mul3A_40 = arith.muli %rem3A_37, %mul3A_39 : vector<16xi32>
    %add3A_41 = arith.addi %get3A_34, %mul3A_40 : vector<16xi32>
    %swap3A_42 = arith.constant 0 : i32
    %swap3A_43 = arith.index_cast %swap3A_42 : i32 to index
    %swap3A_44 = arith.constant 16 : index
    %swap3A_45 = tpu.vector_load %arg5[%swap3A_43, %swap3A_44] {strides = array<i32>} : memref<12x128xi32, #tpu.memory_space<vmem>>, vector<1x16xi32>,
    %swap3A_46 = vector.shape_cast %swap3A_45 : vector<1x16xi32> to vector<16xi32>
    %swap3A_47 = vector.shape_cast %add3A_41 : vector<16xi32> to vector<1x16xi32>
    tpu.vector_store %arg5[%swap3A_43, %swap3A_44], %swap3A_47 {strides = array<i32>} : memref<12x128xi32, #tpu.memory_space<vmem>>, vector<1x16xi32>,
    %add3A_48 = arith.constant 0 : i32
    %add3A_49 = arith.addi %mul3A_2, %add3A_48 : i32
    %add3A_50 = arith.constant 32 : i32
    %add3A_51 = arith.addi %add3A_49, %add3A_50 : i32
    %add3A_52 = vector.broadcast %add3A_51 : i32 to vector<16xi32>
    %add3A_53 = arith.addi %iota3A, %add3A_52 : vector<16xi32>
    %get3A_54 = arith.constant 0 : i32
    %get3A_55 = arith.index_cast %get3A_54 : i32 to index
    %get3A_56 = arith.constant 32 : index
    %get3A_57 = tpu.vector_load %arg5[%get3A_55, %get3A_56] {strides = array<i32>} : memref<12x128xi32, #tpu.memory_space<vmem>>, vector<1x16xi32>,
    %get3A_58 = vector.shape_cast %get3A_57 : vector<1x16xi32> to vector<16xi32>
    %rem3A_59 = arith.constant 6 : i32
    %rem3A_60 = vector.broadcast %rem3A_59 : i32 to vector<16xi32>
    %rem3A_61 = arith.remsi %add3A_53, %rem3A_60 : vector<16xi32>
    %mul3A_62 = arith.constant 1024 : i32
    %mul3A_63 = vector.broadcast %mul3A_62 : i32 to vector<16xi32>
    %mul3A_64 = arith.muli %rem3A_61, %mul3A_63 : vector<16xi32>
    %add3A_65 = arith.addi %get3A_58, %mul3A_64 : vector<16xi32>
    %swap3A_66 = arith.constant 0 : i32
    %swap3A_67 = arith.index_cast %swap3A_66 : i32 to index
    %swap3A_68 = arith.constant 32 : index
    %swap3A_69 = tpu.vector_load %arg5[%swap3A_67, %swap3A_68] {strides = array<i32>} : memref<12x128xi32, #tpu.memory_space<vmem>>, vector<1x16xi32>,
    %swap3A_70 = vector.shape_cast %swap3A_69 : vector<1x16xi32> to vector<16xi32>
    %swap3A_71 = vector.shape_cast %add3A_65 : vector<16xi32> to vector<1x16xi32>
    tpu.vector_store %arg5[%swap3A_67, %swap3A_68], %swap3A_71 {strides = array<i32>} : memref<12x128xi32, #tpu.memory_space<vmem>>, vector<1x16xi32>,
    %add3A_72 = arith.constant 0 : i32
    %add3A_73 = arith.addi %mul3A_2, %add3A_72 : i32
    %add3A_74 = arith.constant 48 : i32
    %add3A_75 = arith.addi %add3A_73, %add3A_74 : i32
    %add3A_76 = vector.broadcast %add3A_75 : i32 to vector<16xi32>
    %add3A_77 = arith.addi %iota3A, %add3A_76 : vector<16xi32>
    %get3A_78 = arith.constant 0 : i32
    %get3A_79 = arith.index_cast %get3A_78 : i32 to index
    %get3A_80 = arith.constant 48 : index
    %get3A_81 = tpu.vector_load %arg5[%get3A_79, %get3A_80] {strides = array<i32>} : memref<12x128xi32, #tpu.memory_space<vmem>>, vector<1x16xi32>,
    %get3A_82 = vector.shape_cast %get3A_81 : vector<1x16xi32> to vector<16xi32>
    %rem3A_83 = arith.constant 6 : i32
    %rem3A_84 = vector.broadcast %rem3A_83 : i32 to vector<16xi32>
    %rem3A_85 = arith.remsi %add3A_77, %rem3A_84 : vector<16xi32>
    %mul3A_86 = arith.constant 1024 : i32
    %mul3A_87 = vector.broadcast %mul3A_86 : i32 to vector<16xi32>
    %mul3A_88 = arith.muli %rem3A_85, %mul3A_87 : vector<16xi32>
    %add3A_89 = arith.addi %get3A_82, %mul3A_88 : vector<16xi32>
    %swap3A_90 = arith.constant 0 : i32
    %swap3A_91 = arith.index_cast %swap3A_90 : i32 to index
    %swap3A_92 = arith.constant 48 : index
    %swap3A_93 = tpu.vector_load %arg5[%swap3A_91, %swap3A_92] {strides = array<i32>} : memref<12x128xi32, #tpu.memory_space<vmem>>, vector<1x16xi32>,
    %swap3A_94 = vector.shape_cast %swap3A_93 : vector<1x16xi32> to vector<16xi32>
    %swap3A_95 = vector.shape_cast %add3A_89 : vector<16xi32> to vector<1x16xi32>
    tpu.vector_store %arg5[%swap3A_91, %swap3A_92], %swap3A_95 {strides = array<i32>} : memref<12x128xi32, #tpu.memory_space<vmem>>, vector<1x16xi32>,
    %add3A_96 = arith.constant 0 : i32
    %add3A_97 = arith.addi %mul3A_2, %add3A_96 : i32
    %add3A_98 = arith.constant 64 : i32
    %add3A_99 = arith.addi %add3A_97, %add3A_98 : i32
    %add3A_100 = vector.broadcast %add3A_99 : i32 to vector<16xi32>
    %add3A_101 = arith.addi %iota3A, %add3A_100 : vector<16xi32>
    %get3A_102 = arith.constant 0 : i32
    %get3A_103 = arith.index_cast %get3A_102 : i32 to index
    %get3A_104 = arith.constant 64 : index
    %get3A_105 = tpu.vector_load %arg5[%get3A_103, %get3A_104] {strides = array<i32>} : memref<12x128xi32, #tpu.memory_space<vmem>>, vector<1x16xi32>,
    %get3A_106 = vector.shape_cast %get3A_105 : vector<1x16xi32> to vector<16xi32>
    %rem3A_107 = arith.constant 6 : i32
    %rem3A_108 = vector.broadcast %rem3A_107 : i32 to vector<16xi32>
    %rem3A_109 = arith.remsi %add3A_101, %rem3A_108 : vector<16xi32>
    %mul3A_110 = arith.constant 1024 : i32
    %mul3A_111 = vector.broadcast %mul3A_110 : i32 to vector<16xi32>
    %mul3A_112 = arith.muli %rem3A_109, %mul3A_111 : vector<16xi32>
    %add3A_113 = arith.addi %get3A_106, %mul3A_112 : vector<16xi32>
    %swap3A_114 = arith.constant 0 : i32
    %swap3A_115 = arith.index_cast %swap3A_114 : i32 to index
    %swap3A_116 = arith.constant 64 : index
    %swap3A_117 = tpu.vector_load %arg5[%swap3A_115, %swap3A_116] {strides = array<i32>} : memref<12x128xi32, #tpu.memory_space<vmem>>, vector<1x16xi32>,
    %swap3A_118 = vector.shape_cast %swap3A_117 : vector<1x16xi32> to vector<16xi32>
    %swap3A_119 = vector.shape_cast %add3A_113 : vector<16xi32> to vector<1x16xi32>
    tpu.vector_store %arg5[%swap3A_115, %swap3A_116], %swap3A_119 {strides = array<i32>} : memref<12x128xi32, #tpu.memory_space<vmem>>, vector<1x16xi32>,
    %add3A_120 = arith.constant 0 : i32
    %add3A_121 = arith.addi %mul3A_2, %add3A_120 : i32
    %add3A_122 = arith.constant 80 : i32
    %add3A_123 = arith.addi %add3A_121, %add3A_122 : i32
    %add3A_124 = vector.broadcast %add3A_123 : i32 to vector<16xi32>
    %add3A_125 = arith.addi %iota3A, %add3A_124 : vector<16xi32>
    %get3A_126 = arith.constant 0 : i32
    %get3A_127 = arith.index_cast %get3A_126 : i32 to index
    %get3A_128 = arith.constant 80 : index
    %get3A_129 = tpu.vector_load %arg5[%get3A_127, %get3A_128] {strides = array<i32>} : memref<12x128xi32, #tpu.memory_space<vmem>>, vector<1x16xi32>,
    %get3A_130 = vector.shape_cast %get3A_129 : vector<1x16xi32> to vector<16xi32>
    %rem3A_131 = arith.constant 6 : i32
    %rem3A_132 = vector.broadcast %rem3A_131 : i32 to vector<16xi32>
    %rem3A_133 = arith.remsi %add3A_125, %rem3A_132 : vector<16xi32>
    %mul3A_134 = arith.constant 1024 : i32
    %mul3A_135 = vector.broadcast %mul3A_134 : i32 to vector<16xi32>
    %mul3A_136 = arith.muli %rem3A_133, %mul3A_135 : vector<16xi32>
    %add3A_137 = arith.addi %get3A_130, %mul3A_136 : vector<16xi32>
    %swap3A_138 = arith.constant 0 : i32
    %swap3A_139 = arith.index_cast %swap3A_138 : i32 to index
    %swap3A_140 = arith.constant 80 : index
    %swap3A_141 = tpu.vector_load %arg5[%swap3A_139, %swap3A_140] {strides = array<i32>} : memref<12x128xi32, #tpu.memory_space<vmem>>, vector<1x16xi32>,
    %swap3A_142 = vector.shape_cast %swap3A_141 : vector<1x16xi32> to vector<16xi32>
    %swap3A_143 = vector.shape_cast %add3A_137 : vector<16xi32> to vector<1x16xi32>
    tpu.vector_store %arg5[%swap3A_139, %swap3A_140], %swap3A_143 {strides = array<i32>} : memref<12x128xi32, #tpu.memory_space<vmem>>, vector<1x16xi32>,
    %add3A_144 = arith.constant 0 : i32
    %add3A_145 = arith.addi %mul3A_2, %add3A_144 : i32
    %add3A_146 = arith.constant 96 : i32
    %add3A_147 = arith.addi %add3A_145, %add3A_146 : i32
    %add3A_148 = vector.broadcast %add3A_147 : i32 to vector<16xi32>
    %add3A_149 = arith.addi %iota3A, %add3A_148 : vector<16xi32>
    %get3A_150 = arith.constant 0 : i32
    %get3A_151 = arith.index_cast %get3A_150 : i32 to index
    %get3A_152 = arith.constant 96 : index
    %get3A_153 = tpu.vector_load %arg5[%get3A_151, %get3A_152] {strides = array<i32>} : memref<12x128xi32, #tpu.memory_space<vmem>>, vector<1x16xi32>,
    %get3A_154 = vector.shape_cast %get3A_153 : vector<1x16xi32> to vector<16xi32>
    %rem3A_155 = arith.constant 6 : i32
    %rem3A_156 = vector.broadcast %rem3A_155 : i32 to vector<16xi32>
    %rem3A_157 = arith.remsi %add3A_149, %rem3A_156 : vector<16xi32>
    %mul3A_158 = arith.constant 1024 : i32
    %mul3A_159 = vector.broadcast %mul3A_158 : i32 to vector<16xi32>
    %mul3A_160 = arith.muli %rem3A_157, %mul3A_159 : vector<16xi32>
    %add3A_161 = arith.addi %get3A_154, %mul3A_160 : vector<16xi32>
    %swap3A_162 = arith.constant 0 : i32
    %swap3A_163 = arith.index_cast %swap3A_162 : i32 to index
    %swap3A_164 = arith.constant 96 : index
    %swap3A_165 = tpu.vector_load %arg5[%swap3A_163, %swap3A_164] {strides = array<i32>} : memref<12x128xi32, #tpu.memory_space<vmem>>, vector<1x16xi32>,
    %swap3A_166 = vector.shape_cast %swap3A_165 : vector<1x16xi32> to vector<16xi32>
    %swap3A_167 = vector.shape_cast %add3A_161 : vector<16xi32> to vector<1x16xi32>
    tpu.vector_store %arg5[%swap3A_163, %swap3A_164], %swap3A_167 {strides = array<i32>} : memref<12x128xi32, #tpu.memory_space<vmem>>, vector<1x16xi32>,
    %add3A_168 = arith.constant 0 : i32
    %add3A_169 = arith.addi %mul3A_2, %add3A_168 : i32
    %add3A_170 = arith.constant 112 : i32
    %add3A_171 = arith.addi %add3A_169, %add3A_170 : i32
    %add3A_172 = vector.broadcast %add3A_171 : i32 to vector<16xi32>
    %add3A_173 = arith.addi %iota3A, %add3A_172 : vector<16xi32>
    %get3A_174 = arith.constant 0 : i32
    %get3A_175 = arith.index_cast %get3A_174 : i32 to index
    %get3A_176 = arith.constant 112 : index
    %get3A_177 = tpu.vector_load %arg5[%get3A_175, %get3A_176] {strides = array<i32>} : memref<12x128xi32, #tpu.memory_space<vmem>>, vector<1x16xi32>,
    %get3A_178 = vector.shape_cast %get3A_177 : vector<1x16xi32> to vector<16xi32>
    %rem3A_179 = arith.constant 6 : i32
    %rem3A_180 = vector.broadcast %rem3A_179 : i32 to vector<16xi32>
    %rem3A_181 = arith.remsi %add3A_173, %rem3A_180 : vector<16xi32>
    %mul3A_182 = arith.constant 1024 : i32
    %mul3A_183 = vector.broadcast %mul3A_182 : i32 to vector<16xi32>
    %mul3A_184 = arith.muli %rem3A_181, %mul3A_183 : vector<16xi32>
    %add3A_185 = arith.addi %get3A_178, %mul3A_184 : vector<16xi32>
    %swap3A_186 = arith.constant 0 : i32
    %swap3A_187 = arith.index_cast %swap3A_186 : i32 to index
    %swap3A_188 = arith.constant 112 : index
    %swap3A_189 = tpu.vector_load %arg5[%swap3A_187, %swap3A_188] {strides = array<i32>} : memref<12x128xi32, #tpu.memory_space<vmem>>, vector<1x16xi32>,
    %swap3A_190 = vector.shape_cast %swap3A_189 : vector<1x16xi32> to vector<16xi32>
    %swap3A_191 = vector.shape_cast %add3A_185 : vector<16xi32> to vector<1x16xi32>
    tpu.vector_store %arg5[%swap3A_187, %swap3A_188], %swap3A_191 {strides = array<i32>} : memref<12x128xi32, #tpu.memory_space<vmem>>, vector<1x16xi32>,
    %add3A_192 = arith.constant 128 : i32
    %add3A_193 = arith.addi %mul3A_2, %add3A_192 : i32
    %add3A_194 = arith.constant 0 : i32
    %add3A_195 = arith.addi %add3A_193, %add3A_194 : i32
    %add3A_196 = vector.broadcast %add3A_195 : i32 to vector<16xi32>
    %add3A_197 = arith.addi %iota3A, %add3A_196 : vector<16xi32>
    %get3A_198 = arith.constant 1 : i32
    %get3A_199 = arith.index_cast %get3A_198 : i32 to index
    %get3A_200 = arith.constant 0 : index
    %get3A_201 = tpu.vector_load %arg5[%get3A_199, %get3A_200] {strides = array<i32>} : memref<12x128xi32, #tpu.memory_space<vmem>>, vector<1x16xi32>,
    %get3A_202 = vector.shape_cast %get3A_201 : vector<1x16xi32> to vector<16xi32>
    %rem3A_203 = arith.constant 6 : i32
    %rem3A_204 = vector.broadcast %rem3A_203 : i32 to vector<16xi32>
    %rem3A_205 = arith.remsi %add3A_197, %rem3A_204 : vector<16xi32>
    %mul3A_206 = arith.constant 1024 : i32
    %mul3A_207 = vector.broadcast %mul3A_206 : i32 to vector<16xi32>
    %mul3A_208 = arith.muli %rem3A_205, %mul3A_207 : vector<16xi32>
    %add3A_209 = arith.addi %get3A_202, %mul3A_208 : vector<16xi32>
    %swap3A_210 = arith.constant 1 : i32
    %swap3A_211 = arith.index_cast %swap3A_210 : i32 to index
    %swap3A_212 = arith.constant 0 : index
    %swap3A_213 = tpu.vector_load %arg5[%swap3A_211, %swap3A_212] {strides = array<i32>} : memref<12x128xi32, #tpu.memory_space<vmem>>, vector<1x16xi32>,
    %swap3A_214 = vector.shape_cast %swap3A_213 : vector<1x16xi32> to vector<16xi32>
    %swap3A_215 = vector.shape_cast %add3A_209 : vector<16xi32> to vector<1x16xi32>
    tpu.vector_store %arg5[%swap3A_211, %swap3A_212], %swap3A_215 {strides = array<i32>} : memref<12x128xi32, #tpu.memory_space<vmem>>, vector<1x16xi32>,
    %add3A_216 = arith.constant 128 : i32
    %add3A_217 = arith.addi %mul3A_2, %add3A_216 : i32
    %add3A_218 = arith.constant 16 : i32
    %add3A_219 = arith.addi %add3A_217, %add3A_218 : i32
    %add3A_220 = vector.broadcast %add3A_219 : i32 to vector<16xi32>
    %add3A_221 = arith.addi %iota3A, %add3A_220 : vector<16xi32>
    %get3A_222 = arith.constant 1 : i32
    %get3A_223 = arith.index_cast %get3A_222 : i32 to index
    %get3A_224 = arith.constant 16 : index
    %get3A_225 = tpu.vector_load %arg5[%get3A_223, %get3A_224] {strides = array<i32>} : memref<12x128xi32, #tpu.memory_space<vmem>>, vector<1x16xi32>,
    %get3A_226 = vector.shape_cast %get3A_225 : vector<1x16xi32> to vector<16xi32>
    %rem3A_227 = arith.constant 6 : i32
    %rem3A_228 = vector.broadcast %rem3A_227 : i32 to vector<16xi32>
    %rem3A_229 = arith.remsi %add3A_221, %rem3A_228 : vector<16xi32>
    %mul3A_230 = arith.constant 1024 : i32
    %mul3A_231 = vector.broadcast %mul3A_230 : i32 to vector<16xi32>
    %mul3A_232 = arith.muli %rem3A_229, %mul3A_231 : vector<16xi32>
    %add3A_233 = arith.addi %get3A_226, %mul3A_232 : vector<16xi32>
    %swap3A_234 = arith.constant 1 : i32
    %swap3A_235 = arith.index_cast %swap3A_234 : i32 to index
    %swap3A_236 = arith.constant 16 : index
    %swap3A_237 = tpu.vector_load %arg5[%swap3A_235, %swap3A_236] {strides = array<i32>} : memref<12x128xi32, #tpu.memory_space<vmem>>, vector<1x16xi32>,
    %swap3A_238 = vector.shape_cast %swap3A_237 : vector<1x16xi32> to vector<16xi32>
    %swap3A_239 = vector.shape_cast %add3A_233 : vector<16xi32> to vector<1x16xi32>
    tpu.vector_store %arg5[%swap3A_235, %swap3A_236], %swap3A_239 {strides = array<i32>} : memref<12x128xi32, #tpu.memory_space<vmem>>, vector<1x16xi32>,
    %add3A_240 = arith.constant 128 : i32
    %add3A_241 = arith.addi %mul3A_2, %add3A_240 : i32
    %add3A_242 = arith.constant 32 : i32
    %add3A_243 = arith.addi %add3A_241, %add3A_242 : i32
    %add3A_244 = vector.broadcast %add3A_243 : i32 to vector<16xi32>
    %add3A_245 = arith.addi %iota3A, %add3A_244 : vector<16xi32>
    %get3A_246 = arith.constant 1 : i32
    %get3A_247 = arith.index_cast %get3A_246 : i32 to index
    %get3A_248 = arith.constant 32 : index
    %get3A_249 = tpu.vector_load %arg5[%get3A_247, %get3A_248] {strides = array<i32>} : memref<12x128xi32, #tpu.memory_space<vmem>>, vector<1x16xi32>,
    %get3A_250 = vector.shape_cast %get3A_249 : vector<1x16xi32> to vector<16xi32>
    %rem3A_251 = arith.constant 6 : i32
    %rem3A_252 = vector.broadcast %rem3A_251 : i32 to vector<16xi32>
    %rem3A_253 = arith.remsi %add3A_245, %rem3A_252 : vector<16xi32>
    %mul3A_254 = arith.constant 1024 : i32
    %mul3A_255 = vector.broadcast %mul3A_254 : i32 to vector<16xi32>
    %mul3A_256 = arith.muli %rem3A_253, %mul3A_255 : vector<16xi32>
    %add3A_257 = arith.addi %get3A_250, %mul3A_256 : vector<16xi32>
    %swap3A_258 = arith.constant 1 : i32
    %swap3A_259 = arith.index_cast %swap3A_258 : i32 to index
    %swap3A_260 = arith.constant 32 : index
    %swap3A_261 = tpu.vector_load %arg5[%swap3A_259, %swap3A_260] {strides = array<i32>} : memref<12x128xi32, #tpu.memory_space<vmem>>, vector<1x16xi32>,
    %swap3A_262 = vector.shape_cast %swap3A_261 : vector<1x16xi32> to vector<16xi32>
    %swap3A_263 = vector.shape_cast %add3A_257 : vector<16xi32> to vector<1x16xi32>
    tpu.vector_store %arg5[%swap3A_259, %swap3A_260], %swap3A_263 {strides = array<i32>} : memref<12x128xi32, #tpu.memory_space<vmem>>, vector<1x16xi32>,
    %add3A_264 = arith.constant 128 : i32
    %add3A_265 = arith.addi %mul3A_2, %add3A_264 : i32
    %add3A_266 = arith.constant 48 : i32
    %add3A_267 = arith.addi %add3A_265, %add3A_266 : i32
    %add3A_268 = vector.broadcast %add3A_267 : i32 to vector<16xi32>
    %add3A_269 = arith.addi %iota3A, %add3A_268 : vector<16xi32>
    %get3A_270 = arith.constant 1 : i32
    %get3A_271 = arith.index_cast %get3A_270 : i32 to index
    %get3A_272 = arith.constant 48 : index
    %get3A_273 = tpu.vector_load %arg5[%get3A_271, %get3A_272] {strides = array<i32>} : memref<12x128xi32, #tpu.memory_space<vmem>>, vector<1x16xi32>,
    %get3A_274 = vector.shape_cast %get3A_273 : vector<1x16xi32> to vector<16xi32>
    %rem3A_275 = arith.constant 6 : i32
    %rem3A_276 = vector.broadcast %rem3A_275 : i32 to vector<16xi32>
    %rem3A_277 = arith.remsi %add3A_269, %rem3A_276 : vector<16xi32>
    %mul3A_278 = arith.constant 1024 : i32
    %mul3A_279 = vector.broadcast %mul3A_278 : i32 to vector<16xi32>
    %mul3A_280 = arith.muli %rem3A_277, %mul3A_279 : vector<16xi32>
    %add3A_281 = arith.addi %get3A_274, %mul3A_280 : vector<16xi32>
    %swap3A_282 = arith.constant 1 : i32
    %swap3A_283 = arith.index_cast %swap3A_282 : i32 to index
    %swap3A_284 = arith.constant 48 : index
    %swap3A_285 = tpu.vector_load %arg5[%swap3A_283, %swap3A_284] {strides = array<i32>} : memref<12x128xi32, #tpu.memory_space<vmem>>, vector<1x16xi32>,
    %swap3A_286 = vector.shape_cast %swap3A_285 : vector<1x16xi32> to vector<16xi32>
    %swap3A_287 = vector.shape_cast %add3A_281 : vector<16xi32> to vector<1x16xi32>
    tpu.vector_store %arg5[%swap3A_283, %swap3A_284], %swap3A_287 {strides = array<i32>} : memref<12x128xi32, #tpu.memory_space<vmem>>, vector<1x16xi32>,
    %add3A_288 = arith.constant 128 : i32
    %add3A_289 = arith.addi %mul3A_2, %add3A_288 : i32
    %add3A_290 = arith.constant 64 : i32
    %add3A_291 = arith.addi %add3A_289, %add3A_290 : i32
    %add3A_292 = vector.broadcast %add3A_291 : i32 to vector<16xi32>
    %add3A_293 = arith.addi %iota3A, %add3A_292 : vector<16xi32>
    %get3A_294 = arith.constant 1 : i32
    %get3A_295 = arith.index_cast %get3A_294 : i32 to index
    %get3A_296 = arith.constant 64 : index
    %get3A_297 = tpu.vector_load %arg5[%get3A_295, %get3A_296] {strides = array<i32>} : memref<12x128xi32, #tpu.memory_space<vmem>>, vector<1x16xi32>,
    %get3A_298 = vector.shape_cast %get3A_297 : vector<1x16xi32> to vector<16xi32>
    %rem3A_299 = arith.constant 6 : i32
    %rem3A_300 = vector.broadcast %rem3A_299 : i32 to vector<16xi32>
    %rem3A_301 = arith.remsi %add3A_293, %rem3A_300 : vector<16xi32>
    %mul3A_302 = arith.constant 1024 : i32
    %mul3A_303 = vector.broadcast %mul3A_302 : i32 to vector<16xi32>
    %mul3A_304 = arith.muli %rem3A_301, %mul3A_303 : vector<16xi32>
    %add3A_305 = arith.addi %get3A_298, %mul3A_304 : vector<16xi32>
    %swap3A_306 = arith.constant 1 : i32
    %swap3A_307 = arith.index_cast %swap3A_306 : i32 to index
    %swap3A_308 = arith.constant 64 : index
    %swap3A_309 = tpu.vector_load %arg5[%swap3A_307, %swap3A_308] {strides = array<i32>} : memref<12x128xi32, #tpu.memory_space<vmem>>, vector<1x16xi32>,
    %swap3A_310 = vector.shape_cast %swap3A_309 : vector<1x16xi32> to vector<16xi32>
    %swap3A_311 = vector.shape_cast %add3A_305 : vector<16xi32> to vector<1x16xi32>
    tpu.vector_store %arg5[%swap3A_307, %swap3A_308], %swap3A_311 {strides = array<i32>} : memref<12x128xi32, #tpu.memory_space<vmem>>, vector<1x16xi32>,
    %add3A_312 = arith.constant 128 : i32
    %add3A_313 = arith.addi %mul3A_2, %add3A_312 : i32
    %add3A_314 = arith.constant 80 : i32
    %add3A_315 = arith.addi %add3A_313, %add3A_314 : i32
    %add3A_316 = vector.broadcast %add3A_315 : i32 to vector<16xi32>
    %add3A_317 = arith.addi %iota3A, %add3A_316 : vector<16xi32>
    %get3A_318 = arith.constant 1 : i32
    %get3A_319 = arith.index_cast %get3A_318 : i32 to index
    %get3A_320 = arith.constant 80 : index
    %get3A_321 = tpu.vector_load %arg5[%get3A_319, %get3A_320] {strides = array<i32>} : memref<12x128xi32, #tpu.memory_space<vmem>>, vector<1x16xi32>,
    %get3A_322 = vector.shape_cast %get3A_321 : vector<1x16xi32> to vector<16xi32>
    %rem3A_323 = arith.constant 6 : i32
    %rem3A_324 = vector.broadcast %rem3A_323 : i32 to vector<16xi32>
    %rem3A_325 = arith.remsi %add3A_317, %rem3A_324 : vector<16xi32>
    %mul3A_326 = arith.constant 1024 : i32
    %mul3A_327 = vector.broadcast %mul3A_326 : i32 to vector<16xi32>
    %mul3A_328 = arith.muli %rem3A_325, %mul3A_327 : vector<16xi32>
    %add3A_329 = arith.addi %get3A_322, %mul3A_328 : vector<16xi32>
    %swap3A_330 = arith.constant 1 : i32
    %swap3A_331 = arith.index_cast %swap3A_330 : i32 to index
    %swap3A_332 = arith.constant 80 : index
    %swap3A_333 = tpu.vector_load %arg5[%swap3A_331, %swap3A_332] {strides = array<i32>} : memref<12x128xi32, #tpu.memory_space<vmem>>, vector<1x16xi32>,
    %swap3A_334 = vector.shape_cast %swap3A_333 : vector<1x16xi32> to vector<16xi32>
    %swap3A_335 = vector.shape_cast %add3A_329 : vector<16xi32> to vector<1x16xi32>
    tpu.vector_store %arg5[%swap3A_331, %swap3A_332], %swap3A_335 {strides = array<i32>} : memref<12x128xi32, #tpu.memory_space<vmem>>, vector<1x16xi32>,
    %add3A_336 = arith.constant 128 : i32
    %add3A_337 = arith.addi %mul3A_2, %add3A_336 : i32
    %add3A_338 = arith.constant 96 : i32
    %add3A_339 = arith.addi %add3A_337, %add3A_338 : i32
    %add3A_340 = vector.broadcast %add3A_339 : i32 to vector<16xi32>
    %add3A_341 = arith.addi %iota3A, %add3A_340 : vector<16xi32>
    %get3A_342 = arith.constant 1 : i32
    %get3A_343 = arith.index_cast %get3A_342 : i32 to index
    %get3A_344 = arith.constant 96 : index
    %get3A_345 = tpu.vector_load %arg5[%get3A_343, %get3A_344] {strides = array<i32>} : memref<12x128xi32, #tpu.memory_space<vmem>>, vector<1x16xi32>,
    %get3A_346 = vector.shape_cast %get3A_345 : vector<1x16xi32> to vector<16xi32>
    %rem3A_347 = arith.constant 6 : i32
    %rem3A_348 = vector.broadcast %rem3A_347 : i32 to vector<16xi32>
    %rem3A_349 = arith.remsi %add3A_341, %rem3A_348 : vector<16xi32>
    %mul3A_350 = arith.constant 1024 : i32
    %mul3A_351 = vector.broadcast %mul3A_350 : i32 to vector<16xi32>
    %mul3A_352 = arith.muli %rem3A_349, %mul3A_351 : vector<16xi32>
    %add3A_353 = arith.addi %get3A_346, %mul3A_352 : vector<16xi32>
    %swap3A_354 = arith.constant 1 : i32
    %swap3A_355 = arith.index_cast %swap3A_354 : i32 to index
    %swap3A_356 = arith.constant 96 : index
    %swap3A_357 = tpu.vector_load %arg5[%swap3A_355, %swap3A_356] {strides = array<i32>} : memref<12x128xi32, #tpu.memory_space<vmem>>, vector<1x16xi32>,
    %swap3A_358 = vector.shape_cast %swap3A_357 : vector<1x16xi32> to vector<16xi32>
    %swap3A_359 = vector.shape_cast %add3A_353 : vector<16xi32> to vector<1x16xi32>
    tpu.vector_store %arg5[%swap3A_355, %swap3A_356], %swap3A_359 {strides = array<i32>} : memref<12x128xi32, #tpu.memory_space<vmem>>, vector<1x16xi32>,
    %add3A_360 = arith.constant 128 : i32
    %add3A_361 = arith.addi %mul3A_2, %add3A_360 : i32
    %add3A_362 = arith.constant 112 : i32
    %add3A_363 = arith.addi %add3A_361, %add3A_362 : i32
    %add3A_364 = vector.broadcast %add3A_363 : i32 to vector<16xi32>
    %add3A_365 = arith.addi %iota3A, %add3A_364 : vector<16xi32>
    %get3A_366 = arith.constant 1 : i32
    %get3A_367 = arith.index_cast %get3A_366 : i32 to index
    %get3A_368 = arith.constant 112 : index
    %get3A_369 = tpu.vector_load %arg5[%get3A_367, %get3A_368] {strides = array<i32>} : memref<12x128xi32, #tpu.memory_space<vmem>>, vector<1x16xi32>,
    %get3A_370 = vector.shape_cast %get3A_369 : vector<1x16xi32> to vector<16xi32>
    %rem3A_371 = arith.constant 6 : i32
    %rem3A_372 = vector.broadcast %rem3A_371 : i32 to vector<16xi32>
    %rem3A_373 = arith.remsi %add3A_365, %rem3A_372 : vector<16xi32>
    %mul3A_374 = arith.constant 1024 : i32
    %mul3A_375 = vector.broadcast %mul3A_374 : i32 to vector<16xi32>
    %mul3A_376 = arith.muli %rem3A_373, %mul3A_375 : vector<16xi32>
    %add3A_377 = arith.addi %get3A_370, %mul3A_376 : vector<16xi32>
    %swap3A_378 = arith.constant 1 : i32
    %swap3A_379 = arith.index_cast %swap3A_378 : i32 to index
    %swap3A_380 = arith.constant 112 : index
    %swap3A_381 = tpu.vector_load %arg5[%swap3A_379, %swap3A_380] {strides = array<i32>} : memref<12x128xi32, #tpu.memory_space<vmem>>, vector<1x16xi32>,
    %swap3A_382 = vector.shape_cast %swap3A_381 : vector<1x16xi32> to vector<16xi32>
    %swap3A_383 = vector.shape_cast %add3A_377 : vector<16xi32> to vector<1x16xi32>
    tpu.vector_store %arg5[%swap3A_379, %swap3A_380], %swap3A_383 {strides = array<i32>} : memref<12x128xi32, #tpu.memory_space<vmem>>, vector<1x16xi32>,
    %add3A_384 = arith.constant 256 : i32
    %add3A_385 = arith.addi %mul3A_2, %add3A_384 : i32
    %add3A_386 = arith.constant 0 : i32
    %add3A_387 = arith.addi %add3A_385, %add3A_386 : i32
    %add3A_388 = vector.broadcast %add3A_387 : i32 to vector<16xi32>
    %add3A_389 = arith.addi %iota3A, %add3A_388 : vector<16xi32>
    %get3A_390 = arith.constant 2 : i32
    %get3A_391 = arith.index_cast %get3A_390 : i32 to index
    %get3A_392 = arith.constant 0 : index
    %get3A_393 = tpu.vector_load %arg5[%get3A_391, %get3A_392] {strides = array<i32>} : memref<12x128xi32, #tpu.memory_space<vmem>>, vector<1x16xi32>,
    %get3A_394 = vector.shape_cast %get3A_393 : vector<1x16xi32> to vector<16xi32>
    %rem3A_395 = arith.constant 6 : i32
    %rem3A_396 = vector.broadcast %rem3A_395 : i32 to vector<16xi32>
    %rem3A_397 = arith.remsi %add3A_389, %rem3A_396 : vector<16xi32>
    %mul3A_398 = arith.constant 1024 : i32
    %mul3A_399 = vector.broadcast %mul3A_398 : i32 to vector<16xi32>
    %mul3A_400 = arith.muli %rem3A_397, %mul3A_399 : vector<16xi32>
    %add3A_401 = arith.addi %get3A_394, %mul3A_400 : vector<16xi32>
    %swap3A_402 = arith.constant 2 : i32
    %swap3A_403 = arith.index_cast %swap3A_402 : i32 to index
    %swap3A_404 = arith.constant 0 : index
    %swap3A_405 = tpu.vector_load %arg5[%swap3A_403, %swap3A_404] {strides = array<i32>} : memref<12x128xi32, #tpu.memory_space<vmem>>, vector<1x16xi32>,
    %swap3A_406 = vector.shape_cast %swap3A_405 : vector<1x16xi32> to vector<16xi32>
    %swap3A_407 = vector.shape_cast %add3A_401 : vector<16xi32> to vector<1x16xi32>
    tpu.vector_store %arg5[%swap3A_403, %swap3A_404], %swap3A_407 {strides = array<i32>} : memref<12x128xi32, #tpu.memory_space<vmem>>, vector<1x16xi32>,
    %add3A_408 = arith.constant 256 : i32
    %add3A_409 = arith.addi %mul3A_2, %add3A_408 : i32
    %add3A_410 = arith.constant 16 : i32
    %add3A_411 = arith.addi %add3A_409, %add3A_410 : i32
    %add3A_412 = vector.broadcast %add3A_411 : i32 to vector<16xi32>
    %add3A_413 = arith.addi %iota3A, %add3A_412 : vector<16xi32>
    %get3A_414 = arith.constant 2 : i32
    %get3A_415 = arith.index_cast %get3A_414 : i32 to index
    %get3A_416 = arith.constant 16 : index
    %get3A_417 = tpu.vector_load %arg5[%get3A_415, %get3A_416] {strides = array<i32>} : memref<12x128xi32, #tpu.memory_space<vmem>>, vector<1x16xi32>,
    %get3A_418 = vector.shape_cast %get3A_417 : vector<1x16xi32> to vector<16xi32>
    %rem3A_419 = arith.constant 6 : i32
    %rem3A_420 = vector.broadcast %rem3A_419 : i32 to vector<16xi32>
    %rem3A_421 = arith.remsi %add3A_413, %rem3A_420 : vector<16xi32>
    %mul3A_422 = arith.constant 1024 : i32
    %mul3A_423 = vector.broadcast %mul3A_422 : i32 to vector<16xi32>
    %mul3A_424 = arith.muli %rem3A_421, %mul3A_423 : vector<16xi32>
    %add3A_425 = arith.addi %get3A_418, %mul3A_424 : vector<16xi32>
    %swap3A_426 = arith.constant 2 : i32
    %swap3A_427 = arith.index_cast %swap3A_426 : i32 to index
    %swap3A_428 = arith.constant 16 : index
    %swap3A_429 = tpu.vector_load %arg5[%swap3A_427, %swap3A_428] {strides = array<i32>} : memref<12x128xi32, #tpu.memory_space<vmem>>, vector<1x16xi32>,
    %swap3A_430 = vector.shape_cast %swap3A_429 : vector<1x16xi32> to vector<16xi32>
    %swap3A_431 = vector.shape_cast %add3A_425 : vector<16xi32> to vector<1x16xi32>
    tpu.vector_store %arg5[%swap3A_427, %swap3A_428], %swap3A_431 {strides = array<i32>} : memref<12x128xi32, #tpu.memory_space<vmem>>, vector<1x16xi32>,
    %add3A_432 = arith.constant 256 : i32
    %add3A_433 = arith.addi %mul3A_2, %add3A_432 : i32
    %add3A_434 = arith.constant 32 : i32
    %add3A_435 = arith.addi %add3A_433, %add3A_434 : i32
    %add3A_436 = vector.broadcast %add3A_435 : i32 to vector<16xi32>
    %add3A_437 = arith.addi %iota3A, %add3A_436 : vector<16xi32>
    %get3A_438 = arith.constant 2 : i32
    %get3A_439 = arith.index_cast %get3A_438 : i32 to index
    %get3A_440 = arith.constant 32 : index
    %get3A_441 = tpu.vector_load %arg5[%get3A_439, %get3A_440] {strides = array<i32>} : memref<12x128xi32, #tpu.memory_space<vmem>>, vector<1x16xi32>,
    %get3A_442 = vector.shape_cast %get3A_441 : vector<1x16xi32> to vector<16xi32>
    %rem3A_443 = arith.constant 6 : i32
    %rem3A_444 = vector.broadcast %rem3A_443 : i32 to vector<16xi32>
    %rem3A_445 = arith.remsi %add3A_437, %rem3A_444 : vector<16xi32>
    %mul3A_446 = arith.constant 1024 : i32
    %mul3A_447 = vector.broadcast %mul3A_446 : i32 to vector<16xi32>
    %mul3A_448 = arith.muli %rem3A_445, %mul3A_447 : vector<16xi32>
    %add3A_449 = arith.addi %get3A_442, %mul3A_448 : vector<16xi32>
    %swap3A_450 = arith.constant 2 : i32
    %swap3A_451 = arith.index_cast %swap3A_450 : i32 to index
    %swap3A_452 = arith.constant 32 : index
    %swap3A_453 = tpu.vector_load %arg5[%swap3A_451, %swap3A_452] {strides = array<i32>} : memref<12x128xi32, #tpu.memory_space<vmem>>, vector<1x16xi32>,
    %swap3A_454 = vector.shape_cast %swap3A_453 : vector<1x16xi32> to vector<16xi32>
    %swap3A_455 = vector.shape_cast %add3A_449 : vector<16xi32> to vector<1x16xi32>
    tpu.vector_store %arg5[%swap3A_451, %swap3A_452], %swap3A_455 {strides = array<i32>} : memref<12x128xi32, #tpu.memory_space<vmem>>, vector<1x16xi32>,
    %add3A_456 = arith.constant 256 : i32
    %add3A_457 = arith.addi %mul3A_2, %add3A_456 : i32
    %add3A_458 = arith.constant 48 : i32
    %add3A_459 = arith.addi %add3A_457, %add3A_458 : i32
    %add3A_460 = vector.broadcast %add3A_459 : i32 to vector<16xi32>
    %add3A_461 = arith.addi %iota3A, %add3A_460 : vector<16xi32>
    %get3A_462 = arith.constant 2 : i32
    %get3A_463 = arith.index_cast %get3A_462 : i32 to index
    %get3A_464 = arith.constant 48 : index
    %get3A_465 = tpu.vector_load %arg5[%get3A_463, %get3A_464] {strides = array<i32>} : memref<12x128xi32, #tpu.memory_space<vmem>>, vector<1x16xi32>,
    %get3A_466 = vector.shape_cast %get3A_465 : vector<1x16xi32> to vector<16xi32>
    %rem3A_467 = arith.constant 6 : i32
    %rem3A_468 = vector.broadcast %rem3A_467 : i32 to vector<16xi32>
    %rem3A_469 = arith.remsi %add3A_461, %rem3A_468 : vector<16xi32>
    %mul3A_470 = arith.constant 1024 : i32
    %mul3A_471 = vector.broadcast %mul3A_470 : i32 to vector<16xi32>
    %mul3A_472 = arith.muli %rem3A_469, %mul3A_471 : vector<16xi32>
    %add3A_473 = arith.addi %get3A_466, %mul3A_472 : vector<16xi32>
    %swap3A_474 = arith.constant 2 : i32
    %swap3A_475 = arith.index_cast %swap3A_474 : i32 to index
    %swap3A_476 = arith.constant 48 : index
    %swap3A_477 = tpu.vector_load %arg5[%swap3A_475, %swap3A_476] {strides = array<i32>} : memref<12x128xi32, #tpu.memory_space<vmem>>, vector<1x16xi32>,
    %swap3A_478 = vector.shape_cast %swap3A_477 : vector<1x16xi32> to vector<16xi32>
    %swap3A_479 = vector.shape_cast %add3A_473 : vector<16xi32> to vector<1x16xi32>
    tpu.vector_store %arg5[%swap3A_475, %swap3A_476], %swap3A_479 {strides = array<i32>} : memref<12x128xi32, #tpu.memory_space<vmem>>, vector<1x16xi32>,
    %add3A_480 = arith.constant 256 : i32
    %add3A_481 = arith.addi %mul3A_2, %add3A_480 : i32
    %add3A_482 = arith.constant 64 : i32
    %add3A_483 = arith.addi %add3A_481, %add3A_482 : i32
    %add3A_484 = vector.broadcast %add3A_483 : i32 to vector<16xi32>
    %add3A_485 = arith.addi %iota3A, %add3A_484 : vector<16xi32>
    %get3A_486 = arith.constant 2 : i32
    %get3A_487 = arith.index_cast %get3A_486 : i32 to index
    %get3A_488 = arith.constant 64 : index
    %get3A_489 = tpu.vector_load %arg5[%get3A_487, %get3A_488] {strides = array<i32>} : memref<12x128xi32, #tpu.memory_space<vmem>>, vector<1x16xi32>,
    %get3A_490 = vector.shape_cast %get3A_489 : vector<1x16xi32> to vector<16xi32>
    %rem3A_491 = arith.constant 6 : i32
    %rem3A_492 = vector.broadcast %rem3A_491 : i32 to vector<16xi32>
    %rem3A_493 = arith.remsi %add3A_485, %rem3A_492 : vector<16xi32>
    %mul3A_494 = arith.constant 1024 : i32
    %mul3A_495 = vector.broadcast %mul3A_494 : i32 to vector<16xi32>
    %mul3A_496 = arith.muli %rem3A_493, %mul3A_495 : vector<16xi32>
    %add3A_497 = arith.addi %get3A_490, %mul3A_496 : vector<16xi32>
    %swap3A_498 = arith.constant 2 : i32
    %swap3A_499 = arith.index_cast %swap3A_498 : i32 to index
    %swap3A_500 = arith.constant 64 : index
    %swap3A_501 = tpu.vector_load %arg5[%swap3A_499, %swap3A_500] {strides = array<i32>} : memref<12x128xi32, #tpu.memory_space<vmem>>, vector<1x16xi32>,
    %swap3A_502 = vector.shape_cast %swap3A_501 : vector<1x16xi32> to vector<16xi32>
    %swap3A_503 = vector.shape_cast %add3A_497 : vector<16xi32> to vector<1x16xi32>
    tpu.vector_store %arg5[%swap3A_499, %swap3A_500], %swap3A_503 {strides = array<i32>} : memref<12x128xi32, #tpu.memory_space<vmem>>, vector<1x16xi32>,
    %add3A_504 = arith.constant 256 : i32
    %add3A_505 = arith.addi %mul3A_2, %add3A_504 : i32
    %add3A_506 = arith.constant 80 : i32
    %add3A_507 = arith.addi %add3A_505, %add3A_506 : i32
    %add3A_508 = vector.broadcast %add3A_507 : i32 to vector<16xi32>
    %add3A_509 = arith.addi %iota3A, %add3A_508 : vector<16xi32>
    %get3A_510 = arith.constant 2 : i32
    %get3A_511 = arith.index_cast %get3A_510 : i32 to index
    %get3A_512 = arith.constant 80 : index
    %get3A_513 = tpu.vector_load %arg5[%get3A_511, %get3A_512] {strides = array<i32>} : memref<12x128xi32, #tpu.memory_space<vmem>>, vector<1x16xi32>,
    %get3A_514 = vector.shape_cast %get3A_513 : vector<1x16xi32> to vector<16xi32>
    %rem3A_515 = arith.constant 6 : i32
    %rem3A_516 = vector.broadcast %rem3A_515 : i32 to vector<16xi32>
    %rem3A_517 = arith.remsi %add3A_509, %rem3A_516 : vector<16xi32>
    %mul3A_518 = arith.constant 1024 : i32
    %mul3A_519 = vector.broadcast %mul3A_518 : i32 to vector<16xi32>
    %mul3A_520 = arith.muli %rem3A_517, %mul3A_519 : vector<16xi32>
    %add3A_521 = arith.addi %get3A_514, %mul3A_520 : vector<16xi32>
    %swap3A_522 = arith.constant 2 : i32
    %swap3A_523 = arith.index_cast %swap3A_522 : i32 to index
    %swap3A_524 = arith.constant 80 : index
    %swap3A_525 = tpu.vector_load %arg5[%swap3A_523, %swap3A_524] {strides = array<i32>} : memref<12x128xi32, #tpu.memory_space<vmem>>, vector<1x16xi32>,
    %swap3A_526 = vector.shape_cast %swap3A_525 : vector<1x16xi32> to vector<16xi32>
    %swap3A_527 = vector.shape_cast %add3A_521 : vector<16xi32> to vector<1x16xi32>
    tpu.vector_store %arg5[%swap3A_523, %swap3A_524], %swap3A_527 {strides = array<i32>} : memref<12x128xi32, #tpu.memory_space<vmem>>, vector<1x16xi32>,
    %add3A_528 = arith.constant 256 : i32
    %add3A_529 = arith.addi %mul3A_2, %add3A_528 : i32
    %add3A_530 = arith.constant 96 : i32
    %add3A_531 = arith.addi %add3A_529, %add3A_530 : i32
    %add3A_532 = vector.broadcast %add3A_531 : i32 to vector<16xi32>
    %add3A_533 = arith.addi %iota3A, %add3A_532 : vector<16xi32>
    %get3A_534 = arith.constant 2 : i32
    %get3A_535 = arith.index_cast %get3A_534 : i32 to index
    %get3A_536 = arith.constant 96 : index
    %get3A_537 = tpu.vector_load %arg5[%get3A_535, %get3A_536] {strides = array<i32>} : memref<12x128xi32, #tpu.memory_space<vmem>>, vector<1x16xi32>,
    %get3A_538 = vector.shape_cast %get3A_537 : vector<1x16xi32> to vector<16xi32>
    %rem3A_539 = arith.constant 6 : i32
    %rem3A_540 = vector.broadcast %rem3A_539 : i32 to vector<16xi32>
    %rem3A_541 = arith.remsi %add3A_533, %rem3A_540 : vector<16xi32>
    %mul3A_542 = arith.constant 1024 : i32
    %mul3A_543 = vector.broadcast %mul3A_542 : i32 to vector<16xi32>
    %mul3A_544 = arith.muli %rem3A_541, %mul3A_543 : vector<16xi32>
    %add3A_545 = arith.addi %get3A_538, %mul3A_544 : vector<16xi32>
    %swap3A_546 = arith.constant 2 : i32
    %swap3A_547 = arith.index_cast %swap3A_546 : i32 to index
    %swap3A_548 = arith.constant 96 : index
    %swap3A_549 = tpu.vector_load %arg5[%swap3A_547, %swap3A_548] {strides = array<i32>} : memref<12x128xi32, #tpu.memory_space<vmem>>, vector<1x16xi32>,
    %swap3A_550 = vector.shape_cast %swap3A_549 : vector<1x16xi32> to vector<16xi32>
    %swap3A_551 = vector.shape_cast %add3A_545 : vector<16xi32> to vector<1x16xi32>
    tpu.vector_store %arg5[%swap3A_547, %swap3A_548], %swap3A_551 {strides = array<i32>} : memref<12x128xi32, #tpu.memory_space<vmem>>, vector<1x16xi32>,
    %add3A_552 = arith.constant 256 : i32
    %add3A_553 = arith.addi %mul3A_2, %add3A_552 : i32
    %add3A_554 = arith.constant 112 : i32
    %add3A_555 = arith.addi %add3A_553, %add3A_554 : i32
    %add3A_556 = vector.broadcast %add3A_555 : i32 to vector<16xi32>
    %add3A_557 = arith.addi %iota3A, %add3A_556 : vector<16xi32>
    %get3A_558 = arith.constant 2 : i32
    %get3A_559 = arith.index_cast %get3A_558 : i32 to index
    %get3A_560 = arith.constant 112 : index
    %get3A_561 = tpu.vector_load %arg5[%get3A_559, %get3A_560] {strides = array<i32>} : memref<12x128xi32, #tpu.memory_space<vmem>>, vector<1x16xi32>,
    %get3A_562 = vector.shape_cast %get3A_561 : vector<1x16xi32> to vector<16xi32>
    %rem3A_563 = arith.constant 6 : i32
    %rem3A_564 = vector.broadcast %rem3A_563 : i32 to vector<16xi32>
    %rem3A_565 = arith.remsi %add3A_557, %rem3A_564 : vector<16xi32>
    %mul3A_566 = arith.constant 1024 : i32
    %mul3A_567 = vector.broadcast %mul3A_566 : i32 to vector<16xi32>
    %mul3A_568 = arith.muli %rem3A_565, %mul3A_567 : vector<16xi32>
    %add3A_569 = arith.addi %get3A_562, %mul3A_568 : vector<16xi32>
    %swap3A_570 = arith.constant 2 : i32
    %swap3A_571 = arith.index_cast %swap3A_570 : i32 to index
    %swap3A_572 = arith.constant 112 : index
    %swap3A_573 = tpu.vector_load %arg5[%swap3A_571, %swap3A_572] {strides = array<i32>} : memref<12x128xi32, #tpu.memory_space<vmem>>, vector<1x16xi32>,
    %swap3A_574 = vector.shape_cast %swap3A_573 : vector<1x16xi32> to vector<16xi32>
    %swap3A_575 = vector.shape_cast %add3A_569 : vector<16xi32> to vector<1x16xi32>
    tpu.vector_store %arg5[%swap3A_571, %swap3A_572], %swap3A_575 {strides = array<i32>} : memref<12x128xi32, #tpu.memory_space<vmem>>, vector<1x16xi32>,
    %add3A_576 = arith.constant 384 : i32
    %add3A_577 = arith.addi %mul3A_2, %add3A_576 : i32
    %add3A_578 = arith.constant 0 : i32
    %add3A_579 = arith.addi %add3A_577, %add3A_578 : i32
    %add3A_580 = vector.broadcast %add3A_579 : i32 to vector<16xi32>
    %add3A_581 = arith.addi %iota3A, %add3A_580 : vector<16xi32>
    %get3A_582 = arith.constant 3 : i32
    %get3A_583 = arith.index_cast %get3A_582 : i32 to index
    %get3A_584 = arith.constant 0 : index
    %get3A_585 = tpu.vector_load %arg5[%get3A_583, %get3A_584] {strides = array<i32>} : memref<12x128xi32, #tpu.memory_space<vmem>>, vector<1x16xi32>,
    %get3A_586 = vector.shape_cast %get3A_585 : vector<1x16xi32> to vector<16xi32>
    %rem3A_587 = arith.constant 6 : i32
    %rem3A_588 = vector.broadcast %rem3A_587 : i32 to vector<16xi32>
    %rem3A_589 = arith.remsi %add3A_581, %rem3A_588 : vector<16xi32>
    %mul3A_590 = arith.constant 1024 : i32
    %mul3A_591 = vector.broadcast %mul3A_590 : i32 to vector<16xi32>
    %mul3A_592 = arith.muli %rem3A_589, %mul3A_591 : vector<16xi32>
    %add3A_593 = arith.addi %get3A_586, %mul3A_592 : vector<16xi32>
    %swap3A_594 = arith.constant 3 : i32
    %swap3A_595 = arith.index_cast %swap3A_594 : i32 to index
    %swap3A_596 = arith.constant 0 : index
    %swap3A_597 = tpu.vector_load %arg5[%swap3A_595, %swap3A_596] {strides = array<i32>} : memref<12x128xi32, #tpu.memory_space<vmem>>, vector<1x16xi32>,
    %swap3A_598 = vector.shape_cast %swap3A_597 : vector<1x16xi32> to vector<16xi32>
    %swap3A_599 = vector.shape_cast %add3A_593 : vector<16xi32> to vector<1x16xi32>
    tpu.vector_store %arg5[%swap3A_595, %swap3A_596], %swap3A_599 {strides = array<i32>} : memref<12x128xi32, #tpu.memory_space<vmem>>, vector<1x16xi32>,
    %add3A_600 = arith.constant 384 : i32
    %add3A_601 = arith.addi %mul3A_2, %add3A_600 : i32
    %add3A_602 = arith.constant 16 : i32
    %add3A_603 = arith.addi %add3A_601, %add3A_602 : i32
    %add3A_604 = vector.broadcast %add3A_603 : i32 to vector<16xi32>
    %add3A_605 = arith.addi %iota3A, %add3A_604 : vector<16xi32>
    %get3A_606 = arith.constant 3 : i32
    %get3A_607 = arith.index_cast %get3A_606 : i32 to index
    %get3A_608 = arith.constant 16 : index
    %get3A_609 = tpu.vector_load %arg5[%get3A_607, %get3A_608] {strides = array<i32>} : memref<12x128xi32, #tpu.memory_space<vmem>>, vector<1x16xi32>,
    %get3A_610 = vector.shape_cast %get3A_609 : vector<1x16xi32> to vector<16xi32>
    %rem3A_611 = arith.constant 6 : i32
    %rem3A_612 = vector.broadcast %rem3A_611 : i32 to vector<16xi32>
    %rem3A_613 = arith.remsi %add3A_605, %rem3A_612 : vector<16xi32>
    %mul3A_614 = arith.constant 1024 : i32
    %mul3A_615 = vector.broadcast %mul3A_614 : i32 to vector<16xi32>
    %mul3A_616 = arith.muli %rem3A_613, %mul3A_615 : vector<16xi32>
    %add3A_617 = arith.addi %get3A_610, %mul3A_616 : vector<16xi32>
    %swap3A_618 = arith.constant 3 : i32
    %swap3A_619 = arith.index_cast %swap3A_618 : i32 to index
    %swap3A_620 = arith.constant 16 : index
    %swap3A_621 = tpu.vector_load %arg5[%swap3A_619, %swap3A_620] {strides = array<i32>} : memref<12x128xi32, #tpu.memory_space<vmem>>, vector<1x16xi32>,
    %swap3A_622 = vector.shape_cast %swap3A_621 : vector<1x16xi32> to vector<16xi32>
    %swap3A_623 = vector.shape_cast %add3A_617 : vector<16xi32> to vector<1x16xi32>
    tpu.vector_store %arg5[%swap3A_619, %swap3A_620], %swap3A_623 {strides = array<i32>} : memref<12x128xi32, #tpu.memory_space<vmem>>, vector<1x16xi32>,
    %add3A_624 = arith.constant 384 : i32
    %add3A_625 = arith.addi %mul3A_2, %add3A_624 : i32
    %add3A_626 = arith.constant 32 : i32
    %add3A_627 = arith.addi %add3A_625, %add3A_626 : i32
    %add3A_628 = vector.broadcast %add3A_627 : i32 to vector<16xi32>
    %add3A_629 = arith.addi %iota3A, %add3A_628 : vector<16xi32>
    %get3A_630 = arith.constant 3 : i32
    %get3A_631 = arith.index_cast %get3A_630 : i32 to index
    %get3A_632 = arith.constant 32 : index
    %get3A_633 = tpu.vector_load %arg5[%get3A_631, %get3A_632] {strides = array<i32>} : memref<12x128xi32, #tpu.memory_space<vmem>>, vector<1x16xi32>,
    %get3A_634 = vector.shape_cast %get3A_633 : vector<1x16xi32> to vector<16xi32>
    %rem3A_635 = arith.constant 6 : i32
    %rem3A_636 = vector.broadcast %rem3A_635 : i32 to vector<16xi32>
    %rem3A_637 = arith.remsi %add3A_629, %rem3A_636 : vector<16xi32>
    %mul3A_638 = arith.constant 1024 : i32
    %mul3A_639 = vector.broadcast %mul3A_638 : i32 to vector<16xi32>
    %mul3A_640 = arith.muli %rem3A_637, %mul3A_639 : vector<16xi32>
    %add3A_641 = arith.addi %get3A_634, %mul3A_640 : vector<16xi32>
    %swap3A_642 = arith.constant 3 : i32
    %swap3A_643 = arith.index_cast %swap3A_642 : i32 to index
    %swap3A_644 = arith.constant 32 : index
    %swap3A_645 = tpu.vector_load %arg5[%swap3A_643, %swap3A_644] {strides = array<i32>} : memref<12x128xi32, #tpu.memory_space<vmem>>, vector<1x16xi32>,
    %swap3A_646 = vector.shape_cast %swap3A_645 : vector<1x16xi32> to vector<16xi32>
    %swap3A_647 = vector.shape_cast %add3A_641 : vector<16xi32> to vector<1x16xi32>
    tpu.vector_store %arg5[%swap3A_643, %swap3A_644], %swap3A_647 {strides = array<i32>} : memref<12x128xi32, #tpu.memory_space<vmem>>, vector<1x16xi32>,
    %add3A_648 = arith.constant 384 : i32
    %add3A_649 = arith.addi %mul3A_2, %add3A_648 : i32
    %add3A_650 = arith.constant 48 : i32
    %add3A_651 = arith.addi %add3A_649, %add3A_650 : i32
    %add3A_652 = vector.broadcast %add3A_651 : i32 to vector<16xi32>
    %add3A_653 = arith.addi %iota3A, %add3A_652 : vector<16xi32>
    %get3A_654 = arith.constant 3 : i32
    %get3A_655 = arith.index_cast %get3A_654 : i32 to index
    %get3A_656 = arith.constant 48 : index
    %get3A_657 = tpu.vector_load %arg5[%get3A_655, %get3A_656] {strides = array<i32>} : memref<12x128xi32, #tpu.memory_space<vmem>>, vector<1x16xi32>,
    %get3A_658 = vector.shape_cast %get3A_657 : vector<1x16xi32> to vector<16xi32>
    %rem3A_659 = arith.constant 6 : i32
    %rem3A_660 = vector.broadcast %rem3A_659 : i32 to vector<16xi32>
    %rem3A_661 = arith.remsi %add3A_653, %rem3A_660 : vector<16xi32>
    %mul3A_662 = arith.constant 1024 : i32
    %mul3A_663 = vector.broadcast %mul3A_662 : i32 to vector<16xi32>
    %mul3A_664 = arith.muli %rem3A_661, %mul3A_663 : vector<16xi32>
    %add3A_665 = arith.addi %get3A_658, %mul3A_664 : vector<16xi32>
    %swap3A_666 = arith.constant 3 : i32
    %swap3A_667 = arith.index_cast %swap3A_666 : i32 to index
    %swap3A_668 = arith.constant 48 : index
    %swap3A_669 = tpu.vector_load %arg5[%swap3A_667, %swap3A_668] {strides = array<i32>} : memref<12x128xi32, #tpu.memory_space<vmem>>, vector<1x16xi32>,
    %swap3A_670 = vector.shape_cast %swap3A_669 : vector<1x16xi32> to vector<16xi32>
    %swap3A_671 = vector.shape_cast %add3A_665 : vector<16xi32> to vector<1x16xi32>
    tpu.vector_store %arg5[%swap3A_667, %swap3A_668], %swap3A_671 {strides = array<i32>} : memref<12x128xi32, #tpu.memory_space<vmem>>, vector<1x16xi32>,
    %add3A_672 = arith.constant 384 : i32
    %add3A_673 = arith.addi %mul3A_2, %add3A_672 : i32
    %add3A_674 = arith.constant 64 : i32
    %add3A_675 = arith.addi %add3A_673, %add3A_674 : i32
    %add3A_676 = vector.broadcast %add3A_675 : i32 to vector<16xi32>
    %add3A_677 = arith.addi %iota3A, %add3A_676 : vector<16xi32>
    %get3A_678 = arith.constant 3 : i32
    %get3A_679 = arith.index_cast %get3A_678 : i32 to index
    %get3A_680 = arith.constant 64 : index
    %get3A_681 = tpu.vector_load %arg5[%get3A_679, %get3A_680] {strides = array<i32>} : memref<12x128xi32, #tpu.memory_space<vmem>>, vector<1x16xi32>,
    %get3A_682 = vector.shape_cast %get3A_681 : vector<1x16xi32> to vector<16xi32>
    %rem3A_683 = arith.constant 6 : i32
    %rem3A_684 = vector.broadcast %rem3A_683 : i32 to vector<16xi32>
    %rem3A_685 = arith.remsi %add3A_677, %rem3A_684 : vector<16xi32>
    %mul3A_686 = arith.constant 1024 : i32
    %mul3A_687 = vector.broadcast %mul3A_686 : i32 to vector<16xi32>
    %mul3A_688 = arith.muli %rem3A_685, %mul3A_687 : vector<16xi32>
    %add3A_689 = arith.addi %get3A_682, %mul3A_688 : vector<16xi32>
    %swap3A_690 = arith.constant 3 : i32
    %swap3A_691 = arith.index_cast %swap3A_690 : i32 to index
    %swap3A_692 = arith.constant 64 : index
    %swap3A_693 = tpu.vector_load %arg5[%swap3A_691, %swap3A_692] {strides = array<i32>} : memref<12x128xi32, #tpu.memory_space<vmem>>, vector<1x16xi32>,
    %swap3A_694 = vector.shape_cast %swap3A_693 : vector<1x16xi32> to vector<16xi32>
    %swap3A_695 = vector.shape_cast %add3A_689 : vector<16xi32> to vector<1x16xi32>
    tpu.vector_store %arg5[%swap3A_691, %swap3A_692], %swap3A_695 {strides = array<i32>} : memref<12x128xi32, #tpu.memory_space<vmem>>, vector<1x16xi32>,
    %add3A_696 = arith.constant 384 : i32
    %add3A_697 = arith.addi %mul3A_2, %add3A_696 : i32
    %add3A_698 = arith.constant 80 : i32
    %add3A_699 = arith.addi %add3A_697, %add3A_698 : i32
    %add3A_700 = vector.broadcast %add3A_699 : i32 to vector<16xi32>
    %add3A_701 = arith.addi %iota3A, %add3A_700 : vector<16xi32>
    %get3A_702 = arith.constant 3 : i32
    %get3A_703 = arith.index_cast %get3A_702 : i32 to index
    %get3A_704 = arith.constant 80 : index
    %get3A_705 = tpu.vector_load %arg5[%get3A_703, %get3A_704] {strides = array<i32>} : memref<12x128xi32, #tpu.memory_space<vmem>>, vector<1x16xi32>,
    %get3A_706 = vector.shape_cast %get3A_705 : vector<1x16xi32> to vector<16xi32>
    %rem3A_707 = arith.constant 6 : i32
    %rem3A_708 = vector.broadcast %rem3A_707 : i32 to vector<16xi32>
    %rem3A_709 = arith.remsi %add3A_701, %rem3A_708 : vector<16xi32>
    %mul3A_710 = arith.constant 1024 : i32
    %mul3A_711 = vector.broadcast %mul3A_710 : i32 to vector<16xi32>
    %mul3A_712 = arith.muli %rem3A_709, %mul3A_711 : vector<16xi32>
    %add3A_713 = arith.addi %get3A_706, %mul3A_712 : vector<16xi32>
    %swap3A_714 = arith.constant 3 : i32
    %swap3A_715 = arith.index_cast %swap3A_714 : i32 to index
    %swap3A_716 = arith.constant 80 : index
    %swap3A_717 = tpu.vector_load %arg5[%swap3A_715, %swap3A_716] {strides = array<i32>} : memref<12x128xi32, #tpu.memory_space<vmem>>, vector<1x16xi32>,
    %swap3A_718 = vector.shape_cast %swap3A_717 : vector<1x16xi32> to vector<16xi32>
    %swap3A_719 = vector.shape_cast %add3A_713 : vector<16xi32> to vector<1x16xi32>
    tpu.vector_store %arg5[%swap3A_715, %swap3A_716], %swap3A_719 {strides = array<i32>} : memref<12x128xi32, #tpu.memory_space<vmem>>, vector<1x16xi32>,
    %add3A_720 = arith.constant 384 : i32
    %add3A_721 = arith.addi %mul3A_2, %add3A_720 : i32
    %add3A_722 = arith.constant 96 : i32
    %add3A_723 = arith.addi %add3A_721, %add3A_722 : i32
    %add3A_724 = vector.broadcast %add3A_723 : i32 to vector<16xi32>
    %add3A_725 = arith.addi %iota3A, %add3A_724 : vector<16xi32>
    %get3A_726 = arith.constant 3 : i32
    %get3A_727 = arith.index_cast %get3A_726 : i32 to index
    %get3A_728 = arith.constant 96 : index
    %get3A_729 = tpu.vector_load %arg5[%get3A_727, %get3A_728] {strides = array<i32>} : memref<12x128xi32, #tpu.memory_space<vmem>>, vector<1x16xi32>,
    %get3A_730 = vector.shape_cast %get3A_729 : vector<1x16xi32> to vector<16xi32>
    %rem3A_731 = arith.constant 6 : i32
    %rem3A_732 = vector.broadcast %rem3A_731 : i32 to vector<16xi32>
    %rem3A_733 = arith.remsi %add3A_725, %rem3A_732 : vector<16xi32>
    %mul3A_734 = arith.constant 1024 : i32
    %mul3A_735 = vector.broadcast %mul3A_734 : i32 to vector<16xi32>
    %mul3A_736 = arith.muli %rem3A_733, %mul3A_735 : vector<16xi32>
    %add3A_737 = arith.addi %get3A_730, %mul3A_736 : vector<16xi32>
    %swap3A_738 = arith.constant 3 : i32
    %swap3A_739 = arith.index_cast %swap3A_738 : i32 to index
    %swap3A_740 = arith.constant 96 : index
    %swap3A_741 = tpu.vector_load %arg5[%swap3A_739, %swap3A_740] {strides = array<i32>} : memref<12x128xi32, #tpu.memory_space<vmem>>, vector<1x16xi32>,
    %swap3A_742 = vector.shape_cast %swap3A_741 : vector<1x16xi32> to vector<16xi32>
    %swap3A_743 = vector.shape_cast %add3A_737 : vector<16xi32> to vector<1x16xi32>
    tpu.vector_store %arg5[%swap3A_739, %swap3A_740], %swap3A_743 {strides = array<i32>} : memref<12x128xi32, #tpu.memory_space<vmem>>, vector<1x16xi32>,
    %add3A_744 = arith.constant 384 : i32
    %add3A_745 = arith.addi %mul3A_2, %add3A_744 : i32
    %add3A_746 = arith.constant 112 : i32
    %add3A_747 = arith.addi %add3A_745, %add3A_746 : i32
    %add3A_748 = vector.broadcast %add3A_747 : i32 to vector<16xi32>
    %add3A_749 = arith.addi %iota3A, %add3A_748 : vector<16xi32>
    %get3A_750 = arith.constant 3 : i32
    %get3A_751 = arith.index_cast %get3A_750 : i32 to index
    %get3A_752 = arith.constant 112 : index
    %get3A_753 = tpu.vector_load %arg5[%get3A_751, %get3A_752] {strides = array<i32>} : memref<12x128xi32, #tpu.memory_space<vmem>>, vector<1x16xi32>,
    %get3A_754 = vector.shape_cast %get3A_753 : vector<1x16xi32> to vector<16xi32>
    %rem3A_755 = arith.constant 6 : i32
    %rem3A_756 = vector.broadcast %rem3A_755 : i32 to vector<16xi32>
    %rem3A_757 = arith.remsi %add3A_749, %rem3A_756 : vector<16xi32>
    %mul3A_758 = arith.constant 1024 : i32
    %mul3A_759 = vector.broadcast %mul3A_758 : i32 to vector<16xi32>
    %mul3A_760 = arith.muli %rem3A_757, %mul3A_759 : vector<16xi32>
    %add3A_761 = arith.addi %get3A_754, %mul3A_760 : vector<16xi32>
    %swap3A_762 = arith.constant 3 : i32
    %swap3A_763 = arith.index_cast %swap3A_762 : i32 to index
    %swap3A_764 = arith.constant 112 : index
    %swap3A_765 = tpu.vector_load %arg5[%swap3A_763, %swap3A_764] {strides = array<i32>} : memref<12x128xi32, #tpu.memory_space<vmem>>, vector<1x16xi32>,
    %swap3A_766 = vector.shape_cast %swap3A_765 : vector<1x16xi32> to vector<16xi32>
    %swap3A_767 = vector.shape_cast %add3A_761 : vector<16xi32> to vector<1x16xi32>
    tpu.vector_store %arg5[%swap3A_763, %swap3A_764], %swap3A_767 {strides = array<i32>} : memref<12x128xi32, #tpu.memory_space<vmem>>, vector<1x16xi32>,
    %add3A_768 = arith.constant 512 : i32
    %add3A_769 = arith.addi %mul3A_2, %add3A_768 : i32
    %add3A_770 = arith.constant 0 : i32
    %add3A_771 = arith.addi %add3A_769, %add3A_770 : i32
    %add3A_772 = vector.broadcast %add3A_771 : i32 to vector<16xi32>
    %add3A_773 = arith.addi %iota3A, %add3A_772 : vector<16xi32>
    %get3A_774 = arith.constant 4 : i32
    %get3A_775 = arith.index_cast %get3A_774 : i32 to index
    %get3A_776 = arith.constant 0 : index
    %get3A_777 = tpu.vector_load %arg5[%get3A_775, %get3A_776] {strides = array<i32>} : memref<12x128xi32, #tpu.memory_space<vmem>>, vector<1x16xi32>,
    %get3A_778 = vector.shape_cast %get3A_777 : vector<1x16xi32> to vector<16xi32>
    %rem3A_779 = arith.constant 6 : i32
    %rem3A_780 = vector.broadcast %rem3A_779 : i32 to vector<16xi32>
    %rem3A_781 = arith.remsi %add3A_773, %rem3A_780 : vector<16xi32>
    %mul3A_782 = arith.constant 1024 : i32
    %mul3A_783 = vector.broadcast %mul3A_782 : i32 to vector<16xi32>
    %mul3A_784 = arith.muli %rem3A_781, %mul3A_783 : vector<16xi32>
    %add3A_785 = arith.addi %get3A_778, %mul3A_784 : vector<16xi32>
    %swap3A_786 = arith.constant 4 : i32
    %swap3A_787 = arith.index_cast %swap3A_786 : i32 to index
    %swap3A_788 = arith.constant 0 : index
    %swap3A_789 = tpu.vector_load %arg5[%swap3A_787, %swap3A_788] {strides = array<i32>} : memref<12x128xi32, #tpu.memory_space<vmem>>, vector<1x16xi32>,
    %swap3A_790 = vector.shape_cast %swap3A_789 : vector<1x16xi32> to vector<16xi32>
    %swap3A_791 = vector.shape_cast %add3A_785 : vector<16xi32> to vector<1x16xi32>
    tpu.vector_store %arg5[%swap3A_787, %swap3A_788], %swap3A_791 {strides = array<i32>} : memref<12x128xi32, #tpu.memory_space<vmem>>, vector<1x16xi32>,
    %add3A_792 = arith.constant 512 : i32
    %add3A_793 = arith.addi %mul3A_2, %add3A_792 : i32
    %add3A_794 = arith.constant 16 : i32
    %add3A_795 = arith.addi %add3A_793, %add3A_794 : i32
    %add3A_796 = vector.broadcast %add3A_795 : i32 to vector<16xi32>
    %add3A_797 = arith.addi %iota3A, %add3A_796 : vector<16xi32>
    %get3A_798 = arith.constant 4 : i32
    %get3A_799 = arith.index_cast %get3A_798 : i32 to index
    %get3A_800 = arith.constant 16 : index
    %get3A_801 = tpu.vector_load %arg5[%get3A_799, %get3A_800] {strides = array<i32>} : memref<12x128xi32, #tpu.memory_space<vmem>>, vector<1x16xi32>,
    %get3A_802 = vector.shape_cast %get3A_801 : vector<1x16xi32> to vector<16xi32>
    %rem3A_803 = arith.constant 6 : i32
    %rem3A_804 = vector.broadcast %rem3A_803 : i32 to vector<16xi32>
    %rem3A_805 = arith.remsi %add3A_797, %rem3A_804 : vector<16xi32>
    %mul3A_806 = arith.constant 1024 : i32
    %mul3A_807 = vector.broadcast %mul3A_806 : i32 to vector<16xi32>
    %mul3A_808 = arith.muli %rem3A_805, %mul3A_807 : vector<16xi32>
    %add3A_809 = arith.addi %get3A_802, %mul3A_808 : vector<16xi32>
    %swap3A_810 = arith.constant 4 : i32
    %swap3A_811 = arith.index_cast %swap3A_810 : i32 to index
    %swap3A_812 = arith.constant 16 : index
    %swap3A_813 = tpu.vector_load %arg5[%swap3A_811, %swap3A_812] {strides = array<i32>} : memref<12x128xi32, #tpu.memory_space<vmem>>, vector<1x16xi32>,
    %swap3A_814 = vector.shape_cast %swap3A_813 : vector<1x16xi32> to vector<16xi32>
    %swap3A_815 = vector.shape_cast %add3A_809 : vector<16xi32> to vector<1x16xi32>
    tpu.vector_store %arg5[%swap3A_811, %swap3A_812], %swap3A_815 {strides = array<i32>} : memref<12x128xi32, #tpu.memory_space<vmem>>, vector<1x16xi32>,
    %add3A_816 = arith.constant 512 : i32
    %add3A_817 = arith.addi %mul3A_2, %add3A_816 : i32
    %add3A_818 = arith.constant 32 : i32
    %add3A_819 = arith.addi %add3A_817, %add3A_818 : i32
    %add3A_820 = vector.broadcast %add3A_819 : i32 to vector<16xi32>
    %add3A_821 = arith.addi %iota3A, %add3A_820 : vector<16xi32>
    %get3A_822 = arith.constant 4 : i32
    %get3A_823 = arith.index_cast %get3A_822 : i32 to index
    %get3A_824 = arith.constant 32 : index
    %get3A_825 = tpu.vector_load %arg5[%get3A_823, %get3A_824] {strides = array<i32>} : memref<12x128xi32, #tpu.memory_space<vmem>>, vector<1x16xi32>,
    %get3A_826 = vector.shape_cast %get3A_825 : vector<1x16xi32> to vector<16xi32>
    %rem3A_827 = arith.constant 6 : i32
    %rem3A_828 = vector.broadcast %rem3A_827 : i32 to vector<16xi32>
    %rem3A_829 = arith.remsi %add3A_821, %rem3A_828 : vector<16xi32>
    %mul3A_830 = arith.constant 1024 : i32
    %mul3A_831 = vector.broadcast %mul3A_830 : i32 to vector<16xi32>
    %mul3A_832 = arith.muli %rem3A_829, %mul3A_831 : vector<16xi32>
    %add3A_833 = arith.addi %get3A_826, %mul3A_832 : vector<16xi32>
    %swap3A_834 = arith.constant 4 : i32
    %swap3A_835 = arith.index_cast %swap3A_834 : i32 to index
    %swap3A_836 = arith.constant 32 : index
    %swap3A_837 = tpu.vector_load %arg5[%swap3A_835, %swap3A_836] {strides = array<i32>} : memref<12x128xi32, #tpu.memory_space<vmem>>, vector<1x16xi32>,
    %swap3A_838 = vector.shape_cast %swap3A_837 : vector<1x16xi32> to vector<16xi32>
    %swap3A_839 = vector.shape_cast %add3A_833 : vector<16xi32> to vector<1x16xi32>
    tpu.vector_store %arg5[%swap3A_835, %swap3A_836], %swap3A_839 {strides = array<i32>} : memref<12x128xi32, #tpu.memory_space<vmem>>, vector<1x16xi32>,
    %add3A_840 = arith.constant 512 : i32
    %add3A_841 = arith.addi %mul3A_2, %add3A_840 : i32
    %add3A_842 = arith.constant 48 : i32
    %add3A_843 = arith.addi %add3A_841, %add3A_842 : i32
    %add3A_844 = vector.broadcast %add3A_843 : i32 to vector<16xi32>
    %add3A_845 = arith.addi %iota3A, %add3A_844 : vector<16xi32>
    %get3A_846 = arith.constant 4 : i32
    %get3A_847 = arith.index_cast %get3A_846 : i32 to index
    %get3A_848 = arith.constant 48 : index
    %get3A_849 = tpu.vector_load %arg5[%get3A_847, %get3A_848] {strides = array<i32>} : memref<12x128xi32, #tpu.memory_space<vmem>>, vector<1x16xi32>,
    %get3A_850 = vector.shape_cast %get3A_849 : vector<1x16xi32> to vector<16xi32>
    %rem3A_851 = arith.constant 6 : i32
    %rem3A_852 = vector.broadcast %rem3A_851 : i32 to vector<16xi32>
    %rem3A_853 = arith.remsi %add3A_845, %rem3A_852 : vector<16xi32>
    %mul3A_854 = arith.constant 1024 : i32
    %mul3A_855 = vector.broadcast %mul3A_854 : i32 to vector<16xi32>
    %mul3A_856 = arith.muli %rem3A_853, %mul3A_855 : vector<16xi32>
    %add3A_857 = arith.addi %get3A_850, %mul3A_856 : vector<16xi32>
    %swap3A_858 = arith.constant 4 : i32
    %swap3A_859 = arith.index_cast %swap3A_858 : i32 to index
    %swap3A_860 = arith.constant 48 : index
    %swap3A_861 = tpu.vector_load %arg5[%swap3A_859, %swap3A_860] {strides = array<i32>} : memref<12x128xi32, #tpu.memory_space<vmem>>, vector<1x16xi32>,
    %swap3A_862 = vector.shape_cast %swap3A_861 : vector<1x16xi32> to vector<16xi32>
    %swap3A_863 = vector.shape_cast %add3A_857 : vector<16xi32> to vector<1x16xi32>
    tpu.vector_store %arg5[%swap3A_859, %swap3A_860], %swap3A_863 {strides = array<i32>} : memref<12x128xi32, #tpu.memory_space<vmem>>, vector<1x16xi32>,
    %add3A_864 = arith.constant 512 : i32
    %add3A_865 = arith.addi %mul3A_2, %add3A_864 : i32
    %add3A_866 = arith.constant 64 : i32
    %add3A_867 = arith.addi %add3A_865, %add3A_866 : i32
    %add3A_868 = vector.broadcast %add3A_867 : i32 to vector<16xi32>
    %add3A_869 = arith.addi %iota3A, %add3A_868 : vector<16xi32>
    %get3A_870 = arith.constant 4 : i32
    %get3A_871 = arith.index_cast %get3A_870 : i32 to index
    %get3A_872 = arith.constant 64 : index
    %get3A_873 = tpu.vector_load %arg5[%get3A_871, %get3A_872] {strides = array<i32>} : memref<12x128xi32, #tpu.memory_space<vmem>>, vector<1x16xi32>,
    %get3A_874 = vector.shape_cast %get3A_873 : vector<1x16xi32> to vector<16xi32>
    %rem3A_875 = arith.constant 6 : i32
    %rem3A_876 = vector.broadcast %rem3A_875 : i32 to vector<16xi32>
    %rem3A_877 = arith.remsi %add3A_869, %rem3A_876 : vector<16xi32>
    %mul3A_878 = arith.constant 1024 : i32
    %mul3A_879 = vector.broadcast %mul3A_878 : i32 to vector<16xi32>
    %mul3A_880 = arith.muli %rem3A_877, %mul3A_879 : vector<16xi32>
    %add3A_881 = arith.addi %get3A_874, %mul3A_880 : vector<16xi32>
    %swap3A_882 = arith.constant 4 : i32
    %swap3A_883 = arith.index_cast %swap3A_882 : i32 to index
    %swap3A_884 = arith.constant 64 : index
    %swap3A_885 = tpu.vector_load %arg5[%swap3A_883, %swap3A_884] {strides = array<i32>} : memref<12x128xi32, #tpu.memory_space<vmem>>, vector<1x16xi32>,
    %swap3A_886 = vector.shape_cast %swap3A_885 : vector<1x16xi32> to vector<16xi32>
    %swap3A_887 = vector.shape_cast %add3A_881 : vector<16xi32> to vector<1x16xi32>
    tpu.vector_store %arg5[%swap3A_883, %swap3A_884], %swap3A_887 {strides = array<i32>} : memref<12x128xi32, #tpu.memory_space<vmem>>, vector<1x16xi32>,
    %add3A_888 = arith.constant 512 : i32
    %add3A_889 = arith.addi %mul3A_2, %add3A_888 : i32
    %add3A_890 = arith.constant 80 : i32
    %add3A_891 = arith.addi %add3A_889, %add3A_890 : i32
    %add3A_892 = vector.broadcast %add3A_891 : i32 to vector<16xi32>
    %add3A_893 = arith.addi %iota3A, %add3A_892 : vector<16xi32>
    %get3A_894 = arith.constant 4 : i32
    %get3A_895 = arith.index_cast %get3A_894 : i32 to index
    %get3A_896 = arith.constant 80 : index
    %get3A_897 = tpu.vector_load %arg5[%get3A_895, %get3A_896] {strides = array<i32>} : memref<12x128xi32, #tpu.memory_space<vmem>>, vector<1x16xi32>,
    %get3A_898 = vector.shape_cast %get3A_897 : vector<1x16xi32> to vector<16xi32>
    %rem3A_899 = arith.constant 6 : i32
    %rem3A_900 = vector.broadcast %rem3A_899 : i32 to vector<16xi32>
    %rem3A_901 = arith.remsi %add3A_893, %rem3A_900 : vector<16xi32>
    %mul3A_902 = arith.constant 1024 : i32
    %mul3A_903 = vector.broadcast %mul3A_902 : i32 to vector<16xi32>
    %mul3A_904 = arith.muli %rem3A_901, %mul3A_903 : vector<16xi32>
    %add3A_905 = arith.addi %get3A_898, %mul3A_904 : vector<16xi32>
    %swap3A_906 = arith.constant 4 : i32
    %swap3A_907 = arith.index_cast %swap3A_906 : i32 to index
    %swap3A_908 = arith.constant 80 : index
    %swap3A_909 = tpu.vector_load %arg5[%swap3A_907, %swap3A_908] {strides = array<i32>} : memref<12x128xi32, #tpu.memory_space<vmem>>, vector<1x16xi32>,
    %swap3A_910 = vector.shape_cast %swap3A_909 : vector<1x16xi32> to vector<16xi32>
    %swap3A_911 = vector.shape_cast %add3A_905 : vector<16xi32> to vector<1x16xi32>
    tpu.vector_store %arg5[%swap3A_907, %swap3A_908], %swap3A_911 {strides = array<i32>} : memref<12x128xi32, #tpu.memory_space<vmem>>, vector<1x16xi32>,
    %add3A_912 = arith.constant 512 : i32
    %add3A_913 = arith.addi %mul3A_2, %add3A_912 : i32
    %add3A_914 = arith.constant 96 : i32
    %add3A_915 = arith.addi %add3A_913, %add3A_914 : i32
    %add3A_916 = vector.broadcast %add3A_915 : i32 to vector<16xi32>
    %add3A_917 = arith.addi %iota3A, %add3A_916 : vector<16xi32>
    %get3A_918 = arith.constant 4 : i32
    %get3A_919 = arith.index_cast %get3A_918 : i32 to index
    %get3A_920 = arith.constant 96 : index
    %get3A_921 = tpu.vector_load %arg5[%get3A_919, %get3A_920] {strides = array<i32>} : memref<12x128xi32, #tpu.memory_space<vmem>>, vector<1x16xi32>,
    %get3A_922 = vector.shape_cast %get3A_921 : vector<1x16xi32> to vector<16xi32>
    %rem3A_923 = arith.constant 6 : i32
    %rem3A_924 = vector.broadcast %rem3A_923 : i32 to vector<16xi32>
    %rem3A_925 = arith.remsi %add3A_917, %rem3A_924 : vector<16xi32>
    %mul3A_926 = arith.constant 1024 : i32
    %mul3A_927 = vector.broadcast %mul3A_926 : i32 to vector<16xi32>
    %mul3A_928 = arith.muli %rem3A_925, %mul3A_927 : vector<16xi32>
    %add3A_929 = arith.addi %get3A_922, %mul3A_928 : vector<16xi32>
    %swap3A_930 = arith.constant 4 : i32
    %swap3A_931 = arith.index_cast %swap3A_930 : i32 to index
    %swap3A_932 = arith.constant 96 : index
    %swap3A_933 = tpu.vector_load %arg5[%swap3A_931, %swap3A_932] {strides = array<i32>} : memref<12x128xi32, #tpu.memory_space<vmem>>, vector<1x16xi32>,
    %swap3A_934 = vector.shape_cast %swap3A_933 : vector<1x16xi32> to vector<16xi32>
    %swap3A_935 = vector.shape_cast %add3A_929 : vector<16xi32> to vector<1x16xi32>
    tpu.vector_store %arg5[%swap3A_931, %swap3A_932], %swap3A_935 {strides = array<i32>} : memref<12x128xi32, #tpu.memory_space<vmem>>, vector<1x16xi32>,
    %add3A_936 = arith.constant 512 : i32
    %add3A_937 = arith.addi %mul3A_2, %add3A_936 : i32
    %add3A_938 = arith.constant 112 : i32
    %add3A_939 = arith.addi %add3A_937, %add3A_938 : i32
    %add3A_940 = vector.broadcast %add3A_939 : i32 to vector<16xi32>
    %add3A_941 = arith.addi %iota3A, %add3A_940 : vector<16xi32>
    %get3A_942 = arith.constant 4 : i32
    %get3A_943 = arith.index_cast %get3A_942 : i32 to index
    %get3A_944 = arith.constant 112 : index
    %get3A_945 = tpu.vector_load %arg5[%get3A_943, %get3A_944] {strides = array<i32>} : memref<12x128xi32, #tpu.memory_space<vmem>>, vector<1x16xi32>,
    %get3A_946 = vector.shape_cast %get3A_945 : vector<1x16xi32> to vector<16xi32>
    %rem3A_947 = arith.constant 6 : i32
    %rem3A_948 = vector.broadcast %rem3A_947 : i32 to vector<16xi32>
    %rem3A_949 = arith.remsi %add3A_941, %rem3A_948 : vector<16xi32>
    %mul3A_950 = arith.constant 1024 : i32
    %mul3A_951 = vector.broadcast %mul3A_950 : i32 to vector<16xi32>
    %mul3A_952 = arith.muli %rem3A_949, %mul3A_951 : vector<16xi32>
    %add3A_953 = arith.addi %get3A_946, %mul3A_952 : vector<16xi32>
    %swap3A_954 = arith.constant 4 : i32
    %swap3A_955 = arith.index_cast %swap3A_954 : i32 to index
    %swap3A_956 = arith.constant 112 : index
    %swap3A_957 = tpu.vector_load %arg5[%swap3A_955, %swap3A_956] {strides = array<i32>} : memref<12x128xi32, #tpu.memory_space<vmem>>, vector<1x16xi32>,
    %swap3A_958 = vector.shape_cast %swap3A_957 : vector<1x16xi32> to vector<16xi32>
    %swap3A_959 = vector.shape_cast %add3A_953 : vector<16xi32> to vector<1x16xi32>
    tpu.vector_store %arg5[%swap3A_955, %swap3A_956], %swap3A_959 {strides = array<i32>} : memref<12x128xi32, #tpu.memory_space<vmem>>, vector<1x16xi32>,
    %add3A_960 = arith.constant 640 : i32
    %add3A_961 = arith.addi %mul3A_2, %add3A_960 : i32
    %add3A_962 = arith.constant 0 : i32
    %add3A_963 = arith.addi %add3A_961, %add3A_962 : i32
    %add3A_964 = vector.broadcast %add3A_963 : i32 to vector<16xi32>
    %add3A_965 = arith.addi %iota3A, %add3A_964 : vector<16xi32>
    %get3A_966 = arith.constant 5 : i32
    %get3A_967 = arith.index_cast %get3A_966 : i32 to index
    %get3A_968 = arith.constant 0 : index
    %get3A_969 = tpu.vector_load %arg5[%get3A_967, %get3A_968] {strides = array<i32>} : memref<12x128xi32, #tpu.memory_space<vmem>>, vector<1x16xi32>,
    %get3A_970 = vector.shape_cast %get3A_969 : vector<1x16xi32> to vector<16xi32>
    %rem3A_971 = arith.constant 6 : i32
    %rem3A_972 = vector.broadcast %rem3A_971 : i32 to vector<16xi32>
    %rem3A_973 = arith.remsi %add3A_965, %rem3A_972 : vector<16xi32>
    %mul3A_974 = arith.constant 1024 : i32
    %mul3A_975 = vector.broadcast %mul3A_974 : i32 to vector<16xi32>
    %mul3A_976 = arith.muli %rem3A_973, %mul3A_975 : vector<16xi32>
    %add3A_977 = arith.addi %get3A_970, %mul3A_976 : vector<16xi32>
    %swap3A_978 = arith.constant 5 : i32
    %swap3A_979 = arith.index_cast %swap3A_978 : i32 to index
    %swap3A_980 = arith.constant 0 : index
    %swap3A_981 = tpu.vector_load %arg5[%swap3A_979, %swap3A_980] {strides = array<i32>} : memref<12x128xi32, #tpu.memory_space<vmem>>, vector<1x16xi32>,
    %swap3A_982 = vector.shape_cast %swap3A_981 : vector<1x16xi32> to vector<16xi32>
    %swap3A_983 = vector.shape_cast %add3A_977 : vector<16xi32> to vector<1x16xi32>
    tpu.vector_store %arg5[%swap3A_979, %swap3A_980], %swap3A_983 {strides = array<i32>} : memref<12x128xi32, #tpu.memory_space<vmem>>, vector<1x16xi32>,
    %add3A_984 = arith.constant 640 : i32
    %add3A_985 = arith.addi %mul3A_2, %add3A_984 : i32
    %add3A_986 = arith.constant 16 : i32
    %add3A_987 = arith.addi %add3A_985, %add3A_986 : i32
    %add3A_988 = vector.broadcast %add3A_987 : i32 to vector<16xi32>
    %add3A_989 = arith.addi %iota3A, %add3A_988 : vector<16xi32>
    %get3A_990 = arith.constant 5 : i32
    %get3A_991 = arith.index_cast %get3A_990 : i32 to index
    %get3A_992 = arith.constant 16 : index
    %get3A_993 = tpu.vector_load %arg5[%get3A_991, %get3A_992] {strides = array<i32>} : memref<12x128xi32, #tpu.memory_space<vmem>>, vector<1x16xi32>,
    %get3A_994 = vector.shape_cast %get3A_993 : vector<1x16xi32> to vector<16xi32>
    %rem3A_995 = arith.constant 6 : i32
    %rem3A_996 = vector.broadcast %rem3A_995 : i32 to vector<16xi32>
    %rem3A_997 = arith.remsi %add3A_989, %rem3A_996 : vector<16xi32>
    %mul3A_998 = arith.constant 1024 : i32
    %mul3A_999 = vector.broadcast %mul3A_998 : i32 to vector<16xi32>
    %mul3A_1000 = arith.muli %rem3A_997, %mul3A_999 : vector<16xi32>
    %add3A_1001 = arith.addi %get3A_994, %mul3A_1000 : vector<16xi32>
    %swap3A_1002 = arith.constant 5 : i32
    %swap3A_1003 = arith.index_cast %swap3A_1002 : i32 to index
    %swap3A_1004 = arith.constant 16 : index
    %swap3A_1005 = tpu.vector_load %arg5[%swap3A_1003, %swap3A_1004] {strides = array<i32>} : memref<12x128xi32, #tpu.memory_space<vmem>>, vector<1x16xi32>,
    %swap3A_1006 = vector.shape_cast %swap3A_1005 : vector<1x16xi32> to vector<16xi32>
    %swap3A_1007 = vector.shape_cast %add3A_1001 : vector<16xi32> to vector<1x16xi32>
    tpu.vector_store %arg5[%swap3A_1003, %swap3A_1004], %swap3A_1007 {strides = array<i32>} : memref<12x128xi32, #tpu.memory_space<vmem>>, vector<1x16xi32>,
    %add3A_1008 = arith.constant 640 : i32
    %add3A_1009 = arith.addi %mul3A_2, %add3A_1008 : i32
    %add3A_1010 = arith.constant 32 : i32
    %add3A_1011 = arith.addi %add3A_1009, %add3A_1010 : i32
    %add3A_1012 = vector.broadcast %add3A_1011 : i32 to vector<16xi32>
    %add3A_1013 = arith.addi %iota3A, %add3A_1012 : vector<16xi32>
    %get3A_1014 = arith.constant 5 : i32
    %get3A_1015 = arith.index_cast %get3A_1014 : i32 to index
    %get3A_1016 = arith.constant 32 : index
    %get3A_1017 = tpu.vector_load %arg5[%get3A_1015, %get3A_1016] {strides = array<i32>} : memref<12x128xi32, #tpu.memory_space<vmem>>, vector<1x16xi32>,
    %get3A_1018 = vector.shape_cast %get3A_1017 : vector<1x16xi32> to vector<16xi32>
    %rem3A_1019 = arith.constant 6 : i32
    %rem3A_1020 = vector.broadcast %rem3A_1019 : i32 to vector<16xi32>
    %rem3A_1021 = arith.remsi %add3A_1013, %rem3A_1020 : vector<16xi32>
    %mul3A_1022 = arith.constant 1024 : i32
    %mul3A_1023 = vector.broadcast %mul3A_1022 : i32 to vector<16xi32>
    %mul3A_1024 = arith.muli %rem3A_1021, %mul3A_1023 : vector<16xi32>
    %add3A_1025 = arith.addi %get3A_1018, %mul3A_1024 : vector<16xi32>
    %swap3A_1026 = arith.constant 5 : i32
    %swap3A_1027 = arith.index_cast %swap3A_1026 : i32 to index
    %swap3A_1028 = arith.constant 32 : index
    %swap3A_1029 = tpu.vector_load %arg5[%swap3A_1027, %swap3A_1028] {strides = array<i32>} : memref<12x128xi32, #tpu.memory_space<vmem>>, vector<1x16xi32>,
    %swap3A_1030 = vector.shape_cast %swap3A_1029 : vector<1x16xi32> to vector<16xi32>
    %swap3A_1031 = vector.shape_cast %add3A_1025 : vector<16xi32> to vector<1x16xi32>
    tpu.vector_store %arg5[%swap3A_1027, %swap3A_1028], %swap3A_1031 {strides = array<i32>} : memref<12x128xi32, #tpu.memory_space<vmem>>, vector<1x16xi32>,
    %add3A_1032 = arith.constant 640 : i32
    %add3A_1033 = arith.addi %mul3A_2, %add3A_1032 : i32
    %add3A_1034 = arith.constant 48 : i32
    %add3A_1035 = arith.addi %add3A_1033, %add3A_1034 : i32
    %add3A_1036 = vector.broadcast %add3A_1035 : i32 to vector<16xi32>
    %add3A_1037 = arith.addi %iota3A, %add3A_1036 : vector<16xi32>
    %get3A_1038 = arith.constant 5 : i32
    %get3A_1039 = arith.index_cast %get3A_1038 : i32 to index
    %get3A_1040 = arith.constant 48 : index
    %get3A_1041 = tpu.vector_load %arg5[%get3A_1039, %get3A_1040] {strides = array<i32>} : memref<12x128xi32, #tpu.memory_space<vmem>>, vector<1x16xi32>,
    %get3A_1042 = vector.shape_cast %get3A_1041 : vector<1x16xi32> to vector<16xi32>
    %rem3A_1043 = arith.constant 6 : i32
    %rem3A_1044 = vector.broadcast %rem3A_1043 : i32 to vector<16xi32>
    %rem3A_1045 = arith.remsi %add3A_1037, %rem3A_1044 : vector<16xi32>
    %mul3A_1046 = arith.constant 1024 : i32
    %mul3A_1047 = vector.broadcast %mul3A_1046 : i32 to vector<16xi32>
    %mul3A_1048 = arith.muli %rem3A_1045, %mul3A_1047 : vector<16xi32>
    %add3A_1049 = arith.addi %get3A_1042, %mul3A_1048 : vector<16xi32>
    %swap3A_1050 = arith.constant 5 : i32
    %swap3A_1051 = arith.index_cast %swap3A_1050 : i32 to index
    %swap3A_1052 = arith.constant 48 : index
    %swap3A_1053 = tpu.vector_load %arg5[%swap3A_1051, %swap3A_1052] {strides = array<i32>} : memref<12x128xi32, #tpu.memory_space<vmem>>, vector<1x16xi32>,
    %swap3A_1054 = vector.shape_cast %swap3A_1053 : vector<1x16xi32> to vector<16xi32>
    %swap3A_1055 = vector.shape_cast %add3A_1049 : vector<16xi32> to vector<1x16xi32>
    tpu.vector_store %arg5[%swap3A_1051, %swap3A_1052], %swap3A_1055 {strides = array<i32>} : memref<12x128xi32, #tpu.memory_space<vmem>>, vector<1x16xi32>,
    %add3A_1056 = arith.constant 640 : i32
    %add3A_1057 = arith.addi %mul3A_2, %add3A_1056 : i32
    %add3A_1058 = arith.constant 64 : i32
    %add3A_1059 = arith.addi %add3A_1057, %add3A_1058 : i32
    %add3A_1060 = vector.broadcast %add3A_1059 : i32 to vector<16xi32>
    %add3A_1061 = arith.addi %iota3A, %add3A_1060 : vector<16xi32>
    %get3A_1062 = arith.constant 5 : i32
    %get3A_1063 = arith.index_cast %get3A_1062 : i32 to index
    %get3A_1064 = arith.constant 64 : index
    %get3A_1065 = tpu.vector_load %arg5[%get3A_1063, %get3A_1064] {strides = array<i32>} : memref<12x128xi32, #tpu.memory_space<vmem>>, vector<1x16xi32>,
    %get3A_1066 = vector.shape_cast %get3A_1065 : vector<1x16xi32> to vector<16xi32>
    %rem3A_1067 = arith.constant 6 : i32
    %rem3A_1068 = vector.broadcast %rem3A_1067 : i32 to vector<16xi32>
    %rem3A_1069 = arith.remsi %add3A_1061, %rem3A_1068 : vector<16xi32>
    %mul3A_1070 = arith.constant 1024 : i32
    %mul3A_1071 = vector.broadcast %mul3A_1070 : i32 to vector<16xi32>
    %mul3A_1072 = arith.muli %rem3A_1069, %mul3A_1071 : vector<16xi32>
    %add3A_1073 = arith.addi %get3A_1066, %mul3A_1072 : vector<16xi32>
    %swap3A_1074 = arith.constant 5 : i32
    %swap3A_1075 = arith.index_cast %swap3A_1074 : i32 to index
    %swap3A_1076 = arith.constant 64 : index
    %swap3A_1077 = tpu.vector_load %arg5[%swap3A_1075, %swap3A_1076] {strides = array<i32>} : memref<12x128xi32, #tpu.memory_space<vmem>>, vector<1x16xi32>,
    %swap3A_1078 = vector.shape_cast %swap3A_1077 : vector<1x16xi32> to vector<16xi32>
    %swap3A_1079 = vector.shape_cast %add3A_1073 : vector<16xi32> to vector<1x16xi32>
    tpu.vector_store %arg5[%swap3A_1075, %swap3A_1076], %swap3A_1079 {strides = array<i32>} : memref<12x128xi32, #tpu.memory_space<vmem>>, vector<1x16xi32>,
    %add3A_1080 = arith.constant 640 : i32
    %add3A_1081 = arith.addi %mul3A_2, %add3A_1080 : i32
    %add3A_1082 = arith.constant 80 : i32
    %add3A_1083 = arith.addi %add3A_1081, %add3A_1082 : i32
    %add3A_1084 = vector.broadcast %add3A_1083 : i32 to vector<16xi32>
    %add3A_1085 = arith.addi %iota3A, %add3A_1084 : vector<16xi32>
    %get3A_1086 = arith.constant 5 : i32
    %get3A_1087 = arith.index_cast %get3A_1086 : i32 to index
    %get3A_1088 = arith.constant 80 : index
    %get3A_1089 = tpu.vector_load %arg5[%get3A_1087, %get3A_1088] {strides = array<i32>} : memref<12x128xi32, #tpu.memory_space<vmem>>, vector<1x16xi32>,
    %get3A_1090 = vector.shape_cast %get3A_1089 : vector<1x16xi32> to vector<16xi32>
    %rem3A_1091 = arith.constant 6 : i32
    %rem3A_1092 = vector.broadcast %rem3A_1091 : i32 to vector<16xi32>
    %rem3A_1093 = arith.remsi %add3A_1085, %rem3A_1092 : vector<16xi32>
    %mul3A_1094 = arith.constant 1024 : i32
    %mul3A_1095 = vector.broadcast %mul3A_1094 : i32 to vector<16xi32>
    %mul3A_1096 = arith.muli %rem3A_1093, %mul3A_1095 : vector<16xi32>
    %add3A_1097 = arith.addi %get3A_1090, %mul3A_1096 : vector<16xi32>
    %swap3A_1098 = arith.constant 5 : i32
    %swap3A_1099 = arith.index_cast %swap3A_1098 : i32 to index
    %swap3A_1100 = arith.constant 80 : index
    %swap3A_1101 = tpu.vector_load %arg5[%swap3A_1099, %swap3A_1100] {strides = array<i32>} : memref<12x128xi32, #tpu.memory_space<vmem>>, vector<1x16xi32>,
    %swap3A_1102 = vector.shape_cast %swap3A_1101 : vector<1x16xi32> to vector<16xi32>
    %swap3A_1103 = vector.shape_cast %add3A_1097 : vector<16xi32> to vector<1x16xi32>
    tpu.vector_store %arg5[%swap3A_1099, %swap3A_1100], %swap3A_1103 {strides = array<i32>} : memref<12x128xi32, #tpu.memory_space<vmem>>, vector<1x16xi32>,
    %add3A_1104 = arith.constant 640 : i32
    %add3A_1105 = arith.addi %mul3A_2, %add3A_1104 : i32
    %add3A_1106 = arith.constant 96 : i32
    %add3A_1107 = arith.addi %add3A_1105, %add3A_1106 : i32
    %add3A_1108 = vector.broadcast %add3A_1107 : i32 to vector<16xi32>
    %add3A_1109 = arith.addi %iota3A, %add3A_1108 : vector<16xi32>
    %get3A_1110 = arith.constant 5 : i32
    %get3A_1111 = arith.index_cast %get3A_1110 : i32 to index
    %get3A_1112 = arith.constant 96 : index
    %get3A_1113 = tpu.vector_load %arg5[%get3A_1111, %get3A_1112] {strides = array<i32>} : memref<12x128xi32, #tpu.memory_space<vmem>>, vector<1x16xi32>,
    %get3A_1114 = vector.shape_cast %get3A_1113 : vector<1x16xi32> to vector<16xi32>
    %rem3A_1115 = arith.constant 6 : i32
    %rem3A_1116 = vector.broadcast %rem3A_1115 : i32 to vector<16xi32>
    %rem3A_1117 = arith.remsi %add3A_1109, %rem3A_1116 : vector<16xi32>
    %mul3A_1118 = arith.constant 1024 : i32
    %mul3A_1119 = vector.broadcast %mul3A_1118 : i32 to vector<16xi32>
    %mul3A_1120 = arith.muli %rem3A_1117, %mul3A_1119 : vector<16xi32>
    %add3A_1121 = arith.addi %get3A_1114, %mul3A_1120 : vector<16xi32>
    %swap3A_1122 = arith.constant 5 : i32
    %swap3A_1123 = arith.index_cast %swap3A_1122 : i32 to index
    %swap3A_1124 = arith.constant 96 : index
    %swap3A_1125 = tpu.vector_load %arg5[%swap3A_1123, %swap3A_1124] {strides = array<i32>} : memref<12x128xi32, #tpu.memory_space<vmem>>, vector<1x16xi32>,
    %swap3A_1126 = vector.shape_cast %swap3A_1125 : vector<1x16xi32> to vector<16xi32>
    %swap3A_1127 = vector.shape_cast %add3A_1121 : vector<16xi32> to vector<1x16xi32>
    tpu.vector_store %arg5[%swap3A_1123, %swap3A_1124], %swap3A_1127 {strides = array<i32>} : memref<12x128xi32, #tpu.memory_space<vmem>>, vector<1x16xi32>,
    %add3A_1128 = arith.constant 640 : i32
    %add3A_1129 = arith.addi %mul3A_2, %add3A_1128 : i32
    %add3A_1130 = arith.constant 112 : i32
    %add3A_1131 = arith.addi %add3A_1129, %add3A_1130 : i32
    %add3A_1132 = vector.broadcast %add3A_1131 : i32 to vector<16xi32>
    %add3A_1133 = arith.addi %iota3A, %add3A_1132 : vector<16xi32>
    %get3A_1134 = arith.constant 5 : i32
    %get3A_1135 = arith.index_cast %get3A_1134 : i32 to index
    %get3A_1136 = arith.constant 112 : index
    %get3A_1137 = tpu.vector_load %arg5[%get3A_1135, %get3A_1136] {strides = array<i32>} : memref<12x128xi32, #tpu.memory_space<vmem>>, vector<1x16xi32>,
    %get3A_1138 = vector.shape_cast %get3A_1137 : vector<1x16xi32> to vector<16xi32>
    %rem3A_1139 = arith.constant 6 : i32
    %rem3A_1140 = vector.broadcast %rem3A_1139 : i32 to vector<16xi32>
    %rem3A_1141 = arith.remsi %add3A_1133, %rem3A_1140 : vector<16xi32>
    %mul3A_1142 = arith.constant 1024 : i32
    %mul3A_1143 = vector.broadcast %mul3A_1142 : i32 to vector<16xi32>
    %mul3A_1144 = arith.muli %rem3A_1141, %mul3A_1143 : vector<16xi32>
    %add3A_1145 = arith.addi %get3A_1138, %mul3A_1144 : vector<16xi32>
    %swap3A_1146 = arith.constant 5 : i32
    %swap3A_1147 = arith.index_cast %swap3A_1146 : i32 to index
    %swap3A_1148 = arith.constant 112 : index
    %swap3A_1149 = tpu.vector_load %arg5[%swap3A_1147, %swap3A_1148] {strides = array<i32>} : memref<12x128xi32, #tpu.memory_space<vmem>>, vector<1x16xi32>,
    %swap3A_1150 = vector.shape_cast %swap3A_1149 : vector<1x16xi32> to vector<16xi32>
    %swap3A_1151 = vector.shape_cast %add3A_1145 : vector<16xi32> to vector<1x16xi32>
    tpu.vector_store %arg5[%swap3A_1147, %swap3A_1148], %swap3A_1151 {strides = array<i32>} : memref<12x128xi32, #tpu.memory_space<vmem>>, vector<1x16xi32>,
    %add3A_1152 = arith.constant 768 : i32
    %add3A_1153 = arith.addi %mul3A_2, %add3A_1152 : i32
    %add3A_1154 = arith.constant 0 : i32
    %add3A_1155 = arith.addi %add3A_1153, %add3A_1154 : i32
    %add3A_1156 = vector.broadcast %add3A_1155 : i32 to vector<16xi32>
    %add3A_1157 = arith.addi %iota3A, %add3A_1156 : vector<16xi32>
    %get3A_1158 = arith.constant 6 : i32
    %get3A_1159 = arith.index_cast %get3A_1158 : i32 to index
    %get3A_1160 = arith.constant 0 : index
    %get3A_1161 = tpu.vector_load %arg5[%get3A_1159, %get3A_1160] {strides = array<i32>} : memref<12x128xi32, #tpu.memory_space<vmem>>, vector<1x16xi32>,
    %get3A_1162 = vector.shape_cast %get3A_1161 : vector<1x16xi32> to vector<16xi32>
    %rem3A_1163 = arith.constant 6 : i32
    %rem3A_1164 = vector.broadcast %rem3A_1163 : i32 to vector<16xi32>
    %rem3A_1165 = arith.remsi %add3A_1157, %rem3A_1164 : vector<16xi32>
    %mul3A_1166 = arith.constant 1024 : i32
    %mul3A_1167 = vector.broadcast %mul3A_1166 : i32 to vector<16xi32>
    %mul3A_1168 = arith.muli %rem3A_1165, %mul3A_1167 : vector<16xi32>
    %add3A_1169 = arith.addi %get3A_1162, %mul3A_1168 : vector<16xi32>
    %swap3A_1170 = arith.constant 6 : i32
    %swap3A_1171 = arith.index_cast %swap3A_1170 : i32 to index
    %swap3A_1172 = arith.constant 0 : index
    %swap3A_1173 = tpu.vector_load %arg5[%swap3A_1171, %swap3A_1172] {strides = array<i32>} : memref<12x128xi32, #tpu.memory_space<vmem>>, vector<1x16xi32>,
    %swap3A_1174 = vector.shape_cast %swap3A_1173 : vector<1x16xi32> to vector<16xi32>
    %swap3A_1175 = vector.shape_cast %add3A_1169 : vector<16xi32> to vector<1x16xi32>
    tpu.vector_store %arg5[%swap3A_1171, %swap3A_1172], %swap3A_1175 {strides = array<i32>} : memref<12x128xi32, #tpu.memory_space<vmem>>, vector<1x16xi32>,
    %add3A_1176 = arith.constant 768 : i32
    %add3A_1177 = arith.addi %mul3A_2, %add3A_1176 : i32
    %add3A_1178 = arith.constant 16 : i32
    %add3A_1179 = arith.addi %add3A_1177, %add3A_1178 : i32
    %add3A_1180 = vector.broadcast %add3A_1179 : i32 to vector<16xi32>
    %add3A_1181 = arith.addi %iota3A, %add3A_1180 : vector<16xi32>
    %get3A_1182 = arith.constant 6 : i32
    %get3A_1183 = arith.index_cast %get3A_1182 : i32 to index
    %get3A_1184 = arith.constant 16 : index
    %get3A_1185 = tpu.vector_load %arg5[%get3A_1183, %get3A_1184] {strides = array<i32>} : memref<12x128xi32, #tpu.memory_space<vmem>>, vector<1x16xi32>,
    %get3A_1186 = vector.shape_cast %get3A_1185 : vector<1x16xi32> to vector<16xi32>
    %rem3A_1187 = arith.constant 6 : i32
    %rem3A_1188 = vector.broadcast %rem3A_1187 : i32 to vector<16xi32>
    %rem3A_1189 = arith.remsi %add3A_1181, %rem3A_1188 : vector<16xi32>
    %mul3A_1190 = arith.constant 1024 : i32
    %mul3A_1191 = vector.broadcast %mul3A_1190 : i32 to vector<16xi32>
    %mul3A_1192 = arith.muli %rem3A_1189, %mul3A_1191 : vector<16xi32>
    %add3A_1193 = arith.addi %get3A_1186, %mul3A_1192 : vector<16xi32>
    %swap3A_1194 = arith.constant 6 : i32
    %swap3A_1195 = arith.index_cast %swap3A_1194 : i32 to index
    %swap3A_1196 = arith.constant 16 : index
    %swap3A_1197 = tpu.vector_load %arg5[%swap3A_1195, %swap3A_1196] {strides = array<i32>} : memref<12x128xi32, #tpu.memory_space<vmem>>, vector<1x16xi32>,
    %swap3A_1198 = vector.shape_cast %swap3A_1197 : vector<1x16xi32> to vector<16xi32>
    %swap3A_1199 = vector.shape_cast %add3A_1193 : vector<16xi32> to vector<1x16xi32>
    tpu.vector_store %arg5[%swap3A_1195, %swap3A_1196], %swap3A_1199 {strides = array<i32>} : memref<12x128xi32, #tpu.memory_space<vmem>>, vector<1x16xi32>,
    %add3A_1200 = arith.constant 768 : i32
    %add3A_1201 = arith.addi %mul3A_2, %add3A_1200 : i32
    %add3A_1202 = arith.constant 32 : i32
    %add3A_1203 = arith.addi %add3A_1201, %add3A_1202 : i32
    %add3A_1204 = vector.broadcast %add3A_1203 : i32 to vector<16xi32>
    %add3A_1205 = arith.addi %iota3A, %add3A_1204 : vector<16xi32>
    %get3A_1206 = arith.constant 6 : i32
    %get3A_1207 = arith.index_cast %get3A_1206 : i32 to index
    %get3A_1208 = arith.constant 32 : index
    %get3A_1209 = tpu.vector_load %arg5[%get3A_1207, %get3A_1208] {strides = array<i32>} : memref<12x128xi32, #tpu.memory_space<vmem>>, vector<1x16xi32>,
    %get3A_1210 = vector.shape_cast %get3A_1209 : vector<1x16xi32> to vector<16xi32>
    %rem3A_1211 = arith.constant 6 : i32
    %rem3A_1212 = vector.broadcast %rem3A_1211 : i32 to vector<16xi32>
    %rem3A_1213 = arith.remsi %add3A_1205, %rem3A_1212 : vector<16xi32>
    %mul3A_1214 = arith.constant 1024 : i32
    %mul3A_1215 = vector.broadcast %mul3A_1214 : i32 to vector<16xi32>
    %mul3A_1216 = arith.muli %rem3A_1213, %mul3A_1215 : vector<16xi32>
    %add3A_1217 = arith.addi %get3A_1210, %mul3A_1216 : vector<16xi32>
    %swap3A_1218 = arith.constant 6 : i32
    %swap3A_1219 = arith.index_cast %swap3A_1218 : i32 to index
    %swap3A_1220 = arith.constant 32 : index
    %swap3A_1221 = tpu.vector_load %arg5[%swap3A_1219, %swap3A_1220] {strides = array<i32>} : memref<12x128xi32, #tpu.memory_space<vmem>>, vector<1x16xi32>,
    %swap3A_1222 = vector.shape_cast %swap3A_1221 : vector<1x16xi32> to vector<16xi32>
    %swap3A_1223 = vector.shape_cast %add3A_1217 : vector<16xi32> to vector<1x16xi32>
    tpu.vector_store %arg5[%swap3A_1219, %swap3A_1220], %swap3A_1223 {strides = array<i32>} : memref<12x128xi32, #tpu.memory_space<vmem>>, vector<1x16xi32>,
    %add3A_1224 = arith.constant 768 : i32
    %add3A_1225 = arith.addi %mul3A_2, %add3A_1224 : i32
    %add3A_1226 = arith.constant 48 : i32
    %add3A_1227 = arith.addi %add3A_1225, %add3A_1226 : i32
    %add3A_1228 = vector.broadcast %add3A_1227 : i32 to vector<16xi32>
    %add3A_1229 = arith.addi %iota3A, %add3A_1228 : vector<16xi32>
    %get3A_1230 = arith.constant 6 : i32
    %get3A_1231 = arith.index_cast %get3A_1230 : i32 to index
    %get3A_1232 = arith.constant 48 : index
    %get3A_1233 = tpu.vector_load %arg5[%get3A_1231, %get3A_1232] {strides = array<i32>} : memref<12x128xi32, #tpu.memory_space<vmem>>, vector<1x16xi32>,
    %get3A_1234 = vector.shape_cast %get3A_1233 : vector<1x16xi32> to vector<16xi32>
    %rem3A_1235 = arith.constant 6 : i32
    %rem3A_1236 = vector.broadcast %rem3A_1235 : i32 to vector<16xi32>
    %rem3A_1237 = arith.remsi %add3A_1229, %rem3A_1236 : vector<16xi32>
    %mul3A_1238 = arith.constant 1024 : i32
    %mul3A_1239 = vector.broadcast %mul3A_1238 : i32 to vector<16xi32>
    %mul3A_1240 = arith.muli %rem3A_1237, %mul3A_1239 : vector<16xi32>
    %add3A_1241 = arith.addi %get3A_1234, %mul3A_1240 : vector<16xi32>
    %swap3A_1242 = arith.constant 6 : i32
    %swap3A_1243 = arith.index_cast %swap3A_1242 : i32 to index
    %swap3A_1244 = arith.constant 48 : index
    %swap3A_1245 = tpu.vector_load %arg5[%swap3A_1243, %swap3A_1244] {strides = array<i32>} : memref<12x128xi32, #tpu.memory_space<vmem>>, vector<1x16xi32>,
    %swap3A_1246 = vector.shape_cast %swap3A_1245 : vector<1x16xi32> to vector<16xi32>
    %swap3A_1247 = vector.shape_cast %add3A_1241 : vector<16xi32> to vector<1x16xi32>
    tpu.vector_store %arg5[%swap3A_1243, %swap3A_1244], %swap3A_1247 {strides = array<i32>} : memref<12x128xi32, #tpu.memory_space<vmem>>, vector<1x16xi32>,
    %add3A_1248 = arith.constant 768 : i32
    %add3A_1249 = arith.addi %mul3A_2, %add3A_1248 : i32
    %add3A_1250 = arith.constant 64 : i32
    %add3A_1251 = arith.addi %add3A_1249, %add3A_1250 : i32
    %add3A_1252 = vector.broadcast %add3A_1251 : i32 to vector<16xi32>
    %add3A_1253 = arith.addi %iota3A, %add3A_1252 : vector<16xi32>
    %get3A_1254 = arith.constant 6 : i32
    %get3A_1255 = arith.index_cast %get3A_1254 : i32 to index
    %get3A_1256 = arith.constant 64 : index
    %get3A_1257 = tpu.vector_load %arg5[%get3A_1255, %get3A_1256] {strides = array<i32>} : memref<12x128xi32, #tpu.memory_space<vmem>>, vector<1x16xi32>,
    %get3A_1258 = vector.shape_cast %get3A_1257 : vector<1x16xi32> to vector<16xi32>
    %rem3A_1259 = arith.constant 6 : i32
    %rem3A_1260 = vector.broadcast %rem3A_1259 : i32 to vector<16xi32>
    %rem3A_1261 = arith.remsi %add3A_1253, %rem3A_1260 : vector<16xi32>
    %mul3A_1262 = arith.constant 1024 : i32
    %mul3A_1263 = vector.broadcast %mul3A_1262 : i32 to vector<16xi32>
    %mul3A_1264 = arith.muli %rem3A_1261, %mul3A_1263 : vector<16xi32>
    %add3A_1265 = arith.addi %get3A_1258, %mul3A_1264 : vector<16xi32>
    %swap3A_1266 = arith.constant 6 : i32
    %swap3A_1267 = arith.index_cast %swap3A_1266 : i32 to index
    %swap3A_1268 = arith.constant 64 : index
    %swap3A_1269 = tpu.vector_load %arg5[%swap3A_1267, %swap3A_1268] {strides = array<i32>} : memref<12x128xi32, #tpu.memory_space<vmem>>, vector<1x16xi32>,
    %swap3A_1270 = vector.shape_cast %swap3A_1269 : vector<1x16xi32> to vector<16xi32>
    %swap3A_1271 = vector.shape_cast %add3A_1265 : vector<16xi32> to vector<1x16xi32>
    tpu.vector_store %arg5[%swap3A_1267, %swap3A_1268], %swap3A_1271 {strides = array<i32>} : memref<12x128xi32, #tpu.memory_space<vmem>>, vector<1x16xi32>,
    %add3A_1272 = arith.constant 768 : i32
    %add3A_1273 = arith.addi %mul3A_2, %add3A_1272 : i32
    %add3A_1274 = arith.constant 80 : i32
    %add3A_1275 = arith.addi %add3A_1273, %add3A_1274 : i32
    %add3A_1276 = vector.broadcast %add3A_1275 : i32 to vector<16xi32>
    %add3A_1277 = arith.addi %iota3A, %add3A_1276 : vector<16xi32>
    %get3A_1278 = arith.constant 6 : i32
    %get3A_1279 = arith.index_cast %get3A_1278 : i32 to index
    %get3A_1280 = arith.constant 80 : index
    %get3A_1281 = tpu.vector_load %arg5[%get3A_1279, %get3A_1280] {strides = array<i32>} : memref<12x128xi32, #tpu.memory_space<vmem>>, vector<1x16xi32>,
    %get3A_1282 = vector.shape_cast %get3A_1281 : vector<1x16xi32> to vector<16xi32>
    %rem3A_1283 = arith.constant 6 : i32
    %rem3A_1284 = vector.broadcast %rem3A_1283 : i32 to vector<16xi32>
    %rem3A_1285 = arith.remsi %add3A_1277, %rem3A_1284 : vector<16xi32>
    %mul3A_1286 = arith.constant 1024 : i32
    %mul3A_1287 = vector.broadcast %mul3A_1286 : i32 to vector<16xi32>
    %mul3A_1288 = arith.muli %rem3A_1285, %mul3A_1287 : vector<16xi32>
    %add3A_1289 = arith.addi %get3A_1282, %mul3A_1288 : vector<16xi32>
    %swap3A_1290 = arith.constant 6 : i32
    %swap3A_1291 = arith.index_cast %swap3A_1290 : i32 to index
    %swap3A_1292 = arith.constant 80 : index
    %swap3A_1293 = tpu.vector_load %arg5[%swap3A_1291, %swap3A_1292] {strides = array<i32>} : memref<12x128xi32, #tpu.memory_space<vmem>>, vector<1x16xi32>,
    %swap3A_1294 = vector.shape_cast %swap3A_1293 : vector<1x16xi32> to vector<16xi32>
    %swap3A_1295 = vector.shape_cast %add3A_1289 : vector<16xi32> to vector<1x16xi32>
    tpu.vector_store %arg5[%swap3A_1291, %swap3A_1292], %swap3A_1295 {strides = array<i32>} : memref<12x128xi32, #tpu.memory_space<vmem>>, vector<1x16xi32>,
    %add3A_1296 = arith.constant 768 : i32
    %add3A_1297 = arith.addi %mul3A_2, %add3A_1296 : i32
    %add3A_1298 = arith.constant 96 : i32
    %add3A_1299 = arith.addi %add3A_1297, %add3A_1298 : i32
    %add3A_1300 = vector.broadcast %add3A_1299 : i32 to vector<16xi32>
    %add3A_1301 = arith.addi %iota3A, %add3A_1300 : vector<16xi32>
    %get3A_1302 = arith.constant 6 : i32
    %get3A_1303 = arith.index_cast %get3A_1302 : i32 to index
    %get3A_1304 = arith.constant 96 : index
    %get3A_1305 = tpu.vector_load %arg5[%get3A_1303, %get3A_1304] {strides = array<i32>} : memref<12x128xi32, #tpu.memory_space<vmem>>, vector<1x16xi32>,
    %get3A_1306 = vector.shape_cast %get3A_1305 : vector<1x16xi32> to vector<16xi32>
    %rem3A_1307 = arith.constant 6 : i32
    %rem3A_1308 = vector.broadcast %rem3A_1307 : i32 to vector<16xi32>
    %rem3A_1309 = arith.remsi %add3A_1301, %rem3A_1308 : vector<16xi32>
    %mul3A_1310 = arith.constant 1024 : i32
    %mul3A_1311 = vector.broadcast %mul3A_1310 : i32 to vector<16xi32>
    %mul3A_1312 = arith.muli %rem3A_1309, %mul3A_1311 : vector<16xi32>
    %add3A_1313 = arith.addi %get3A_1306, %mul3A_1312 : vector<16xi32>
    %swap3A_1314 = arith.constant 6 : i32
    %swap3A_1315 = arith.index_cast %swap3A_1314 : i32 to index
    %swap3A_1316 = arith.constant 96 : index
    %swap3A_1317 = tpu.vector_load %arg5[%swap3A_1315, %swap3A_1316] {strides = array<i32>} : memref<12x128xi32, #tpu.memory_space<vmem>>, vector<1x16xi32>,
    %swap3A_1318 = vector.shape_cast %swap3A_1317 : vector<1x16xi32> to vector<16xi32>
    %swap3A_1319 = vector.shape_cast %add3A_1313 : vector<16xi32> to vector<1x16xi32>
    tpu.vector_store %arg5[%swap3A_1315, %swap3A_1316], %swap3A_1319 {strides = array<i32>} : memref<12x128xi32, #tpu.memory_space<vmem>>, vector<1x16xi32>,
    %add3A_1320 = arith.constant 768 : i32
    %add3A_1321 = arith.addi %mul3A_2, %add3A_1320 : i32
    %add3A_1322 = arith.constant 112 : i32
    %add3A_1323 = arith.addi %add3A_1321, %add3A_1322 : i32
    %add3A_1324 = vector.broadcast %add3A_1323 : i32 to vector<16xi32>
    %add3A_1325 = arith.addi %iota3A, %add3A_1324 : vector<16xi32>
    %get3A_1326 = arith.constant 6 : i32
    %get3A_1327 = arith.index_cast %get3A_1326 : i32 to index
    %get3A_1328 = arith.constant 112 : index
    %get3A_1329 = tpu.vector_load %arg5[%get3A_1327, %get3A_1328] {strides = array<i32>} : memref<12x128xi32, #tpu.memory_space<vmem>>, vector<1x16xi32>,
    %get3A_1330 = vector.shape_cast %get3A_1329 : vector<1x16xi32> to vector<16xi32>
    %rem3A_1331 = arith.constant 6 : i32
    %rem3A_1332 = vector.broadcast %rem3A_1331 : i32 to vector<16xi32>
    %rem3A_1333 = arith.remsi %add3A_1325, %rem3A_1332 : vector<16xi32>
    %mul3A_1334 = arith.constant 1024 : i32
    %mul3A_1335 = vector.broadcast %mul3A_1334 : i32 to vector<16xi32>
    %mul3A_1336 = arith.muli %rem3A_1333, %mul3A_1335 : vector<16xi32>
    %add3A_1337 = arith.addi %get3A_1330, %mul3A_1336 : vector<16xi32>
    %swap3A_1338 = arith.constant 6 : i32
    %swap3A_1339 = arith.index_cast %swap3A_1338 : i32 to index
    %swap3A_1340 = arith.constant 112 : index
    %swap3A_1341 = tpu.vector_load %arg5[%swap3A_1339, %swap3A_1340] {strides = array<i32>} : memref<12x128xi32, #tpu.memory_space<vmem>>, vector<1x16xi32>,
    %swap3A_1342 = vector.shape_cast %swap3A_1341 : vector<1x16xi32> to vector<16xi32>
    %swap3A_1343 = vector.shape_cast %add3A_1337 : vector<16xi32> to vector<1x16xi32>
    tpu.vector_store %arg5[%swap3A_1339, %swap3A_1340], %swap3A_1343 {strides = array<i32>} : memref<12x128xi32, #tpu.memory_space<vmem>>, vector<1x16xi32>,
    %add3A_1344 = arith.constant 896 : i32
    %add3A_1345 = arith.addi %mul3A_2, %add3A_1344 : i32
    %add3A_1346 = arith.constant 0 : i32
    %add3A_1347 = arith.addi %add3A_1345, %add3A_1346 : i32
    %add3A_1348 = vector.broadcast %add3A_1347 : i32 to vector<16xi32>
    %add3A_1349 = arith.addi %iota3A, %add3A_1348 : vector<16xi32>
    %get3A_1350 = arith.constant 7 : i32
    %get3A_1351 = arith.index_cast %get3A_1350 : i32 to index
    %get3A_1352 = arith.constant 0 : index
    %get3A_1353 = tpu.vector_load %arg5[%get3A_1351, %get3A_1352] {strides = array<i32>} : memref<12x128xi32, #tpu.memory_space<vmem>>, vector<1x16xi32>,
    %get3A_1354 = vector.shape_cast %get3A_1353 : vector<1x16xi32> to vector<16xi32>
    %rem3A_1355 = arith.constant 6 : i32
    %rem3A_1356 = vector.broadcast %rem3A_1355 : i32 to vector<16xi32>
    %rem3A_1357 = arith.remsi %add3A_1349, %rem3A_1356 : vector<16xi32>
    %mul3A_1358 = arith.constant 1024 : i32
    %mul3A_1359 = vector.broadcast %mul3A_1358 : i32 to vector<16xi32>
    %mul3A_1360 = arith.muli %rem3A_1357, %mul3A_1359 : vector<16xi32>
    %add3A_1361 = arith.addi %get3A_1354, %mul3A_1360 : vector<16xi32>
    %swap3A_1362 = arith.constant 7 : i32
    %swap3A_1363 = arith.index_cast %swap3A_1362 : i32 to index
    %swap3A_1364 = arith.constant 0 : index
    %swap3A_1365 = tpu.vector_load %arg5[%swap3A_1363, %swap3A_1364] {strides = array<i32>} : memref<12x128xi32, #tpu.memory_space<vmem>>, vector<1x16xi32>,
    %swap3A_1366 = vector.shape_cast %swap3A_1365 : vector<1x16xi32> to vector<16xi32>
    %swap3A_1367 = vector.shape_cast %add3A_1361 : vector<16xi32> to vector<1x16xi32>
    tpu.vector_store %arg5[%swap3A_1363, %swap3A_1364], %swap3A_1367 {strides = array<i32>} : memref<12x128xi32, #tpu.memory_space<vmem>>, vector<1x16xi32>,
    %add3A_1368 = arith.constant 896 : i32
    %add3A_1369 = arith.addi %mul3A_2, %add3A_1368 : i32
    %add3A_1370 = arith.constant 16 : i32
    %add3A_1371 = arith.addi %add3A_1369, %add3A_1370 : i32
    %add3A_1372 = vector.broadcast %add3A_1371 : i32 to vector<16xi32>
    %add3A_1373 = arith.addi %iota3A, %add3A_1372 : vector<16xi32>
    %get3A_1374 = arith.constant 7 : i32
    %get3A_1375 = arith.index_cast %get3A_1374 : i32 to index
    %get3A_1376 = arith.constant 16 : index
    %get3A_1377 = tpu.vector_load %arg5[%get3A_1375, %get3A_1376] {strides = array<i32>} : memref<12x128xi32, #tpu.memory_space<vmem>>, vector<1x16xi32>,
    %get3A_1378 = vector.shape_cast %get3A_1377 : vector<1x16xi32> to vector<16xi32>
    %rem3A_1379 = arith.constant 6 : i32
    %rem3A_1380 = vector.broadcast %rem3A_1379 : i32 to vector<16xi32>
    %rem3A_1381 = arith.remsi %add3A_1373, %rem3A_1380 : vector<16xi32>
    %mul3A_1382 = arith.constant 1024 : i32
    %mul3A_1383 = vector.broadcast %mul3A_1382 : i32 to vector<16xi32>
    %mul3A_1384 = arith.muli %rem3A_1381, %mul3A_1383 : vector<16xi32>
    %add3A_1385 = arith.addi %get3A_1378, %mul3A_1384 : vector<16xi32>
    %swap3A_1386 = arith.constant 7 : i32
    %swap3A_1387 = arith.index_cast %swap3A_1386 : i32 to index
    %swap3A_1388 = arith.constant 16 : index
    %swap3A_1389 = tpu.vector_load %arg5[%swap3A_1387, %swap3A_1388] {strides = array<i32>} : memref<12x128xi32, #tpu.memory_space<vmem>>, vector<1x16xi32>,
    %swap3A_1390 = vector.shape_cast %swap3A_1389 : vector<1x16xi32> to vector<16xi32>
    %swap3A_1391 = vector.shape_cast %add3A_1385 : vector<16xi32> to vector<1x16xi32>
    tpu.vector_store %arg5[%swap3A_1387, %swap3A_1388], %swap3A_1391 {strides = array<i32>} : memref<12x128xi32, #tpu.memory_space<vmem>>, vector<1x16xi32>,
    %add3A_1392 = arith.constant 896 : i32
    %add3A_1393 = arith.addi %mul3A_2, %add3A_1392 : i32
    %add3A_1394 = arith.constant 32 : i32
    %add3A_1395 = arith.addi %add3A_1393, %add3A_1394 : i32
    %add3A_1396 = vector.broadcast %add3A_1395 : i32 to vector<16xi32>
    %add3A_1397 = arith.addi %iota3A, %add3A_1396 : vector<16xi32>
    %get3A_1398 = arith.constant 7 : i32
    %get3A_1399 = arith.index_cast %get3A_1398 : i32 to index
    %get3A_1400 = arith.constant 32 : index
    %get3A_1401 = tpu.vector_load %arg5[%get3A_1399, %get3A_1400] {strides = array<i32>} : memref<12x128xi32, #tpu.memory_space<vmem>>, vector<1x16xi32>,
    %get3A_1402 = vector.shape_cast %get3A_1401 : vector<1x16xi32> to vector<16xi32>
    %rem3A_1403 = arith.constant 6 : i32
    %rem3A_1404 = vector.broadcast %rem3A_1403 : i32 to vector<16xi32>
    %rem3A_1405 = arith.remsi %add3A_1397, %rem3A_1404 : vector<16xi32>
    %mul3A_1406 = arith.constant 1024 : i32
    %mul3A_1407 = vector.broadcast %mul3A_1406 : i32 to vector<16xi32>
    %mul3A_1408 = arith.muli %rem3A_1405, %mul3A_1407 : vector<16xi32>
    %add3A_1409 = arith.addi %get3A_1402, %mul3A_1408 : vector<16xi32>
    %swap3A_1410 = arith.constant 7 : i32
    %swap3A_1411 = arith.index_cast %swap3A_1410 : i32 to index
    %swap3A_1412 = arith.constant 32 : index
    %swap3A_1413 = tpu.vector_load %arg5[%swap3A_1411, %swap3A_1412] {strides = array<i32>} : memref<12x128xi32, #tpu.memory_space<vmem>>, vector<1x16xi32>,
    %swap3A_1414 = vector.shape_cast %swap3A_1413 : vector<1x16xi32> to vector<16xi32>
    %swap3A_1415 = vector.shape_cast %add3A_1409 : vector<16xi32> to vector<1x16xi32>
    tpu.vector_store %arg5[%swap3A_1411, %swap3A_1412], %swap3A_1415 {strides = array<i32>} : memref<12x128xi32, #tpu.memory_space<vmem>>, vector<1x16xi32>,
    %add3A_1416 = arith.constant 896 : i32
    %add3A_1417 = arith.addi %mul3A_2, %add3A_1416 : i32
    %add3A_1418 = arith.constant 48 : i32
    %add3A_1419 = arith.addi %add3A_1417, %add3A_1418 : i32
    %add3A_1420 = vector.broadcast %add3A_1419 : i32 to vector<16xi32>
    %add3A_1421 = arith.addi %iota3A, %add3A_1420 : vector<16xi32>
    %get3A_1422 = arith.constant 7 : i32
    %get3A_1423 = arith.index_cast %get3A_1422 : i32 to index
    %get3A_1424 = arith.constant 48 : index
    %get3A_1425 = tpu.vector_load %arg5[%get3A_1423, %get3A_1424] {strides = array<i32>} : memref<12x128xi32, #tpu.memory_space<vmem>>, vector<1x16xi32>,
    %get3A_1426 = vector.shape_cast %get3A_1425 : vector<1x16xi32> to vector<16xi32>
    %rem3A_1427 = arith.constant 6 : i32
    %rem3A_1428 = vector.broadcast %rem3A_1427 : i32 to vector<16xi32>
    %rem3A_1429 = arith.remsi %add3A_1421, %rem3A_1428 : vector<16xi32>
    %mul3A_1430 = arith.constant 1024 : i32
    %mul3A_1431 = vector.broadcast %mul3A_1430 : i32 to vector<16xi32>
    %mul3A_1432 = arith.muli %rem3A_1429, %mul3A_1431 : vector<16xi32>
    %add3A_1433 = arith.addi %get3A_1426, %mul3A_1432 : vector<16xi32>
    %swap3A_1434 = arith.constant 7 : i32
    %swap3A_1435 = arith.index_cast %swap3A_1434 : i32 to index
    %swap3A_1436 = arith.constant 48 : index
    %swap3A_1437 = tpu.vector_load %arg5[%swap3A_1435, %swap3A_1436] {strides = array<i32>} : memref<12x128xi32, #tpu.memory_space<vmem>>, vector<1x16xi32>,
    %swap3A_1438 = vector.shape_cast %swap3A_1437 : vector<1x16xi32> to vector<16xi32>
    %swap3A_1439 = vector.shape_cast %add3A_1433 : vector<16xi32> to vector<1x16xi32>
    tpu.vector_store %arg5[%swap3A_1435, %swap3A_1436], %swap3A_1439 {strides = array<i32>} : memref<12x128xi32, #tpu.memory_space<vmem>>, vector<1x16xi32>,
    %add3A_1440 = arith.constant 896 : i32
    %add3A_1441 = arith.addi %mul3A_2, %add3A_1440 : i32
    %add3A_1442 = arith.constant 64 : i32
    %add3A_1443 = arith.addi %add3A_1441, %add3A_1442 : i32
    %add3A_1444 = vector.broadcast %add3A_1443 : i32 to vector<16xi32>
    %add3A_1445 = arith.addi %iota3A, %add3A_1444 : vector<16xi32>
    %get3A_1446 = arith.constant 7 : i32
    %get3A_1447 = arith.index_cast %get3A_1446 : i32 to index
    %get3A_1448 = arith.constant 64 : index
    %get3A_1449 = tpu.vector_load %arg5[%get3A_1447, %get3A_1448] {strides = array<i32>} : memref<12x128xi32, #tpu.memory_space<vmem>>, vector<1x16xi32>,
    %get3A_1450 = vector.shape_cast %get3A_1449 : vector<1x16xi32> to vector<16xi32>
    %rem3A_1451 = arith.constant 6 : i32
    %rem3A_1452 = vector.broadcast %rem3A_1451 : i32 to vector<16xi32>
    %rem3A_1453 = arith.remsi %add3A_1445, %rem3A_1452 : vector<16xi32>
    %mul3A_1454 = arith.constant 1024 : i32
    %mul3A_1455 = vector.broadcast %mul3A_1454 : i32 to vector<16xi32>
    %mul3A_1456 = arith.muli %rem3A_1453, %mul3A_1455 : vector<16xi32>
    %add3A_1457 = arith.addi %get3A_1450, %mul3A_1456 : vector<16xi32>
    %swap3A_1458 = arith.constant 7 : i32
    %swap3A_1459 = arith.index_cast %swap3A_1458 : i32 to index
    %swap3A_1460 = arith.constant 64 : index
    %swap3A_1461 = tpu.vector_load %arg5[%swap3A_1459, %swap3A_1460] {strides = array<i32>} : memref<12x128xi32, #tpu.memory_space<vmem>>, vector<1x16xi32>,
    %swap3A_1462 = vector.shape_cast %swap3A_1461 : vector<1x16xi32> to vector<16xi32>
    %swap3A_1463 = vector.shape_cast %add3A_1457 : vector<16xi32> to vector<1x16xi32>
    tpu.vector_store %arg5[%swap3A_1459, %swap3A_1460], %swap3A_1463 {strides = array<i32>} : memref<12x128xi32, #tpu.memory_space<vmem>>, vector<1x16xi32>,
    %add3A_1464 = arith.constant 896 : i32
    %add3A_1465 = arith.addi %mul3A_2, %add3A_1464 : i32
    %add3A_1466 = arith.constant 80 : i32
    %add3A_1467 = arith.addi %add3A_1465, %add3A_1466 : i32
    %add3A_1468 = vector.broadcast %add3A_1467 : i32 to vector<16xi32>
    %add3A_1469 = arith.addi %iota3A, %add3A_1468 : vector<16xi32>
    %get3A_1470 = arith.constant 7 : i32
    %get3A_1471 = arith.index_cast %get3A_1470 : i32 to index
    %get3A_1472 = arith.constant 80 : index
    %get3A_1473 = tpu.vector_load %arg5[%get3A_1471, %get3A_1472] {strides = array<i32>} : memref<12x128xi32, #tpu.memory_space<vmem>>, vector<1x16xi32>,
    %get3A_1474 = vector.shape_cast %get3A_1473 : vector<1x16xi32> to vector<16xi32>
    %rem3A_1475 = arith.constant 6 : i32
    %rem3A_1476 = vector.broadcast %rem3A_1475 : i32 to vector<16xi32>
    %rem3A_1477 = arith.remsi %add3A_1469, %rem3A_1476 : vector<16xi32>
    %mul3A_1478 = arith.constant 1024 : i32
    %mul3A_1479 = vector.broadcast %mul3A_1478 : i32 to vector<16xi32>
    %mul3A_1480 = arith.muli %rem3A_1477, %mul3A_1479 : vector<16xi32>
    %add3A_1481 = arith.addi %get3A_1474, %mul3A_1480 : vector<16xi32>
    %swap3A_1482 = arith.constant 7 : i32
    %swap3A_1483 = arith.index_cast %swap3A_1482 : i32 to index
    %swap3A_1484 = arith.constant 80 : index
    %swap3A_1485 = tpu.vector_load %arg5[%swap3A_1483, %swap3A_1484] {strides = array<i32>} : memref<12x128xi32, #tpu.memory_space<vmem>>, vector<1x16xi32>,
    %swap3A_1486 = vector.shape_cast %swap3A_1485 : vector<1x16xi32> to vector<16xi32>
    %swap3A_1487 = vector.shape_cast %add3A_1481 : vector<16xi32> to vector<1x16xi32>
    tpu.vector_store %arg5[%swap3A_1483, %swap3A_1484], %swap3A_1487 {strides = array<i32>} : memref<12x128xi32, #tpu.memory_space<vmem>>, vector<1x16xi32>,
    %add3A_1488 = arith.constant 896 : i32
    %add3A_1489 = arith.addi %mul3A_2, %add3A_1488 : i32
    %add3A_1490 = arith.constant 96 : i32
    %add3A_1491 = arith.addi %add3A_1489, %add3A_1490 : i32
    %add3A_1492 = vector.broadcast %add3A_1491 : i32 to vector<16xi32>
    %add3A_1493 = arith.addi %iota3A, %add3A_1492 : vector<16xi32>
    %get3A_1494 = arith.constant 7 : i32
    %get3A_1495 = arith.index_cast %get3A_1494 : i32 to index
    %get3A_1496 = arith.constant 96 : index
    %get3A_1497 = tpu.vector_load %arg5[%get3A_1495, %get3A_1496] {strides = array<i32>} : memref<12x128xi32, #tpu.memory_space<vmem>>, vector<1x16xi32>,
    %get3A_1498 = vector.shape_cast %get3A_1497 : vector<1x16xi32> to vector<16xi32>
    %rem3A_1499 = arith.constant 6 : i32
    %rem3A_1500 = vector.broadcast %rem3A_1499 : i32 to vector<16xi32>
    %rem3A_1501 = arith.remsi %add3A_1493, %rem3A_1500 : vector<16xi32>
    %mul3A_1502 = arith.constant 1024 : i32
    %mul3A_1503 = vector.broadcast %mul3A_1502 : i32 to vector<16xi32>
    %mul3A_1504 = arith.muli %rem3A_1501, %mul3A_1503 : vector<16xi32>
    %add3A_1505 = arith.addi %get3A_1498, %mul3A_1504 : vector<16xi32>
    %swap3A_1506 = arith.constant 7 : i32
    %swap3A_1507 = arith.index_cast %swap3A_1506 : i32 to index
    %swap3A_1508 = arith.constant 96 : index
    %swap3A_1509 = tpu.vector_load %arg5[%swap3A_1507, %swap3A_1508] {strides = array<i32>} : memref<12x128xi32, #tpu.memory_space<vmem>>, vector<1x16xi32>,
    %swap3A_1510 = vector.shape_cast %swap3A_1509 : vector<1x16xi32> to vector<16xi32>
    %swap3A_1511 = vector.shape_cast %add3A_1505 : vector<16xi32> to vector<1x16xi32>
    tpu.vector_store %arg5[%swap3A_1507, %swap3A_1508], %swap3A_1511 {strides = array<i32>} : memref<12x128xi32, #tpu.memory_space<vmem>>, vector<1x16xi32>,
    %add3A_1512 = arith.constant 896 : i32
    %add3A_1513 = arith.addi %mul3A_2, %add3A_1512 : i32
    %add3A_1514 = arith.constant 112 : i32
    %add3A_1515 = arith.addi %add3A_1513, %add3A_1514 : i32
    %add3A_1516 = vector.broadcast %add3A_1515 : i32 to vector<16xi32>
    %add3A_1517 = arith.addi %iota3A, %add3A_1516 : vector<16xi32>
    %get3A_1518 = arith.constant 7 : i32
    %get3A_1519 = arith.index_cast %get3A_1518 : i32 to index
    %get3A_1520 = arith.constant 112 : index
    %get3A_1521 = tpu.vector_load %arg5[%get3A_1519, %get3A_1520] {strides = array<i32>} : memref<12x128xi32, #tpu.memory_space<vmem>>, vector<1x16xi32>,
    %get3A_1522 = vector.shape_cast %get3A_1521 : vector<1x16xi32> to vector<16xi32>
    %rem3A_1523 = arith.constant 6 : i32
    %rem3A_1524 = vector.broadcast %rem3A_1523 : i32 to vector<16xi32>
    %rem3A_1525 = arith.remsi %add3A_1517, %rem3A_1524 : vector<16xi32>
    %mul3A_1526 = arith.constant 1024 : i32
    %mul3A_1527 = vector.broadcast %mul3A_1526 : i32 to vector<16xi32>
    %mul3A_1528 = arith.muli %rem3A_1525, %mul3A_1527 : vector<16xi32>
    %add3A_1529 = arith.addi %get3A_1522, %mul3A_1528 : vector<16xi32>
    %swap3A_1530 = arith.constant 7 : i32
    %swap3A_1531 = arith.index_cast %swap3A_1530 : i32 to index
    %swap3A_1532 = arith.constant 112 : index
    %swap3A_1533 = tpu.vector_load %arg5[%swap3A_1531, %swap3A_1532] {strides = array<i32>} : memref<12x128xi32, #tpu.memory_space<vmem>>, vector<1x16xi32>,
    %swap3A_1534 = vector.shape_cast %swap3A_1533 : vector<1x16xi32> to vector<16xi32>
    %swap3A_1535 = vector.shape_cast %add3A_1529 : vector<16xi32> to vector<1x16xi32>
    tpu.vector_store %arg5[%swap3A_1531, %swap3A_1532], %swap3A_1535 {strides = array<i32>} : memref<12x128xi32, #tpu.memory_space<vmem>>, vector<1x16xi32>,
    %add3A_1536 = arith.constant 1024 : i32
    %add3A_1537 = arith.addi %mul3A_2, %add3A_1536 : i32
    %add3A_1538 = arith.constant 0 : i32
    %add3A_1539 = arith.addi %add3A_1537, %add3A_1538 : i32
    %add3A_1540 = vector.broadcast %add3A_1539 : i32 to vector<16xi32>
    %add3A_1541 = arith.addi %iota3A, %add3A_1540 : vector<16xi32>
    %get3A_1542 = arith.constant 8 : i32
    %get3A_1543 = arith.index_cast %get3A_1542 : i32 to index
    %get3A_1544 = arith.constant 0 : index
    %get3A_1545 = tpu.vector_load %arg5[%get3A_1543, %get3A_1544] {strides = array<i32>} : memref<12x128xi32, #tpu.memory_space<vmem>>, vector<1x16xi32>,
    %get3A_1546 = vector.shape_cast %get3A_1545 : vector<1x16xi32> to vector<16xi32>
    %rem3A_1547 = arith.constant 6 : i32
    %rem3A_1548 = vector.broadcast %rem3A_1547 : i32 to vector<16xi32>
    %rem3A_1549 = arith.remsi %add3A_1541, %rem3A_1548 : vector<16xi32>
    %mul3A_1550 = arith.constant 1024 : i32
    %mul3A_1551 = vector.broadcast %mul3A_1550 : i32 to vector<16xi32>
    %mul3A_1552 = arith.muli %rem3A_1549, %mul3A_1551 : vector<16xi32>
    %add3A_1553 = arith.addi %get3A_1546, %mul3A_1552 : vector<16xi32>
    %swap3A_1554 = arith.constant 8 : i32
    %swap3A_1555 = arith.index_cast %swap3A_1554 : i32 to index
    %swap3A_1556 = arith.constant 0 : index
    %swap3A_1557 = tpu.vector_load %arg5[%swap3A_1555, %swap3A_1556] {strides = array<i32>} : memref<12x128xi32, #tpu.memory_space<vmem>>, vector<1x16xi32>,
    %swap3A_1558 = vector.shape_cast %swap3A_1557 : vector<1x16xi32> to vector<16xi32>
    %swap3A_1559 = vector.shape_cast %add3A_1553 : vector<16xi32> to vector<1x16xi32>
    tpu.vector_store %arg5[%swap3A_1555, %swap3A_1556], %swap3A_1559 {strides = array<i32>} : memref<12x128xi32, #tpu.memory_space<vmem>>, vector<1x16xi32>,
    %add3A_1560 = arith.constant 1024 : i32
    %add3A_1561 = arith.addi %mul3A_2, %add3A_1560 : i32
    %add3A_1562 = arith.constant 16 : i32
    %add3A_1563 = arith.addi %add3A_1561, %add3A_1562 : i32
    %add3A_1564 = vector.broadcast %add3A_1563 : i32 to vector<16xi32>
    %add3A_1565 = arith.addi %iota3A, %add3A_1564 : vector<16xi32>
    %get3A_1566 = arith.constant 8 : i32
    %get3A_1567 = arith.index_cast %get3A_1566 : i32 to index
    %get3A_1568 = arith.constant 16 : index
    %get3A_1569 = tpu.vector_load %arg5[%get3A_1567, %get3A_1568] {strides = array<i32>} : memref<12x128xi32, #tpu.memory_space<vmem>>, vector<1x16xi32>,
    %get3A_1570 = vector.shape_cast %get3A_1569 : vector<1x16xi32> to vector<16xi32>
    %rem3A_1571 = arith.constant 6 : i32
    %rem3A_1572 = vector.broadcast %rem3A_1571 : i32 to vector<16xi32>
    %rem3A_1573 = arith.remsi %add3A_1565, %rem3A_1572 : vector<16xi32>
    %mul3A_1574 = arith.constant 1024 : i32
    %mul3A_1575 = vector.broadcast %mul3A_1574 : i32 to vector<16xi32>
    %mul3A_1576 = arith.muli %rem3A_1573, %mul3A_1575 : vector<16xi32>
    %add3A_1577 = arith.addi %get3A_1570, %mul3A_1576 : vector<16xi32>
    %swap3A_1578 = arith.constant 8 : i32
    %swap3A_1579 = arith.index_cast %swap3A_1578 : i32 to index
    %swap3A_1580 = arith.constant 16 : index
    %swap3A_1581 = tpu.vector_load %arg5[%swap3A_1579, %swap3A_1580] {strides = array<i32>} : memref<12x128xi32, #tpu.memory_space<vmem>>, vector<1x16xi32>,
    %swap3A_1582 = vector.shape_cast %swap3A_1581 : vector<1x16xi32> to vector<16xi32>
    %swap3A_1583 = vector.shape_cast %add3A_1577 : vector<16xi32> to vector<1x16xi32>
    tpu.vector_store %arg5[%swap3A_1579, %swap3A_1580], %swap3A_1583 {strides = array<i32>} : memref<12x128xi32, #tpu.memory_space<vmem>>, vector<1x16xi32>,
    %add3A_1584 = arith.constant 1024 : i32
    %add3A_1585 = arith.addi %mul3A_2, %add3A_1584 : i32
    %add3A_1586 = arith.constant 32 : i32
    %add3A_1587 = arith.addi %add3A_1585, %add3A_1586 : i32
    %add3A_1588 = vector.broadcast %add3A_1587 : i32 to vector<16xi32>
    %add3A_1589 = arith.addi %iota3A, %add3A_1588 : vector<16xi32>
    %get3A_1590 = arith.constant 8 : i32
    %get3A_1591 = arith.index_cast %get3A_1590 : i32 to index
    %get3A_1592 = arith.constant 32 : index
    %get3A_1593 = tpu.vector_load %arg5[%get3A_1591, %get3A_1592] {strides = array<i32>} : memref<12x128xi32, #tpu.memory_space<vmem>>, vector<1x16xi32>,
    %get3A_1594 = vector.shape_cast %get3A_1593 : vector<1x16xi32> to vector<16xi32>
    %rem3A_1595 = arith.constant 6 : i32
    %rem3A_1596 = vector.broadcast %rem3A_1595 : i32 to vector<16xi32>
    %rem3A_1597 = arith.remsi %add3A_1589, %rem3A_1596 : vector<16xi32>
    %mul3A_1598 = arith.constant 1024 : i32
    %mul3A_1599 = vector.broadcast %mul3A_1598 : i32 to vector<16xi32>
    %mul3A_1600 = arith.muli %rem3A_1597, %mul3A_1599 : vector<16xi32>
    %add3A_1601 = arith.addi %get3A_1594, %mul3A_1600 : vector<16xi32>
    %swap3A_1602 = arith.constant 8 : i32
    %swap3A_1603 = arith.index_cast %swap3A_1602 : i32 to index
    %swap3A_1604 = arith.constant 32 : index
    %swap3A_1605 = tpu.vector_load %arg5[%swap3A_1603, %swap3A_1604] {strides = array<i32>} : memref<12x128xi32, #tpu.memory_space<vmem>>, vector<1x16xi32>,
    %swap3A_1606 = vector.shape_cast %swap3A_1605 : vector<1x16xi32> to vector<16xi32>
    %swap3A_1607 = vector.shape_cast %add3A_1601 : vector<16xi32> to vector<1x16xi32>
    tpu.vector_store %arg5[%swap3A_1603, %swap3A_1604], %swap3A_1607 {strides = array<i32>} : memref<12x128xi32, #tpu.memory_space<vmem>>, vector<1x16xi32>,
    %add3A_1608 = arith.constant 1024 : i32
    %add3A_1609 = arith.addi %mul3A_2, %add3A_1608 : i32
    %add3A_1610 = arith.constant 48 : i32
    %add3A_1611 = arith.addi %add3A_1609, %add3A_1610 : i32
    %add3A_1612 = vector.broadcast %add3A_1611 : i32 to vector<16xi32>
    %add3A_1613 = arith.addi %iota3A, %add3A_1612 : vector<16xi32>
    %get3A_1614 = arith.constant 8 : i32
    %get3A_1615 = arith.index_cast %get3A_1614 : i32 to index
    %get3A_1616 = arith.constant 48 : index
    %get3A_1617 = tpu.vector_load %arg5[%get3A_1615, %get3A_1616] {strides = array<i32>} : memref<12x128xi32, #tpu.memory_space<vmem>>, vector<1x16xi32>,
    %get3A_1618 = vector.shape_cast %get3A_1617 : vector<1x16xi32> to vector<16xi32>
    %rem3A_1619 = arith.constant 6 : i32
    %rem3A_1620 = vector.broadcast %rem3A_1619 : i32 to vector<16xi32>
    %rem3A_1621 = arith.remsi %add3A_1613, %rem3A_1620 : vector<16xi32>
    %mul3A_1622 = arith.constant 1024 : i32
    %mul3A_1623 = vector.broadcast %mul3A_1622 : i32 to vector<16xi32>
    %mul3A_1624 = arith.muli %rem3A_1621, %mul3A_1623 : vector<16xi32>
    %add3A_1625 = arith.addi %get3A_1618, %mul3A_1624 : vector<16xi32>
    %swap3A_1626 = arith.constant 8 : i32
    %swap3A_1627 = arith.index_cast %swap3A_1626 : i32 to index
    %swap3A_1628 = arith.constant 48 : index
    %swap3A_1629 = tpu.vector_load %arg5[%swap3A_1627, %swap3A_1628] {strides = array<i32>} : memref<12x128xi32, #tpu.memory_space<vmem>>, vector<1x16xi32>,
    %swap3A_1630 = vector.shape_cast %swap3A_1629 : vector<1x16xi32> to vector<16xi32>
    %swap3A_1631 = vector.shape_cast %add3A_1625 : vector<16xi32> to vector<1x16xi32>
    tpu.vector_store %arg5[%swap3A_1627, %swap3A_1628], %swap3A_1631 {strides = array<i32>} : memref<12x128xi32, #tpu.memory_space<vmem>>, vector<1x16xi32>,
    %add3A_1632 = arith.constant 1024 : i32
    %add3A_1633 = arith.addi %mul3A_2, %add3A_1632 : i32
    %add3A_1634 = arith.constant 64 : i32
    %add3A_1635 = arith.addi %add3A_1633, %add3A_1634 : i32
    %add3A_1636 = vector.broadcast %add3A_1635 : i32 to vector<16xi32>
    %add3A_1637 = arith.addi %iota3A, %add3A_1636 : vector<16xi32>
    %get3A_1638 = arith.constant 8 : i32
    %get3A_1639 = arith.index_cast %get3A_1638 : i32 to index
    %get3A_1640 = arith.constant 64 : index
    %get3A_1641 = tpu.vector_load %arg5[%get3A_1639, %get3A_1640] {strides = array<i32>} : memref<12x128xi32, #tpu.memory_space<vmem>>, vector<1x16xi32>,
    %get3A_1642 = vector.shape_cast %get3A_1641 : vector<1x16xi32> to vector<16xi32>
    %rem3A_1643 = arith.constant 6 : i32
    %rem3A_1644 = vector.broadcast %rem3A_1643 : i32 to vector<16xi32>
    %rem3A_1645 = arith.remsi %add3A_1637, %rem3A_1644 : vector<16xi32>
    %mul3A_1646 = arith.constant 1024 : i32
    %mul3A_1647 = vector.broadcast %mul3A_1646 : i32 to vector<16xi32>
    %mul3A_1648 = arith.muli %rem3A_1645, %mul3A_1647 : vector<16xi32>
    %add3A_1649 = arith.addi %get3A_1642, %mul3A_1648 : vector<16xi32>
    %swap3A_1650 = arith.constant 8 : i32
    %swap3A_1651 = arith.index_cast %swap3A_1650 : i32 to index
    %swap3A_1652 = arith.constant 64 : index
    %swap3A_1653 = tpu.vector_load %arg5[%swap3A_1651, %swap3A_1652] {strides = array<i32>} : memref<12x128xi32, #tpu.memory_space<vmem>>, vector<1x16xi32>,
    %swap3A_1654 = vector.shape_cast %swap3A_1653 : vector<1x16xi32> to vector<16xi32>
    %swap3A_1655 = vector.shape_cast %add3A_1649 : vector<16xi32> to vector<1x16xi32>
    tpu.vector_store %arg5[%swap3A_1651, %swap3A_1652], %swap3A_1655 {strides = array<i32>} : memref<12x128xi32, #tpu.memory_space<vmem>>, vector<1x16xi32>,
    %add3A_1656 = arith.constant 1024 : i32
    %add3A_1657 = arith.addi %mul3A_2, %add3A_1656 : i32
    %add3A_1658 = arith.constant 80 : i32
    %add3A_1659 = arith.addi %add3A_1657, %add3A_1658 : i32
    %add3A_1660 = vector.broadcast %add3A_1659 : i32 to vector<16xi32>
    %add3A_1661 = arith.addi %iota3A, %add3A_1660 : vector<16xi32>
    %get3A_1662 = arith.constant 8 : i32
    %get3A_1663 = arith.index_cast %get3A_1662 : i32 to index
    %get3A_1664 = arith.constant 80 : index
    %get3A_1665 = tpu.vector_load %arg5[%get3A_1663, %get3A_1664] {strides = array<i32>} : memref<12x128xi32, #tpu.memory_space<vmem>>, vector<1x16xi32>,
    %get3A_1666 = vector.shape_cast %get3A_1665 : vector<1x16xi32> to vector<16xi32>
    %rem3A_1667 = arith.constant 6 : i32
    %rem3A_1668 = vector.broadcast %rem3A_1667 : i32 to vector<16xi32>
    %rem3A_1669 = arith.remsi %add3A_1661, %rem3A_1668 : vector<16xi32>
    %mul3A_1670 = arith.constant 1024 : i32
    %mul3A_1671 = vector.broadcast %mul3A_1670 : i32 to vector<16xi32>
    %mul3A_1672 = arith.muli %rem3A_1669, %mul3A_1671 : vector<16xi32>
    %add3A_1673 = arith.addi %get3A_1666, %mul3A_1672 : vector<16xi32>
    %swap3A_1674 = arith.constant 8 : i32
    %swap3A_1675 = arith.index_cast %swap3A_1674 : i32 to index
    %swap3A_1676 = arith.constant 80 : index
    %swap3A_1677 = tpu.vector_load %arg5[%swap3A_1675, %swap3A_1676] {strides = array<i32>} : memref<12x128xi32, #tpu.memory_space<vmem>>, vector<1x16xi32>,
    %swap3A_1678 = vector.shape_cast %swap3A_1677 : vector<1x16xi32> to vector<16xi32>
    %swap3A_1679 = vector.shape_cast %add3A_1673 : vector<16xi32> to vector<1x16xi32>
    tpu.vector_store %arg5[%swap3A_1675, %swap3A_1676], %swap3A_1679 {strides = array<i32>} : memref<12x128xi32, #tpu.memory_space<vmem>>, vector<1x16xi32>,
    %add3A_1680 = arith.constant 1024 : i32
    %add3A_1681 = arith.addi %mul3A_2, %add3A_1680 : i32
    %add3A_1682 = arith.constant 96 : i32
    %add3A_1683 = arith.addi %add3A_1681, %add3A_1682 : i32
    %add3A_1684 = vector.broadcast %add3A_1683 : i32 to vector<16xi32>
    %add3A_1685 = arith.addi %iota3A, %add3A_1684 : vector<16xi32>
    %get3A_1686 = arith.constant 8 : i32
    %get3A_1687 = arith.index_cast %get3A_1686 : i32 to index
    %get3A_1688 = arith.constant 96 : index
    %get3A_1689 = tpu.vector_load %arg5[%get3A_1687, %get3A_1688] {strides = array<i32>} : memref<12x128xi32, #tpu.memory_space<vmem>>, vector<1x16xi32>,
    %get3A_1690 = vector.shape_cast %get3A_1689 : vector<1x16xi32> to vector<16xi32>
    %rem3A_1691 = arith.constant 6 : i32
    %rem3A_1692 = vector.broadcast %rem3A_1691 : i32 to vector<16xi32>
    %rem3A_1693 = arith.remsi %add3A_1685, %rem3A_1692 : vector<16xi32>
    %mul3A_1694 = arith.constant 1024 : i32
    %mul3A_1695 = vector.broadcast %mul3A_1694 : i32 to vector<16xi32>
    %mul3A_1696 = arith.muli %rem3A_1693, %mul3A_1695 : vector<16xi32>
    %add3A_1697 = arith.addi %get3A_1690, %mul3A_1696 : vector<16xi32>
    %swap3A_1698 = arith.constant 8 : i32
    %swap3A_1699 = arith.index_cast %swap3A_1698 : i32 to index
    %swap3A_1700 = arith.constant 96 : index
    %swap3A_1701 = tpu.vector_load %arg5[%swap3A_1699, %swap3A_1700] {strides = array<i32>} : memref<12x128xi32, #tpu.memory_space<vmem>>, vector<1x16xi32>,
    %swap3A_1702 = vector.shape_cast %swap3A_1701 : vector<1x16xi32> to vector<16xi32>
    %swap3A_1703 = vector.shape_cast %add3A_1697 : vector<16xi32> to vector<1x16xi32>
    tpu.vector_store %arg5[%swap3A_1699, %swap3A_1700], %swap3A_1703 {strides = array<i32>} : memref<12x128xi32, #tpu.memory_space<vmem>>, vector<1x16xi32>,
    %add3A_1704 = arith.constant 1024 : i32
    %add3A_1705 = arith.addi %mul3A_2, %add3A_1704 : i32
    %add3A_1706 = arith.constant 112 : i32
    %add3A_1707 = arith.addi %add3A_1705, %add3A_1706 : i32
    %add3A_1708 = vector.broadcast %add3A_1707 : i32 to vector<16xi32>
    %add3A_1709 = arith.addi %iota3A, %add3A_1708 : vector<16xi32>
    %get3A_1710 = arith.constant 8 : i32
    %get3A_1711 = arith.index_cast %get3A_1710 : i32 to index
    %get3A_1712 = arith.constant 112 : index
    %get3A_1713 = tpu.vector_load %arg5[%get3A_1711, %get3A_1712] {strides = array<i32>} : memref<12x128xi32, #tpu.memory_space<vmem>>, vector<1x16xi32>,
    %get3A_1714 = vector.shape_cast %get3A_1713 : vector<1x16xi32> to vector<16xi32>
    %rem3A_1715 = arith.constant 6 : i32
    %rem3A_1716 = vector.broadcast %rem3A_1715 : i32 to vector<16xi32>
    %rem3A_1717 = arith.remsi %add3A_1709, %rem3A_1716 : vector<16xi32>
    %mul3A_1718 = arith.constant 1024 : i32
    %mul3A_1719 = vector.broadcast %mul3A_1718 : i32 to vector<16xi32>
    %mul3A_1720 = arith.muli %rem3A_1717, %mul3A_1719 : vector<16xi32>
    %add3A_1721 = arith.addi %get3A_1714, %mul3A_1720 : vector<16xi32>
    %swap3A_1722 = arith.constant 8 : i32
    %swap3A_1723 = arith.index_cast %swap3A_1722 : i32 to index
    %swap3A_1724 = arith.constant 112 : index
    %swap3A_1725 = tpu.vector_load %arg5[%swap3A_1723, %swap3A_1724] {strides = array<i32>} : memref<12x128xi32, #tpu.memory_space<vmem>>, vector<1x16xi32>,
    %swap3A_1726 = vector.shape_cast %swap3A_1725 : vector<1x16xi32> to vector<16xi32>
    %swap3A_1727 = vector.shape_cast %add3A_1721 : vector<16xi32> to vector<1x16xi32>
    tpu.vector_store %arg5[%swap3A_1723, %swap3A_1724], %swap3A_1727 {strides = array<i32>} : memref<12x128xi32, #tpu.memory_space<vmem>>, vector<1x16xi32>,
    %add3A_1728 = arith.constant 1152 : i32
    %add3A_1729 = arith.addi %mul3A_2, %add3A_1728 : i32
    %add3A_1730 = arith.constant 0 : i32
    %add3A_1731 = arith.addi %add3A_1729, %add3A_1730 : i32
    %add3A_1732 = vector.broadcast %add3A_1731 : i32 to vector<16xi32>
    %add3A_1733 = arith.addi %iota3A, %add3A_1732 : vector<16xi32>
    %get3A_1734 = arith.constant 9 : i32
    %get3A_1735 = arith.index_cast %get3A_1734 : i32 to index
    %get3A_1736 = arith.constant 0 : index
    %get3A_1737 = tpu.vector_load %arg5[%get3A_1735, %get3A_1736] {strides = array<i32>} : memref<12x128xi32, #tpu.memory_space<vmem>>, vector<1x16xi32>,
    %get3A_1738 = vector.shape_cast %get3A_1737 : vector<1x16xi32> to vector<16xi32>
    %rem3A_1739 = arith.constant 6 : i32
    %rem3A_1740 = vector.broadcast %rem3A_1739 : i32 to vector<16xi32>
    %rem3A_1741 = arith.remsi %add3A_1733, %rem3A_1740 : vector<16xi32>
    %mul3A_1742 = arith.constant 1024 : i32
    %mul3A_1743 = vector.broadcast %mul3A_1742 : i32 to vector<16xi32>
    %mul3A_1744 = arith.muli %rem3A_1741, %mul3A_1743 : vector<16xi32>
    %add3A_1745 = arith.addi %get3A_1738, %mul3A_1744 : vector<16xi32>
    %swap3A_1746 = arith.constant 9 : i32
    %swap3A_1747 = arith.index_cast %swap3A_1746 : i32 to index
    %swap3A_1748 = arith.constant 0 : index
    %swap3A_1749 = tpu.vector_load %arg5[%swap3A_1747, %swap3A_1748] {strides = array<i32>} : memref<12x128xi32, #tpu.memory_space<vmem>>, vector<1x16xi32>,
    %swap3A_1750 = vector.shape_cast %swap3A_1749 : vector<1x16xi32> to vector<16xi32>
    %swap3A_1751 = vector.shape_cast %add3A_1745 : vector<16xi32> to vector<1x16xi32>
    tpu.vector_store %arg5[%swap3A_1747, %swap3A_1748], %swap3A_1751 {strides = array<i32>} : memref<12x128xi32, #tpu.memory_space<vmem>>, vector<1x16xi32>,
    %add3A_1752 = arith.constant 1152 : i32
    %add3A_1753 = arith.addi %mul3A_2, %add3A_1752 : i32
    %add3A_1754 = arith.constant 16 : i32
    %add3A_1755 = arith.addi %add3A_1753, %add3A_1754 : i32
    %add3A_1756 = vector.broadcast %add3A_1755 : i32 to vector<16xi32>
    %add3A_1757 = arith.addi %iota3A, %add3A_1756 : vector<16xi32>
    %get3A_1758 = arith.constant 9 : i32
    %get3A_1759 = arith.index_cast %get3A_1758 : i32 to index
    %get3A_1760 = arith.constant 16 : index
    %get3A_1761 = tpu.vector_load %arg5[%get3A_1759, %get3A_1760] {strides = array<i32>} : memref<12x128xi32, #tpu.memory_space<vmem>>, vector<1x16xi32>,
    %get3A_1762 = vector.shape_cast %get3A_1761 : vector<1x16xi32> to vector<16xi32>
    %rem3A_1763 = arith.constant 6 : i32
    %rem3A_1764 = vector.broadcast %rem3A_1763 : i32 to vector<16xi32>
    %rem3A_1765 = arith.remsi %add3A_1757, %rem3A_1764 : vector<16xi32>
    %mul3A_1766 = arith.constant 1024 : i32
    %mul3A_1767 = vector.broadcast %mul3A_1766 : i32 to vector<16xi32>
    %mul3A_1768 = arith.muli %rem3A_1765, %mul3A_1767 : vector<16xi32>
    %add3A_1769 = arith.addi %get3A_1762, %mul3A_1768 : vector<16xi32>
    %swap3A_1770 = arith.constant 9 : i32
    %swap3A_1771 = arith.index_cast %swap3A_1770 : i32 to index
    %swap3A_1772 = arith.constant 16 : index
    %swap3A_1773 = tpu.vector_load %arg5[%swap3A_1771, %swap3A_1772] {strides = array<i32>} : memref<12x128xi32, #tpu.memory_space<vmem>>, vector<1x16xi32>,
    %swap3A_1774 = vector.shape_cast %swap3A_1773 : vector<1x16xi32> to vector<16xi32>
    %swap3A_1775 = vector.shape_cast %add3A_1769 : vector<16xi32> to vector<1x16xi32>
    tpu.vector_store %arg5[%swap3A_1771, %swap3A_1772], %swap3A_1775 {strides = array<i32>} : memref<12x128xi32, #tpu.memory_space<vmem>>, vector<1x16xi32>,
    %add3A_1776 = arith.constant 1152 : i32
    %add3A_1777 = arith.addi %mul3A_2, %add3A_1776 : i32
    %add3A_1778 = arith.constant 32 : i32
    %add3A_1779 = arith.addi %add3A_1777, %add3A_1778 : i32
    %add3A_1780 = vector.broadcast %add3A_1779 : i32 to vector<16xi32>
    %add3A_1781 = arith.addi %iota3A, %add3A_1780 : vector<16xi32>
    %get3A_1782 = arith.constant 9 : i32
    %get3A_1783 = arith.index_cast %get3A_1782 : i32 to index
    %get3A_1784 = arith.constant 32 : index
    %get3A_1785 = tpu.vector_load %arg5[%get3A_1783, %get3A_1784] {strides = array<i32>} : memref<12x128xi32, #tpu.memory_space<vmem>>, vector<1x16xi32>,
    %get3A_1786 = vector.shape_cast %get3A_1785 : vector<1x16xi32> to vector<16xi32>
    %rem3A_1787 = arith.constant 6 : i32
    %rem3A_1788 = vector.broadcast %rem3A_1787 : i32 to vector<16xi32>
    %rem3A_1789 = arith.remsi %add3A_1781, %rem3A_1788 : vector<16xi32>
    %mul3A_1790 = arith.constant 1024 : i32
    %mul3A_1791 = vector.broadcast %mul3A_1790 : i32 to vector<16xi32>
    %mul3A_1792 = arith.muli %rem3A_1789, %mul3A_1791 : vector<16xi32>
    %add3A_1793 = arith.addi %get3A_1786, %mul3A_1792 : vector<16xi32>
    %swap3A_1794 = arith.constant 9 : i32
    %swap3A_1795 = arith.index_cast %swap3A_1794 : i32 to index
    %swap3A_1796 = arith.constant 32 : index
    %swap3A_1797 = tpu.vector_load %arg5[%swap3A_1795, %swap3A_1796] {strides = array<i32>} : memref<12x128xi32, #tpu.memory_space<vmem>>, vector<1x16xi32>,
    %swap3A_1798 = vector.shape_cast %swap3A_1797 : vector<1x16xi32> to vector<16xi32>
    %swap3A_1799 = vector.shape_cast %add3A_1793 : vector<16xi32> to vector<1x16xi32>
    tpu.vector_store %arg5[%swap3A_1795, %swap3A_1796], %swap3A_1799 {strides = array<i32>} : memref<12x128xi32, #tpu.memory_space<vmem>>, vector<1x16xi32>,
    %add3A_1800 = arith.constant 1152 : i32
    %add3A_1801 = arith.addi %mul3A_2, %add3A_1800 : i32
    %add3A_1802 = arith.constant 48 : i32
    %add3A_1803 = arith.addi %add3A_1801, %add3A_1802 : i32
    %add3A_1804 = vector.broadcast %add3A_1803 : i32 to vector<16xi32>
    %add3A_1805 = arith.addi %iota3A, %add3A_1804 : vector<16xi32>
    %get3A_1806 = arith.constant 9 : i32
    %get3A_1807 = arith.index_cast %get3A_1806 : i32 to index
    %get3A_1808 = arith.constant 48 : index
    %get3A_1809 = tpu.vector_load %arg5[%get3A_1807, %get3A_1808] {strides = array<i32>} : memref<12x128xi32, #tpu.memory_space<vmem>>, vector<1x16xi32>,
    %get3A_1810 = vector.shape_cast %get3A_1809 : vector<1x16xi32> to vector<16xi32>
    %rem3A_1811 = arith.constant 6 : i32
    %rem3A_1812 = vector.broadcast %rem3A_1811 : i32 to vector<16xi32>
    %rem3A_1813 = arith.remsi %add3A_1805, %rem3A_1812 : vector<16xi32>
    %mul3A_1814 = arith.constant 1024 : i32
    %mul3A_1815 = vector.broadcast %mul3A_1814 : i32 to vector<16xi32>
    %mul3A_1816 = arith.muli %rem3A_1813, %mul3A_1815 : vector<16xi32>
    %add3A_1817 = arith.addi %get3A_1810, %mul3A_1816 : vector<16xi32>
    %swap3A_1818 = arith.constant 9 : i32
    %swap3A_1819 = arith.index_cast %swap3A_1818 : i32 to index
    %swap3A_1820 = arith.constant 48 : index
    %swap3A_1821 = tpu.vector_load %arg5[%swap3A_1819, %swap3A_1820] {strides = array<i32>} : memref<12x128xi32, #tpu.memory_space<vmem>>, vector<1x16xi32>,
    %swap3A_1822 = vector.shape_cast %swap3A_1821 : vector<1x16xi32> to vector<16xi32>
    %swap3A_1823 = vector.shape_cast %add3A_1817 : vector<16xi32> to vector<1x16xi32>
    tpu.vector_store %arg5[%swap3A_1819, %swap3A_1820], %swap3A_1823 {strides = array<i32>} : memref<12x128xi32, #tpu.memory_space<vmem>>, vector<1x16xi32>,
    %add3A_1824 = arith.constant 1152 : i32
    %add3A_1825 = arith.addi %mul3A_2, %add3A_1824 : i32
    %add3A_1826 = arith.constant 64 : i32
    %add3A_1827 = arith.addi %add3A_1825, %add3A_1826 : i32
    %add3A_1828 = vector.broadcast %add3A_1827 : i32 to vector<16xi32>
    %add3A_1829 = arith.addi %iota3A, %add3A_1828 : vector<16xi32>
    %get3A_1830 = arith.constant 9 : i32
    %get3A_1831 = arith.index_cast %get3A_1830 : i32 to index
    %get3A_1832 = arith.constant 64 : index
    %get3A_1833 = tpu.vector_load %arg5[%get3A_1831, %get3A_1832] {strides = array<i32>} : memref<12x128xi32, #tpu.memory_space<vmem>>, vector<1x16xi32>,
    %get3A_1834 = vector.shape_cast %get3A_1833 : vector<1x16xi32> to vector<16xi32>
    %rem3A_1835 = arith.constant 6 : i32
    %rem3A_1836 = vector.broadcast %rem3A_1835 : i32 to vector<16xi32>
    %rem3A_1837 = arith.remsi %add3A_1829, %rem3A_1836 : vector<16xi32>
    %mul3A_1838 = arith.constant 1024 : i32
    %mul3A_1839 = vector.broadcast %mul3A_1838 : i32 to vector<16xi32>
    %mul3A_1840 = arith.muli %rem3A_1837, %mul3A_1839 : vector<16xi32>
    %add3A_1841 = arith.addi %get3A_1834, %mul3A_1840 : vector<16xi32>
    %swap3A_1842 = arith.constant 9 : i32
    %swap3A_1843 = arith.index_cast %swap3A_1842 : i32 to index
    %swap3A_1844 = arith.constant 64 : index
    %swap3A_1845 = tpu.vector_load %arg5[%swap3A_1843, %swap3A_1844] {strides = array<i32>} : memref<12x128xi32, #tpu.memory_space<vmem>>, vector<1x16xi32>,
    %swap3A_1846 = vector.shape_cast %swap3A_1845 : vector<1x16xi32> to vector<16xi32>
    %swap3A_1847 = vector.shape_cast %add3A_1841 : vector<16xi32> to vector<1x16xi32>
    tpu.vector_store %arg5[%swap3A_1843, %swap3A_1844], %swap3A_1847 {strides = array<i32>} : memref<12x128xi32, #tpu.memory_space<vmem>>, vector<1x16xi32>,
    %add3A_1848 = arith.constant 1152 : i32
    %add3A_1849 = arith.addi %mul3A_2, %add3A_1848 : i32
    %add3A_1850 = arith.constant 80 : i32
    %add3A_1851 = arith.addi %add3A_1849, %add3A_1850 : i32
    %add3A_1852 = vector.broadcast %add3A_1851 : i32 to vector<16xi32>
    %add3A_1853 = arith.addi %iota3A, %add3A_1852 : vector<16xi32>
    %get3A_1854 = arith.constant 9 : i32
    %get3A_1855 = arith.index_cast %get3A_1854 : i32 to index
    %get3A_1856 = arith.constant 80 : index
    %get3A_1857 = tpu.vector_load %arg5[%get3A_1855, %get3A_1856] {strides = array<i32>} : memref<12x128xi32, #tpu.memory_space<vmem>>, vector<1x16xi32>,
    %get3A_1858 = vector.shape_cast %get3A_1857 : vector<1x16xi32> to vector<16xi32>
    %rem3A_1859 = arith.constant 6 : i32
    %rem3A_1860 = vector.broadcast %rem3A_1859 : i32 to vector<16xi32>
    %rem3A_1861 = arith.remsi %add3A_1853, %rem3A_1860 : vector<16xi32>
    %mul3A_1862 = arith.constant 1024 : i32
    %mul3A_1863 = vector.broadcast %mul3A_1862 : i32 to vector<16xi32>
    %mul3A_1864 = arith.muli %rem3A_1861, %mul3A_1863 : vector<16xi32>
    %add3A_1865 = arith.addi %get3A_1858, %mul3A_1864 : vector<16xi32>
    %swap3A_1866 = arith.constant 9 : i32
    %swap3A_1867 = arith.index_cast %swap3A_1866 : i32 to index
    %swap3A_1868 = arith.constant 80 : index
    %swap3A_1869 = tpu.vector_load %arg5[%swap3A_1867, %swap3A_1868] {strides = array<i32>} : memref<12x128xi32, #tpu.memory_space<vmem>>, vector<1x16xi32>,
    %swap3A_1870 = vector.shape_cast %swap3A_1869 : vector<1x16xi32> to vector<16xi32>
    %swap3A_1871 = vector.shape_cast %add3A_1865 : vector<16xi32> to vector<1x16xi32>
    tpu.vector_store %arg5[%swap3A_1867, %swap3A_1868], %swap3A_1871 {strides = array<i32>} : memref<12x128xi32, #tpu.memory_space<vmem>>, vector<1x16xi32>,
    %add3A_1872 = arith.constant 1152 : i32
    %add3A_1873 = arith.addi %mul3A_2, %add3A_1872 : i32
    %add3A_1874 = arith.constant 96 : i32
    %add3A_1875 = arith.addi %add3A_1873, %add3A_1874 : i32
    %add3A_1876 = vector.broadcast %add3A_1875 : i32 to vector<16xi32>
    %add3A_1877 = arith.addi %iota3A, %add3A_1876 : vector<16xi32>
    %get3A_1878 = arith.constant 9 : i32
    %get3A_1879 = arith.index_cast %get3A_1878 : i32 to index
    %get3A_1880 = arith.constant 96 : index
    %get3A_1881 = tpu.vector_load %arg5[%get3A_1879, %get3A_1880] {strides = array<i32>} : memref<12x128xi32, #tpu.memory_space<vmem>>, vector<1x16xi32>,
    %get3A_1882 = vector.shape_cast %get3A_1881 : vector<1x16xi32> to vector<16xi32>
    %rem3A_1883 = arith.constant 6 : i32
    %rem3A_1884 = vector.broadcast %rem3A_1883 : i32 to vector<16xi32>
    %rem3A_1885 = arith.remsi %add3A_1877, %rem3A_1884 : vector<16xi32>
    %mul3A_1886 = arith.constant 1024 : i32
    %mul3A_1887 = vector.broadcast %mul3A_1886 : i32 to vector<16xi32>
    %mul3A_1888 = arith.muli %rem3A_1885, %mul3A_1887 : vector<16xi32>
    %add3A_1889 = arith.addi %get3A_1882, %mul3A_1888 : vector<16xi32>
    %swap3A_1890 = arith.constant 9 : i32
    %swap3A_1891 = arith.index_cast %swap3A_1890 : i32 to index
    %swap3A_1892 = arith.constant 96 : index
    %swap3A_1893 = tpu.vector_load %arg5[%swap3A_1891, %swap3A_1892] {strides = array<i32>} : memref<12x128xi32, #tpu.memory_space<vmem>>, vector<1x16xi32>,
    %swap3A_1894 = vector.shape_cast %swap3A_1893 : vector<1x16xi32> to vector<16xi32>
    %swap3A_1895 = vector.shape_cast %add3A_1889 : vector<16xi32> to vector<1x16xi32>
    tpu.vector_store %arg5[%swap3A_1891, %swap3A_1892], %swap3A_1895 {strides = array<i32>} : memref<12x128xi32, #tpu.memory_space<vmem>>, vector<1x16xi32>,
    %add3A_1896 = arith.constant 1152 : i32
    %add3A_1897 = arith.addi %mul3A_2, %add3A_1896 : i32
    %add3A_1898 = arith.constant 112 : i32
    %add3A_1899 = arith.addi %add3A_1897, %add3A_1898 : i32
    %add3A_1900 = vector.broadcast %add3A_1899 : i32 to vector<16xi32>
    %add3A_1901 = arith.addi %iota3A, %add3A_1900 : vector<16xi32>
    %get3A_1902 = arith.constant 9 : i32
    %get3A_1903 = arith.index_cast %get3A_1902 : i32 to index
    %get3A_1904 = arith.constant 112 : index
    %get3A_1905 = tpu.vector_load %arg5[%get3A_1903, %get3A_1904] {strides = array<i32>} : memref<12x128xi32, #tpu.memory_space<vmem>>, vector<1x16xi32>,
    %get3A_1906 = vector.shape_cast %get3A_1905 : vector<1x16xi32> to vector<16xi32>
    %rem3A_1907 = arith.constant 6 : i32
    %rem3A_1908 = vector.broadcast %rem3A_1907 : i32 to vector<16xi32>
    %rem3A_1909 = arith.remsi %add3A_1901, %rem3A_1908 : vector<16xi32>
    %mul3A_1910 = arith.constant 1024 : i32
    %mul3A_1911 = vector.broadcast %mul3A_1910 : i32 to vector<16xi32>
    %mul3A_1912 = arith.muli %rem3A_1909, %mul3A_1911 : vector<16xi32>
    %add3A_1913 = arith.addi %get3A_1906, %mul3A_1912 : vector<16xi32>
    %swap3A_1914 = arith.constant 9 : i32
    %swap3A_1915 = arith.index_cast %swap3A_1914 : i32 to index
    %swap3A_1916 = arith.constant 112 : index
    %swap3A_1917 = tpu.vector_load %arg5[%swap3A_1915, %swap3A_1916] {strides = array<i32>} : memref<12x128xi32, #tpu.memory_space<vmem>>, vector<1x16xi32>,
    %swap3A_1918 = vector.shape_cast %swap3A_1917 : vector<1x16xi32> to vector<16xi32>
    %swap3A_1919 = vector.shape_cast %add3A_1913 : vector<16xi32> to vector<1x16xi32>
    tpu.vector_store %arg5[%swap3A_1915, %swap3A_1916], %swap3A_1919 {strides = array<i32>} : memref<12x128xi32, #tpu.memory_space<vmem>>, vector<1x16xi32>,
    %add3A_1920 = arith.constant 1280 : i32
    %add3A_1921 = arith.addi %mul3A_2, %add3A_1920 : i32
    %add3A_1922 = arith.constant 0 : i32
    %add3A_1923 = arith.addi %add3A_1921, %add3A_1922 : i32
    %add3A_1924 = vector.broadcast %add3A_1923 : i32 to vector<16xi32>
    %add3A_1925 = arith.addi %iota3A, %add3A_1924 : vector<16xi32>
    %get3A_1926 = arith.constant 10 : i32
    %get3A_1927 = arith.index_cast %get3A_1926 : i32 to index
    %get3A_1928 = arith.constant 0 : index
    %get3A_1929 = tpu.vector_load %arg5[%get3A_1927, %get3A_1928] {strides = array<i32>} : memref<12x128xi32, #tpu.memory_space<vmem>>, vector<1x16xi32>,
    %get3A_1930 = vector.shape_cast %get3A_1929 : vector<1x16xi32> to vector<16xi32>
    %rem3A_1931 = arith.constant 6 : i32
    %rem3A_1932 = vector.broadcast %rem3A_1931 : i32 to vector<16xi32>
    %rem3A_1933 = arith.remsi %add3A_1925, %rem3A_1932 : vector<16xi32>
    %mul3A_1934 = arith.constant 1024 : i32
    %mul3A_1935 = vector.broadcast %mul3A_1934 : i32 to vector<16xi32>
    %mul3A_1936 = arith.muli %rem3A_1933, %mul3A_1935 : vector<16xi32>
    %add3A_1937 = arith.addi %get3A_1930, %mul3A_1936 : vector<16xi32>
    %swap3A_1938 = arith.constant 10 : i32
    %swap3A_1939 = arith.index_cast %swap3A_1938 : i32 to index
    %swap3A_1940 = arith.constant 0 : index
    %swap3A_1941 = tpu.vector_load %arg5[%swap3A_1939, %swap3A_1940] {strides = array<i32>} : memref<12x128xi32, #tpu.memory_space<vmem>>, vector<1x16xi32>,
    %swap3A_1942 = vector.shape_cast %swap3A_1941 : vector<1x16xi32> to vector<16xi32>
    %swap3A_1943 = vector.shape_cast %add3A_1937 : vector<16xi32> to vector<1x16xi32>
    tpu.vector_store %arg5[%swap3A_1939, %swap3A_1940], %swap3A_1943 {strides = array<i32>} : memref<12x128xi32, #tpu.memory_space<vmem>>, vector<1x16xi32>,
    %add3A_1944 = arith.constant 1280 : i32
    %add3A_1945 = arith.addi %mul3A_2, %add3A_1944 : i32
    %add3A_1946 = arith.constant 16 : i32
    %add3A_1947 = arith.addi %add3A_1945, %add3A_1946 : i32
    %add3A_1948 = vector.broadcast %add3A_1947 : i32 to vector<16xi32>
    %add3A_1949 = arith.addi %iota3A, %add3A_1948 : vector<16xi32>
    %get3A_1950 = arith.constant 10 : i32
    %get3A_1951 = arith.index_cast %get3A_1950 : i32 to index
    %get3A_1952 = arith.constant 16 : index
    %get3A_1953 = tpu.vector_load %arg5[%get3A_1951, %get3A_1952] {strides = array<i32>} : memref<12x128xi32, #tpu.memory_space<vmem>>, vector<1x16xi32>,
    %get3A_1954 = vector.shape_cast %get3A_1953 : vector<1x16xi32> to vector<16xi32>
    %rem3A_1955 = arith.constant 6 : i32
    %rem3A_1956 = vector.broadcast %rem3A_1955 : i32 to vector<16xi32>
    %rem3A_1957 = arith.remsi %add3A_1949, %rem3A_1956 : vector<16xi32>
    %mul3A_1958 = arith.constant 1024 : i32
    %mul3A_1959 = vector.broadcast %mul3A_1958 : i32 to vector<16xi32>
    %mul3A_1960 = arith.muli %rem3A_1957, %mul3A_1959 : vector<16xi32>
    %add3A_1961 = arith.addi %get3A_1954, %mul3A_1960 : vector<16xi32>
    %swap3A_1962 = arith.constant 10 : i32
    %swap3A_1963 = arith.index_cast %swap3A_1962 : i32 to index
    %swap3A_1964 = arith.constant 16 : index
    %swap3A_1965 = tpu.vector_load %arg5[%swap3A_1963, %swap3A_1964] {strides = array<i32>} : memref<12x128xi32, #tpu.memory_space<vmem>>, vector<1x16xi32>,
    %swap3A_1966 = vector.shape_cast %swap3A_1965 : vector<1x16xi32> to vector<16xi32>
    %swap3A_1967 = vector.shape_cast %add3A_1961 : vector<16xi32> to vector<1x16xi32>
    tpu.vector_store %arg5[%swap3A_1963, %swap3A_1964], %swap3A_1967 {strides = array<i32>} : memref<12x128xi32, #tpu.memory_space<vmem>>, vector<1x16xi32>,
    %add3A_1968 = arith.constant 1280 : i32
    %add3A_1969 = arith.addi %mul3A_2, %add3A_1968 : i32
    %add3A_1970 = arith.constant 32 : i32
    %add3A_1971 = arith.addi %add3A_1969, %add3A_1970 : i32
    %add3A_1972 = vector.broadcast %add3A_1971 : i32 to vector<16xi32>
    %add3A_1973 = arith.addi %iota3A, %add3A_1972 : vector<16xi32>
    %get3A_1974 = arith.constant 10 : i32
    %get3A_1975 = arith.index_cast %get3A_1974 : i32 to index
    %get3A_1976 = arith.constant 32 : index
    %get3A_1977 = tpu.vector_load %arg5[%get3A_1975, %get3A_1976] {strides = array<i32>} : memref<12x128xi32, #tpu.memory_space<vmem>>, vector<1x16xi32>,
    %get3A_1978 = vector.shape_cast %get3A_1977 : vector<1x16xi32> to vector<16xi32>
    %rem3A_1979 = arith.constant 6 : i32
    %rem3A_1980 = vector.broadcast %rem3A_1979 : i32 to vector<16xi32>
    %rem3A_1981 = arith.remsi %add3A_1973, %rem3A_1980 : vector<16xi32>
    %mul3A_1982 = arith.constant 1024 : i32
    %mul3A_1983 = vector.broadcast %mul3A_1982 : i32 to vector<16xi32>
    %mul3A_1984 = arith.muli %rem3A_1981, %mul3A_1983 : vector<16xi32>
    %add3A_1985 = arith.addi %get3A_1978, %mul3A_1984 : vector<16xi32>
    %swap3A_1986 = arith.constant 10 : i32
    %swap3A_1987 = arith.index_cast %swap3A_1986 : i32 to index
    %swap3A_1988 = arith.constant 32 : index
    %swap3A_1989 = tpu.vector_load %arg5[%swap3A_1987, %swap3A_1988] {strides = array<i32>} : memref<12x128xi32, #tpu.memory_space<vmem>>, vector<1x16xi32>,
    %swap3A_1990 = vector.shape_cast %swap3A_1989 : vector<1x16xi32> to vector<16xi32>
    %swap3A_1991 = vector.shape_cast %add3A_1985 : vector<16xi32> to vector<1x16xi32>
    tpu.vector_store %arg5[%swap3A_1987, %swap3A_1988], %swap3A_1991 {strides = array<i32>} : memref<12x128xi32, #tpu.memory_space<vmem>>, vector<1x16xi32>,
    %add3A_1992 = arith.constant 1280 : i32
    %add3A_1993 = arith.addi %mul3A_2, %add3A_1992 : i32
    %add3A_1994 = arith.constant 48 : i32
    %add3A_1995 = arith.addi %add3A_1993, %add3A_1994 : i32
    %add3A_1996 = vector.broadcast %add3A_1995 : i32 to vector<16xi32>
    %add3A_1997 = arith.addi %iota3A, %add3A_1996 : vector<16xi32>
    %get3A_1998 = arith.constant 10 : i32
    %get3A_1999 = arith.index_cast %get3A_1998 : i32 to index
    %get3A_2000 = arith.constant 48 : index
    %get3A_2001 = tpu.vector_load %arg5[%get3A_1999, %get3A_2000] {strides = array<i32>} : memref<12x128xi32, #tpu.memory_space<vmem>>, vector<1x16xi32>,
    %get3A_2002 = vector.shape_cast %get3A_2001 : vector<1x16xi32> to vector<16xi32>
    %rem3A_2003 = arith.constant 6 : i32
    %rem3A_2004 = vector.broadcast %rem3A_2003 : i32 to vector<16xi32>
    %rem3A_2005 = arith.remsi %add3A_1997, %rem3A_2004 : vector<16xi32>
    %mul3A_2006 = arith.constant 1024 : i32
    %mul3A_2007 = vector.broadcast %mul3A_2006 : i32 to vector<16xi32>
    %mul3A_2008 = arith.muli %rem3A_2005, %mul3A_2007 : vector<16xi32>
    %add3A_2009 = arith.addi %get3A_2002, %mul3A_2008 : vector<16xi32>
    %swap3A_2010 = arith.constant 10 : i32
    %swap3A_2011 = arith.index_cast %swap3A_2010 : i32 to index
    %swap3A_2012 = arith.constant 48 : index
    %swap3A_2013 = tpu.vector_load %arg5[%swap3A_2011, %swap3A_2012] {strides = array<i32>} : memref<12x128xi32, #tpu.memory_space<vmem>>, vector<1x16xi32>,
    %swap3A_2014 = vector.shape_cast %swap3A_2013 : vector<1x16xi32> to vector<16xi32>
    %swap3A_2015 = vector.shape_cast %add3A_2009 : vector<16xi32> to vector<1x16xi32>
    tpu.vector_store %arg5[%swap3A_2011, %swap3A_2012], %swap3A_2015 {strides = array<i32>} : memref<12x128xi32, #tpu.memory_space<vmem>>, vector<1x16xi32>,
    %add3A_2016 = arith.constant 1280 : i32
    %add3A_2017 = arith.addi %mul3A_2, %add3A_2016 : i32
    %add3A_2018 = arith.constant 64 : i32
    %add3A_2019 = arith.addi %add3A_2017, %add3A_2018 : i32
    %add3A_2020 = vector.broadcast %add3A_2019 : i32 to vector<16xi32>
    %add3A_2021 = arith.addi %iota3A, %add3A_2020 : vector<16xi32>
    %get3A_2022 = arith.constant 10 : i32
    %get3A_2023 = arith.index_cast %get3A_2022 : i32 to index
    %get3A_2024 = arith.constant 64 : index
    %get3A_2025 = tpu.vector_load %arg5[%get3A_2023, %get3A_2024] {strides = array<i32>} : memref<12x128xi32, #tpu.memory_space<vmem>>, vector<1x16xi32>,
    %get3A_2026 = vector.shape_cast %get3A_2025 : vector<1x16xi32> to vector<16xi32>
    %rem3A_2027 = arith.constant 6 : i32
    %rem3A_2028 = vector.broadcast %rem3A_2027 : i32 to vector<16xi32>
    %rem3A_2029 = arith.remsi %add3A_2021, %rem3A_2028 : vector<16xi32>
    %mul3A_2030 = arith.constant 1024 : i32
    %mul3A_2031 = vector.broadcast %mul3A_2030 : i32 to vector<16xi32>
    %mul3A_2032 = arith.muli %rem3A_2029, %mul3A_2031 : vector<16xi32>
    %add3A_2033 = arith.addi %get3A_2026, %mul3A_2032 : vector<16xi32>
    %swap3A_2034 = arith.constant 10 : i32
    %swap3A_2035 = arith.index_cast %swap3A_2034 : i32 to index
    %swap3A_2036 = arith.constant 64 : index
    %swap3A_2037 = tpu.vector_load %arg5[%swap3A_2035, %swap3A_2036] {strides = array<i32>} : memref<12x128xi32, #tpu.memory_space<vmem>>, vector<1x16xi32>,
    %swap3A_2038 = vector.shape_cast %swap3A_2037 : vector<1x16xi32> to vector<16xi32>
    %swap3A_2039 = vector.shape_cast %add3A_2033 : vector<16xi32> to vector<1x16xi32>
    tpu.vector_store %arg5[%swap3A_2035, %swap3A_2036], %swap3A_2039 {strides = array<i32>} : memref<12x128xi32, #tpu.memory_space<vmem>>, vector<1x16xi32>,
    %add3A_2040 = arith.constant 1280 : i32
    %add3A_2041 = arith.addi %mul3A_2, %add3A_2040 : i32
    %add3A_2042 = arith.constant 80 : i32
    %add3A_2043 = arith.addi %add3A_2041, %add3A_2042 : i32
    %add3A_2044 = vector.broadcast %add3A_2043 : i32 to vector<16xi32>
    %add3A_2045 = arith.addi %iota3A, %add3A_2044 : vector<16xi32>
    %get3A_2046 = arith.constant 10 : i32
    %get3A_2047 = arith.index_cast %get3A_2046 : i32 to index
    %get3A_2048 = arith.constant 80 : index
    %get3A_2049 = tpu.vector_load %arg5[%get3A_2047, %get3A_2048] {strides = array<i32>} : memref<12x128xi32, #tpu.memory_space<vmem>>, vector<1x16xi32>,
    %get3A_2050 = vector.shape_cast %get3A_2049 : vector<1x16xi32> to vector<16xi32>
    %rem3A_2051 = arith.constant 6 : i32
    %rem3A_2052 = vector.broadcast %rem3A_2051 : i32 to vector<16xi32>
    %rem3A_2053 = arith.remsi %add3A_2045, %rem3A_2052 : vector<16xi32>
    %mul3A_2054 = arith.constant 1024 : i32
    %mul3A_2055 = vector.broadcast %mul3A_2054 : i32 to vector<16xi32>
    %mul3A_2056 = arith.muli %rem3A_2053, %mul3A_2055 : vector<16xi32>
    %add3A_2057 = arith.addi %get3A_2050, %mul3A_2056 : vector<16xi32>
    %swap3A_2058 = arith.constant 10 : i32
    %swap3A_2059 = arith.index_cast %swap3A_2058 : i32 to index
    %swap3A_2060 = arith.constant 80 : index
    %swap3A_2061 = tpu.vector_load %arg5[%swap3A_2059, %swap3A_2060] {strides = array<i32>} : memref<12x128xi32, #tpu.memory_space<vmem>>, vector<1x16xi32>,
    %swap3A_2062 = vector.shape_cast %swap3A_2061 : vector<1x16xi32> to vector<16xi32>
    %swap3A_2063 = vector.shape_cast %add3A_2057 : vector<16xi32> to vector<1x16xi32>
    tpu.vector_store %arg5[%swap3A_2059, %swap3A_2060], %swap3A_2063 {strides = array<i32>} : memref<12x128xi32, #tpu.memory_space<vmem>>, vector<1x16xi32>,
    %add3A_2064 = arith.constant 1280 : i32
    %add3A_2065 = arith.addi %mul3A_2, %add3A_2064 : i32
    %add3A_2066 = arith.constant 96 : i32
    %add3A_2067 = arith.addi %add3A_2065, %add3A_2066 : i32
    %add3A_2068 = vector.broadcast %add3A_2067 : i32 to vector<16xi32>
    %add3A_2069 = arith.addi %iota3A, %add3A_2068 : vector<16xi32>
    %get3A_2070 = arith.constant 10 : i32
    %get3A_2071 = arith.index_cast %get3A_2070 : i32 to index
    %get3A_2072 = arith.constant 96 : index
    %get3A_2073 = tpu.vector_load %arg5[%get3A_2071, %get3A_2072] {strides = array<i32>} : memref<12x128xi32, #tpu.memory_space<vmem>>, vector<1x16xi32>,
    %get3A_2074 = vector.shape_cast %get3A_2073 : vector<1x16xi32> to vector<16xi32>
    %rem3A_2075 = arith.constant 6 : i32
    %rem3A_2076 = vector.broadcast %rem3A_2075 : i32 to vector<16xi32>
    %rem3A_2077 = arith.remsi %add3A_2069, %rem3A_2076 : vector<16xi32>
    %mul3A_2078 = arith.constant 1024 : i32
    %mul3A_2079 = vector.broadcast %mul3A_2078 : i32 to vector<16xi32>
    %mul3A_2080 = arith.muli %rem3A_2077, %mul3A_2079 : vector<16xi32>
    %add3A_2081 = arith.addi %get3A_2074, %mul3A_2080 : vector<16xi32>
    %swap3A_2082 = arith.constant 10 : i32
    %swap3A_2083 = arith.index_cast %swap3A_2082 : i32 to index
    %swap3A_2084 = arith.constant 96 : index
    %swap3A_2085 = tpu.vector_load %arg5[%swap3A_2083, %swap3A_2084] {strides = array<i32>} : memref<12x128xi32, #tpu.memory_space<vmem>>, vector<1x16xi32>,
    %swap3A_2086 = vector.shape_cast %swap3A_2085 : vector<1x16xi32> to vector<16xi32>
    %swap3A_2087 = vector.shape_cast %add3A_2081 : vector<16xi32> to vector<1x16xi32>
    tpu.vector_store %arg5[%swap3A_2083, %swap3A_2084], %swap3A_2087 {strides = array<i32>} : memref<12x128xi32, #tpu.memory_space<vmem>>, vector<1x16xi32>,
    %add3A_2088 = arith.constant 1280 : i32
    %add3A_2089 = arith.addi %mul3A_2, %add3A_2088 : i32
    %add3A_2090 = arith.constant 112 : i32
    %add3A_2091 = arith.addi %add3A_2089, %add3A_2090 : i32
    %add3A_2092 = vector.broadcast %add3A_2091 : i32 to vector<16xi32>
    %add3A_2093 = arith.addi %iota3A, %add3A_2092 : vector<16xi32>
    %get3A_2094 = arith.constant 10 : i32
    %get3A_2095 = arith.index_cast %get3A_2094 : i32 to index
    %get3A_2096 = arith.constant 112 : index
    %get3A_2097 = tpu.vector_load %arg5[%get3A_2095, %get3A_2096] {strides = array<i32>} : memref<12x128xi32, #tpu.memory_space<vmem>>, vector<1x16xi32>,
    %get3A_2098 = vector.shape_cast %get3A_2097 : vector<1x16xi32> to vector<16xi32>
    %rem3A_2099 = arith.constant 6 : i32
    %rem3A_2100 = vector.broadcast %rem3A_2099 : i32 to vector<16xi32>
    %rem3A_2101 = arith.remsi %add3A_2093, %rem3A_2100 : vector<16xi32>
    %mul3A_2102 = arith.constant 1024 : i32
    %mul3A_2103 = vector.broadcast %mul3A_2102 : i32 to vector<16xi32>
    %mul3A_2104 = arith.muli %rem3A_2101, %mul3A_2103 : vector<16xi32>
    %add3A_2105 = arith.addi %get3A_2098, %mul3A_2104 : vector<16xi32>
    %swap3A_2106 = arith.constant 10 : i32
    %swap3A_2107 = arith.index_cast %swap3A_2106 : i32 to index
    %swap3A_2108 = arith.constant 112 : index
    %swap3A_2109 = tpu.vector_load %arg5[%swap3A_2107, %swap3A_2108] {strides = array<i32>} : memref<12x128xi32, #tpu.memory_space<vmem>>, vector<1x16xi32>,
    %swap3A_2110 = vector.shape_cast %swap3A_2109 : vector<1x16xi32> to vector<16xi32>
    %swap3A_2111 = vector.shape_cast %add3A_2105 : vector<16xi32> to vector<1x16xi32>
    tpu.vector_store %arg5[%swap3A_2107, %swap3A_2108], %swap3A_2111 {strides = array<i32>} : memref<12x128xi32, #tpu.memory_space<vmem>>, vector<1x16xi32>,
    %add3A_2112 = arith.constant 1408 : i32
    %add3A_2113 = arith.addi %mul3A_2, %add3A_2112 : i32
    %add3A_2114 = arith.constant 0 : i32
    %add3A_2115 = arith.addi %add3A_2113, %add3A_2114 : i32
    %add3A_2116 = vector.broadcast %add3A_2115 : i32 to vector<16xi32>
    %add3A_2117 = arith.addi %iota3A, %add3A_2116 : vector<16xi32>
    %get3A_2118 = arith.constant 11 : i32
    %get3A_2119 = arith.index_cast %get3A_2118 : i32 to index
    %get3A_2120 = arith.constant 0 : index
    %get3A_2121 = tpu.vector_load %arg5[%get3A_2119, %get3A_2120] {strides = array<i32>} : memref<12x128xi32, #tpu.memory_space<vmem>>, vector<1x16xi32>,
    %get3A_2122 = vector.shape_cast %get3A_2121 : vector<1x16xi32> to vector<16xi32>
    %rem3A_2123 = arith.constant 6 : i32
    %rem3A_2124 = vector.broadcast %rem3A_2123 : i32 to vector<16xi32>
    %rem3A_2125 = arith.remsi %add3A_2117, %rem3A_2124 : vector<16xi32>
    %mul3A_2126 = arith.constant 1024 : i32
    %mul3A_2127 = vector.broadcast %mul3A_2126 : i32 to vector<16xi32>
    %mul3A_2128 = arith.muli %rem3A_2125, %mul3A_2127 : vector<16xi32>
    %add3A_2129 = arith.addi %get3A_2122, %mul3A_2128 : vector<16xi32>
    %swap3A_2130 = arith.constant 11 : i32
    %swap3A_2131 = arith.index_cast %swap3A_2130 : i32 to index
    %swap3A_2132 = arith.constant 0 : index
    %swap3A_2133 = tpu.vector_load %arg5[%swap3A_2131, %swap3A_2132] {strides = array<i32>} : memref<12x128xi32, #tpu.memory_space<vmem>>, vector<1x16xi32>,
    %swap3A_2134 = vector.shape_cast %swap3A_2133 : vector<1x16xi32> to vector<16xi32>
    %swap3A_2135 = vector.shape_cast %add3A_2129 : vector<16xi32> to vector<1x16xi32>
    tpu.vector_store %arg5[%swap3A_2131, %swap3A_2132], %swap3A_2135 {strides = array<i32>} : memref<12x128xi32, #tpu.memory_space<vmem>>, vector<1x16xi32>,
    %add3A_2136 = arith.constant 1408 : i32
    %add3A_2137 = arith.addi %mul3A_2, %add3A_2136 : i32
    %add3A_2138 = arith.constant 16 : i32
    %add3A_2139 = arith.addi %add3A_2137, %add3A_2138 : i32
    %add3A_2140 = vector.broadcast %add3A_2139 : i32 to vector<16xi32>
    %add3A_2141 = arith.addi %iota3A, %add3A_2140 : vector<16xi32>
    %get3A_2142 = arith.constant 11 : i32
    %get3A_2143 = arith.index_cast %get3A_2142 : i32 to index
    %get3A_2144 = arith.constant 16 : index
    %get3A_2145 = tpu.vector_load %arg5[%get3A_2143, %get3A_2144] {strides = array<i32>} : memref<12x128xi32, #tpu.memory_space<vmem>>, vector<1x16xi32>,
    %get3A_2146 = vector.shape_cast %get3A_2145 : vector<1x16xi32> to vector<16xi32>
    %rem3A_2147 = arith.constant 6 : i32
    %rem3A_2148 = vector.broadcast %rem3A_2147 : i32 to vector<16xi32>
    %rem3A_2149 = arith.remsi %add3A_2141, %rem3A_2148 : vector<16xi32>
    %mul3A_2150 = arith.constant 1024 : i32
    %mul3A_2151 = vector.broadcast %mul3A_2150 : i32 to vector<16xi32>
    %mul3A_2152 = arith.muli %rem3A_2149, %mul3A_2151 : vector<16xi32>
    %add3A_2153 = arith.addi %get3A_2146, %mul3A_2152 : vector<16xi32>
    %swap3A_2154 = arith.constant 11 : i32
    %swap3A_2155 = arith.index_cast %swap3A_2154 : i32 to index
    %swap3A_2156 = arith.constant 16 : index
    %swap3A_2157 = tpu.vector_load %arg5[%swap3A_2155, %swap3A_2156] {strides = array<i32>} : memref<12x128xi32, #tpu.memory_space<vmem>>, vector<1x16xi32>,
    %swap3A_2158 = vector.shape_cast %swap3A_2157 : vector<1x16xi32> to vector<16xi32>
    %swap3A_2159 = vector.shape_cast %add3A_2153 : vector<16xi32> to vector<1x16xi32>
    tpu.vector_store %arg5[%swap3A_2155, %swap3A_2156], %swap3A_2159 {strides = array<i32>} : memref<12x128xi32, #tpu.memory_space<vmem>>, vector<1x16xi32>,
    %add3A_2160 = arith.constant 1408 : i32
    %add3A_2161 = arith.addi %mul3A_2, %add3A_2160 : i32
    %add3A_2162 = arith.constant 32 : i32
    %add3A_2163 = arith.addi %add3A_2161, %add3A_2162 : i32
    %add3A_2164 = vector.broadcast %add3A_2163 : i32 to vector<16xi32>
    %add3A_2165 = arith.addi %iota3A, %add3A_2164 : vector<16xi32>
    %get3A_2166 = arith.constant 11 : i32
    %get3A_2167 = arith.index_cast %get3A_2166 : i32 to index
    %get3A_2168 = arith.constant 32 : index
    %get3A_2169 = tpu.vector_load %arg5[%get3A_2167, %get3A_2168] {strides = array<i32>} : memref<12x128xi32, #tpu.memory_space<vmem>>, vector<1x16xi32>,
    %get3A_2170 = vector.shape_cast %get3A_2169 : vector<1x16xi32> to vector<16xi32>
    %rem3A_2171 = arith.constant 6 : i32
    %rem3A_2172 = vector.broadcast %rem3A_2171 : i32 to vector<16xi32>
    %rem3A_2173 = arith.remsi %add3A_2165, %rem3A_2172 : vector<16xi32>
    %mul3A_2174 = arith.constant 1024 : i32
    %mul3A_2175 = vector.broadcast %mul3A_2174 : i32 to vector<16xi32>
    %mul3A_2176 = arith.muli %rem3A_2173, %mul3A_2175 : vector<16xi32>
    %add3A_2177 = arith.addi %get3A_2170, %mul3A_2176 : vector<16xi32>
    %swap3A_2178 = arith.constant 11 : i32
    %swap3A_2179 = arith.index_cast %swap3A_2178 : i32 to index
    %swap3A_2180 = arith.constant 32 : index
    %swap3A_2181 = tpu.vector_load %arg5[%swap3A_2179, %swap3A_2180] {strides = array<i32>} : memref<12x128xi32, #tpu.memory_space<vmem>>, vector<1x16xi32>,
    %swap3A_2182 = vector.shape_cast %swap3A_2181 : vector<1x16xi32> to vector<16xi32>
    %swap3A_2183 = vector.shape_cast %add3A_2177 : vector<16xi32> to vector<1x16xi32>
    tpu.vector_store %arg5[%swap3A_2179, %swap3A_2180], %swap3A_2183 {strides = array<i32>} : memref<12x128xi32, #tpu.memory_space<vmem>>, vector<1x16xi32>,
    %add3A_2184 = arith.constant 1408 : i32
    %add3A_2185 = arith.addi %mul3A_2, %add3A_2184 : i32
    %add3A_2186 = arith.constant 48 : i32
    %add3A_2187 = arith.addi %add3A_2185, %add3A_2186 : i32
    %add3A_2188 = vector.broadcast %add3A_2187 : i32 to vector<16xi32>
    %add3A_2189 = arith.addi %iota3A, %add3A_2188 : vector<16xi32>
    %get3A_2190 = arith.constant 11 : i32
    %get3A_2191 = arith.index_cast %get3A_2190 : i32 to index
    %get3A_2192 = arith.constant 48 : index
    %get3A_2193 = tpu.vector_load %arg5[%get3A_2191, %get3A_2192] {strides = array<i32>} : memref<12x128xi32, #tpu.memory_space<vmem>>, vector<1x16xi32>,
    %get3A_2194 = vector.shape_cast %get3A_2193 : vector<1x16xi32> to vector<16xi32>
    %rem3A_2195 = arith.constant 6 : i32
    %rem3A_2196 = vector.broadcast %rem3A_2195 : i32 to vector<16xi32>
    %rem3A_2197 = arith.remsi %add3A_2189, %rem3A_2196 : vector<16xi32>
    %mul3A_2198 = arith.constant 1024 : i32
    %mul3A_2199 = vector.broadcast %mul3A_2198 : i32 to vector<16xi32>
    %mul3A_2200 = arith.muli %rem3A_2197, %mul3A_2199 : vector<16xi32>
    %add3A_2201 = arith.addi %get3A_2194, %mul3A_2200 : vector<16xi32>
    %swap3A_2202 = arith.constant 11 : i32
    %swap3A_2203 = arith.index_cast %swap3A_2202 : i32 to index
    %swap3A_2204 = arith.constant 48 : index
    %swap3A_2205 = tpu.vector_load %arg5[%swap3A_2203, %swap3A_2204] {strides = array<i32>} : memref<12x128xi32, #tpu.memory_space<vmem>>, vector<1x16xi32>,
    %swap3A_2206 = vector.shape_cast %swap3A_2205 : vector<1x16xi32> to vector<16xi32>
    %swap3A_2207 = vector.shape_cast %add3A_2201 : vector<16xi32> to vector<1x16xi32>
    tpu.vector_store %arg5[%swap3A_2203, %swap3A_2204], %swap3A_2207 {strides = array<i32>} : memref<12x128xi32, #tpu.memory_space<vmem>>, vector<1x16xi32>,
    %add3A_2208 = arith.constant 1408 : i32
    %add3A_2209 = arith.addi %mul3A_2, %add3A_2208 : i32
    %add3A_2210 = arith.constant 64 : i32
    %add3A_2211 = arith.addi %add3A_2209, %add3A_2210 : i32
    %add3A_2212 = vector.broadcast %add3A_2211 : i32 to vector<16xi32>
    %add3A_2213 = arith.addi %iota3A, %add3A_2212 : vector<16xi32>
    %get3A_2214 = arith.constant 11 : i32
    %get3A_2215 = arith.index_cast %get3A_2214 : i32 to index
    %get3A_2216 = arith.constant 64 : index
    %get3A_2217 = tpu.vector_load %arg5[%get3A_2215, %get3A_2216] {strides = array<i32>} : memref<12x128xi32, #tpu.memory_space<vmem>>, vector<1x16xi32>,
    %get3A_2218 = vector.shape_cast %get3A_2217 : vector<1x16xi32> to vector<16xi32>
    %rem3A_2219 = arith.constant 6 : i32
    %rem3A_2220 = vector.broadcast %rem3A_2219 : i32 to vector<16xi32>
    %rem3A_2221 = arith.remsi %add3A_2213, %rem3A_2220 : vector<16xi32>
    %mul3A_2222 = arith.constant 1024 : i32
    %mul3A_2223 = vector.broadcast %mul3A_2222 : i32 to vector<16xi32>
    %mul3A_2224 = arith.muli %rem3A_2221, %mul3A_2223 : vector<16xi32>
    %add3A_2225 = arith.addi %get3A_2218, %mul3A_2224 : vector<16xi32>
    %swap3A_2226 = arith.constant 11 : i32
    %swap3A_2227 = arith.index_cast %swap3A_2226 : i32 to index
    %swap3A_2228 = arith.constant 64 : index
    %swap3A_2229 = tpu.vector_load %arg5[%swap3A_2227, %swap3A_2228] {strides = array<i32>} : memref<12x128xi32, #tpu.memory_space<vmem>>, vector<1x16xi32>,
    %swap3A_2230 = vector.shape_cast %swap3A_2229 : vector<1x16xi32> to vector<16xi32>
    %swap3A_2231 = vector.shape_cast %add3A_2225 : vector<16xi32> to vector<1x16xi32>
    tpu.vector_store %arg5[%swap3A_2227, %swap3A_2228], %swap3A_2231 {strides = array<i32>} : memref<12x128xi32, #tpu.memory_space<vmem>>, vector<1x16xi32>,
    %add3A_2232 = arith.constant 1408 : i32
    %add3A_2233 = arith.addi %mul3A_2, %add3A_2232 : i32
    %add3A_2234 = arith.constant 80 : i32
    %add3A_2235 = arith.addi %add3A_2233, %add3A_2234 : i32
    %add3A_2236 = vector.broadcast %add3A_2235 : i32 to vector<16xi32>
    %add3A_2237 = arith.addi %iota3A, %add3A_2236 : vector<16xi32>
    %get3A_2238 = arith.constant 11 : i32
    %get3A_2239 = arith.index_cast %get3A_2238 : i32 to index
    %get3A_2240 = arith.constant 80 : index
    %get3A_2241 = tpu.vector_load %arg5[%get3A_2239, %get3A_2240] {strides = array<i32>} : memref<12x128xi32, #tpu.memory_space<vmem>>, vector<1x16xi32>,
    %get3A_2242 = vector.shape_cast %get3A_2241 : vector<1x16xi32> to vector<16xi32>
    %rem3A_2243 = arith.constant 6 : i32
    %rem3A_2244 = vector.broadcast %rem3A_2243 : i32 to vector<16xi32>
    %rem3A_2245 = arith.remsi %add3A_2237, %rem3A_2244 : vector<16xi32>
    %mul3A_2246 = arith.constant 1024 : i32
    %mul3A_2247 = vector.broadcast %mul3A_2246 : i32 to vector<16xi32>
    %mul3A_2248 = arith.muli %rem3A_2245, %mul3A_2247 : vector<16xi32>
    %add3A_2249 = arith.addi %get3A_2242, %mul3A_2248 : vector<16xi32>
    %swap3A_2250 = arith.constant 11 : i32
    %swap3A_2251 = arith.index_cast %swap3A_2250 : i32 to index
    %swap3A_2252 = arith.constant 80 : index
    %swap3A_2253 = tpu.vector_load %arg5[%swap3A_2251, %swap3A_2252] {strides = array<i32>} : memref<12x128xi32, #tpu.memory_space<vmem>>, vector<1x16xi32>,
    %swap3A_2254 = vector.shape_cast %swap3A_2253 : vector<1x16xi32> to vector<16xi32>
    %swap3A_2255 = vector.shape_cast %add3A_2249 : vector<16xi32> to vector<1x16xi32>
    tpu.vector_store %arg5[%swap3A_2251, %swap3A_2252], %swap3A_2255 {strides = array<i32>} : memref<12x128xi32, #tpu.memory_space<vmem>>, vector<1x16xi32>,
    %add3A_2256 = arith.constant 1408 : i32
    %add3A_2257 = arith.addi %mul3A_2, %add3A_2256 : i32
    %add3A_2258 = arith.constant 96 : i32
    %add3A_2259 = arith.addi %add3A_2257, %add3A_2258 : i32
    %add3A_2260 = vector.broadcast %add3A_2259 : i32 to vector<16xi32>
    %add3A_2261 = arith.addi %iota3A, %add3A_2260 : vector<16xi32>
    %get3A_2262 = arith.constant 11 : i32
    %get3A_2263 = arith.index_cast %get3A_2262 : i32 to index
    %get3A_2264 = arith.constant 96 : index
    %get3A_2265 = tpu.vector_load %arg5[%get3A_2263, %get3A_2264] {strides = array<i32>} : memref<12x128xi32, #tpu.memory_space<vmem>>, vector<1x16xi32>,
    %get3A_2266 = vector.shape_cast %get3A_2265 : vector<1x16xi32> to vector<16xi32>
    %rem3A_2267 = arith.constant 6 : i32
    %rem3A_2268 = vector.broadcast %rem3A_2267 : i32 to vector<16xi32>
    %rem3A_2269 = arith.remsi %add3A_2261, %rem3A_2268 : vector<16xi32>
    %mul3A_2270 = arith.constant 1024 : i32
    %mul3A_2271 = vector.broadcast %mul3A_2270 : i32 to vector<16xi32>
    %mul3A_2272 = arith.muli %rem3A_2269, %mul3A_2271 : vector<16xi32>
    %add3A_2273 = arith.addi %get3A_2266, %mul3A_2272 : vector<16xi32>
    %swap3A_2274 = arith.constant 11 : i32
    %swap3A_2275 = arith.index_cast %swap3A_2274 : i32 to index
    %swap3A_2276 = arith.constant 96 : index
    %swap3A_2277 = tpu.vector_load %arg5[%swap3A_2275, %swap3A_2276] {strides = array<i32>} : memref<12x128xi32, #tpu.memory_space<vmem>>, vector<1x16xi32>,
    %swap3A_2278 = vector.shape_cast %swap3A_2277 : vector<1x16xi32> to vector<16xi32>
    %swap3A_2279 = vector.shape_cast %add3A_2273 : vector<16xi32> to vector<1x16xi32>
    tpu.vector_store %arg5[%swap3A_2275, %swap3A_2276], %swap3A_2279 {strides = array<i32>} : memref<12x128xi32, #tpu.memory_space<vmem>>, vector<1x16xi32>,
    %add3A_2280 = arith.constant 1408 : i32
    %add3A_2281 = arith.addi %mul3A_2, %add3A_2280 : i32
    %add3A_2282 = arith.constant 112 : i32
    %add3A_2283 = arith.addi %add3A_2281, %add3A_2282 : i32
    %add3A_2284 = vector.broadcast %add3A_2283 : i32 to vector<16xi32>
    %add3A_2285 = arith.addi %iota3A, %add3A_2284 : vector<16xi32>
    %get3A_2286 = arith.constant 11 : i32
    %get3A_2287 = arith.index_cast %get3A_2286 : i32 to index
    %get3A_2288 = arith.constant 112 : index
    %get3A_2289 = tpu.vector_load %arg5[%get3A_2287, %get3A_2288] {strides = array<i32>} : memref<12x128xi32, #tpu.memory_space<vmem>>, vector<1x16xi32>,
    %get3A_2290 = vector.shape_cast %get3A_2289 : vector<1x16xi32> to vector<16xi32>
    %rem3A_2291 = arith.constant 6 : i32
    %rem3A_2292 = vector.broadcast %rem3A_2291 : i32 to vector<16xi32>
    %rem3A_2293 = arith.remsi %add3A_2285, %rem3A_2292 : vector<16xi32>
    %mul3A_2294 = arith.constant 1024 : i32
    %mul3A_2295 = vector.broadcast %mul3A_2294 : i32 to vector<16xi32>
    %mul3A_2296 = arith.muli %rem3A_2293, %mul3A_2295 : vector<16xi32>
    %add3A_2297 = arith.addi %get3A_2290, %mul3A_2296 : vector<16xi32>
    %swap3A_2298 = arith.constant 11 : i32
    %swap3A_2299 = arith.index_cast %swap3A_2298 : i32 to index
    %swap3A_2300 = arith.constant 112 : index
    %swap3A_2301 = tpu.vector_load %arg5[%swap3A_2299, %swap3A_2300] {strides = array<i32>} : memref<12x128xi32, #tpu.memory_space<vmem>>, vector<1x16xi32>,
    %swap3A_2302 = vector.shape_cast %swap3A_2301 : vector<1x16xi32> to vector<16xi32>
    %swap3A_2303 = vector.shape_cast %add3A_2297 : vector<16xi32> to vector<1x16xi32>
    tpu.vector_store %arg5[%swap3A_2299, %swap3A_2300], %swap3A_2303 {strides = array<i32>} : memref<12x128xi32, #tpu.memory_space<vmem>>, vector<1x16xi32>,
    %dma_start3A = arith.constant 0 : i32
    %dma_start3A_2304 = arith.constant 0 : i32
    %dma_start3A_2305 = arith.constant 0 : i32
    %dma_start3A_2306 = tpu.memref_slice %arg6[%dma_start3A_2304, %dma_start3A_2305] : memref<1536x64xf32, #tpu.memory_space<vmem>> -> memref<128x64xf32, #tpu.memory_space<vmem>>
    %dma_start3A_2307 = arith.constant 0 : i32
    %dma_start3A_2308 = tpu.memref_slice %arg5[%dma_start3A, %dma_start3A_2307] : memref<12x128xi32, #tpu.memory_space<vmem>> -> memref<1x128xi32, #tpu.memory_space<vmem>>
    %dma_start3A_2309 = tpu.memref_squeeze %dma_start3A_2308 : memref<1x128xi32, #tpu.memory_space<vmem>> -> memref<128xi32, #tpu.memory_space<vmem>>
    %dma_start3A_2310 = arith.constant 0 : i32
    %dma_start3A_2311 = arith.constant 0 : i32
    %dma_start3A_2312 = tpu.memref_slice %arg3[%dma_start3A_2310, %dma_start3A_2311] : memref<6144x64xf32, #tpu.memory_space<hbm>> -> memref<6144x64xf32, #tpu.memory_space<hbm>>
    tpu.enqueue_indirect_dma source(%dma_start3A_2312 : memref<6144x64xf32, #tpu.memory_space<hbm>>) target(%dma_start3A_2306 : memref<128x64xf32, #tpu.memory_space<vmem>>) offsets(%dma_start3A_2309 : memref<128xi32, #tpu.memory_space<vmem>>) semaphore(%arg7 : memref<!tpu.dma_semaphore, #tpu.memory_space<semaphore_mem>>)
    %dma_start3A_2313 = arith.constant 1 : i32
    %dma_start3A_2314 = arith.constant 128 : i32
    %dma_start3A_2315 = arith.constant 0 : i32
    %dma_start3A_2316 = tpu.memref_slice %arg6[%dma_start3A_2314, %dma_start3A_2315] : memref<1536x64xf32, #tpu.memory_space<vmem>> -> memref<128x64xf32, #tpu.memory_space<vmem>>
    %dma_start3A_2317 = arith.constant 0 : i32
    %dma_start3A_2318 = tpu.memref_slice %arg5[%dma_start3A_2313, %dma_start3A_2317] : memref<12x128xi32, #tpu.memory_space<vmem>> -> memref<1x128xi32, #tpu.memory_space<vmem>>
    %dma_start3A_2319 = tpu.memref_squeeze %dma_start3A_2318 : memref<1x128xi32, #tpu.memory_space<vmem>> -> memref<128xi32, #tpu.memory_space<vmem>>
    %dma_start3A_2320 = arith.constant 0 : i32
    %dma_start3A_2321 = arith.constant 0 : i32
    %dma_start3A_2322 = tpu.memref_slice %arg3[%dma_start3A_2320, %dma_start3A_2321] : memref<6144x64xf32, #tpu.memory_space<hbm>> -> memref<6144x64xf32, #tpu.memory_space<hbm>>
    tpu.enqueue_indirect_dma source(%dma_start3A_2322 : memref<6144x64xf32, #tpu.memory_space<hbm>>) target(%dma_start3A_2316 : memref<128x64xf32, #tpu.memory_space<vmem>>) offsets(%dma_start3A_2319 : memref<128xi32, #tpu.memory_space<vmem>>) semaphore(%arg7 : memref<!tpu.dma_semaphore, #tpu.memory_space<semaphore_mem>>)
    %dma_start3A_2323 = arith.constant 2 : i32
    %dma_start3A_2324 = arith.constant 256 : i32
    %dma_start3A_2325 = arith.constant 0 : i32
    %dma_start3A_2326 = tpu.memref_slice %arg6[%dma_start3A_2324, %dma_start3A_2325] : memref<1536x64xf32, #tpu.memory_space<vmem>> -> memref<128x64xf32, #tpu.memory_space<vmem>>
    %dma_start3A_2327 = arith.constant 0 : i32
    %dma_start3A_2328 = tpu.memref_slice %arg5[%dma_start3A_2323, %dma_start3A_2327] : memref<12x128xi32, #tpu.memory_space<vmem>> -> memref<1x128xi32, #tpu.memory_space<vmem>>
    %dma_start3A_2329 = tpu.memref_squeeze %dma_start3A_2328 : memref<1x128xi32, #tpu.memory_space<vmem>> -> memref<128xi32, #tpu.memory_space<vmem>>
    %dma_start3A_2330 = arith.constant 0 : i32
    %dma_start3A_2331 = arith.constant 0 : i32
    %dma_start3A_2332 = tpu.memref_slice %arg3[%dma_start3A_2330, %dma_start3A_2331] : memref<6144x64xf32, #tpu.memory_space<hbm>> -> memref<6144x64xf32, #tpu.memory_space<hbm>>
    tpu.enqueue_indirect_dma source(%dma_start3A_2332 : memref<6144x64xf32, #tpu.memory_space<hbm>>) target(%dma_start3A_2326 : memref<128x64xf32, #tpu.memory_space<vmem>>) offsets(%dma_start3A_2329 : memref<128xi32, #tpu.memory_space<vmem>>) semaphore(%arg7 : memref<!tpu.dma_semaphore, #tpu.memory_space<semaphore_mem>>)
    %dma_start3A_2333 = arith.constant 3 : i32
    %dma_start3A_2334 = arith.constant 384 : i32
    %dma_start3A_2335 = arith.constant 0 : i32
    %dma_start3A_2336 = tpu.memref_slice %arg6[%dma_start3A_2334, %dma_start3A_2335] : memref<1536x64xf32, #tpu.memory_space<vmem>> -> memref<128x64xf32, #tpu.memory_space<vmem>>
    %dma_start3A_2337 = arith.constant 0 : i32
    %dma_start3A_2338 = tpu.memref_slice %arg5[%dma_start3A_2333, %dma_start3A_2337] : memref<12x128xi32, #tpu.memory_space<vmem>> -> memref<1x128xi32, #tpu.memory_space<vmem>>
    %dma_start3A_2339 = tpu.memref_squeeze %dma_start3A_2338 : memref<1x128xi32, #tpu.memory_space<vmem>> -> memref<128xi32, #tpu.memory_space<vmem>>
    %dma_start3A_2340 = arith.constant 0 : i32
    %dma_start3A_2341 = arith.constant 0 : i32
    %dma_start3A_2342 = tpu.memref_slice %arg3[%dma_start3A_2340, %dma_start3A_2341] : memref<6144x64xf32, #tpu.memory_space<hbm>> -> memref<6144x64xf32, #tpu.memory_space<hbm>>
    tpu.enqueue_indirect_dma source(%dma_start3A_2342 : memref<6144x64xf32, #tpu.memory_space<hbm>>) target(%dma_start3A_2336 : memref<128x64xf32, #tpu.memory_space<vmem>>) offsets(%dma_start3A_2339 : memref<128xi32, #tpu.memory_space<vmem>>) semaphore(%arg7 : memref<!tpu.dma_semaphore, #tpu.memory_space<semaphore_mem>>)
    %dma_start3A_2343 = arith.constant 4 : i32
    %dma_start3A_2344 = arith.constant 512 : i32
    %dma_start3A_2345 = arith.constant 0 : i32
    %dma_start3A_2346 = tpu.memref_slice %arg6[%dma_start3A_2344, %dma_start3A_2345] : memref<1536x64xf32, #tpu.memory_space<vmem>> -> memref<128x64xf32, #tpu.memory_space<vmem>>
    %dma_start3A_2347 = arith.constant 0 : i32
    %dma_start3A_2348 = tpu.memref_slice %arg5[%dma_start3A_2343, %dma_start3A_2347] : memref<12x128xi32, #tpu.memory_space<vmem>> -> memref<1x128xi32, #tpu.memory_space<vmem>>
    %dma_start3A_2349 = tpu.memref_squeeze %dma_start3A_2348 : memref<1x128xi32, #tpu.memory_space<vmem>> -> memref<128xi32, #tpu.memory_space<vmem>>
    %dma_start3A_2350 = arith.constant 0 : i32
    %dma_start3A_2351 = arith.constant 0 : i32
    %dma_start3A_2352 = tpu.memref_slice %arg3[%dma_start3A_2350, %dma_start3A_2351] : memref<6144x64xf32, #tpu.memory_space<hbm>> -> memref<6144x64xf32, #tpu.memory_space<hbm>>
    tpu.enqueue_indirect_dma source(%dma_start3A_2352 : memref<6144x64xf32, #tpu.memory_space<hbm>>) target(%dma_start3A_2346 : memref<128x64xf32, #tpu.memory_space<vmem>>) offsets(%dma_start3A_2349 : memref<128xi32, #tpu.memory_space<vmem>>) semaphore(%arg7 : memref<!tpu.dma_semaphore, #tpu.memory_space<semaphore_mem>>)
    %dma_start3A_2353 = arith.constant 5 : i32
    %dma_start3A_2354 = arith.constant 640 : i32
    %dma_start3A_2355 = arith.constant 0 : i32
    %dma_start3A_2356 = tpu.memref_slice %arg6[%dma_start3A_2354, %dma_start3A_2355] : memref<1536x64xf32, #tpu.memory_space<vmem>> -> memref<128x64xf32, #tpu.memory_space<vmem>>
    %dma_start3A_2357 = arith.constant 0 : i32
    %dma_start3A_2358 = tpu.memref_slice %arg5[%dma_start3A_2353, %dma_start3A_2357] : memref<12x128xi32, #tpu.memory_space<vmem>> -> memref<1x128xi32, #tpu.memory_space<vmem>>
    %dma_start3A_2359 = tpu.memref_squeeze %dma_start3A_2358 : memref<1x128xi32, #tpu.memory_space<vmem>> -> memref<128xi32, #tpu.memory_space<vmem>>
    %dma_start3A_2360 = arith.constant 0 : i32
    %dma_start3A_2361 = arith.constant 0 : i32
    %dma_start3A_2362 = tpu.memref_slice %arg3[%dma_start3A_2360, %dma_start3A_2361] : memref<6144x64xf32, #tpu.memory_space<hbm>> -> memref<6144x64xf32, #tpu.memory_space<hbm>>
    tpu.enqueue_indirect_dma source(%dma_start3A_2362 : memref<6144x64xf32, #tpu.memory_space<hbm>>) target(%dma_start3A_2356 : memref<128x64xf32, #tpu.memory_space<vmem>>) offsets(%dma_start3A_2359 : memref<128xi32, #tpu.memory_space<vmem>>) semaphore(%arg7 : memref<!tpu.dma_semaphore, #tpu.memory_space<semaphore_mem>>)
    %dma_start3A_2363 = arith.constant 6 : i32
    %dma_start3A_2364 = arith.constant 768 : i32
    %dma_start3A_2365 = arith.constant 0 : i32
    %dma_start3A_2366 = tpu.memref_slice %arg6[%dma_start3A_2364, %dma_start3A_2365] : memref<1536x64xf32, #tpu.memory_space<vmem>> -> memref<128x64xf32, #tpu.memory_space<vmem>>
    %dma_start3A_2367 = arith.constant 0 : i32
    %dma_start3A_2368 = tpu.memref_slice %arg5[%dma_start3A_2363, %dma_start3A_2367] : memref<12x128xi32, #tpu.memory_space<vmem>> -> memref<1x128xi32, #tpu.memory_space<vmem>>
    %dma_start3A_2369 = tpu.memref_squeeze %dma_start3A_2368 : memref<1x128xi32, #tpu.memory_space<vmem>> -> memref<128xi32, #tpu.memory_space<vmem>>
    %dma_start3A_2370 = arith.constant 0 : i32
    %dma_start3A_2371 = arith.constant 0 : i32
    %dma_start3A_2372 = tpu.memref_slice %arg3[%dma_start3A_2370, %dma_start3A_2371] : memref<6144x64xf32, #tpu.memory_space<hbm>> -> memref<6144x64xf32, #tpu.memory_space<hbm>>
    tpu.enqueue_indirect_dma source(%dma_start3A_2372 : memref<6144x64xf32, #tpu.memory_space<hbm>>) target(%dma_start3A_2366 : memref<128x64xf32, #tpu.memory_space<vmem>>) offsets(%dma_start3A_2369 : memref<128xi32, #tpu.memory_space<vmem>>) semaphore(%arg7 : memref<!tpu.dma_semaphore, #tpu.memory_space<semaphore_mem>>)
    %dma_start3A_2373 = arith.constant 7 : i32
    %dma_start3A_2374 = arith.constant 896 : i32
    %dma_start3A_2375 = arith.constant 0 : i32
    %dma_start3A_2376 = tpu.memref_slice %arg6[%dma_start3A_2374, %dma_start3A_2375] : memref<1536x64xf32, #tpu.memory_space<vmem>> -> memref<128x64xf32, #tpu.memory_space<vmem>>
    %dma_start3A_2377 = arith.constant 0 : i32
    %dma_start3A_2378 = tpu.memref_slice %arg5[%dma_start3A_2373, %dma_start3A_2377] : memref<12x128xi32, #tpu.memory_space<vmem>> -> memref<1x128xi32, #tpu.memory_space<vmem>>
    %dma_start3A_2379 = tpu.memref_squeeze %dma_start3A_2378 : memref<1x128xi32, #tpu.memory_space<vmem>> -> memref<128xi32, #tpu.memory_space<vmem>>
    %dma_start3A_2380 = arith.constant 0 : i32
    %dma_start3A_2381 = arith.constant 0 : i32
    %dma_start3A_2382 = tpu.memref_slice %arg3[%dma_start3A_2380, %dma_start3A_2381] : memref<6144x64xf32, #tpu.memory_space<hbm>> -> memref<6144x64xf32, #tpu.memory_space<hbm>>
    tpu.enqueue_indirect_dma source(%dma_start3A_2382 : memref<6144x64xf32, #tpu.memory_space<hbm>>) target(%dma_start3A_2376 : memref<128x64xf32, #tpu.memory_space<vmem>>) offsets(%dma_start3A_2379 : memref<128xi32, #tpu.memory_space<vmem>>) semaphore(%arg7 : memref<!tpu.dma_semaphore, #tpu.memory_space<semaphore_mem>>)
    %dma_start3A_2383 = arith.constant 8 : i32
    %dma_start3A_2384 = arith.constant 1024 : i32
    %dma_start3A_2385 = arith.constant 0 : i32
    %dma_start3A_2386 = tpu.memref_slice %arg6[%dma_start3A_2384, %dma_start3A_2385] : memref<1536x64xf32, #tpu.memory_space<vmem>> -> memref<128x64xf32, #tpu.memory_space<vmem>>
    %dma_start3A_2387 = arith.constant 0 : i32
    %dma_start3A_2388 = tpu.memref_slice %arg5[%dma_start3A_2383, %dma_start3A_2387] : memref<12x128xi32, #tpu.memory_space<vmem>> -> memref<1x128xi32, #tpu.memory_space<vmem>>
    %dma_start3A_2389 = tpu.memref_squeeze %dma_start3A_2388 : memref<1x128xi32, #tpu.memory_space<vmem>> -> memref<128xi32, #tpu.memory_space<vmem>>
    %dma_start3A_2390 = arith.constant 0 : i32
    %dma_start3A_2391 = arith.constant 0 : i32
    %dma_start3A_2392 = tpu.memref_slice %arg3[%dma_start3A_2390, %dma_start3A_2391] : memref<6144x64xf32, #tpu.memory_space<hbm>> -> memref<6144x64xf32, #tpu.memory_space<hbm>>
    tpu.enqueue_indirect_dma source(%dma_start3A_2392 : memref<6144x64xf32, #tpu.memory_space<hbm>>) target(%dma_start3A_2386 : memref<128x64xf32, #tpu.memory_space<vmem>>) offsets(%dma_start3A_2389 : memref<128xi32, #tpu.memory_space<vmem>>) semaphore(%arg7 : memref<!tpu.dma_semaphore, #tpu.memory_space<semaphore_mem>>)
    %dma_start3A_2393 = arith.constant 9 : i32
    %dma_start3A_2394 = arith.constant 1152 : i32
    %dma_start3A_2395 = arith.constant 0 : i32
    %dma_start3A_2396 = tpu.memref_slice %arg6[%dma_start3A_2394, %dma_start3A_2395] : memref<1536x64xf32, #tpu.memory_space<vmem>> -> memref<128x64xf32, #tpu.memory_space<vmem>>
    %dma_start3A_2397 = arith.constant 0 : i32
    %dma_start3A_2398 = tpu.memref_slice %arg5[%dma_start3A_2393, %dma_start3A_2397] : memref<12x128xi32, #tpu.memory_space<vmem>> -> memref<1x128xi32, #tpu.memory_space<vmem>>
    %dma_start3A_2399 = tpu.memref_squeeze %dma_start3A_2398 : memref<1x128xi32, #tpu.memory_space<vmem>> -> memref<128xi32, #tpu.memory_space<vmem>>
    %dma_start3A_2400 = arith.constant 0 : i32
    %dma_start3A_2401 = arith.constant 0 : i32
    %dma_start3A_2402 = tpu.memref_slice %arg3[%dma_start3A_2400, %dma_start3A_2401] : memref<6144x64xf32, #tpu.memory_space<hbm>> -> memref<6144x64xf32, #tpu.memory_space<hbm>>
    tpu.enqueue_indirect_dma source(%dma_start3A_2402 : memref<6144x64xf32, #tpu.memory_space<hbm>>) target(%dma_start3A_2396 : memref<128x64xf32, #tpu.memory_space<vmem>>) offsets(%dma_start3A_2399 : memref<128xi32, #tpu.memory_space<vmem>>) semaphore(%arg7 : memref<!tpu.dma_semaphore, #tpu.memory_space<semaphore_mem>>)
    %dma_start3A_2403 = arith.constant 10 : i32
    %dma_start3A_2404 = arith.constant 1280 : i32
    %dma_start3A_2405 = arith.constant 0 : i32
    %dma_start3A_2406 = tpu.memref_slice %arg6[%dma_start3A_2404, %dma_start3A_2405] : memref<1536x64xf32, #tpu.memory_space<vmem>> -> memref<128x64xf32, #tpu.memory_space<vmem>>
    %dma_start3A_2407 = arith.constant 0 : i32
    %dma_start3A_2408 = tpu.memref_slice %arg5[%dma_start3A_2403, %dma_start3A_2407] : memref<12x128xi32, #tpu.memory_space<vmem>> -> memref<1x128xi32, #tpu.memory_space<vmem>>
    %dma_start3A_2409 = tpu.memref_squeeze %dma_start3A_2408 : memref<1x128xi32, #tpu.memory_space<vmem>> -> memref<128xi32, #tpu.memory_space<vmem>>
    %dma_start3A_2410 = arith.constant 0 : i32
    %dma_start3A_2411 = arith.constant 0 : i32
    %dma_start3A_2412 = tpu.memref_slice %arg3[%dma_start3A_2410, %dma_start3A_2411] : memref<6144x64xf32, #tpu.memory_space<hbm>> -> memref<6144x64xf32, #tpu.memory_space<hbm>>
    tpu.enqueue_indirect_dma source(%dma_start3A_2412 : memref<6144x64xf32, #tpu.memory_space<hbm>>) target(%dma_start3A_2406 : memref<128x64xf32, #tpu.memory_space<vmem>>) offsets(%dma_start3A_2409 : memref<128xi32, #tpu.memory_space<vmem>>) semaphore(%arg7 : memref<!tpu.dma_semaphore, #tpu.memory_space<semaphore_mem>>)
    %dma_start3A_2413 = arith.constant 11 : i32
    %dma_start3A_2414 = arith.constant 1408 : i32
    %dma_start3A_2415 = arith.constant 0 : i32
    %dma_start3A_2416 = tpu.memref_slice %arg6[%dma_start3A_2414, %dma_start3A_2415] : memref<1536x64xf32, #tpu.memory_space<vmem>> -> memref<128x64xf32, #tpu.memory_space<vmem>>
    %dma_start3A_2417 = arith.constant 0 : i32
    %dma_start3A_2418 = tpu.memref_slice %arg5[%dma_start3A_2413, %dma_start3A_2417] : memref<12x128xi32, #tpu.memory_space<vmem>> -> memref<1x128xi32, #tpu.memory_space<vmem>>
    %dma_start3A_2419 = tpu.memref_squeeze %dma_start3A_2418 : memref<1x128xi32, #tpu.memory_space<vmem>> -> memref<128xi32, #tpu.memory_space<vmem>>
    %dma_start3A_2420 = arith.constant 0 : i32
    %dma_start3A_2421 = arith.constant 0 : i32
    %dma_start3A_2422 = tpu.memref_slice %arg3[%dma_start3A_2420, %dma_start3A_2421] : memref<6144x64xf32, #tpu.memory_space<hbm>> -> memref<6144x64xf32, #tpu.memory_space<hbm>>
    tpu.enqueue_indirect_dma source(%dma_start3A_2422 : memref<6144x64xf32, #tpu.memory_space<hbm>>) target(%dma_start3A_2416 : memref<128x64xf32, #tpu.memory_space<vmem>>) offsets(%dma_start3A_2419 : memref<128xi32, #tpu.memory_space<vmem>>) semaphore(%arg7 : memref<!tpu.dma_semaphore, #tpu.memory_space<semaphore_mem>>)
    %dma_wait3A = arith.constant 0 : i32
    %dma_wait3A_2423 = arith.constant 0 : i32
    %dma_wait3A_2424 = arith.constant 0 : i32
    %dma_wait3A_2425 = tpu.memref_slice %arg6[%dma_wait3A_2423, %dma_wait3A_2424] : memref<1536x64xf32, #tpu.memory_space<vmem>> -> memref<128x64xf32, #tpu.memory_space<vmem>>
    %dma_wait3A_2426 = arith.constant 0 : i32
    %dma_wait3A_2427 = tpu.memref_slice %arg5[%dma_wait3A, %dma_wait3A_2426] : memref<12x128xi32, #tpu.memory_space<vmem>> -> memref<1x128xi32, #tpu.memory_space<vmem>>
    %dma_wait3A_2428 = tpu.memref_squeeze %dma_wait3A_2427 : memref<1x128xi32, #tpu.memory_space<vmem>> -> memref<128xi32, #tpu.memory_space<vmem>>
    %dma_wait3A_2429 = arith.constant 0 : i32
    %dma_wait3A_2430 = arith.constant 0 : i32
    %dma_wait3A_2431 = tpu.memref_slice %arg3[%dma_wait3A_2429, %dma_wait3A_2430] : memref<6144x64xf32, #tpu.memory_space<hbm>> -> memref<6144x64xf32, #tpu.memory_space<hbm>>
    tpu.wait_indirect_dma semaphore(%arg7 : memref<!tpu.dma_semaphore, #tpu.memory_space<semaphore_mem>>) src(%dma_wait3A_2431 : memref<6144x64xf32, #tpu.memory_space<hbm>>) dst(%dma_wait3A_2425 : memref<128x64xf32, #tpu.memory_space<vmem>>)
    %add3A_2432 = arith.constant 0 : i32
    %add3A_2433 = arith.addi %mul3A_2, %add3A_2432 : i32
    %dma_start3A_2434 = arith.constant 0 : i32
    %dma_start3A_2435 = arith.constant 0 : i32
    %dma_start3A_2436 = tpu.memref_slice %arg6[%dma_start3A_2434, %dma_start3A_2435] : memref<1536x64xf32, #tpu.memory_space<vmem>> -> memref<128x64xf32, #tpu.memory_space<vmem>>
    %dma_start3A_2437 = arith.constant 0 : i32
    %dma_start3A_2438 = tpu.memref_slice %arg4[%add3A_2433, %dma_start3A_2437] : memref<49152x64xf32, #tpu.memory_space<hbm>> -> memref<128x64xf32, #tpu.memory_space<hbm>>
    %dma_start3A_2439 = arith.constant 0 : i32
    %dma_start3A_2440 = tpu.memref_slice %arg4[%add3A_2433, %dma_start3A_2439] : memref<49152x64xf32, #tpu.memory_space<hbm>> -> memref<128x64xf32, #tpu.memory_space<hbm>>
    %dma_start3A_2441 = arith.constant 0 : i32
    %dma_start3A_2442 = arith.constant 0 : i32
    %dma_start3A_2443 = tpu.memref_slice %arg6[%dma_start3A_2441, %dma_start3A_2442] : memref<1536x64xf32, #tpu.memory_space<vmem>> -> memref<128x64xf32, #tpu.memory_space<vmem>>
    tpu.enqueue_dma source(%dma_start3A_2443 : memref<128x64xf32, #tpu.memory_space<vmem>>) target(%dma_start3A_2440 : memref<128x64xf32, #tpu.memory_space<hbm>>) target_semaphore(%arg8 : memref<!tpu.dma_semaphore, #tpu.memory_space<semaphore_mem>>)
    %dma_wait3A_2444 = arith.constant 1 : i32
    %dma_wait3A_2445 = arith.constant 128 : i32
    %dma_wait3A_2446 = arith.constant 0 : i32
    %dma_wait3A_2447 = tpu.memref_slice %arg6[%dma_wait3A_2445, %dma_wait3A_2446] : memref<1536x64xf32, #tpu.memory_space<vmem>> -> memref<128x64xf32, #tpu.memory_space<vmem>>
    %dma_wait3A_2448 = arith.constant 0 : i32
    %dma_wait3A_2449 = tpu.memref_slice %arg5[%dma_wait3A_2444, %dma_wait3A_2448] : memref<12x128xi32, #tpu.memory_space<vmem>> -> memref<1x128xi32, #tpu.memory_space<vmem>>
    %dma_wait3A_2450 = tpu.memref_squeeze %dma_wait3A_2449 : memref<1x128xi32, #tpu.memory_space<vmem>> -> memref<128xi32, #tpu.memory_space<vmem>>
    %dma_wait3A_2451 = arith.constant 0 : i32
    %dma_wait3A_2452 = arith.constant 0 : i32
    %dma_wait3A_2453 = tpu.memref_slice %arg3[%dma_wait3A_2451, %dma_wait3A_2452] : memref<6144x64xf32, #tpu.memory_space<hbm>> -> memref<6144x64xf32, #tpu.memory_space<hbm>>
    tpu.wait_indirect_dma semaphore(%arg7 : memref<!tpu.dma_semaphore, #tpu.memory_space<semaphore_mem>>) src(%dma_wait3A_2453 : memref<6144x64xf32, #tpu.memory_space<hbm>>) dst(%dma_wait3A_2447 : memref<128x64xf32, #tpu.memory_space<vmem>>)
    %add3A_2454 = arith.constant 128 : i32
    %add3A_2455 = arith.addi %mul3A_2, %add3A_2454 : i32
    %dma_start3A_2456 = arith.constant 128 : i32
    %dma_start3A_2457 = arith.constant 0 : i32
    %dma_start3A_2458 = tpu.memref_slice %arg6[%dma_start3A_2456, %dma_start3A_2457] : memref<1536x64xf32, #tpu.memory_space<vmem>> -> memref<128x64xf32, #tpu.memory_space<vmem>>
    %dma_start3A_2459 = arith.constant 0 : i32
    %dma_start3A_2460 = tpu.memref_slice %arg4[%add3A_2455, %dma_start3A_2459] : memref<49152x64xf32, #tpu.memory_space<hbm>> -> memref<128x64xf32, #tpu.memory_space<hbm>>
    %dma_start3A_2461 = arith.constant 0 : i32
    %dma_start3A_2462 = tpu.memref_slice %arg4[%add3A_2455, %dma_start3A_2461] : memref<49152x64xf32, #tpu.memory_space<hbm>> -> memref<128x64xf32, #tpu.memory_space<hbm>>
    %dma_start3A_2463 = arith.constant 128 : i32
    %dma_start3A_2464 = arith.constant 0 : i32
    %dma_start3A_2465 = tpu.memref_slice %arg6[%dma_start3A_2463, %dma_start3A_2464] : memref<1536x64xf32, #tpu.memory_space<vmem>> -> memref<128x64xf32, #tpu.memory_space<vmem>>
    tpu.enqueue_dma source(%dma_start3A_2465 : memref<128x64xf32, #tpu.memory_space<vmem>>) target(%dma_start3A_2462 : memref<128x64xf32, #tpu.memory_space<hbm>>) target_semaphore(%arg8 : memref<!tpu.dma_semaphore, #tpu.memory_space<semaphore_mem>>)
    %dma_wait3A_2466 = arith.constant 2 : i32
    %dma_wait3A_2467 = arith.constant 256 : i32
    %dma_wait3A_2468 = arith.constant 0 : i32
    %dma_wait3A_2469 = tpu.memref_slice %arg6[%dma_wait3A_2467, %dma_wait3A_2468] : memref<1536x64xf32, #tpu.memory_space<vmem>> -> memref<128x64xf32, #tpu.memory_space<vmem>>
    %dma_wait3A_2470 = arith.constant 0 : i32
    %dma_wait3A_2471 = tpu.memref_slice %arg5[%dma_wait3A_2466, %dma_wait3A_2470] : memref<12x128xi32, #tpu.memory_space<vmem>> -> memref<1x128xi32, #tpu.memory_space<vmem>>
    %dma_wait3A_2472 = tpu.memref_squeeze %dma_wait3A_2471 : memref<1x128xi32, #tpu.memory_space<vmem>> -> memref<128xi32, #tpu.memory_space<vmem>>
    %dma_wait3A_2473 = arith.constant 0 : i32
    %dma_wait3A_2474 = arith.constant 0 : i32
    %dma_wait3A_2475 = tpu.memref_slice %arg3[%dma_wait3A_2473, %dma_wait3A_2474] : memref<6144x64xf32, #tpu.memory_space<hbm>> -> memref<6144x64xf32, #tpu.memory_space<hbm>>
    tpu.wait_indirect_dma semaphore(%arg7 : memref<!tpu.dma_semaphore, #tpu.memory_space<semaphore_mem>>) src(%dma_wait3A_2475 : memref<6144x64xf32, #tpu.memory_space<hbm>>) dst(%dma_wait3A_2469 : memref<128x64xf32, #tpu.memory_space<vmem>>)
    %add3A_2476 = arith.constant 256 : i32
    %add3A_2477 = arith.addi %mul3A_2, %add3A_2476 : i32
    %dma_start3A_2478 = arith.constant 256 : i32
    %dma_start3A_2479 = arith.constant 0 : i32
    %dma_start3A_2480 = tpu.memref_slice %arg6[%dma_start3A_2478, %dma_start3A_2479] : memref<1536x64xf32, #tpu.memory_space<vmem>> -> memref<128x64xf32, #tpu.memory_space<vmem>>
    %dma_start3A_2481 = arith.constant 0 : i32
    %dma_start3A_2482 = tpu.memref_slice %arg4[%add3A_2477, %dma_start3A_2481] : memref<49152x64xf32, #tpu.memory_space<hbm>> -> memref<128x64xf32, #tpu.memory_space<hbm>>
    %dma_start3A_2483 = arith.constant 0 : i32
    %dma_start3A_2484 = tpu.memref_slice %arg4[%add3A_2477, %dma_start3A_2483] : memref<49152x64xf32, #tpu.memory_space<hbm>> -> memref<128x64xf32, #tpu.memory_space<hbm>>
    %dma_start3A_2485 = arith.constant 256 : i32
    %dma_start3A_2486 = arith.constant 0 : i32
    %dma_start3A_2487 = tpu.memref_slice %arg6[%dma_start3A_2485, %dma_start3A_2486] : memref<1536x64xf32, #tpu.memory_space<vmem>> -> memref<128x64xf32, #tpu.memory_space<vmem>>
    tpu.enqueue_dma source(%dma_start3A_2487 : memref<128x64xf32, #tpu.memory_space<vmem>>) target(%dma_start3A_2484 : memref<128x64xf32, #tpu.memory_space<hbm>>) target_semaphore(%arg8 : memref<!tpu.dma_semaphore, #tpu.memory_space<semaphore_mem>>)
    %dma_wait3A_2488 = arith.constant 3 : i32
    %dma_wait3A_2489 = arith.constant 384 : i32
    %dma_wait3A_2490 = arith.constant 0 : i32
    %dma_wait3A_2491 = tpu.memref_slice %arg6[%dma_wait3A_2489, %dma_wait3A_2490] : memref<1536x64xf32, #tpu.memory_space<vmem>> -> memref<128x64xf32, #tpu.memory_space<vmem>>
    %dma_wait3A_2492 = arith.constant 0 : i32
    %dma_wait3A_2493 = tpu.memref_slice %arg5[%dma_wait3A_2488, %dma_wait3A_2492] : memref<12x128xi32, #tpu.memory_space<vmem>> -> memref<1x128xi32, #tpu.memory_space<vmem>>
    %dma_wait3A_2494 = tpu.memref_squeeze %dma_wait3A_2493 : memref<1x128xi32, #tpu.memory_space<vmem>> -> memref<128xi32, #tpu.memory_space<vmem>>
    %dma_wait3A_2495 = arith.constant 0 : i32
    %dma_wait3A_2496 = arith.constant 0 : i32
    %dma_wait3A_2497 = tpu.memref_slice %arg3[%dma_wait3A_2495, %dma_wait3A_2496] : memref<6144x64xf32, #tpu.memory_space<hbm>> -> memref<6144x64xf32, #tpu.memory_space<hbm>>
    tpu.wait_indirect_dma semaphore(%arg7 : memref<!tpu.dma_semaphore, #tpu.memory_space<semaphore_mem>>) src(%dma_wait3A_2497 : memref<6144x64xf32, #tpu.memory_space<hbm>>) dst(%dma_wait3A_2491 : memref<128x64xf32, #tpu.memory_space<vmem>>)
    %add3A_2498 = arith.constant 384 : i32
    %add3A_2499 = arith.addi %mul3A_2, %add3A_2498 : i32
    %dma_start3A_2500 = arith.constant 384 : i32
    %dma_start3A_2501 = arith.constant 0 : i32
    %dma_start3A_2502 = tpu.memref_slice %arg6[%dma_start3A_2500, %dma_start3A_2501] : memref<1536x64xf32, #tpu.memory_space<vmem>> -> memref<128x64xf32, #tpu.memory_space<vmem>>
    %dma_start3A_2503 = arith.constant 0 : i32
    %dma_start3A_2504 = tpu.memref_slice %arg4[%add3A_2499, %dma_start3A_2503] : memref<49152x64xf32, #tpu.memory_space<hbm>> -> memref<128x64xf32, #tpu.memory_space<hbm>>
    %dma_start3A_2505 = arith.constant 0 : i32
    %dma_start3A_2506 = tpu.memref_slice %arg4[%add3A_2499, %dma_start3A_2505] : memref<49152x64xf32, #tpu.memory_space<hbm>> -> memref<128x64xf32, #tpu.memory_space<hbm>>
    %dma_start3A_2507 = arith.constant 384 : i32
    %dma_start3A_2508 = arith.constant 0 : i32
    %dma_start3A_2509 = tpu.memref_slice %arg6[%dma_start3A_2507, %dma_start3A_2508] : memref<1536x64xf32, #tpu.memory_space<vmem>> -> memref<128x64xf32, #tpu.memory_space<vmem>>
    tpu.enqueue_dma source(%dma_start3A_2509 : memref<128x64xf32, #tpu.memory_space<vmem>>) target(%dma_start3A_2506 : memref<128x64xf32, #tpu.memory_space<hbm>>) target_semaphore(%arg8 : memref<!tpu.dma_semaphore, #tpu.memory_space<semaphore_mem>>)
    %dma_wait3A_2510 = arith.constant 4 : i32
    %dma_wait3A_2511 = arith.constant 512 : i32
    %dma_wait3A_2512 = arith.constant 0 : i32
    %dma_wait3A_2513 = tpu.memref_slice %arg6[%dma_wait3A_2511, %dma_wait3A_2512] : memref<1536x64xf32, #tpu.memory_space<vmem>> -> memref<128x64xf32, #tpu.memory_space<vmem>>
    %dma_wait3A_2514 = arith.constant 0 : i32
    %dma_wait3A_2515 = tpu.memref_slice %arg5[%dma_wait3A_2510, %dma_wait3A_2514] : memref<12x128xi32, #tpu.memory_space<vmem>> -> memref<1x128xi32, #tpu.memory_space<vmem>>
    %dma_wait3A_2516 = tpu.memref_squeeze %dma_wait3A_2515 : memref<1x128xi32, #tpu.memory_space<vmem>> -> memref<128xi32, #tpu.memory_space<vmem>>
    %dma_wait3A_2517 = arith.constant 0 : i32
    %dma_wait3A_2518 = arith.constant 0 : i32
    %dma_wait3A_2519 = tpu.memref_slice %arg3[%dma_wait3A_2517, %dma_wait3A_2518] : memref<6144x64xf32, #tpu.memory_space<hbm>> -> memref<6144x64xf32, #tpu.memory_space<hbm>>
    tpu.wait_indirect_dma semaphore(%arg7 : memref<!tpu.dma_semaphore, #tpu.memory_space<semaphore_mem>>) src(%dma_wait3A_2519 : memref<6144x64xf32, #tpu.memory_space<hbm>>) dst(%dma_wait3A_2513 : memref<128x64xf32, #tpu.memory_space<vmem>>)
    %add3A_2520 = arith.constant 512 : i32
    %add3A_2521 = arith.addi %mul3A_2, %add3A_2520 : i32
    %dma_start3A_2522 = arith.constant 512 : i32
    %dma_start3A_2523 = arith.constant 0 : i32
    %dma_start3A_2524 = tpu.memref_slice %arg6[%dma_start3A_2522, %dma_start3A_2523] : memref<1536x64xf32, #tpu.memory_space<vmem>> -> memref<128x64xf32, #tpu.memory_space<vmem>>
    %dma_start3A_2525 = arith.constant 0 : i32
    %dma_start3A_2526 = tpu.memref_slice %arg4[%add3A_2521, %dma_start3A_2525] : memref<49152x64xf32, #tpu.memory_space<hbm>> -> memref<128x64xf32, #tpu.memory_space<hbm>>
    %dma_start3A_2527 = arith.constant 0 : i32
    %dma_start3A_2528 = tpu.memref_slice %arg4[%add3A_2521, %dma_start3A_2527] : memref<49152x64xf32, #tpu.memory_space<hbm>> -> memref<128x64xf32, #tpu.memory_space<hbm>>
    %dma_start3A_2529 = arith.constant 512 : i32
    %dma_start3A_2530 = arith.constant 0 : i32
    %dma_start3A_2531 = tpu.memref_slice %arg6[%dma_start3A_2529, %dma_start3A_2530] : memref<1536x64xf32, #tpu.memory_space<vmem>> -> memref<128x64xf32, #tpu.memory_space<vmem>>
    tpu.enqueue_dma source(%dma_start3A_2531 : memref<128x64xf32, #tpu.memory_space<vmem>>) target(%dma_start3A_2528 : memref<128x64xf32, #tpu.memory_space<hbm>>) target_semaphore(%arg8 : memref<!tpu.dma_semaphore, #tpu.memory_space<semaphore_mem>>)
    %dma_wait3A_2532 = arith.constant 5 : i32
    %dma_wait3A_2533 = arith.constant 640 : i32
    %dma_wait3A_2534 = arith.constant 0 : i32
    %dma_wait3A_2535 = tpu.memref_slice %arg6[%dma_wait3A_2533, %dma_wait3A_2534] : memref<1536x64xf32, #tpu.memory_space<vmem>> -> memref<128x64xf32, #tpu.memory_space<vmem>>
    %dma_wait3A_2536 = arith.constant 0 : i32
    %dma_wait3A_2537 = tpu.memref_slice %arg5[%dma_wait3A_2532, %dma_wait3A_2536] : memref<12x128xi32, #tpu.memory_space<vmem>> -> memref<1x128xi32, #tpu.memory_space<vmem>>
    %dma_wait3A_2538 = tpu.memref_squeeze %dma_wait3A_2537 : memref<1x128xi32, #tpu.memory_space<vmem>> -> memref<128xi32, #tpu.memory_space<vmem>>
    %dma_wait3A_2539 = arith.constant 0 : i32
    %dma_wait3A_2540 = arith.constant 0 : i32
    %dma_wait3A_2541 = tpu.memref_slice %arg3[%dma_wait3A_2539, %dma_wait3A_2540] : memref<6144x64xf32, #tpu.memory_space<hbm>> -> memref<6144x64xf32, #tpu.memory_space<hbm>>
    tpu.wait_indirect_dma semaphore(%arg7 : memref<!tpu.dma_semaphore, #tpu.memory_space<semaphore_mem>>) src(%dma_wait3A_2541 : memref<6144x64xf32, #tpu.memory_space<hbm>>) dst(%dma_wait3A_2535 : memref<128x64xf32, #tpu.memory_space<vmem>>)
    %add3A_2542 = arith.constant 640 : i32
    %add3A_2543 = arith.addi %mul3A_2, %add3A_2542 : i32
    %dma_start3A_2544 = arith.constant 640 : i32
    %dma_start3A_2545 = arith.constant 0 : i32
    %dma_start3A_2546 = tpu.memref_slice %arg6[%dma_start3A_2544, %dma_start3A_2545] : memref<1536x64xf32, #tpu.memory_space<vmem>> -> memref<128x64xf32, #tpu.memory_space<vmem>>
    %dma_start3A_2547 = arith.constant 0 : i32
    %dma_start3A_2548 = tpu.memref_slice %arg4[%add3A_2543, %dma_start3A_2547] : memref<49152x64xf32, #tpu.memory_space<hbm>> -> memref<128x64xf32, #tpu.memory_space<hbm>>
    %dma_start3A_2549 = arith.constant 0 : i32
    %dma_start3A_2550 = tpu.memref_slice %arg4[%add3A_2543, %dma_start3A_2549] : memref<49152x64xf32, #tpu.memory_space<hbm>> -> memref<128x64xf32, #tpu.memory_space<hbm>>
    %dma_start3A_2551 = arith.constant 640 : i32
    %dma_start3A_2552 = arith.constant 0 : i32
    %dma_start3A_2553 = tpu.memref_slice %arg6[%dma_start3A_2551, %dma_start3A_2552] : memref<1536x64xf32, #tpu.memory_space<vmem>> -> memref<128x64xf32, #tpu.memory_space<vmem>>
    tpu.enqueue_dma source(%dma_start3A_2553 : memref<128x64xf32, #tpu.memory_space<vmem>>) target(%dma_start3A_2550 : memref<128x64xf32, #tpu.memory_space<hbm>>) target_semaphore(%arg8 : memref<!tpu.dma_semaphore, #tpu.memory_space<semaphore_mem>>)
    %dma_wait3A_2554 = arith.constant 6 : i32
    %dma_wait3A_2555 = arith.constant 768 : i32
    %dma_wait3A_2556 = arith.constant 0 : i32
    %dma_wait3A_2557 = tpu.memref_slice %arg6[%dma_wait3A_2555, %dma_wait3A_2556] : memref<1536x64xf32, #tpu.memory_space<vmem>> -> memref<128x64xf32, #tpu.memory_space<vmem>>
    %dma_wait3A_2558 = arith.constant 0 : i32
    %dma_wait3A_2559 = tpu.memref_slice %arg5[%dma_wait3A_2554, %dma_wait3A_2558] : memref<12x128xi32, #tpu.memory_space<vmem>> -> memref<1x128xi32, #tpu.memory_space<vmem>>
    %dma_wait3A_2560 = tpu.memref_squeeze %dma_wait3A_2559 : memref<1x128xi32, #tpu.memory_space<vmem>> -> memref<128xi32, #tpu.memory_space<vmem>>
    %dma_wait3A_2561 = arith.constant 0 : i32
    %dma_wait3A_2562 = arith.constant 0 : i32
    %dma_wait3A_2563 = tpu.memref_slice %arg3[%dma_wait3A_2561, %dma_wait3A_2562] : memref<6144x64xf32, #tpu.memory_space<hbm>> -> memref<6144x64xf32, #tpu.memory_space<hbm>>
    tpu.wait_indirect_dma semaphore(%arg7 : memref<!tpu.dma_semaphore, #tpu.memory_space<semaphore_mem>>) src(%dma_wait3A_2563 : memref<6144x64xf32, #tpu.memory_space<hbm>>) dst(%dma_wait3A_2557 : memref<128x64xf32, #tpu.memory_space<vmem>>)
    %add3A_2564 = arith.constant 768 : i32
    %add3A_2565 = arith.addi %mul3A_2, %add3A_2564 : i32
    %dma_start3A_2566 = arith.constant 768 : i32
    %dma_start3A_2567 = arith.constant 0 : i32
    %dma_start3A_2568 = tpu.memref_slice %arg6[%dma_start3A_2566, %dma_start3A_2567] : memref<1536x64xf32, #tpu.memory_space<vmem>> -> memref<128x64xf32, #tpu.memory_space<vmem>>
    %dma_start3A_2569 = arith.constant 0 : i32
    %dma_start3A_2570 = tpu.memref_slice %arg4[%add3A_2565, %dma_start3A_2569] : memref<49152x64xf32, #tpu.memory_space<hbm>> -> memref<128x64xf32, #tpu.memory_space<hbm>>
    %dma_start3A_2571 = arith.constant 0 : i32
    %dma_start3A_2572 = tpu.memref_slice %arg4[%add3A_2565, %dma_start3A_2571] : memref<49152x64xf32, #tpu.memory_space<hbm>> -> memref<128x64xf32, #tpu.memory_space<hbm>>
    %dma_start3A_2573 = arith.constant 768 : i32
    %dma_start3A_2574 = arith.constant 0 : i32
    %dma_start3A_2575 = tpu.memref_slice %arg6[%dma_start3A_2573, %dma_start3A_2574] : memref<1536x64xf32, #tpu.memory_space<vmem>> -> memref<128x64xf32, #tpu.memory_space<vmem>>
    tpu.enqueue_dma source(%dma_start3A_2575 : memref<128x64xf32, #tpu.memory_space<vmem>>) target(%dma_start3A_2572 : memref<128x64xf32, #tpu.memory_space<hbm>>) target_semaphore(%arg8 : memref<!tpu.dma_semaphore, #tpu.memory_space<semaphore_mem>>)
    %dma_wait3A_2576 = arith.constant 7 : i32
    %dma_wait3A_2577 = arith.constant 896 : i32
    %dma_wait3A_2578 = arith.constant 0 : i32
    %dma_wait3A_2579 = tpu.memref_slice %arg6[%dma_wait3A_2577, %dma_wait3A_2578] : memref<1536x64xf32, #tpu.memory_space<vmem>> -> memref<128x64xf32, #tpu.memory_space<vmem>>
    %dma_wait3A_2580 = arith.constant 0 : i32
    %dma_wait3A_2581 = tpu.memref_slice %arg5[%dma_wait3A_2576, %dma_wait3A_2580] : memref<12x128xi32, #tpu.memory_space<vmem>> -> memref<1x128xi32, #tpu.memory_space<vmem>>
    %dma_wait3A_2582 = tpu.memref_squeeze %dma_wait3A_2581 : memref<1x128xi32, #tpu.memory_space<vmem>> -> memref<128xi32, #tpu.memory_space<vmem>>
    %dma_wait3A_2583 = arith.constant 0 : i32
    %dma_wait3A_2584 = arith.constant 0 : i32
    %dma_wait3A_2585 = tpu.memref_slice %arg3[%dma_wait3A_2583, %dma_wait3A_2584] : memref<6144x64xf32, #tpu.memory_space<hbm>> -> memref<6144x64xf32, #tpu.memory_space<hbm>>
    tpu.wait_indirect_dma semaphore(%arg7 : memref<!tpu.dma_semaphore, #tpu.memory_space<semaphore_mem>>) src(%dma_wait3A_2585 : memref<6144x64xf32, #tpu.memory_space<hbm>>) dst(%dma_wait3A_2579 : memref<128x64xf32, #tpu.memory_space<vmem>>)
    %add3A_2586 = arith.constant 896 : i32
    %add3A_2587 = arith.addi %mul3A_2, %add3A_2586 : i32
    %dma_start3A_2588 = arith.constant 896 : i32
    %dma_start3A_2589 = arith.constant 0 : i32
    %dma_start3A_2590 = tpu.memref_slice %arg6[%dma_start3A_2588, %dma_start3A_2589] : memref<1536x64xf32, #tpu.memory_space<vmem>> -> memref<128x64xf32, #tpu.memory_space<vmem>>
    %dma_start3A_2591 = arith.constant 0 : i32
    %dma_start3A_2592 = tpu.memref_slice %arg4[%add3A_2587, %dma_start3A_2591] : memref<49152x64xf32, #tpu.memory_space<hbm>> -> memref<128x64xf32, #tpu.memory_space<hbm>>
    %dma_start3A_2593 = arith.constant 0 : i32
    %dma_start3A_2594 = tpu.memref_slice %arg4[%add3A_2587, %dma_start3A_2593] : memref<49152x64xf32, #tpu.memory_space<hbm>> -> memref<128x64xf32, #tpu.memory_space<hbm>>
    %dma_start3A_2595 = arith.constant 896 : i32
    %dma_start3A_2596 = arith.constant 0 : i32
    %dma_start3A_2597 = tpu.memref_slice %arg6[%dma_start3A_2595, %dma_start3A_2596] : memref<1536x64xf32, #tpu.memory_space<vmem>> -> memref<128x64xf32, #tpu.memory_space<vmem>>
    tpu.enqueue_dma source(%dma_start3A_2597 : memref<128x64xf32, #tpu.memory_space<vmem>>) target(%dma_start3A_2594 : memref<128x64xf32, #tpu.memory_space<hbm>>) target_semaphore(%arg8 : memref<!tpu.dma_semaphore, #tpu.memory_space<semaphore_mem>>)
    %dma_wait3A_2598 = arith.constant 8 : i32
    %dma_wait3A_2599 = arith.constant 1024 : i32
    %dma_wait3A_2600 = arith.constant 0 : i32
    %dma_wait3A_2601 = tpu.memref_slice %arg6[%dma_wait3A_2599, %dma_wait3A_2600] : memref<1536x64xf32, #tpu.memory_space<vmem>> -> memref<128x64xf32, #tpu.memory_space<vmem>>
    %dma_wait3A_2602 = arith.constant 0 : i32
    %dma_wait3A_2603 = tpu.memref_slice %arg5[%dma_wait3A_2598, %dma_wait3A_2602] : memref<12x128xi32, #tpu.memory_space<vmem>> -> memref<1x128xi32, #tpu.memory_space<vmem>>
    %dma_wait3A_2604 = tpu.memref_squeeze %dma_wait3A_2603 : memref<1x128xi32, #tpu.memory_space<vmem>> -> memref<128xi32, #tpu.memory_space<vmem>>
    %dma_wait3A_2605 = arith.constant 0 : i32
    %dma_wait3A_2606 = arith.constant 0 : i32
    %dma_wait3A_2607 = tpu.memref_slice %arg3[%dma_wait3A_2605, %dma_wait3A_2606] : memref<6144x64xf32, #tpu.memory_space<hbm>> -> memref<6144x64xf32, #tpu.memory_space<hbm>>
    tpu.wait_indirect_dma semaphore(%arg7 : memref<!tpu.dma_semaphore, #tpu.memory_space<semaphore_mem>>) src(%dma_wait3A_2607 : memref<6144x64xf32, #tpu.memory_space<hbm>>) dst(%dma_wait3A_2601 : memref<128x64xf32, #tpu.memory_space<vmem>>)
    %add3A_2608 = arith.constant 1024 : i32
    %add3A_2609 = arith.addi %mul3A_2, %add3A_2608 : i32
    %dma_start3A_2610 = arith.constant 1024 : i32
    %dma_start3A_2611 = arith.constant 0 : i32
    %dma_start3A_2612 = tpu.memref_slice %arg6[%dma_start3A_2610, %dma_start3A_2611] : memref<1536x64xf32, #tpu.memory_space<vmem>> -> memref<128x64xf32, #tpu.memory_space<vmem>>
    %dma_start3A_2613 = arith.constant 0 : i32
    %dma_start3A_2614 = tpu.memref_slice %arg4[%add3A_2609, %dma_start3A_2613] : memref<49152x64xf32, #tpu.memory_space<hbm>> -> memref<128x64xf32, #tpu.memory_space<hbm>>
    %dma_start3A_2615 = arith.constant 0 : i32
    %dma_start3A_2616 = tpu.memref_slice %arg4[%add3A_2609, %dma_start3A_2615] : memref<49152x64xf32, #tpu.memory_space<hbm>> -> memref<128x64xf32, #tpu.memory_space<hbm>>
    %dma_start3A_2617 = arith.constant 1024 : i32
    %dma_start3A_2618 = arith.constant 0 : i32
    %dma_start3A_2619 = tpu.memref_slice %arg6[%dma_start3A_2617, %dma_start3A_2618] : memref<1536x64xf32, #tpu.memory_space<vmem>> -> memref<128x64xf32, #tpu.memory_space<vmem>>
    tpu.enqueue_dma source(%dma_start3A_2619 : memref<128x64xf32, #tpu.memory_space<vmem>>) target(%dma_start3A_2616 : memref<128x64xf32, #tpu.memory_space<hbm>>) target_semaphore(%arg8 : memref<!tpu.dma_semaphore, #tpu.memory_space<semaphore_mem>>)
    %dma_wait3A_2620 = arith.constant 9 : i32
    %dma_wait3A_2621 = arith.constant 1152 : i32
    %dma_wait3A_2622 = arith.constant 0 : i32
    %dma_wait3A_2623 = tpu.memref_slice %arg6[%dma_wait3A_2621, %dma_wait3A_2622] : memref<1536x64xf32, #tpu.memory_space<vmem>> -> memref<128x64xf32, #tpu.memory_space<vmem>>
    %dma_wait3A_2624 = arith.constant 0 : i32
    %dma_wait3A_2625 = tpu.memref_slice %arg5[%dma_wait3A_2620, %dma_wait3A_2624] : memref<12x128xi32, #tpu.memory_space<vmem>> -> memref<1x128xi32, #tpu.memory_space<vmem>>
    %dma_wait3A_2626 = tpu.memref_squeeze %dma_wait3A_2625 : memref<1x128xi32, #tpu.memory_space<vmem>> -> memref<128xi32, #tpu.memory_space<vmem>>
    %dma_wait3A_2627 = arith.constant 0 : i32
    %dma_wait3A_2628 = arith.constant 0 : i32
    %dma_wait3A_2629 = tpu.memref_slice %arg3[%dma_wait3A_2627, %dma_wait3A_2628] : memref<6144x64xf32, #tpu.memory_space<hbm>> -> memref<6144x64xf32, #tpu.memory_space<hbm>>
    tpu.wait_indirect_dma semaphore(%arg7 : memref<!tpu.dma_semaphore, #tpu.memory_space<semaphore_mem>>) src(%dma_wait3A_2629 : memref<6144x64xf32, #tpu.memory_space<hbm>>) dst(%dma_wait3A_2623 : memref<128x64xf32, #tpu.memory_space<vmem>>)
    %add3A_2630 = arith.constant 1152 : i32
    %add3A_2631 = arith.addi %mul3A_2, %add3A_2630 : i32
    %dma_start3A_2632 = arith.constant 1152 : i32
    %dma_start3A_2633 = arith.constant 0 : i32
    %dma_start3A_2634 = tpu.memref_slice %arg6[%dma_start3A_2632, %dma_start3A_2633] : memref<1536x64xf32, #tpu.memory_space<vmem>> -> memref<128x64xf32, #tpu.memory_space<vmem>>
    %dma_start3A_2635 = arith.constant 0 : i32
    %dma_start3A_2636 = tpu.memref_slice %arg4[%add3A_2631, %dma_start3A_2635] : memref<49152x64xf32, #tpu.memory_space<hbm>> -> memref<128x64xf32, #tpu.memory_space<hbm>>
    %dma_start3A_2637 = arith.constant 0 : i32
    %dma_start3A_2638 = tpu.memref_slice %arg4[%add3A_2631, %dma_start3A_2637] : memref<49152x64xf32, #tpu.memory_space<hbm>> -> memref<128x64xf32, #tpu.memory_space<hbm>>
    %dma_start3A_2639 = arith.constant 1152 : i32
    %dma_start3A_2640 = arith.constant 0 : i32
    %dma_start3A_2641 = tpu.memref_slice %arg6[%dma_start3A_2639, %dma_start3A_2640] : memref<1536x64xf32, #tpu.memory_space<vmem>> -> memref<128x64xf32, #tpu.memory_space<vmem>>
    tpu.enqueue_dma source(%dma_start3A_2641 : memref<128x64xf32, #tpu.memory_space<vmem>>) target(%dma_start3A_2638 : memref<128x64xf32, #tpu.memory_space<hbm>>) target_semaphore(%arg8 : memref<!tpu.dma_semaphore, #tpu.memory_space<semaphore_mem>>)
    %dma_wait3A_2642 = arith.constant 10 : i32
    %dma_wait3A_2643 = arith.constant 1280 : i32
    %dma_wait3A_2644 = arith.constant 0 : i32
    %dma_wait3A_2645 = tpu.memref_slice %arg6[%dma_wait3A_2643, %dma_wait3A_2644] : memref<1536x64xf32, #tpu.memory_space<vmem>> -> memref<128x64xf32, #tpu.memory_space<vmem>>
    %dma_wait3A_2646 = arith.constant 0 : i32
    %dma_wait3A_2647 = tpu.memref_slice %arg5[%dma_wait3A_2642, %dma_wait3A_2646] : memref<12x128xi32, #tpu.memory_space<vmem>> -> memref<1x128xi32, #tpu.memory_space<vmem>>
    %dma_wait3A_2648 = tpu.memref_squeeze %dma_wait3A_2647 : memref<1x128xi32, #tpu.memory_space<vmem>> -> memref<128xi32, #tpu.memory_space<vmem>>
    %dma_wait3A_2649 = arith.constant 0 : i32
    %dma_wait3A_2650 = arith.constant 0 : i32
    %dma_wait3A_2651 = tpu.memref_slice %arg3[%dma_wait3A_2649, %dma_wait3A_2650] : memref<6144x64xf32, #tpu.memory_space<hbm>> -> memref<6144x64xf32, #tpu.memory_space<hbm>>
    tpu.wait_indirect_dma semaphore(%arg7 : memref<!tpu.dma_semaphore, #tpu.memory_space<semaphore_mem>>) src(%dma_wait3A_2651 : memref<6144x64xf32, #tpu.memory_space<hbm>>) dst(%dma_wait3A_2645 : memref<128x64xf32, #tpu.memory_space<vmem>>)
    %add3A_2652 = arith.constant 1280 : i32
    %add3A_2653 = arith.addi %mul3A_2, %add3A_2652 : i32
    %dma_start3A_2654 = arith.constant 1280 : i32
    %dma_start3A_2655 = arith.constant 0 : i32
    %dma_start3A_2656 = tpu.memref_slice %arg6[%dma_start3A_2654, %dma_start3A_2655] : memref<1536x64xf32, #tpu.memory_space<vmem>> -> memref<128x64xf32, #tpu.memory_space<vmem>>
    %dma_start3A_2657 = arith.constant 0 : i32
    %dma_start3A_2658 = tpu.memref_slice %arg4[%add3A_2653, %dma_start3A_2657] : memref<49152x64xf32, #tpu.memory_space<hbm>> -> memref<128x64xf32, #tpu.memory_space<hbm>>
    %dma_start3A_2659 = arith.constant 0 : i32
    %dma_start3A_2660 = tpu.memref_slice %arg4[%add3A_2653, %dma_start3A_2659] : memref<49152x64xf32, #tpu.memory_space<hbm>> -> memref<128x64xf32, #tpu.memory_space<hbm>>
    %dma_start3A_2661 = arith.constant 1280 : i32
    %dma_start3A_2662 = arith.constant 0 : i32
    %dma_start3A_2663 = tpu.memref_slice %arg6[%dma_start3A_2661, %dma_start3A_2662] : memref<1536x64xf32, #tpu.memory_space<vmem>> -> memref<128x64xf32, #tpu.memory_space<vmem>>
    tpu.enqueue_dma source(%dma_start3A_2663 : memref<128x64xf32, #tpu.memory_space<vmem>>) target(%dma_start3A_2660 : memref<128x64xf32, #tpu.memory_space<hbm>>) target_semaphore(%arg8 : memref<!tpu.dma_semaphore, #tpu.memory_space<semaphore_mem>>)
    %dma_wait3A_2664 = arith.constant 11 : i32
    %dma_wait3A_2665 = arith.constant 1408 : i32
    %dma_wait3A_2666 = arith.constant 0 : i32
    %dma_wait3A_2667 = tpu.memref_slice %arg6[%dma_wait3A_2665, %dma_wait3A_2666] : memref<1536x64xf32, #tpu.memory_space<vmem>> -> memref<128x64xf32, #tpu.memory_space<vmem>>
    %dma_wait3A_2668 = arith.constant 0 : i32
    %dma_wait3A_2669 = tpu.memref_slice %arg5[%dma_wait3A_2664, %dma_wait3A_2668] : memref<12x128xi32, #tpu.memory_space<vmem>> -> memref<1x128xi32, #tpu.memory_space<vmem>>
    %dma_wait3A_2670 = tpu.memref_squeeze %dma_wait3A_2669 : memref<1x128xi32, #tpu.memory_space<vmem>> -> memref<128xi32, #tpu.memory_space<vmem>>
    %dma_wait3A_2671 = arith.constant 0 : i32
    %dma_wait3A_2672 = arith.constant 0 : i32
    %dma_wait3A_2673 = tpu.memref_slice %arg3[%dma_wait3A_2671, %dma_wait3A_2672] : memref<6144x64xf32, #tpu.memory_space<hbm>> -> memref<6144x64xf32, #tpu.memory_space<hbm>>
    tpu.wait_indirect_dma semaphore(%arg7 : memref<!tpu.dma_semaphore, #tpu.memory_space<semaphore_mem>>) src(%dma_wait3A_2673 : memref<6144x64xf32, #tpu.memory_space<hbm>>) dst(%dma_wait3A_2667 : memref<128x64xf32, #tpu.memory_space<vmem>>)
    %add3A_2674 = arith.constant 1408 : i32
    %add3A_2675 = arith.addi %mul3A_2, %add3A_2674 : i32
    %dma_start3A_2676 = arith.constant 1408 : i32
    %dma_start3A_2677 = arith.constant 0 : i32
    %dma_start3A_2678 = tpu.memref_slice %arg6[%dma_start3A_2676, %dma_start3A_2677] : memref<1536x64xf32, #tpu.memory_space<vmem>> -> memref<128x64xf32, #tpu.memory_space<vmem>>
    %dma_start3A_2679 = arith.constant 0 : i32
    %dma_start3A_2680 = tpu.memref_slice %arg4[%add3A_2675, %dma_start3A_2679] : memref<49152x64xf32, #tpu.memory_space<hbm>> -> memref<128x64xf32, #tpu.memory_space<hbm>>
    %dma_start3A_2681 = arith.constant 0 : i32
    %dma_start3A_2682 = tpu.memref_slice %arg4[%add3A_2675, %dma_start3A_2681] : memref<49152x64xf32, #tpu.memory_space<hbm>> -> memref<128x64xf32, #tpu.memory_space<hbm>>
    %dma_start3A_2683 = arith.constant 1408 : i32
    %dma_start3A_2684 = arith.constant 0 : i32
    %dma_start3A_2685 = tpu.memref_slice %arg6[%dma_start3A_2683, %dma_start3A_2684] : memref<1536x64xf32, #tpu.memory_space<vmem>> -> memref<128x64xf32, #tpu.memory_space<vmem>>
    tpu.enqueue_dma source(%dma_start3A_2685 : memref<128x64xf32, #tpu.memory_space<vmem>>) target(%dma_start3A_2682 : memref<128x64xf32, #tpu.memory_space<hbm>>) target_semaphore(%arg8 : memref<!tpu.dma_semaphore, #tpu.memory_space<semaphore_mem>>)
    %dma_wait3A_2686 = arith.constant 0 : i32
    %dma_wait3A_2687 = arith.constant 0 : i32
    %dma_wait3A_2688 = tpu.memref_slice %arg6[%dma_wait3A_2686, %dma_wait3A_2687] : memref<1536x64xf32, #tpu.memory_space<vmem>> -> memref<128x64xf32, #tpu.memory_space<vmem>>
    %dma_wait3A_2689 = arith.constant 0 : i32
    %dma_wait3A_2690 = tpu.memref_slice %arg4[%add3A_2433, %dma_wait3A_2689] : memref<49152x64xf32, #tpu.memory_space<hbm>> -> memref<128x64xf32, #tpu.memory_space<hbm>>
    %dma_wait3A_2691 = arith.constant 0 : i32
    %dma_wait3A_2692 = tpu.memref_slice %arg4[%add3A_2433, %dma_wait3A_2691] : memref<49152x64xf32, #tpu.memory_space<hbm>> -> memref<128x64xf32, #tpu.memory_space<hbm>>
    %dma_wait3A_2693 = arith.constant 0 : i32
    %dma_wait3A_2694 = arith.constant 0 : i32
    %dma_wait3A_2695 = tpu.memref_slice %arg6[%dma_wait3A_2693, %dma_wait3A_2694] : memref<1536x64xf32, #tpu.memory_space<vmem>> -> memref<128x64xf32, #tpu.memory_space<vmem>>
    tpu.wait_dma2 semaphore(%arg8 : memref<!tpu.dma_semaphore, #tpu.memory_space<semaphore_mem>>) src(%dma_wait3A_2695 : memref<128x64xf32, #tpu.memory_space<vmem>>) dst(%dma_wait3A_2692 : memref<128x64xf32, #tpu.memory_space<hbm>>)
    %dma_wait3A_2696 = arith.constant 128 : i32
    %dma_wait3A_2697 = arith.constant 0 : i32
    %dma_wait3A_2698 = tpu.memref_slice %arg6[%dma_wait3A_2696, %dma_wait3A_2697] : memref<1536x64xf32, #tpu.memory_space<vmem>> -> memref<128x64xf32, #tpu.memory_space<vmem>>
    %dma_wait3A_2699 = arith.constant 0 : i32
    %dma_wait3A_2700 = tpu.memref_slice %arg4[%add3A_2455, %dma_wait3A_2699] : memref<49152x64xf32, #tpu.memory_space<hbm>> -> memref<128x64xf32, #tpu.memory_space<hbm>>
    %dma_wait3A_2701 = arith.constant 0 : i32
    %dma_wait3A_2702 = tpu.memref_slice %arg4[%add3A_2455, %dma_wait3A_2701] : memref<49152x64xf32, #tpu.memory_space<hbm>> -> memref<128x64xf32, #tpu.memory_space<hbm>>
    %dma_wait3A_2703 = arith.constant 128 : i32
    %dma_wait3A_2704 = arith.constant 0 : i32
    %dma_wait3A_2705 = tpu.memref_slice %arg6[%dma_wait3A_2703, %dma_wait3A_2704] : memref<1536x64xf32, #tpu.memory_space<vmem>> -> memref<128x64xf32, #tpu.memory_space<vmem>>
    tpu.wait_dma2 semaphore(%arg8 : memref<!tpu.dma_semaphore, #tpu.memory_space<semaphore_mem>>) src(%dma_wait3A_2705 : memref<128x64xf32, #tpu.memory_space<vmem>>) dst(%dma_wait3A_2702 : memref<128x64xf32, #tpu.memory_space<hbm>>)
    %dma_wait3A_2706 = arith.constant 256 : i32
    %dma_wait3A_2707 = arith.constant 0 : i32
    %dma_wait3A_2708 = tpu.memref_slice %arg6[%dma_wait3A_2706, %dma_wait3A_2707] : memref<1536x64xf32, #tpu.memory_space<vmem>> -> memref<128x64xf32, #tpu.memory_space<vmem>>
    %dma_wait3A_2709 = arith.constant 0 : i32
    %dma_wait3A_2710 = tpu.memref_slice %arg4[%add3A_2477, %dma_wait3A_2709] : memref<49152x64xf32, #tpu.memory_space<hbm>> -> memref<128x64xf32, #tpu.memory_space<hbm>>
    %dma_wait3A_2711 = arith.constant 0 : i32
    %dma_wait3A_2712 = tpu.memref_slice %arg4[%add3A_2477, %dma_wait3A_2711] : memref<49152x64xf32, #tpu.memory_space<hbm>> -> memref<128x64xf32, #tpu.memory_space<hbm>>
    %dma_wait3A_2713 = arith.constant 256 : i32
    %dma_wait3A_2714 = arith.constant 0 : i32
    %dma_wait3A_2715 = tpu.memref_slice %arg6[%dma_wait3A_2713, %dma_wait3A_2714] : memref<1536x64xf32, #tpu.memory_space<vmem>> -> memref<128x64xf32, #tpu.memory_space<vmem>>
    tpu.wait_dma2 semaphore(%arg8 : memref<!tpu.dma_semaphore, #tpu.memory_space<semaphore_mem>>) src(%dma_wait3A_2715 : memref<128x64xf32, #tpu.memory_space<vmem>>) dst(%dma_wait3A_2712 : memref<128x64xf32, #tpu.memory_space<hbm>>)
    %dma_wait3A_2716 = arith.constant 384 : i32
    %dma_wait3A_2717 = arith.constant 0 : i32
    %dma_wait3A_2718 = tpu.memref_slice %arg6[%dma_wait3A_2716, %dma_wait3A_2717] : memref<1536x64xf32, #tpu.memory_space<vmem>> -> memref<128x64xf32, #tpu.memory_space<vmem>>
    %dma_wait3A_2719 = arith.constant 0 : i32
    %dma_wait3A_2720 = tpu.memref_slice %arg4[%add3A_2499, %dma_wait3A_2719] : memref<49152x64xf32, #tpu.memory_space<hbm>> -> memref<128x64xf32, #tpu.memory_space<hbm>>
    %dma_wait3A_2721 = arith.constant 0 : i32
    %dma_wait3A_2722 = tpu.memref_slice %arg4[%add3A_2499, %dma_wait3A_2721] : memref<49152x64xf32, #tpu.memory_space<hbm>> -> memref<128x64xf32, #tpu.memory_space<hbm>>
    %dma_wait3A_2723 = arith.constant 384 : i32
    %dma_wait3A_2724 = arith.constant 0 : i32
    %dma_wait3A_2725 = tpu.memref_slice %arg6[%dma_wait3A_2723, %dma_wait3A_2724] : memref<1536x64xf32, #tpu.memory_space<vmem>> -> memref<128x64xf32, #tpu.memory_space<vmem>>
    tpu.wait_dma2 semaphore(%arg8 : memref<!tpu.dma_semaphore, #tpu.memory_space<semaphore_mem>>) src(%dma_wait3A_2725 : memref<128x64xf32, #tpu.memory_space<vmem>>) dst(%dma_wait3A_2722 : memref<128x64xf32, #tpu.memory_space<hbm>>)
    %dma_wait3A_2726 = arith.constant 512 : i32
    %dma_wait3A_2727 = arith.constant 0 : i32
    %dma_wait3A_2728 = tpu.memref_slice %arg6[%dma_wait3A_2726, %dma_wait3A_2727] : memref<1536x64xf32, #tpu.memory_space<vmem>> -> memref<128x64xf32, #tpu.memory_space<vmem>>
    %dma_wait3A_2729 = arith.constant 0 : i32
    %dma_wait3A_2730 = tpu.memref_slice %arg4[%add3A_2521, %dma_wait3A_2729] : memref<49152x64xf32, #tpu.memory_space<hbm>> -> memref<128x64xf32, #tpu.memory_space<hbm>>
    %dma_wait3A_2731 = arith.constant 0 : i32
    %dma_wait3A_2732 = tpu.memref_slice %arg4[%add3A_2521, %dma_wait3A_2731] : memref<49152x64xf32, #tpu.memory_space<hbm>> -> memref<128x64xf32, #tpu.memory_space<hbm>>
    %dma_wait3A_2733 = arith.constant 512 : i32
    %dma_wait3A_2734 = arith.constant 0 : i32
    %dma_wait3A_2735 = tpu.memref_slice %arg6[%dma_wait3A_2733, %dma_wait3A_2734] : memref<1536x64xf32, #tpu.memory_space<vmem>> -> memref<128x64xf32, #tpu.memory_space<vmem>>
    tpu.wait_dma2 semaphore(%arg8 : memref<!tpu.dma_semaphore, #tpu.memory_space<semaphore_mem>>) src(%dma_wait3A_2735 : memref<128x64xf32, #tpu.memory_space<vmem>>) dst(%dma_wait3A_2732 : memref<128x64xf32, #tpu.memory_space<hbm>>)
    %dma_wait3A_2736 = arith.constant 640 : i32
    %dma_wait3A_2737 = arith.constant 0 : i32
    %dma_wait3A_2738 = tpu.memref_slice %arg6[%dma_wait3A_2736, %dma_wait3A_2737] : memref<1536x64xf32, #tpu.memory_space<vmem>> -> memref<128x64xf32, #tpu.memory_space<vmem>>
    %dma_wait3A_2739 = arith.constant 0 : i32
    %dma_wait3A_2740 = tpu.memref_slice %arg4[%add3A_2543, %dma_wait3A_2739] : memref<49152x64xf32, #tpu.memory_space<hbm>> -> memref<128x64xf32, #tpu.memory_space<hbm>>
    %dma_wait3A_2741 = arith.constant 0 : i32
    %dma_wait3A_2742 = tpu.memref_slice %arg4[%add3A_2543, %dma_wait3A_2741] : memref<49152x64xf32, #tpu.memory_space<hbm>> -> memref<128x64xf32, #tpu.memory_space<hbm>>
    %dma_wait3A_2743 = arith.constant 640 : i32
    %dma_wait3A_2744 = arith.constant 0 : i32
    %dma_wait3A_2745 = tpu.memref_slice %arg6[%dma_wait3A_2743, %dma_wait3A_2744] : memref<1536x64xf32, #tpu.memory_space<vmem>> -> memref<128x64xf32, #tpu.memory_space<vmem>>
    tpu.wait_dma2 semaphore(%arg8 : memref<!tpu.dma_semaphore, #tpu.memory_space<semaphore_mem>>) src(%dma_wait3A_2745 : memref<128x64xf32, #tpu.memory_space<vmem>>) dst(%dma_wait3A_2742 : memref<128x64xf32, #tpu.memory_space<hbm>>)
    %dma_wait3A_2746 = arith.constant 768 : i32
    %dma_wait3A_2747 = arith.constant 0 : i32
    %dma_wait3A_2748 = tpu.memref_slice %arg6[%dma_wait3A_2746, %dma_wait3A_2747] : memref<1536x64xf32, #tpu.memory_space<vmem>> -> memref<128x64xf32, #tpu.memory_space<vmem>>
    %dma_wait3A_2749 = arith.constant 0 : i32
    %dma_wait3A_2750 = tpu.memref_slice %arg4[%add3A_2565, %dma_wait3A_2749] : memref<49152x64xf32, #tpu.memory_space<hbm>> -> memref<128x64xf32, #tpu.memory_space<hbm>>
    %dma_wait3A_2751 = arith.constant 0 : i32
    %dma_wait3A_2752 = tpu.memref_slice %arg4[%add3A_2565, %dma_wait3A_2751] : memref<49152x64xf32, #tpu.memory_space<hbm>> -> memref<128x64xf32, #tpu.memory_space<hbm>>
    %dma_wait3A_2753 = arith.constant 768 : i32
    %dma_wait3A_2754 = arith.constant 0 : i32
    %dma_wait3A_2755 = tpu.memref_slice %arg6[%dma_wait3A_2753, %dma_wait3A_2754] : memref<1536x64xf32, #tpu.memory_space<vmem>> -> memref<128x64xf32, #tpu.memory_space<vmem>>
    tpu.wait_dma2 semaphore(%arg8 : memref<!tpu.dma_semaphore, #tpu.memory_space<semaphore_mem>>) src(%dma_wait3A_2755 : memref<128x64xf32, #tpu.memory_space<vmem>>) dst(%dma_wait3A_2752 : memref<128x64xf32, #tpu.memory_space<hbm>>)
    %dma_wait3A_2756 = arith.constant 896 : i32
    %dma_wait3A_2757 = arith.constant 0 : i32
    %dma_wait3A_2758 = tpu.memref_slice %arg6[%dma_wait3A_2756, %dma_wait3A_2757] : memref<1536x64xf32, #tpu.memory_space<vmem>> -> memref<128x64xf32, #tpu.memory_space<vmem>>
    %dma_wait3A_2759 = arith.constant 0 : i32
    %dma_wait3A_2760 = tpu.memref_slice %arg4[%add3A_2587, %dma_wait3A_2759] : memref<49152x64xf32, #tpu.memory_space<hbm>> -> memref<128x64xf32, #tpu.memory_space<hbm>>
    %dma_wait3A_2761 = arith.constant 0 : i32
    %dma_wait3A_2762 = tpu.memref_slice %arg4[%add3A_2587, %dma_wait3A_2761] : memref<49152x64xf32, #tpu.memory_space<hbm>> -> memref<128x64xf32, #tpu.memory_space<hbm>>
    %dma_wait3A_2763 = arith.constant 896 : i32
    %dma_wait3A_2764 = arith.constant 0 : i32
    %dma_wait3A_2765 = tpu.memref_slice %arg6[%dma_wait3A_2763, %dma_wait3A_2764] : memref<1536x64xf32, #tpu.memory_space<vmem>> -> memref<128x64xf32, #tpu.memory_space<vmem>>
    tpu.wait_dma2 semaphore(%arg8 : memref<!tpu.dma_semaphore, #tpu.memory_space<semaphore_mem>>) src(%dma_wait3A_2765 : memref<128x64xf32, #tpu.memory_space<vmem>>) dst(%dma_wait3A_2762 : memref<128x64xf32, #tpu.memory_space<hbm>>)
    %dma_wait3A_2766 = arith.constant 1024 : i32
    %dma_wait3A_2767 = arith.constant 0 : i32
    %dma_wait3A_2768 = tpu.memref_slice %arg6[%dma_wait3A_2766, %dma_wait3A_2767] : memref<1536x64xf32, #tpu.memory_space<vmem>> -> memref<128x64xf32, #tpu.memory_space<vmem>>
    %dma_wait3A_2769 = arith.constant 0 : i32
    %dma_wait3A_2770 = tpu.memref_slice %arg4[%add3A_2609, %dma_wait3A_2769] : memref<49152x64xf32, #tpu.memory_space<hbm>> -> memref<128x64xf32, #tpu.memory_space<hbm>>
    %dma_wait3A_2771 = arith.constant 0 : i32
    %dma_wait3A_2772 = tpu.memref_slice %arg4[%add3A_2609, %dma_wait3A_2771] : memref<49152x64xf32, #tpu.memory_space<hbm>> -> memref<128x64xf32, #tpu.memory_space<hbm>>
    %dma_wait3A_2773 = arith.constant 1024 : i32
    %dma_wait3A_2774 = arith.constant 0 : i32
    %dma_wait3A_2775 = tpu.memref_slice %arg6[%dma_wait3A_2773, %dma_wait3A_2774] : memref<1536x64xf32, #tpu.memory_space<vmem>> -> memref<128x64xf32, #tpu.memory_space<vmem>>
    tpu.wait_dma2 semaphore(%arg8 : memref<!tpu.dma_semaphore, #tpu.memory_space<semaphore_mem>>) src(%dma_wait3A_2775 : memref<128x64xf32, #tpu.memory_space<vmem>>) dst(%dma_wait3A_2772 : memref<128x64xf32, #tpu.memory_space<hbm>>)
    %dma_wait3A_2776 = arith.constant 1152 : i32
    %dma_wait3A_2777 = arith.constant 0 : i32
    %dma_wait3A_2778 = tpu.memref_slice %arg6[%dma_wait3A_2776, %dma_wait3A_2777] : memref<1536x64xf32, #tpu.memory_space<vmem>> -> memref<128x64xf32, #tpu.memory_space<vmem>>
    %dma_wait3A_2779 = arith.constant 0 : i32
    %dma_wait3A_2780 = tpu.memref_slice %arg4[%add3A_2631, %dma_wait3A_2779] : memref<49152x64xf32, #tpu.memory_space<hbm>> -> memref<128x64xf32, #tpu.memory_space<hbm>>
    %dma_wait3A_2781 = arith.constant 0 : i32
    %dma_wait3A_2782 = tpu.memref_slice %arg4[%add3A_2631, %dma_wait3A_2781] : memref<49152x64xf32, #tpu.memory_space<hbm>> -> memref<128x64xf32, #tpu.memory_space<hbm>>
    %dma_wait3A_2783 = arith.constant 1152 : i32
    %dma_wait3A_2784 = arith.constant 0 : i32
    %dma_wait3A_2785 = tpu.memref_slice %arg6[%dma_wait3A_2783, %dma_wait3A_2784] : memref<1536x64xf32, #tpu.memory_space<vmem>> -> memref<128x64xf32, #tpu.memory_space<vmem>>
    tpu.wait_dma2 semaphore(%arg8 : memref<!tpu.dma_semaphore, #tpu.memory_space<semaphore_mem>>) src(%dma_wait3A_2785 : memref<128x64xf32, #tpu.memory_space<vmem>>) dst(%dma_wait3A_2782 : memref<128x64xf32, #tpu.memory_space<hbm>>)
    %dma_wait3A_2786 = arith.constant 1280 : i32
    %dma_wait3A_2787 = arith.constant 0 : i32
    %dma_wait3A_2788 = tpu.memref_slice %arg6[%dma_wait3A_2786, %dma_wait3A_2787] : memref<1536x64xf32, #tpu.memory_space<vmem>> -> memref<128x64xf32, #tpu.memory_space<vmem>>
    %dma_wait3A_2789 = arith.constant 0 : i32
    %dma_wait3A_2790 = tpu.memref_slice %arg4[%add3A_2653, %dma_wait3A_2789] : memref<49152x64xf32, #tpu.memory_space<hbm>> -> memref<128x64xf32, #tpu.memory_space<hbm>>
    %dma_wait3A_2791 = arith.constant 0 : i32
    %dma_wait3A_2792 = tpu.memref_slice %arg4[%add3A_2653, %dma_wait3A_2791] : memref<49152x64xf32, #tpu.memory_space<hbm>> -> memref<128x64xf32, #tpu.memory_space<hbm>>
    %dma_wait3A_2793 = arith.constant 1280 : i32
    %dma_wait3A_2794 = arith.constant 0 : i32
    %dma_wait3A_2795 = tpu.memref_slice %arg6[%dma_wait3A_2793, %dma_wait3A_2794] : memref<1536x64xf32, #tpu.memory_space<vmem>> -> memref<128x64xf32, #tpu.memory_space<vmem>>
    tpu.wait_dma2 semaphore(%arg8 : memref<!tpu.dma_semaphore, #tpu.memory_space<semaphore_mem>>) src(%dma_wait3A_2795 : memref<128x64xf32, #tpu.memory_space<vmem>>) dst(%dma_wait3A_2792 : memref<128x64xf32, #tpu.memory_space<hbm>>)
    %dma_wait3A_2796 = arith.constant 1408 : i32
    %dma_wait3A_2797 = arith.constant 0 : i32
    %dma_wait3A_2798 = tpu.memref_slice %arg6[%dma_wait3A_2796, %dma_wait3A_2797] : memref<1536x64xf32, #tpu.memory_space<vmem>> -> memref<128x64xf32, #tpu.memory_space<vmem>>
    %dma_wait3A_2799 = arith.constant 0 : i32
    %dma_wait3A_2800 = tpu.memref_slice %arg4[%add3A_2675, %dma_wait3A_2799] : memref<49152x64xf32, #tpu.memory_space<hbm>> -> memref<128x64xf32, #tpu.memory_space<hbm>>
    %dma_wait3A_2801 = arith.constant 0 : i32
    %dma_wait3A_2802 = tpu.memref_slice %arg4[%add3A_2675, %dma_wait3A_2801] : memref<49152x64xf32, #tpu.memory_space<hbm>> -> memref<128x64xf32, #tpu.memory_space<hbm>>
    %dma_wait3A_2803 = arith.constant 1408 : i32
    %dma_wait3A_2804 = arith.constant 0 : i32
    %dma_wait3A_2805 = tpu.memref_slice %arg6[%dma_wait3A_2803, %dma_wait3A_2804] : memref<1536x64xf32, #tpu.memory_space<vmem>> -> memref<128x64xf32, #tpu.memory_space<vmem>>
    tpu.wait_dma2 semaphore(%arg8 : memref<!tpu.dma_semaphore, #tpu.memory_space<semaphore_mem>>) src(%dma_wait3A_2805 : memref<128x64xf32, #tpu.memory_space<vmem>>) dst(%dma_wait3A_2802 : memref<128x64xf32, #tpu.memory_space<hbm>>)
    return
  }
}

module attributes {stable_mosaic.version = 14 : i64} {
  func.func @_dist_body(%arg0: i32, %arg1: memref<512x384xf32, #tpu.memory_space<vmem>>, %arg2: memref<512x384xf32, #tpu.memory_space<vmem>>, %arg3: memref<6x64x1024xf32, #tpu.memory_space<vmem>>, %arg4: memref<512x6xi32, #tpu.memory_space<vmem>>, %arg5: memref<1x1xf32, #tpu.memory_space<vmem>>) attributes {dimension_semantics = [#tpu.dimension_semantics<arbitrary>], iteration_bounds = array<i64: 16>, scalar_prefetch = 0 : i64, scratch_operands = 0 : i64, tpu.core_type = #tpu.core_type<tc>, window_params = [{transform_indices = @transform_0, window_bounds = array<i64: 512, 384>}, {transform_indices = @transform_1, window_bounds = array<i64: 512, 384>}, {pipeline_mode = #tpu.pipeline_mode<synchronous>, transform_indices = @transform_2, window_bounds = array<i64: 6, 64, 1024>}, {transform_indices = @transform_3, window_bounds = array<i64: 512, 6>}, {pipeline_mode = #tpu.pipeline_mode<synchronous>, transform_indices = @transform_4, window_bounds = array<i64: 1, 1>}]} {
    %get3A = arith.constant 0 : index
    %get3A_0 = arith.constant 0 : index
    %get3A_1 = vector.load %arg1[%get3A, %get3A_0] : memref<512x384xf32, #tpu.memory_space<vmem>>, vector<512x384xf32>
    %get3A_2 = arith.constant 0 : index
    %get3A_3 = arith.constant 0 : index
    %get3A_4 = vector.load %arg2[%get3A_2, %get3A_3] : memref<512x384xf32, #tpu.memory_space<vmem>>, vector<512x384xf32>
    %sub3A = arith.subf %get3A_1, %get3A_4 : vector<512x384xf32>
    %iota3A = tpu.iota {dimensions = array<i32: 1>} : vector<512x128xi32>
    %convert_element_type3A = arith.sitofp %iota3A : vector<512x128xi32> to vector<512x128xf32>
    %mul3A = arith.mulf %sub3A, %sub3A : vector<512x384xf32>
    %reduce_sum3A = vector.shape_cast %mul3A : vector<512x384xf32> to vector<1x512x384xf32>
    %reduce_sum3A_5 = arith.constant dense<0.000000e+00> : vector<1xf32>
    %reduce_sum3A_6 = vector.multi_reduction <add>, %reduce_sum3A, %reduce_sum3A_5 [1, 2] : vector<1x512x384xf32> to vector<1xf32>
    %reduce_sum3A_7 = vector.shape_cast %reduce_sum3A_6 : vector<1xf32> to vector<1x1x1xf32>
    %reduce_sum3A_8 = vector.extract %reduce_sum3A_7[0, 0, 0] : f32 from vector<1x1x1xf32>
    %slice3A = vector.extract_strided_slice %sub3A {offsets = [0, 0], sizes = [512, 64], strides = [1, 1]} : vector<512x384xf32> to vector<512x64xf32>
    %get3A_9 = arith.constant 0 : index
    %get3A_10 = arith.constant 0 : index
    %get3A_11 = arith.constant 0 : index
    %get3A_12 = vector.load %arg3[%get3A_9, %get3A_10, %get3A_11] : memref<6x64x1024xf32, #tpu.memory_space<vmem>>, vector<1x64x1024xf32>
    %get3A_13 = vector.shape_cast %get3A_12 : vector<1x64x1024xf32> to vector<64x1024xf32>
    %dot_general3A = arith.constant dense<0.000000e+00> : vector<512x1024xf32>
    %dot_general3A_14 = tpu.matmul %slice3A, %get3A_13, %dot_general3A {dimension_numbers = #tpu.dot_dimension_numbers<[1], [0], [0], [1], [0, 0, 1, 1], [], []>, transpose_lhs_hint = false} : vector<512x64xf32>, vector<64x1024xf32>, vector<512x1024xf32> -> vector<512x1024xf32>
    %mul3A_15 = arith.mulf %get3A_13, %get3A_13 : vector<64x1024xf32>
    %reduce_sum3A_16 = arith.constant dense<0.000000e+00> : vector<1024xf32>
    %reduce_sum3A_17 = vector.multi_reduction <add>, %mul3A_15, %reduce_sum3A_16 [0] : vector<64x1024xf32> to vector<1024xf32>
    %broadcast_in_dim3A = vector.shape_cast %reduce_sum3A_17 : vector<1024xf32> to vector<1x1024xf32>
    %mul3A_18 = arith.constant 2.500000e-01 : f32
    %mul3A_19 = vector.broadcast %mul3A_18 : f32 to vector<1x1024xf32>
    %mul3A_20 = arith.mulf %mul3A_19, %broadcast_in_dim3A : vector<1x1024xf32>
    %slice3A_21 = vector.extract_strided_slice %dot_general3A_14 {offsets = [0, 0], sizes = [512, 128], strides = [1, 1]} : vector<512x1024xf32> to vector<512x128xf32>
    %slice3A_22 = vector.extract_strided_slice %mul3A_20 {offsets = [0, 0], sizes = [1, 128], strides = [1, 1]} : vector<1x1024xf32> to vector<1x128xf32>
    %add3A = vector.broadcast %slice3A_22 : vector<1x128xf32> to vector<512x128xf32>
    %add3A_23 = arith.addf %slice3A_21, %add3A : vector<512x128xf32>
    %broadcast_in_dim3A_24 = arith.constant 0.000000e+00 : f32
    %broadcast_in_dim3A_25 = vector.broadcast %broadcast_in_dim3A_24 : f32 to vector<512x128xf32>
    %slice3A_26 = vector.extract_strided_slice %dot_general3A_14 {offsets = [0, 128], sizes = [512, 128], strides = [1, 1]} : vector<512x1024xf32> to vector<512x128xf32>
    %slice3A_27 = vector.extract_strided_slice %mul3A_20 {offsets = [0, 128], sizes = [1, 128], strides = [1, 1]} : vector<1x1024xf32> to vector<1x128xf32>
    %add3A_28 = vector.broadcast %slice3A_27 : vector<1x128xf32> to vector<512x128xf32>
    %add3A_29 = arith.addf %slice3A_26, %add3A_28 : vector<512x128xf32>
    %lt3A = arith.cmpf olt, %add3A_29, %add3A_23 : vector<512x128xf32>
    %select_n3A = arith.select %lt3A, %add3A_29, %add3A_23 : vector<512x128xi1>, vector<512x128xf32>
    %jit3A = arith.constant 1.000000e+00 : f32
    %broadcast_in_dim3A_30 = vector.broadcast %jit3A : f32 to vector<512x128xf32>
    %select_n3A_31 = arith.select %lt3A, %broadcast_in_dim3A_30, %broadcast_in_dim3A_25 : vector<512x128xi1>, vector<512x128xf32>
    %slice3A_32 = vector.extract_strided_slice %dot_general3A_14 {offsets = [0, 256], sizes = [512, 128], strides = [1, 1]} : vector<512x1024xf32> to vector<512x128xf32>
    %slice3A_33 = vector.extract_strided_slice %mul3A_20 {offsets = [0, 256], sizes = [1, 128], strides = [1, 1]} : vector<1x1024xf32> to vector<1x128xf32>
    %add3A_34 = vector.broadcast %slice3A_33 : vector<1x128xf32> to vector<512x128xf32>
    %add3A_35 = arith.addf %slice3A_32, %add3A_34 : vector<512x128xf32>
    %lt3A_36 = arith.cmpf olt, %add3A_35, %select_n3A : vector<512x128xf32>
    %select_n3A_37 = arith.select %lt3A_36, %add3A_35, %select_n3A : vector<512x128xi1>, vector<512x128xf32>
    %jit3A_38 = arith.constant 2.000000e+00 : f32
    %broadcast_in_dim3A_39 = vector.broadcast %jit3A_38 : f32 to vector<512x128xf32>
    %select_n3A_40 = arith.select %lt3A_36, %broadcast_in_dim3A_39, %select_n3A_31 : vector<512x128xi1>, vector<512x128xf32>
    %slice3A_41 = vector.extract_strided_slice %dot_general3A_14 {offsets = [0, 384], sizes = [512, 128], strides = [1, 1]} : vector<512x1024xf32> to vector<512x128xf32>
    %slice3A_42 = vector.extract_strided_slice %mul3A_20 {offsets = [0, 384], sizes = [1, 128], strides = [1, 1]} : vector<1x1024xf32> to vector<1x128xf32>
    %add3A_43 = vector.broadcast %slice3A_42 : vector<1x128xf32> to vector<512x128xf32>
    %add3A_44 = arith.addf %slice3A_41, %add3A_43 : vector<512x128xf32>
    %lt3A_45 = arith.cmpf olt, %add3A_44, %select_n3A_37 : vector<512x128xf32>
    %select_n3A_46 = arith.select %lt3A_45, %add3A_44, %select_n3A_37 : vector<512x128xi1>, vector<512x128xf32>
    %jit3A_47 = arith.constant 3.000000e+00 : f32
    %broadcast_in_dim3A_48 = vector.broadcast %jit3A_47 : f32 to vector<512x128xf32>
    %select_n3A_49 = arith.select %lt3A_45, %broadcast_in_dim3A_48, %select_n3A_40 : vector<512x128xi1>, vector<512x128xf32>
    %slice3A_50 = vector.extract_strided_slice %dot_general3A_14 {offsets = [0, 512], sizes = [512, 128], strides = [1, 1]} : vector<512x1024xf32> to vector<512x128xf32>
    %slice3A_51 = vector.extract_strided_slice %mul3A_20 {offsets = [0, 512], sizes = [1, 128], strides = [1, 1]} : vector<1x1024xf32> to vector<1x128xf32>
    %add3A_52 = vector.broadcast %slice3A_51 : vector<1x128xf32> to vector<512x128xf32>
    %add3A_53 = arith.addf %slice3A_50, %add3A_52 : vector<512x128xf32>
    %lt3A_54 = arith.cmpf olt, %add3A_53, %select_n3A_46 : vector<512x128xf32>
    %select_n3A_55 = arith.select %lt3A_54, %add3A_53, %select_n3A_46 : vector<512x128xi1>, vector<512x128xf32>
    %jit3A_56 = arith.constant 4.000000e+00 : f32
    %broadcast_in_dim3A_57 = vector.broadcast %jit3A_56 : f32 to vector<512x128xf32>
    %select_n3A_58 = arith.select %lt3A_54, %broadcast_in_dim3A_57, %select_n3A_49 : vector<512x128xi1>, vector<512x128xf32>
    %slice3A_59 = vector.extract_strided_slice %dot_general3A_14 {offsets = [0, 640], sizes = [512, 128], strides = [1, 1]} : vector<512x1024xf32> to vector<512x128xf32>
    %slice3A_60 = vector.extract_strided_slice %mul3A_20 {offsets = [0, 640], sizes = [1, 128], strides = [1, 1]} : vector<1x1024xf32> to vector<1x128xf32>
    %add3A_61 = vector.broadcast %slice3A_60 : vector<1x128xf32> to vector<512x128xf32>
    %add3A_62 = arith.addf %slice3A_59, %add3A_61 : vector<512x128xf32>
    %lt3A_63 = arith.cmpf olt, %add3A_62, %select_n3A_55 : vector<512x128xf32>
    %select_n3A_64 = arith.select %lt3A_63, %add3A_62, %select_n3A_55 : vector<512x128xi1>, vector<512x128xf32>
    %jit3A_65 = arith.constant 5.000000e+00 : f32
    %broadcast_in_dim3A_66 = vector.broadcast %jit3A_65 : f32 to vector<512x128xf32>
    %select_n3A_67 = arith.select %lt3A_63, %broadcast_in_dim3A_66, %select_n3A_58 : vector<512x128xi1>, vector<512x128xf32>
    %slice3A_68 = vector.extract_strided_slice %dot_general3A_14 {offsets = [0, 768], sizes = [512, 128], strides = [1, 1]} : vector<512x1024xf32> to vector<512x128xf32>
    %slice3A_69 = vector.extract_strided_slice %mul3A_20 {offsets = [0, 768], sizes = [1, 128], strides = [1, 1]} : vector<1x1024xf32> to vector<1x128xf32>
    %add3A_70 = vector.broadcast %slice3A_69 : vector<1x128xf32> to vector<512x128xf32>
    %add3A_71 = arith.addf %slice3A_68, %add3A_70 : vector<512x128xf32>
    %lt3A_72 = arith.cmpf olt, %add3A_71, %select_n3A_64 : vector<512x128xf32>
    %select_n3A_73 = arith.select %lt3A_72, %add3A_71, %select_n3A_64 : vector<512x128xi1>, vector<512x128xf32>
    %jit3A_74 = arith.constant 6.000000e+00 : f32
    %broadcast_in_dim3A_75 = vector.broadcast %jit3A_74 : f32 to vector<512x128xf32>
    %select_n3A_76 = arith.select %lt3A_72, %broadcast_in_dim3A_75, %select_n3A_67 : vector<512x128xi1>, vector<512x128xf32>
    %slice3A_77 = vector.extract_strided_slice %dot_general3A_14 {offsets = [0, 896], sizes = [512, 128], strides = [1, 1]} : vector<512x1024xf32> to vector<512x128xf32>
    %slice3A_78 = vector.extract_strided_slice %mul3A_20 {offsets = [0, 896], sizes = [1, 128], strides = [1, 1]} : vector<1x1024xf32> to vector<1x128xf32>
    %add3A_79 = vector.broadcast %slice3A_78 : vector<1x128xf32> to vector<512x128xf32>
    %add3A_80 = arith.addf %slice3A_77, %add3A_79 : vector<512x128xf32>
    %lt3A_81 = arith.cmpf olt, %add3A_80, %select_n3A_73 : vector<512x128xf32>
    %select_n3A_82 = arith.select %lt3A_81, %add3A_80, %select_n3A_73 : vector<512x128xi1>, vector<512x128xf32>
    %jit3A_83 = arith.constant 7.000000e+00 : f32
    %broadcast_in_dim3A_84 = vector.broadcast %jit3A_83 : f32 to vector<512x128xf32>
    %select_n3A_85 = arith.select %lt3A_81, %broadcast_in_dim3A_84, %select_n3A_76 : vector<512x128xi1>, vector<512x128xf32>
    %reduce_min3A = arith.constant dense<0x7F800000> : vector<512xf32>
    %reduce_min3A_86 = vector.multi_reduction <minimumf>, %select_n3A_82, %reduce_min3A [1] : vector<512x128xf32> to vector<512xf32>
    %broadcast_in_dim3A_87 = vector.shape_cast %reduce_min3A_86 : vector<512xf32> to vector<512x1xf32>
    %eq3A = vector.broadcast %broadcast_in_dim3A_87 : vector<512x1xf32> to vector<512x128xf32>
    %eq3A_88 = arith.cmpf oeq, %select_n3A_82, %eq3A : vector<512x128xf32>
    %mul3A_89 = arith.constant 1.280000e+02 : f32
    %mul3A_90 = vector.broadcast %mul3A_89 : f32 to vector<512x128xf32>
    %mul3A_91 = arith.mulf %select_n3A_85, %mul3A_90 : vector<512x128xf32>
    %add3A_92 = arith.addf %mul3A_91, %convert_element_type3A : vector<512x128xf32>
    %jit3A_93 = arith.constant 1.024000e+03 : f32
    %broadcast_in_dim3A_94 = vector.broadcast %jit3A_93 : f32 to vector<512x128xf32>
    %select_n3A_95 = arith.select %eq3A_88, %add3A_92, %broadcast_in_dim3A_94 : vector<512x128xi1>, vector<512x128xf32>
    %reduce_min3A_96 = arith.constant dense<0x7F800000> : vector<512xf32>
    %reduce_min3A_97 = vector.multi_reduction <minimumf>, %select_n3A_95, %reduce_min3A_96 [1] : vector<512x128xf32> to vector<512xf32>
    %broadcast_in_dim3A_98 = vector.shape_cast %reduce_min3A_97 : vector<512xf32> to vector<512x1xf32>
    %reduce_sum3A_99 = vector.shape_cast %broadcast_in_dim3A_87 : vector<512x1xf32> to vector<1x512x1xf32>
    %reduce_sum3A_100 = arith.constant dense<0.000000e+00> : vector<1xf32>
    %reduce_sum3A_101 = vector.multi_reduction <add>, %reduce_sum3A_99, %reduce_sum3A_100 [1, 2] : vector<1x512x1xf32> to vector<1xf32>
    %reduce_sum3A_102 = vector.shape_cast %reduce_sum3A_101 : vector<1xf32> to vector<1x1x1xf32>
    %reduce_sum3A_103 = vector.extract %reduce_sum3A_102[0, 0, 0] : f32 from vector<1x1x1xf32>
    %add3A_104 = arith.addf %reduce_sum3A_8, %reduce_sum3A_103 : f32
    %slice3A_105 = vector.extract_strided_slice %sub3A {offsets = [0, 64], sizes = [512, 64], strides = [1, 1]} : vector<512x384xf32> to vector<512x64xf32>
    %get3A_106 = arith.constant 1 : index
    %get3A_107 = arith.constant 0 : index
    %get3A_108 = arith.constant 0 : index
    %get3A_109 = vector.load %arg3[%get3A_106, %get3A_107, %get3A_108] : memref<6x64x1024xf32, #tpu.memory_space<vmem>>, vector<1x64x1024xf32>
    %get3A_110 = vector.shape_cast %get3A_109 : vector<1x64x1024xf32> to vector<64x1024xf32>
    %dot_general3A_111 = arith.constant dense<0.000000e+00> : vector<512x1024xf32>
    %dot_general3A_112 = tpu.matmul %slice3A_105, %get3A_110, %dot_general3A_111 {dimension_numbers = #tpu.dot_dimension_numbers<[1], [0], [0], [1], [0, 0, 1, 1], [], []>, transpose_lhs_hint = false} : vector<512x64xf32>, vector<64x1024xf32>, vector<512x1024xf32> -> vector<512x1024xf32>
    %mul3A_113 = arith.mulf %get3A_110, %get3A_110 : vector<64x1024xf32>
    %reduce_sum3A_114 = arith.constant dense<0.000000e+00> : vector<1024xf32>
    %reduce_sum3A_115 = vector.multi_reduction <add>, %mul3A_113, %reduce_sum3A_114 [0] : vector<64x1024xf32> to vector<1024xf32>
    %broadcast_in_dim3A_116 = vector.shape_cast %reduce_sum3A_115 : vector<1024xf32> to vector<1x1024xf32>
    %mul3A_117 = arith.constant 2.500000e-01 : f32
    %mul3A_118 = vector.broadcast %mul3A_117 : f32 to vector<1x1024xf32>
    %mul3A_119 = arith.mulf %mul3A_118, %broadcast_in_dim3A_116 : vector<1x1024xf32>
    %slice3A_120 = vector.extract_strided_slice %dot_general3A_112 {offsets = [0, 0], sizes = [512, 128], strides = [1, 1]} : vector<512x1024xf32> to vector<512x128xf32>
    %slice3A_121 = vector.extract_strided_slice %mul3A_119 {offsets = [0, 0], sizes = [1, 128], strides = [1, 1]} : vector<1x1024xf32> to vector<1x128xf32>
    %add3A_122 = vector.broadcast %slice3A_121 : vector<1x128xf32> to vector<512x128xf32>
    %add3A_123 = arith.addf %slice3A_120, %add3A_122 : vector<512x128xf32>
    %broadcast_in_dim3A_124 = arith.constant 0.000000e+00 : f32
    %broadcast_in_dim3A_125 = vector.broadcast %broadcast_in_dim3A_124 : f32 to vector<512x128xf32>
    %slice3A_126 = vector.extract_strided_slice %dot_general3A_112 {offsets = [0, 128], sizes = [512, 128], strides = [1, 1]} : vector<512x1024xf32> to vector<512x128xf32>
    %slice3A_127 = vector.extract_strided_slice %mul3A_119 {offsets = [0, 128], sizes = [1, 128], strides = [1, 1]} : vector<1x1024xf32> to vector<1x128xf32>
    %add3A_128 = vector.broadcast %slice3A_127 : vector<1x128xf32> to vector<512x128xf32>
    %add3A_129 = arith.addf %slice3A_126, %add3A_128 : vector<512x128xf32>
    %lt3A_130 = arith.cmpf olt, %add3A_129, %add3A_123 : vector<512x128xf32>
    %select_n3A_131 = arith.select %lt3A_130, %add3A_129, %add3A_123 : vector<512x128xi1>, vector<512x128xf32>
    %jit3A_132 = arith.constant 1.000000e+00 : f32
    %broadcast_in_dim3A_133 = vector.broadcast %jit3A_132 : f32 to vector<512x128xf32>
    %select_n3A_134 = arith.select %lt3A_130, %broadcast_in_dim3A_133, %broadcast_in_dim3A_125 : vector<512x128xi1>, vector<512x128xf32>
    %slice3A_135 = vector.extract_strided_slice %dot_general3A_112 {offsets = [0, 256], sizes = [512, 128], strides = [1, 1]} : vector<512x1024xf32> to vector<512x128xf32>
    %slice3A_136 = vector.extract_strided_slice %mul3A_119 {offsets = [0, 256], sizes = [1, 128], strides = [1, 1]} : vector<1x1024xf32> to vector<1x128xf32>
    %add3A_137 = vector.broadcast %slice3A_136 : vector<1x128xf32> to vector<512x128xf32>
    %add3A_138 = arith.addf %slice3A_135, %add3A_137 : vector<512x128xf32>
    %lt3A_139 = arith.cmpf olt, %add3A_138, %select_n3A_131 : vector<512x128xf32>
    %select_n3A_140 = arith.select %lt3A_139, %add3A_138, %select_n3A_131 : vector<512x128xi1>, vector<512x128xf32>
    %jit3A_141 = arith.constant 2.000000e+00 : f32
    %broadcast_in_dim3A_142 = vector.broadcast %jit3A_141 : f32 to vector<512x128xf32>
    %select_n3A_143 = arith.select %lt3A_139, %broadcast_in_dim3A_142, %select_n3A_134 : vector<512x128xi1>, vector<512x128xf32>
    %slice3A_144 = vector.extract_strided_slice %dot_general3A_112 {offsets = [0, 384], sizes = [512, 128], strides = [1, 1]} : vector<512x1024xf32> to vector<512x128xf32>
    %slice3A_145 = vector.extract_strided_slice %mul3A_119 {offsets = [0, 384], sizes = [1, 128], strides = [1, 1]} : vector<1x1024xf32> to vector<1x128xf32>
    %add3A_146 = vector.broadcast %slice3A_145 : vector<1x128xf32> to vector<512x128xf32>
    %add3A_147 = arith.addf %slice3A_144, %add3A_146 : vector<512x128xf32>
    %lt3A_148 = arith.cmpf olt, %add3A_147, %select_n3A_140 : vector<512x128xf32>
    %select_n3A_149 = arith.select %lt3A_148, %add3A_147, %select_n3A_140 : vector<512x128xi1>, vector<512x128xf32>
    %jit3A_150 = arith.constant 3.000000e+00 : f32
    %broadcast_in_dim3A_151 = vector.broadcast %jit3A_150 : f32 to vector<512x128xf32>
    %select_n3A_152 = arith.select %lt3A_148, %broadcast_in_dim3A_151, %select_n3A_143 : vector<512x128xi1>, vector<512x128xf32>
    %slice3A_153 = vector.extract_strided_slice %dot_general3A_112 {offsets = [0, 512], sizes = [512, 128], strides = [1, 1]} : vector<512x1024xf32> to vector<512x128xf32>
    %slice3A_154 = vector.extract_strided_slice %mul3A_119 {offsets = [0, 512], sizes = [1, 128], strides = [1, 1]} : vector<1x1024xf32> to vector<1x128xf32>
    %add3A_155 = vector.broadcast %slice3A_154 : vector<1x128xf32> to vector<512x128xf32>
    %add3A_156 = arith.addf %slice3A_153, %add3A_155 : vector<512x128xf32>
    %lt3A_157 = arith.cmpf olt, %add3A_156, %select_n3A_149 : vector<512x128xf32>
    %select_n3A_158 = arith.select %lt3A_157, %add3A_156, %select_n3A_149 : vector<512x128xi1>, vector<512x128xf32>
    %jit3A_159 = arith.constant 4.000000e+00 : f32
    %broadcast_in_dim3A_160 = vector.broadcast %jit3A_159 : f32 to vector<512x128xf32>
    %select_n3A_161 = arith.select %lt3A_157, %broadcast_in_dim3A_160, %select_n3A_152 : vector<512x128xi1>, vector<512x128xf32>
    %slice3A_162 = vector.extract_strided_slice %dot_general3A_112 {offsets = [0, 640], sizes = [512, 128], strides = [1, 1]} : vector<512x1024xf32> to vector<512x128xf32>
    %slice3A_163 = vector.extract_strided_slice %mul3A_119 {offsets = [0, 640], sizes = [1, 128], strides = [1, 1]} : vector<1x1024xf32> to vector<1x128xf32>
    %add3A_164 = vector.broadcast %slice3A_163 : vector<1x128xf32> to vector<512x128xf32>
    %add3A_165 = arith.addf %slice3A_162, %add3A_164 : vector<512x128xf32>
    %lt3A_166 = arith.cmpf olt, %add3A_165, %select_n3A_158 : vector<512x128xf32>
    %select_n3A_167 = arith.select %lt3A_166, %add3A_165, %select_n3A_158 : vector<512x128xi1>, vector<512x128xf32>
    %jit3A_168 = arith.constant 5.000000e+00 : f32
    %broadcast_in_dim3A_169 = vector.broadcast %jit3A_168 : f32 to vector<512x128xf32>
    %select_n3A_170 = arith.select %lt3A_166, %broadcast_in_dim3A_169, %select_n3A_161 : vector<512x128xi1>, vector<512x128xf32>
    %slice3A_171 = vector.extract_strided_slice %dot_general3A_112 {offsets = [0, 768], sizes = [512, 128], strides = [1, 1]} : vector<512x1024xf32> to vector<512x128xf32>
    %slice3A_172 = vector.extract_strided_slice %mul3A_119 {offsets = [0, 768], sizes = [1, 128], strides = [1, 1]} : vector<1x1024xf32> to vector<1x128xf32>
    %add3A_173 = vector.broadcast %slice3A_172 : vector<1x128xf32> to vector<512x128xf32>
    %add3A_174 = arith.addf %slice3A_171, %add3A_173 : vector<512x128xf32>
    %lt3A_175 = arith.cmpf olt, %add3A_174, %select_n3A_167 : vector<512x128xf32>
    %select_n3A_176 = arith.select %lt3A_175, %add3A_174, %select_n3A_167 : vector<512x128xi1>, vector<512x128xf32>
    %jit3A_177 = arith.constant 6.000000e+00 : f32
    %broadcast_in_dim3A_178 = vector.broadcast %jit3A_177 : f32 to vector<512x128xf32>
    %select_n3A_179 = arith.select %lt3A_175, %broadcast_in_dim3A_178, %select_n3A_170 : vector<512x128xi1>, vector<512x128xf32>
    %slice3A_180 = vector.extract_strided_slice %dot_general3A_112 {offsets = [0, 896], sizes = [512, 128], strides = [1, 1]} : vector<512x1024xf32> to vector<512x128xf32>
    %slice3A_181 = vector.extract_strided_slice %mul3A_119 {offsets = [0, 896], sizes = [1, 128], strides = [1, 1]} : vector<1x1024xf32> to vector<1x128xf32>
    %add3A_182 = vector.broadcast %slice3A_181 : vector<1x128xf32> to vector<512x128xf32>
    %add3A_183 = arith.addf %slice3A_180, %add3A_182 : vector<512x128xf32>
    %lt3A_184 = arith.cmpf olt, %add3A_183, %select_n3A_176 : vector<512x128xf32>
    %select_n3A_185 = arith.select %lt3A_184, %add3A_183, %select_n3A_176 : vector<512x128xi1>, vector<512x128xf32>
    %jit3A_186 = arith.constant 7.000000e+00 : f32
    %broadcast_in_dim3A_187 = vector.broadcast %jit3A_186 : f32 to vector<512x128xf32>
    %select_n3A_188 = arith.select %lt3A_184, %broadcast_in_dim3A_187, %select_n3A_179 : vector<512x128xi1>, vector<512x128xf32>
    %reduce_min3A_189 = arith.constant dense<0x7F800000> : vector<512xf32>
    %reduce_min3A_190 = vector.multi_reduction <minimumf>, %select_n3A_185, %reduce_min3A_189 [1] : vector<512x128xf32> to vector<512xf32>
    %broadcast_in_dim3A_191 = vector.shape_cast %reduce_min3A_190 : vector<512xf32> to vector<512x1xf32>
    %eq3A_192 = vector.broadcast %broadcast_in_dim3A_191 : vector<512x1xf32> to vector<512x128xf32>
    %eq3A_193 = arith.cmpf oeq, %select_n3A_185, %eq3A_192 : vector<512x128xf32>
    %mul3A_194 = arith.constant 1.280000e+02 : f32
    %mul3A_195 = vector.broadcast %mul3A_194 : f32 to vector<512x128xf32>
    %mul3A_196 = arith.mulf %select_n3A_188, %mul3A_195 : vector<512x128xf32>
    %add3A_197 = arith.addf %mul3A_196, %convert_element_type3A : vector<512x128xf32>
    %jit3A_198 = arith.constant 1.024000e+03 : f32
    %broadcast_in_dim3A_199 = vector.broadcast %jit3A_198 : f32 to vector<512x128xf32>
    %select_n3A_200 = arith.select %eq3A_193, %add3A_197, %broadcast_in_dim3A_199 : vector<512x128xi1>, vector<512x128xf32>
    %reduce_min3A_201 = arith.constant dense<0x7F800000> : vector<512xf32>
    %reduce_min3A_202 = vector.multi_reduction <minimumf>, %select_n3A_200, %reduce_min3A_201 [1] : vector<512x128xf32> to vector<512xf32>
    %broadcast_in_dim3A_203 = vector.shape_cast %reduce_min3A_202 : vector<512xf32> to vector<512x1xf32>
    %reduce_sum3A_204 = vector.shape_cast %broadcast_in_dim3A_191 : vector<512x1xf32> to vector<1x512x1xf32>
    %reduce_sum3A_205 = arith.constant dense<0.000000e+00> : vector<1xf32>
    %reduce_sum3A_206 = vector.multi_reduction <add>, %reduce_sum3A_204, %reduce_sum3A_205 [1, 2] : vector<1x512x1xf32> to vector<1xf32>
    %reduce_sum3A_207 = vector.shape_cast %reduce_sum3A_206 : vector<1xf32> to vector<1x1x1xf32>
    %reduce_sum3A_208 = vector.extract %reduce_sum3A_207[0, 0, 0] : f32 from vector<1x1x1xf32>
    %add3A_209 = arith.addf %add3A_104, %reduce_sum3A_208 : f32
    %slice3A_210 = vector.extract_strided_slice %sub3A {offsets = [0, 128], sizes = [512, 64], strides = [1, 1]} : vector<512x384xf32> to vector<512x64xf32>
    %get3A_211 = arith.constant 2 : index
    %get3A_212 = arith.constant 0 : index
    %get3A_213 = arith.constant 0 : index
    %get3A_214 = vector.load %arg3[%get3A_211, %get3A_212, %get3A_213] : memref<6x64x1024xf32, #tpu.memory_space<vmem>>, vector<1x64x1024xf32>
    %get3A_215 = vector.shape_cast %get3A_214 : vector<1x64x1024xf32> to vector<64x1024xf32>
    %dot_general3A_216 = arith.constant dense<0.000000e+00> : vector<512x1024xf32>
    %dot_general3A_217 = tpu.matmul %slice3A_210, %get3A_215, %dot_general3A_216 {dimension_numbers = #tpu.dot_dimension_numbers<[1], [0], [0], [1], [0, 0, 1, 1], [], []>, transpose_lhs_hint = false} : vector<512x64xf32>, vector<64x1024xf32>, vector<512x1024xf32> -> vector<512x1024xf32>
    %mul3A_218 = arith.mulf %get3A_215, %get3A_215 : vector<64x1024xf32>
    %reduce_sum3A_219 = arith.constant dense<0.000000e+00> : vector<1024xf32>
    %reduce_sum3A_220 = vector.multi_reduction <add>, %mul3A_218, %reduce_sum3A_219 [0] : vector<64x1024xf32> to vector<1024xf32>
    %broadcast_in_dim3A_221 = vector.shape_cast %reduce_sum3A_220 : vector<1024xf32> to vector<1x1024xf32>
    %mul3A_222 = arith.constant 2.500000e-01 : f32
    %mul3A_223 = vector.broadcast %mul3A_222 : f32 to vector<1x1024xf32>
    %mul3A_224 = arith.mulf %mul3A_223, %broadcast_in_dim3A_221 : vector<1x1024xf32>
    %slice3A_225 = vector.extract_strided_slice %dot_general3A_217 {offsets = [0, 0], sizes = [512, 128], strides = [1, 1]} : vector<512x1024xf32> to vector<512x128xf32>
    %slice3A_226 = vector.extract_strided_slice %mul3A_224 {offsets = [0, 0], sizes = [1, 128], strides = [1, 1]} : vector<1x1024xf32> to vector<1x128xf32>
    %add3A_227 = vector.broadcast %slice3A_226 : vector<1x128xf32> to vector<512x128xf32>
    %add3A_228 = arith.addf %slice3A_225, %add3A_227 : vector<512x128xf32>
    %broadcast_in_dim3A_229 = arith.constant 0.000000e+00 : f32
    %broadcast_in_dim3A_230 = vector.broadcast %broadcast_in_dim3A_229 : f32 to vector<512x128xf32>
    %slice3A_231 = vector.extract_strided_slice %dot_general3A_217 {offsets = [0, 128], sizes = [512, 128], strides = [1, 1]} : vector<512x1024xf32> to vector<512x128xf32>
    %slice3A_232 = vector.extract_strided_slice %mul3A_224 {offsets = [0, 128], sizes = [1, 128], strides = [1, 1]} : vector<1x1024xf32> to vector<1x128xf32>
    %add3A_233 = vector.broadcast %slice3A_232 : vector<1x128xf32> to vector<512x128xf32>
    %add3A_234 = arith.addf %slice3A_231, %add3A_233 : vector<512x128xf32>
    %lt3A_235 = arith.cmpf olt, %add3A_234, %add3A_228 : vector<512x128xf32>
    %select_n3A_236 = arith.select %lt3A_235, %add3A_234, %add3A_228 : vector<512x128xi1>, vector<512x128xf32>
    %jit3A_237 = arith.constant 1.000000e+00 : f32
    %broadcast_in_dim3A_238 = vector.broadcast %jit3A_237 : f32 to vector<512x128xf32>
    %select_n3A_239 = arith.select %lt3A_235, %broadcast_in_dim3A_238, %broadcast_in_dim3A_230 : vector<512x128xi1>, vector<512x128xf32>
    %slice3A_240 = vector.extract_strided_slice %dot_general3A_217 {offsets = [0, 256], sizes = [512, 128], strides = [1, 1]} : vector<512x1024xf32> to vector<512x128xf32>
    %slice3A_241 = vector.extract_strided_slice %mul3A_224 {offsets = [0, 256], sizes = [1, 128], strides = [1, 1]} : vector<1x1024xf32> to vector<1x128xf32>
    %add3A_242 = vector.broadcast %slice3A_241 : vector<1x128xf32> to vector<512x128xf32>
    %add3A_243 = arith.addf %slice3A_240, %add3A_242 : vector<512x128xf32>
    %lt3A_244 = arith.cmpf olt, %add3A_243, %select_n3A_236 : vector<512x128xf32>
    %select_n3A_245 = arith.select %lt3A_244, %add3A_243, %select_n3A_236 : vector<512x128xi1>, vector<512x128xf32>
    %jit3A_246 = arith.constant 2.000000e+00 : f32
    %broadcast_in_dim3A_247 = vector.broadcast %jit3A_246 : f32 to vector<512x128xf32>
    %select_n3A_248 = arith.select %lt3A_244, %broadcast_in_dim3A_247, %select_n3A_239 : vector<512x128xi1>, vector<512x128xf32>
    %slice3A_249 = vector.extract_strided_slice %dot_general3A_217 {offsets = [0, 384], sizes = [512, 128], strides = [1, 1]} : vector<512x1024xf32> to vector<512x128xf32>
    %slice3A_250 = vector.extract_strided_slice %mul3A_224 {offsets = [0, 384], sizes = [1, 128], strides = [1, 1]} : vector<1x1024xf32> to vector<1x128xf32>
    %add3A_251 = vector.broadcast %slice3A_250 : vector<1x128xf32> to vector<512x128xf32>
    %add3A_252 = arith.addf %slice3A_249, %add3A_251 : vector<512x128xf32>
    %lt3A_253 = arith.cmpf olt, %add3A_252, %select_n3A_245 : vector<512x128xf32>
    %select_n3A_254 = arith.select %lt3A_253, %add3A_252, %select_n3A_245 : vector<512x128xi1>, vector<512x128xf32>
    %jit3A_255 = arith.constant 3.000000e+00 : f32
    %broadcast_in_dim3A_256 = vector.broadcast %jit3A_255 : f32 to vector<512x128xf32>
    %select_n3A_257 = arith.select %lt3A_253, %broadcast_in_dim3A_256, %select_n3A_248 : vector<512x128xi1>, vector<512x128xf32>
    %slice3A_258 = vector.extract_strided_slice %dot_general3A_217 {offsets = [0, 512], sizes = [512, 128], strides = [1, 1]} : vector<512x1024xf32> to vector<512x128xf32>
    %slice3A_259 = vector.extract_strided_slice %mul3A_224 {offsets = [0, 512], sizes = [1, 128], strides = [1, 1]} : vector<1x1024xf32> to vector<1x128xf32>
    %add3A_260 = vector.broadcast %slice3A_259 : vector<1x128xf32> to vector<512x128xf32>
    %add3A_261 = arith.addf %slice3A_258, %add3A_260 : vector<512x128xf32>
    %lt3A_262 = arith.cmpf olt, %add3A_261, %select_n3A_254 : vector<512x128xf32>
    %select_n3A_263 = arith.select %lt3A_262, %add3A_261, %select_n3A_254 : vector<512x128xi1>, vector<512x128xf32>
    %jit3A_264 = arith.constant 4.000000e+00 : f32
    %broadcast_in_dim3A_265 = vector.broadcast %jit3A_264 : f32 to vector<512x128xf32>
    %select_n3A_266 = arith.select %lt3A_262, %broadcast_in_dim3A_265, %select_n3A_257 : vector<512x128xi1>, vector<512x128xf32>
    %slice3A_267 = vector.extract_strided_slice %dot_general3A_217 {offsets = [0, 640], sizes = [512, 128], strides = [1, 1]} : vector<512x1024xf32> to vector<512x128xf32>
    %slice3A_268 = vector.extract_strided_slice %mul3A_224 {offsets = [0, 640], sizes = [1, 128], strides = [1, 1]} : vector<1x1024xf32> to vector<1x128xf32>
    %add3A_269 = vector.broadcast %slice3A_268 : vector<1x128xf32> to vector<512x128xf32>
    %add3A_270 = arith.addf %slice3A_267, %add3A_269 : vector<512x128xf32>
    %lt3A_271 = arith.cmpf olt, %add3A_270, %select_n3A_263 : vector<512x128xf32>
    %select_n3A_272 = arith.select %lt3A_271, %add3A_270, %select_n3A_263 : vector<512x128xi1>, vector<512x128xf32>
    %jit3A_273 = arith.constant 5.000000e+00 : f32
    %broadcast_in_dim3A_274 = vector.broadcast %jit3A_273 : f32 to vector<512x128xf32>
    %select_n3A_275 = arith.select %lt3A_271, %broadcast_in_dim3A_274, %select_n3A_266 : vector<512x128xi1>, vector<512x128xf32>
    %slice3A_276 = vector.extract_strided_slice %dot_general3A_217 {offsets = [0, 768], sizes = [512, 128], strides = [1, 1]} : vector<512x1024xf32> to vector<512x128xf32>
    %slice3A_277 = vector.extract_strided_slice %mul3A_224 {offsets = [0, 768], sizes = [1, 128], strides = [1, 1]} : vector<1x1024xf32> to vector<1x128xf32>
    %add3A_278 = vector.broadcast %slice3A_277 : vector<1x128xf32> to vector<512x128xf32>
    %add3A_279 = arith.addf %slice3A_276, %add3A_278 : vector<512x128xf32>
    %lt3A_280 = arith.cmpf olt, %add3A_279, %select_n3A_272 : vector<512x128xf32>
    %select_n3A_281 = arith.select %lt3A_280, %add3A_279, %select_n3A_272 : vector<512x128xi1>, vector<512x128xf32>
    %jit3A_282 = arith.constant 6.000000e+00 : f32
    %broadcast_in_dim3A_283 = vector.broadcast %jit3A_282 : f32 to vector<512x128xf32>
    %select_n3A_284 = arith.select %lt3A_280, %broadcast_in_dim3A_283, %select_n3A_275 : vector<512x128xi1>, vector<512x128xf32>
    %slice3A_285 = vector.extract_strided_slice %dot_general3A_217 {offsets = [0, 896], sizes = [512, 128], strides = [1, 1]} : vector<512x1024xf32> to vector<512x128xf32>
    %slice3A_286 = vector.extract_strided_slice %mul3A_224 {offsets = [0, 896], sizes = [1, 128], strides = [1, 1]} : vector<1x1024xf32> to vector<1x128xf32>
    %add3A_287 = vector.broadcast %slice3A_286 : vector<1x128xf32> to vector<512x128xf32>
    %add3A_288 = arith.addf %slice3A_285, %add3A_287 : vector<512x128xf32>
    %lt3A_289 = arith.cmpf olt, %add3A_288, %select_n3A_281 : vector<512x128xf32>
    %select_n3A_290 = arith.select %lt3A_289, %add3A_288, %select_n3A_281 : vector<512x128xi1>, vector<512x128xf32>
    %jit3A_291 = arith.constant 7.000000e+00 : f32
    %broadcast_in_dim3A_292 = vector.broadcast %jit3A_291 : f32 to vector<512x128xf32>
    %select_n3A_293 = arith.select %lt3A_289, %broadcast_in_dim3A_292, %select_n3A_284 : vector<512x128xi1>, vector<512x128xf32>
    %reduce_min3A_294 = arith.constant dense<0x7F800000> : vector<512xf32>
    %reduce_min3A_295 = vector.multi_reduction <minimumf>, %select_n3A_290, %reduce_min3A_294 [1] : vector<512x128xf32> to vector<512xf32>
    %broadcast_in_dim3A_296 = vector.shape_cast %reduce_min3A_295 : vector<512xf32> to vector<512x1xf32>
    %eq3A_297 = vector.broadcast %broadcast_in_dim3A_296 : vector<512x1xf32> to vector<512x128xf32>
    %eq3A_298 = arith.cmpf oeq, %select_n3A_290, %eq3A_297 : vector<512x128xf32>
    %mul3A_299 = arith.constant 1.280000e+02 : f32
    %mul3A_300 = vector.broadcast %mul3A_299 : f32 to vector<512x128xf32>
    %mul3A_301 = arith.mulf %select_n3A_293, %mul3A_300 : vector<512x128xf32>
    %add3A_302 = arith.addf %mul3A_301, %convert_element_type3A : vector<512x128xf32>
    %jit3A_303 = arith.constant 1.024000e+03 : f32
    %broadcast_in_dim3A_304 = vector.broadcast %jit3A_303 : f32 to vector<512x128xf32>
    %select_n3A_305 = arith.select %eq3A_298, %add3A_302, %broadcast_in_dim3A_304 : vector<512x128xi1>, vector<512x128xf32>
    %reduce_min3A_306 = arith.constant dense<0x7F800000> : vector<512xf32>
    %reduce_min3A_307 = vector.multi_reduction <minimumf>, %select_n3A_305, %reduce_min3A_306 [1] : vector<512x128xf32> to vector<512xf32>
    %broadcast_in_dim3A_308 = vector.shape_cast %reduce_min3A_307 : vector<512xf32> to vector<512x1xf32>
    %reduce_sum3A_309 = vector.shape_cast %broadcast_in_dim3A_296 : vector<512x1xf32> to vector<1x512x1xf32>
    %reduce_sum3A_310 = arith.constant dense<0.000000e+00> : vector<1xf32>
    %reduce_sum3A_311 = vector.multi_reduction <add>, %reduce_sum3A_309, %reduce_sum3A_310 [1, 2] : vector<1x512x1xf32> to vector<1xf32>
    %reduce_sum3A_312 = vector.shape_cast %reduce_sum3A_311 : vector<1xf32> to vector<1x1x1xf32>
    %reduce_sum3A_313 = vector.extract %reduce_sum3A_312[0, 0, 0] : f32 from vector<1x1x1xf32>
    %add3A_314 = arith.addf %add3A_209, %reduce_sum3A_313 : f32
    %slice3A_315 = vector.extract_strided_slice %sub3A {offsets = [0, 192], sizes = [512, 64], strides = [1, 1]} : vector<512x384xf32> to vector<512x64xf32>
    %get3A_316 = arith.constant 3 : index
    %get3A_317 = arith.constant 0 : index
    %get3A_318 = arith.constant 0 : index
    %get3A_319 = vector.load %arg3[%get3A_316, %get3A_317, %get3A_318] : memref<6x64x1024xf32, #tpu.memory_space<vmem>>, vector<1x64x1024xf32>
    %get3A_320 = vector.shape_cast %get3A_319 : vector<1x64x1024xf32> to vector<64x1024xf32>
    %dot_general3A_321 = arith.constant dense<0.000000e+00> : vector<512x1024xf32>
    %dot_general3A_322 = tpu.matmul %slice3A_315, %get3A_320, %dot_general3A_321 {dimension_numbers = #tpu.dot_dimension_numbers<[1], [0], [0], [1], [0, 0, 1, 1], [], []>, transpose_lhs_hint = false} : vector<512x64xf32>, vector<64x1024xf32>, vector<512x1024xf32> -> vector<512x1024xf32>
    %mul3A_323 = arith.mulf %get3A_320, %get3A_320 : vector<64x1024xf32>
    %reduce_sum3A_324 = arith.constant dense<0.000000e+00> : vector<1024xf32>
    %reduce_sum3A_325 = vector.multi_reduction <add>, %mul3A_323, %reduce_sum3A_324 [0] : vector<64x1024xf32> to vector<1024xf32>
    %broadcast_in_dim3A_326 = vector.shape_cast %reduce_sum3A_325 : vector<1024xf32> to vector<1x1024xf32>
    %mul3A_327 = arith.constant 2.500000e-01 : f32
    %mul3A_328 = vector.broadcast %mul3A_327 : f32 to vector<1x1024xf32>
    %mul3A_329 = arith.mulf %mul3A_328, %broadcast_in_dim3A_326 : vector<1x1024xf32>
    %slice3A_330 = vector.extract_strided_slice %dot_general3A_322 {offsets = [0, 0], sizes = [512, 128], strides = [1, 1]} : vector<512x1024xf32> to vector<512x128xf32>
    %slice3A_331 = vector.extract_strided_slice %mul3A_329 {offsets = [0, 0], sizes = [1, 128], strides = [1, 1]} : vector<1x1024xf32> to vector<1x128xf32>
    %add3A_332 = vector.broadcast %slice3A_331 : vector<1x128xf32> to vector<512x128xf32>
    %add3A_333 = arith.addf %slice3A_330, %add3A_332 : vector<512x128xf32>
    %broadcast_in_dim3A_334 = arith.constant 0.000000e+00 : f32
    %broadcast_in_dim3A_335 = vector.broadcast %broadcast_in_dim3A_334 : f32 to vector<512x128xf32>
    %slice3A_336 = vector.extract_strided_slice %dot_general3A_322 {offsets = [0, 128], sizes = [512, 128], strides = [1, 1]} : vector<512x1024xf32> to vector<512x128xf32>
    %slice3A_337 = vector.extract_strided_slice %mul3A_329 {offsets = [0, 128], sizes = [1, 128], strides = [1, 1]} : vector<1x1024xf32> to vector<1x128xf32>
    %add3A_338 = vector.broadcast %slice3A_337 : vector<1x128xf32> to vector<512x128xf32>
    %add3A_339 = arith.addf %slice3A_336, %add3A_338 : vector<512x128xf32>
    %lt3A_340 = arith.cmpf olt, %add3A_339, %add3A_333 : vector<512x128xf32>
    %select_n3A_341 = arith.select %lt3A_340, %add3A_339, %add3A_333 : vector<512x128xi1>, vector<512x128xf32>
    %jit3A_342 = arith.constant 1.000000e+00 : f32
    %broadcast_in_dim3A_343 = vector.broadcast %jit3A_342 : f32 to vector<512x128xf32>
    %select_n3A_344 = arith.select %lt3A_340, %broadcast_in_dim3A_343, %broadcast_in_dim3A_335 : vector<512x128xi1>, vector<512x128xf32>
    %slice3A_345 = vector.extract_strided_slice %dot_general3A_322 {offsets = [0, 256], sizes = [512, 128], strides = [1, 1]} : vector<512x1024xf32> to vector<512x128xf32>
    %slice3A_346 = vector.extract_strided_slice %mul3A_329 {offsets = [0, 256], sizes = [1, 128], strides = [1, 1]} : vector<1x1024xf32> to vector<1x128xf32>
    %add3A_347 = vector.broadcast %slice3A_346 : vector<1x128xf32> to vector<512x128xf32>
    %add3A_348 = arith.addf %slice3A_345, %add3A_347 : vector<512x128xf32>
    %lt3A_349 = arith.cmpf olt, %add3A_348, %select_n3A_341 : vector<512x128xf32>
    %select_n3A_350 = arith.select %lt3A_349, %add3A_348, %select_n3A_341 : vector<512x128xi1>, vector<512x128xf32>
    %jit3A_351 = arith.constant 2.000000e+00 : f32
    %broadcast_in_dim3A_352 = vector.broadcast %jit3A_351 : f32 to vector<512x128xf32>
    %select_n3A_353 = arith.select %lt3A_349, %broadcast_in_dim3A_352, %select_n3A_344 : vector<512x128xi1>, vector<512x128xf32>
    %slice3A_354 = vector.extract_strided_slice %dot_general3A_322 {offsets = [0, 384], sizes = [512, 128], strides = [1, 1]} : vector<512x1024xf32> to vector<512x128xf32>
    %slice3A_355 = vector.extract_strided_slice %mul3A_329 {offsets = [0, 384], sizes = [1, 128], strides = [1, 1]} : vector<1x1024xf32> to vector<1x128xf32>
    %add3A_356 = vector.broadcast %slice3A_355 : vector<1x128xf32> to vector<512x128xf32>
    %add3A_357 = arith.addf %slice3A_354, %add3A_356 : vector<512x128xf32>
    %lt3A_358 = arith.cmpf olt, %add3A_357, %select_n3A_350 : vector<512x128xf32>
    %select_n3A_359 = arith.select %lt3A_358, %add3A_357, %select_n3A_350 : vector<512x128xi1>, vector<512x128xf32>
    %jit3A_360 = arith.constant 3.000000e+00 : f32
    %broadcast_in_dim3A_361 = vector.broadcast %jit3A_360 : f32 to vector<512x128xf32>
    %select_n3A_362 = arith.select %lt3A_358, %broadcast_in_dim3A_361, %select_n3A_353 : vector<512x128xi1>, vector<512x128xf32>
    %slice3A_363 = vector.extract_strided_slice %dot_general3A_322 {offsets = [0, 512], sizes = [512, 128], strides = [1, 1]} : vector<512x1024xf32> to vector<512x128xf32>
    %slice3A_364 = vector.extract_strided_slice %mul3A_329 {offsets = [0, 512], sizes = [1, 128], strides = [1, 1]} : vector<1x1024xf32> to vector<1x128xf32>
    %add3A_365 = vector.broadcast %slice3A_364 : vector<1x128xf32> to vector<512x128xf32>
    %add3A_366 = arith.addf %slice3A_363, %add3A_365 : vector<512x128xf32>
    %lt3A_367 = arith.cmpf olt, %add3A_366, %select_n3A_359 : vector<512x128xf32>
    %select_n3A_368 = arith.select %lt3A_367, %add3A_366, %select_n3A_359 : vector<512x128xi1>, vector<512x128xf32>
    %jit3A_369 = arith.constant 4.000000e+00 : f32
    %broadcast_in_dim3A_370 = vector.broadcast %jit3A_369 : f32 to vector<512x128xf32>
    %select_n3A_371 = arith.select %lt3A_367, %broadcast_in_dim3A_370, %select_n3A_362 : vector<512x128xi1>, vector<512x128xf32>
    %slice3A_372 = vector.extract_strided_slice %dot_general3A_322 {offsets = [0, 640], sizes = [512, 128], strides = [1, 1]} : vector<512x1024xf32> to vector<512x128xf32>
    %slice3A_373 = vector.extract_strided_slice %mul3A_329 {offsets = [0, 640], sizes = [1, 128], strides = [1, 1]} : vector<1x1024xf32> to vector<1x128xf32>
    %add3A_374 = vector.broadcast %slice3A_373 : vector<1x128xf32> to vector<512x128xf32>
    %add3A_375 = arith.addf %slice3A_372, %add3A_374 : vector<512x128xf32>
    %lt3A_376 = arith.cmpf olt, %add3A_375, %select_n3A_368 : vector<512x128xf32>
    %select_n3A_377 = arith.select %lt3A_376, %add3A_375, %select_n3A_368 : vector<512x128xi1>, vector<512x128xf32>
    %jit3A_378 = arith.constant 5.000000e+00 : f32
    %broadcast_in_dim3A_379 = vector.broadcast %jit3A_378 : f32 to vector<512x128xf32>
    %select_n3A_380 = arith.select %lt3A_376, %broadcast_in_dim3A_379, %select_n3A_371 : vector<512x128xi1>, vector<512x128xf32>
    %slice3A_381 = vector.extract_strided_slice %dot_general3A_322 {offsets = [0, 768], sizes = [512, 128], strides = [1, 1]} : vector<512x1024xf32> to vector<512x128xf32>
    %slice3A_382 = vector.extract_strided_slice %mul3A_329 {offsets = [0, 768], sizes = [1, 128], strides = [1, 1]} : vector<1x1024xf32> to vector<1x128xf32>
    %add3A_383 = vector.broadcast %slice3A_382 : vector<1x128xf32> to vector<512x128xf32>
    %add3A_384 = arith.addf %slice3A_381, %add3A_383 : vector<512x128xf32>
    %lt3A_385 = arith.cmpf olt, %add3A_384, %select_n3A_377 : vector<512x128xf32>
    %select_n3A_386 = arith.select %lt3A_385, %add3A_384, %select_n3A_377 : vector<512x128xi1>, vector<512x128xf32>
    %jit3A_387 = arith.constant 6.000000e+00 : f32
    %broadcast_in_dim3A_388 = vector.broadcast %jit3A_387 : f32 to vector<512x128xf32>
    %select_n3A_389 = arith.select %lt3A_385, %broadcast_in_dim3A_388, %select_n3A_380 : vector<512x128xi1>, vector<512x128xf32>
    %slice3A_390 = vector.extract_strided_slice %dot_general3A_322 {offsets = [0, 896], sizes = [512, 128], strides = [1, 1]} : vector<512x1024xf32> to vector<512x128xf32>
    %slice3A_391 = vector.extract_strided_slice %mul3A_329 {offsets = [0, 896], sizes = [1, 128], strides = [1, 1]} : vector<1x1024xf32> to vector<1x128xf32>
    %add3A_392 = vector.broadcast %slice3A_391 : vector<1x128xf32> to vector<512x128xf32>
    %add3A_393 = arith.addf %slice3A_390, %add3A_392 : vector<512x128xf32>
    %lt3A_394 = arith.cmpf olt, %add3A_393, %select_n3A_386 : vector<512x128xf32>
    %select_n3A_395 = arith.select %lt3A_394, %add3A_393, %select_n3A_386 : vector<512x128xi1>, vector<512x128xf32>
    %jit3A_396 = arith.constant 7.000000e+00 : f32
    %broadcast_in_dim3A_397 = vector.broadcast %jit3A_396 : f32 to vector<512x128xf32>
    %select_n3A_398 = arith.select %lt3A_394, %broadcast_in_dim3A_397, %select_n3A_389 : vector<512x128xi1>, vector<512x128xf32>
    %reduce_min3A_399 = arith.constant dense<0x7F800000> : vector<512xf32>
    %reduce_min3A_400 = vector.multi_reduction <minimumf>, %select_n3A_395, %reduce_min3A_399 [1] : vector<512x128xf32> to vector<512xf32>
    %broadcast_in_dim3A_401 = vector.shape_cast %reduce_min3A_400 : vector<512xf32> to vector<512x1xf32>
    %eq3A_402 = vector.broadcast %broadcast_in_dim3A_401 : vector<512x1xf32> to vector<512x128xf32>
    %eq3A_403 = arith.cmpf oeq, %select_n3A_395, %eq3A_402 : vector<512x128xf32>
    %mul3A_404 = arith.constant 1.280000e+02 : f32
    %mul3A_405 = vector.broadcast %mul3A_404 : f32 to vector<512x128xf32>
    %mul3A_406 = arith.mulf %select_n3A_398, %mul3A_405 : vector<512x128xf32>
    %add3A_407 = arith.addf %mul3A_406, %convert_element_type3A : vector<512x128xf32>
    %jit3A_408 = arith.constant 1.024000e+03 : f32
    %broadcast_in_dim3A_409 = vector.broadcast %jit3A_408 : f32 to vector<512x128xf32>
    %select_n3A_410 = arith.select %eq3A_403, %add3A_407, %broadcast_in_dim3A_409 : vector<512x128xi1>, vector<512x128xf32>
    %reduce_min3A_411 = arith.constant dense<0x7F800000> : vector<512xf32>
    %reduce_min3A_412 = vector.multi_reduction <minimumf>, %select_n3A_410, %reduce_min3A_411 [1] : vector<512x128xf32> to vector<512xf32>
    %broadcast_in_dim3A_413 = vector.shape_cast %reduce_min3A_412 : vector<512xf32> to vector<512x1xf32>
    %reduce_sum3A_414 = vector.shape_cast %broadcast_in_dim3A_401 : vector<512x1xf32> to vector<1x512x1xf32>
    %reduce_sum3A_415 = arith.constant dense<0.000000e+00> : vector<1xf32>
    %reduce_sum3A_416 = vector.multi_reduction <add>, %reduce_sum3A_414, %reduce_sum3A_415 [1, 2] : vector<1x512x1xf32> to vector<1xf32>
    %reduce_sum3A_417 = vector.shape_cast %reduce_sum3A_416 : vector<1xf32> to vector<1x1x1xf32>
    %reduce_sum3A_418 = vector.extract %reduce_sum3A_417[0, 0, 0] : f32 from vector<1x1x1xf32>
    %add3A_419 = arith.addf %add3A_314, %reduce_sum3A_418 : f32
    %slice3A_420 = vector.extract_strided_slice %sub3A {offsets = [0, 256], sizes = [512, 64], strides = [1, 1]} : vector<512x384xf32> to vector<512x64xf32>
    %get3A_421 = arith.constant 4 : index
    %get3A_422 = arith.constant 0 : index
    %get3A_423 = arith.constant 0 : index
    %get3A_424 = vector.load %arg3[%get3A_421, %get3A_422, %get3A_423] : memref<6x64x1024xf32, #tpu.memory_space<vmem>>, vector<1x64x1024xf32>
    %get3A_425 = vector.shape_cast %get3A_424 : vector<1x64x1024xf32> to vector<64x1024xf32>
    %dot_general3A_426 = arith.constant dense<0.000000e+00> : vector<512x1024xf32>
    %dot_general3A_427 = tpu.matmul %slice3A_420, %get3A_425, %dot_general3A_426 {dimension_numbers = #tpu.dot_dimension_numbers<[1], [0], [0], [1], [0, 0, 1, 1], [], []>, transpose_lhs_hint = false} : vector<512x64xf32>, vector<64x1024xf32>, vector<512x1024xf32> -> vector<512x1024xf32>
    %mul3A_428 = arith.mulf %get3A_425, %get3A_425 : vector<64x1024xf32>
    %reduce_sum3A_429 = arith.constant dense<0.000000e+00> : vector<1024xf32>
    %reduce_sum3A_430 = vector.multi_reduction <add>, %mul3A_428, %reduce_sum3A_429 [0] : vector<64x1024xf32> to vector<1024xf32>
    %broadcast_in_dim3A_431 = vector.shape_cast %reduce_sum3A_430 : vector<1024xf32> to vector<1x1024xf32>
    %mul3A_432 = arith.constant 2.500000e-01 : f32
    %mul3A_433 = vector.broadcast %mul3A_432 : f32 to vector<1x1024xf32>
    %mul3A_434 = arith.mulf %mul3A_433, %broadcast_in_dim3A_431 : vector<1x1024xf32>
    %slice3A_435 = vector.extract_strided_slice %dot_general3A_427 {offsets = [0, 0], sizes = [512, 128], strides = [1, 1]} : vector<512x1024xf32> to vector<512x128xf32>
    %slice3A_436 = vector.extract_strided_slice %mul3A_434 {offsets = [0, 0], sizes = [1, 128], strides = [1, 1]} : vector<1x1024xf32> to vector<1x128xf32>
    %add3A_437 = vector.broadcast %slice3A_436 : vector<1x128xf32> to vector<512x128xf32>
    %add3A_438 = arith.addf %slice3A_435, %add3A_437 : vector<512x128xf32>
    %broadcast_in_dim3A_439 = arith.constant 0.000000e+00 : f32
    %broadcast_in_dim3A_440 = vector.broadcast %broadcast_in_dim3A_439 : f32 to vector<512x128xf32>
    %slice3A_441 = vector.extract_strided_slice %dot_general3A_427 {offsets = [0, 128], sizes = [512, 128], strides = [1, 1]} : vector<512x1024xf32> to vector<512x128xf32>
    %slice3A_442 = vector.extract_strided_slice %mul3A_434 {offsets = [0, 128], sizes = [1, 128], strides = [1, 1]} : vector<1x1024xf32> to vector<1x128xf32>
    %add3A_443 = vector.broadcast %slice3A_442 : vector<1x128xf32> to vector<512x128xf32>
    %add3A_444 = arith.addf %slice3A_441, %add3A_443 : vector<512x128xf32>
    %lt3A_445 = arith.cmpf olt, %add3A_444, %add3A_438 : vector<512x128xf32>
    %select_n3A_446 = arith.select %lt3A_445, %add3A_444, %add3A_438 : vector<512x128xi1>, vector<512x128xf32>
    %jit3A_447 = arith.constant 1.000000e+00 : f32
    %broadcast_in_dim3A_448 = vector.broadcast %jit3A_447 : f32 to vector<512x128xf32>
    %select_n3A_449 = arith.select %lt3A_445, %broadcast_in_dim3A_448, %broadcast_in_dim3A_440 : vector<512x128xi1>, vector<512x128xf32>
    %slice3A_450 = vector.extract_strided_slice %dot_general3A_427 {offsets = [0, 256], sizes = [512, 128], strides = [1, 1]} : vector<512x1024xf32> to vector<512x128xf32>
    %slice3A_451 = vector.extract_strided_slice %mul3A_434 {offsets = [0, 256], sizes = [1, 128], strides = [1, 1]} : vector<1x1024xf32> to vector<1x128xf32>
    %add3A_452 = vector.broadcast %slice3A_451 : vector<1x128xf32> to vector<512x128xf32>
    %add3A_453 = arith.addf %slice3A_450, %add3A_452 : vector<512x128xf32>
    %lt3A_454 = arith.cmpf olt, %add3A_453, %select_n3A_446 : vector<512x128xf32>
    %select_n3A_455 = arith.select %lt3A_454, %add3A_453, %select_n3A_446 : vector<512x128xi1>, vector<512x128xf32>
    %jit3A_456 = arith.constant 2.000000e+00 : f32
    %broadcast_in_dim3A_457 = vector.broadcast %jit3A_456 : f32 to vector<512x128xf32>
    %select_n3A_458 = arith.select %lt3A_454, %broadcast_in_dim3A_457, %select_n3A_449 : vector<512x128xi1>, vector<512x128xf32>
    %slice3A_459 = vector.extract_strided_slice %dot_general3A_427 {offsets = [0, 384], sizes = [512, 128], strides = [1, 1]} : vector<512x1024xf32> to vector<512x128xf32>
    %slice3A_460 = vector.extract_strided_slice %mul3A_434 {offsets = [0, 384], sizes = [1, 128], strides = [1, 1]} : vector<1x1024xf32> to vector<1x128xf32>
    %add3A_461 = vector.broadcast %slice3A_460 : vector<1x128xf32> to vector<512x128xf32>
    %add3A_462 = arith.addf %slice3A_459, %add3A_461 : vector<512x128xf32>
    %lt3A_463 = arith.cmpf olt, %add3A_462, %select_n3A_455 : vector<512x128xf32>
    %select_n3A_464 = arith.select %lt3A_463, %add3A_462, %select_n3A_455 : vector<512x128xi1>, vector<512x128xf32>
    %jit3A_465 = arith.constant 3.000000e+00 : f32
    %broadcast_in_dim3A_466 = vector.broadcast %jit3A_465 : f32 to vector<512x128xf32>
    %select_n3A_467 = arith.select %lt3A_463, %broadcast_in_dim3A_466, %select_n3A_458 : vector<512x128xi1>, vector<512x128xf32>
    %slice3A_468 = vector.extract_strided_slice %dot_general3A_427 {offsets = [0, 512], sizes = [512, 128], strides = [1, 1]} : vector<512x1024xf32> to vector<512x128xf32>
    %slice3A_469 = vector.extract_strided_slice %mul3A_434 {offsets = [0, 512], sizes = [1, 128], strides = [1, 1]} : vector<1x1024xf32> to vector<1x128xf32>
    %add3A_470 = vector.broadcast %slice3A_469 : vector<1x128xf32> to vector<512x128xf32>
    %add3A_471 = arith.addf %slice3A_468, %add3A_470 : vector<512x128xf32>
    %lt3A_472 = arith.cmpf olt, %add3A_471, %select_n3A_464 : vector<512x128xf32>
    %select_n3A_473 = arith.select %lt3A_472, %add3A_471, %select_n3A_464 : vector<512x128xi1>, vector<512x128xf32>
    %jit3A_474 = arith.constant 4.000000e+00 : f32
    %broadcast_in_dim3A_475 = vector.broadcast %jit3A_474 : f32 to vector<512x128xf32>
    %select_n3A_476 = arith.select %lt3A_472, %broadcast_in_dim3A_475, %select_n3A_467 : vector<512x128xi1>, vector<512x128xf32>
    %slice3A_477 = vector.extract_strided_slice %dot_general3A_427 {offsets = [0, 640], sizes = [512, 128], strides = [1, 1]} : vector<512x1024xf32> to vector<512x128xf32>
    %slice3A_478 = vector.extract_strided_slice %mul3A_434 {offsets = [0, 640], sizes = [1, 128], strides = [1, 1]} : vector<1x1024xf32> to vector<1x128xf32>
    %add3A_479 = vector.broadcast %slice3A_478 : vector<1x128xf32> to vector<512x128xf32>
    %add3A_480 = arith.addf %slice3A_477, %add3A_479 : vector<512x128xf32>
    %lt3A_481 = arith.cmpf olt, %add3A_480, %select_n3A_473 : vector<512x128xf32>
    %select_n3A_482 = arith.select %lt3A_481, %add3A_480, %select_n3A_473 : vector<512x128xi1>, vector<512x128xf32>
    %jit3A_483 = arith.constant 5.000000e+00 : f32
    %broadcast_in_dim3A_484 = vector.broadcast %jit3A_483 : f32 to vector<512x128xf32>
    %select_n3A_485 = arith.select %lt3A_481, %broadcast_in_dim3A_484, %select_n3A_476 : vector<512x128xi1>, vector<512x128xf32>
    %slice3A_486 = vector.extract_strided_slice %dot_general3A_427 {offsets = [0, 768], sizes = [512, 128], strides = [1, 1]} : vector<512x1024xf32> to vector<512x128xf32>
    %slice3A_487 = vector.extract_strided_slice %mul3A_434 {offsets = [0, 768], sizes = [1, 128], strides = [1, 1]} : vector<1x1024xf32> to vector<1x128xf32>
    %add3A_488 = vector.broadcast %slice3A_487 : vector<1x128xf32> to vector<512x128xf32>
    %add3A_489 = arith.addf %slice3A_486, %add3A_488 : vector<512x128xf32>
    %lt3A_490 = arith.cmpf olt, %add3A_489, %select_n3A_482 : vector<512x128xf32>
    %select_n3A_491 = arith.select %lt3A_490, %add3A_489, %select_n3A_482 : vector<512x128xi1>, vector<512x128xf32>
    %jit3A_492 = arith.constant 6.000000e+00 : f32
    %broadcast_in_dim3A_493 = vector.broadcast %jit3A_492 : f32 to vector<512x128xf32>
    %select_n3A_494 = arith.select %lt3A_490, %broadcast_in_dim3A_493, %select_n3A_485 : vector<512x128xi1>, vector<512x128xf32>
    %slice3A_495 = vector.extract_strided_slice %dot_general3A_427 {offsets = [0, 896], sizes = [512, 128], strides = [1, 1]} : vector<512x1024xf32> to vector<512x128xf32>
    %slice3A_496 = vector.extract_strided_slice %mul3A_434 {offsets = [0, 896], sizes = [1, 128], strides = [1, 1]} : vector<1x1024xf32> to vector<1x128xf32>
    %add3A_497 = vector.broadcast %slice3A_496 : vector<1x128xf32> to vector<512x128xf32>
    %add3A_498 = arith.addf %slice3A_495, %add3A_497 : vector<512x128xf32>
    %lt3A_499 = arith.cmpf olt, %add3A_498, %select_n3A_491 : vector<512x128xf32>
    %select_n3A_500 = arith.select %lt3A_499, %add3A_498, %select_n3A_491 : vector<512x128xi1>, vector<512x128xf32>
    %jit3A_501 = arith.constant 7.000000e+00 : f32
    %broadcast_in_dim3A_502 = vector.broadcast %jit3A_501 : f32 to vector<512x128xf32>
    %select_n3A_503 = arith.select %lt3A_499, %broadcast_in_dim3A_502, %select_n3A_494 : vector<512x128xi1>, vector<512x128xf32>
    %reduce_min3A_504 = arith.constant dense<0x7F800000> : vector<512xf32>
    %reduce_min3A_505 = vector.multi_reduction <minimumf>, %select_n3A_500, %reduce_min3A_504 [1] : vector<512x128xf32> to vector<512xf32>
    %broadcast_in_dim3A_506 = vector.shape_cast %reduce_min3A_505 : vector<512xf32> to vector<512x1xf32>
    %eq3A_507 = vector.broadcast %broadcast_in_dim3A_506 : vector<512x1xf32> to vector<512x128xf32>
    %eq3A_508 = arith.cmpf oeq, %select_n3A_500, %eq3A_507 : vector<512x128xf32>
    %mul3A_509 = arith.constant 1.280000e+02 : f32
    %mul3A_510 = vector.broadcast %mul3A_509 : f32 to vector<512x128xf32>
    %mul3A_511 = arith.mulf %select_n3A_503, %mul3A_510 : vector<512x128xf32>
    %add3A_512 = arith.addf %mul3A_511, %convert_element_type3A : vector<512x128xf32>
    %jit3A_513 = arith.constant 1.024000e+03 : f32
    %broadcast_in_dim3A_514 = vector.broadcast %jit3A_513 : f32 to vector<512x128xf32>
    %select_n3A_515 = arith.select %eq3A_508, %add3A_512, %broadcast_in_dim3A_514 : vector<512x128xi1>, vector<512x128xf32>
    %reduce_min3A_516 = arith.constant dense<0x7F800000> : vector<512xf32>
    %reduce_min3A_517 = vector.multi_reduction <minimumf>, %select_n3A_515, %reduce_min3A_516 [1] : vector<512x128xf32> to vector<512xf32>
    %broadcast_in_dim3A_518 = vector.shape_cast %reduce_min3A_517 : vector<512xf32> to vector<512x1xf32>
    %reduce_sum3A_519 = vector.shape_cast %broadcast_in_dim3A_506 : vector<512x1xf32> to vector<1x512x1xf32>
    %reduce_sum3A_520 = arith.constant dense<0.000000e+00> : vector<1xf32>
    %reduce_sum3A_521 = vector.multi_reduction <add>, %reduce_sum3A_519, %reduce_sum3A_520 [1, 2] : vector<1x512x1xf32> to vector<1xf32>
    %reduce_sum3A_522 = vector.shape_cast %reduce_sum3A_521 : vector<1xf32> to vector<1x1x1xf32>
    %reduce_sum3A_523 = vector.extract %reduce_sum3A_522[0, 0, 0] : f32 from vector<1x1x1xf32>
    %add3A_524 = arith.addf %add3A_419, %reduce_sum3A_523 : f32
    %slice3A_525 = vector.extract_strided_slice %sub3A {offsets = [0, 320], sizes = [512, 64], strides = [1, 1]} : vector<512x384xf32> to vector<512x64xf32>
    %get3A_526 = arith.constant 5 : index
    %get3A_527 = arith.constant 0 : index
    %get3A_528 = arith.constant 0 : index
    %get3A_529 = vector.load %arg3[%get3A_526, %get3A_527, %get3A_528] : memref<6x64x1024xf32, #tpu.memory_space<vmem>>, vector<1x64x1024xf32>
    %get3A_530 = vector.shape_cast %get3A_529 : vector<1x64x1024xf32> to vector<64x1024xf32>
    %dot_general3A_531 = arith.constant dense<0.000000e+00> : vector<512x1024xf32>
    %dot_general3A_532 = tpu.matmul %slice3A_525, %get3A_530, %dot_general3A_531 {dimension_numbers = #tpu.dot_dimension_numbers<[1], [0], [0], [1], [0, 0, 1, 1], [], []>, transpose_lhs_hint = false} : vector<512x64xf32>, vector<64x1024xf32>, vector<512x1024xf32> -> vector<512x1024xf32>
    %mul3A_533 = arith.mulf %get3A_530, %get3A_530 : vector<64x1024xf32>
    %reduce_sum3A_534 = arith.constant dense<0.000000e+00> : vector<1024xf32>
    %reduce_sum3A_535 = vector.multi_reduction <add>, %mul3A_533, %reduce_sum3A_534 [0] : vector<64x1024xf32> to vector<1024xf32>
    %broadcast_in_dim3A_536 = vector.shape_cast %reduce_sum3A_535 : vector<1024xf32> to vector<1x1024xf32>
    %mul3A_537 = arith.constant 2.500000e-01 : f32
    %mul3A_538 = vector.broadcast %mul3A_537 : f32 to vector<1x1024xf32>
    %mul3A_539 = arith.mulf %mul3A_538, %broadcast_in_dim3A_536 : vector<1x1024xf32>
    %slice3A_540 = vector.extract_strided_slice %dot_general3A_532 {offsets = [0, 0], sizes = [512, 128], strides = [1, 1]} : vector<512x1024xf32> to vector<512x128xf32>
    %slice3A_541 = vector.extract_strided_slice %mul3A_539 {offsets = [0, 0], sizes = [1, 128], strides = [1, 1]} : vector<1x1024xf32> to vector<1x128xf32>
    %add3A_542 = vector.broadcast %slice3A_541 : vector<1x128xf32> to vector<512x128xf32>
    %add3A_543 = arith.addf %slice3A_540, %add3A_542 : vector<512x128xf32>
    %broadcast_in_dim3A_544 = arith.constant 0.000000e+00 : f32
    %broadcast_in_dim3A_545 = vector.broadcast %broadcast_in_dim3A_544 : f32 to vector<512x128xf32>
    %slice3A_546 = vector.extract_strided_slice %dot_general3A_532 {offsets = [0, 128], sizes = [512, 128], strides = [1, 1]} : vector<512x1024xf32> to vector<512x128xf32>
    %slice3A_547 = vector.extract_strided_slice %mul3A_539 {offsets = [0, 128], sizes = [1, 128], strides = [1, 1]} : vector<1x1024xf32> to vector<1x128xf32>
    %add3A_548 = vector.broadcast %slice3A_547 : vector<1x128xf32> to vector<512x128xf32>
    %add3A_549 = arith.addf %slice3A_546, %add3A_548 : vector<512x128xf32>
    %lt3A_550 = arith.cmpf olt, %add3A_549, %add3A_543 : vector<512x128xf32>
    %select_n3A_551 = arith.select %lt3A_550, %add3A_549, %add3A_543 : vector<512x128xi1>, vector<512x128xf32>
    %jit3A_552 = arith.constant 1.000000e+00 : f32
    %broadcast_in_dim3A_553 = vector.broadcast %jit3A_552 : f32 to vector<512x128xf32>
    %select_n3A_554 = arith.select %lt3A_550, %broadcast_in_dim3A_553, %broadcast_in_dim3A_545 : vector<512x128xi1>, vector<512x128xf32>
    %slice3A_555 = vector.extract_strided_slice %dot_general3A_532 {offsets = [0, 256], sizes = [512, 128], strides = [1, 1]} : vector<512x1024xf32> to vector<512x128xf32>
    %slice3A_556 = vector.extract_strided_slice %mul3A_539 {offsets = [0, 256], sizes = [1, 128], strides = [1, 1]} : vector<1x1024xf32> to vector<1x128xf32>
    %add3A_557 = vector.broadcast %slice3A_556 : vector<1x128xf32> to vector<512x128xf32>
    %add3A_558 = arith.addf %slice3A_555, %add3A_557 : vector<512x128xf32>
    %lt3A_559 = arith.cmpf olt, %add3A_558, %select_n3A_551 : vector<512x128xf32>
    %select_n3A_560 = arith.select %lt3A_559, %add3A_558, %select_n3A_551 : vector<512x128xi1>, vector<512x128xf32>
    %jit3A_561 = arith.constant 2.000000e+00 : f32
    %broadcast_in_dim3A_562 = vector.broadcast %jit3A_561 : f32 to vector<512x128xf32>
    %select_n3A_563 = arith.select %lt3A_559, %broadcast_in_dim3A_562, %select_n3A_554 : vector<512x128xi1>, vector<512x128xf32>
    %slice3A_564 = vector.extract_strided_slice %dot_general3A_532 {offsets = [0, 384], sizes = [512, 128], strides = [1, 1]} : vector<512x1024xf32> to vector<512x128xf32>
    %slice3A_565 = vector.extract_strided_slice %mul3A_539 {offsets = [0, 384], sizes = [1, 128], strides = [1, 1]} : vector<1x1024xf32> to vector<1x128xf32>
    %add3A_566 = vector.broadcast %slice3A_565 : vector<1x128xf32> to vector<512x128xf32>
    %add3A_567 = arith.addf %slice3A_564, %add3A_566 : vector<512x128xf32>
    %lt3A_568 = arith.cmpf olt, %add3A_567, %select_n3A_560 : vector<512x128xf32>
    %select_n3A_569 = arith.select %lt3A_568, %add3A_567, %select_n3A_560 : vector<512x128xi1>, vector<512x128xf32>
    %jit3A_570 = arith.constant 3.000000e+00 : f32
    %broadcast_in_dim3A_571 = vector.broadcast %jit3A_570 : f32 to vector<512x128xf32>
    %select_n3A_572 = arith.select %lt3A_568, %broadcast_in_dim3A_571, %select_n3A_563 : vector<512x128xi1>, vector<512x128xf32>
    %slice3A_573 = vector.extract_strided_slice %dot_general3A_532 {offsets = [0, 512], sizes = [512, 128], strides = [1, 1]} : vector<512x1024xf32> to vector<512x128xf32>
    %slice3A_574 = vector.extract_strided_slice %mul3A_539 {offsets = [0, 512], sizes = [1, 128], strides = [1, 1]} : vector<1x1024xf32> to vector<1x128xf32>
    %add3A_575 = vector.broadcast %slice3A_574 : vector<1x128xf32> to vector<512x128xf32>
    %add3A_576 = arith.addf %slice3A_573, %add3A_575 : vector<512x128xf32>
    %lt3A_577 = arith.cmpf olt, %add3A_576, %select_n3A_569 : vector<512x128xf32>
    %select_n3A_578 = arith.select %lt3A_577, %add3A_576, %select_n3A_569 : vector<512x128xi1>, vector<512x128xf32>
    %jit3A_579 = arith.constant 4.000000e+00 : f32
    %broadcast_in_dim3A_580 = vector.broadcast %jit3A_579 : f32 to vector<512x128xf32>
    %select_n3A_581 = arith.select %lt3A_577, %broadcast_in_dim3A_580, %select_n3A_572 : vector<512x128xi1>, vector<512x128xf32>
    %slice3A_582 = vector.extract_strided_slice %dot_general3A_532 {offsets = [0, 640], sizes = [512, 128], strides = [1, 1]} : vector<512x1024xf32> to vector<512x128xf32>
    %slice3A_583 = vector.extract_strided_slice %mul3A_539 {offsets = [0, 640], sizes = [1, 128], strides = [1, 1]} : vector<1x1024xf32> to vector<1x128xf32>
    %add3A_584 = vector.broadcast %slice3A_583 : vector<1x128xf32> to vector<512x128xf32>
    %add3A_585 = arith.addf %slice3A_582, %add3A_584 : vector<512x128xf32>
    %lt3A_586 = arith.cmpf olt, %add3A_585, %select_n3A_578 : vector<512x128xf32>
    %select_n3A_587 = arith.select %lt3A_586, %add3A_585, %select_n3A_578 : vector<512x128xi1>, vector<512x128xf32>
    %jit3A_588 = arith.constant 5.000000e+00 : f32
    %broadcast_in_dim3A_589 = vector.broadcast %jit3A_588 : f32 to vector<512x128xf32>
    %select_n3A_590 = arith.select %lt3A_586, %broadcast_in_dim3A_589, %select_n3A_581 : vector<512x128xi1>, vector<512x128xf32>
    %slice3A_591 = vector.extract_strided_slice %dot_general3A_532 {offsets = [0, 768], sizes = [512, 128], strides = [1, 1]} : vector<512x1024xf32> to vector<512x128xf32>
    %slice3A_592 = vector.extract_strided_slice %mul3A_539 {offsets = [0, 768], sizes = [1, 128], strides = [1, 1]} : vector<1x1024xf32> to vector<1x128xf32>
    %add3A_593 = vector.broadcast %slice3A_592 : vector<1x128xf32> to vector<512x128xf32>
    %add3A_594 = arith.addf %slice3A_591, %add3A_593 : vector<512x128xf32>
    %lt3A_595 = arith.cmpf olt, %add3A_594, %select_n3A_587 : vector<512x128xf32>
    %select_n3A_596 = arith.select %lt3A_595, %add3A_594, %select_n3A_587 : vector<512x128xi1>, vector<512x128xf32>
    %jit3A_597 = arith.constant 6.000000e+00 : f32
    %broadcast_in_dim3A_598 = vector.broadcast %jit3A_597 : f32 to vector<512x128xf32>
    %select_n3A_599 = arith.select %lt3A_595, %broadcast_in_dim3A_598, %select_n3A_590 : vector<512x128xi1>, vector<512x128xf32>
    %slice3A_600 = vector.extract_strided_slice %dot_general3A_532 {offsets = [0, 896], sizes = [512, 128], strides = [1, 1]} : vector<512x1024xf32> to vector<512x128xf32>
    %slice3A_601 = vector.extract_strided_slice %mul3A_539 {offsets = [0, 896], sizes = [1, 128], strides = [1, 1]} : vector<1x1024xf32> to vector<1x128xf32>
    %add3A_602 = vector.broadcast %slice3A_601 : vector<1x128xf32> to vector<512x128xf32>
    %add3A_603 = arith.addf %slice3A_600, %add3A_602 : vector<512x128xf32>
    %lt3A_604 = arith.cmpf olt, %add3A_603, %select_n3A_596 : vector<512x128xf32>
    %select_n3A_605 = arith.select %lt3A_604, %add3A_603, %select_n3A_596 : vector<512x128xi1>, vector<512x128xf32>
    %jit3A_606 = arith.constant 7.000000e+00 : f32
    %broadcast_in_dim3A_607 = vector.broadcast %jit3A_606 : f32 to vector<512x128xf32>
    %select_n3A_608 = arith.select %lt3A_604, %broadcast_in_dim3A_607, %select_n3A_599 : vector<512x128xi1>, vector<512x128xf32>
    %reduce_min3A_609 = arith.constant dense<0x7F800000> : vector<512xf32>
    %reduce_min3A_610 = vector.multi_reduction <minimumf>, %select_n3A_605, %reduce_min3A_609 [1] : vector<512x128xf32> to vector<512xf32>
    %broadcast_in_dim3A_611 = vector.shape_cast %reduce_min3A_610 : vector<512xf32> to vector<512x1xf32>
    %eq3A_612 = vector.broadcast %broadcast_in_dim3A_611 : vector<512x1xf32> to vector<512x128xf32>
    %eq3A_613 = arith.cmpf oeq, %select_n3A_605, %eq3A_612 : vector<512x128xf32>
    %mul3A_614 = arith.constant 1.280000e+02 : f32
    %mul3A_615 = vector.broadcast %mul3A_614 : f32 to vector<512x128xf32>
    %mul3A_616 = arith.mulf %select_n3A_608, %mul3A_615 : vector<512x128xf32>
    %add3A_617 = arith.addf %mul3A_616, %convert_element_type3A : vector<512x128xf32>
    %jit3A_618 = arith.constant 1.024000e+03 : f32
    %broadcast_in_dim3A_619 = vector.broadcast %jit3A_618 : f32 to vector<512x128xf32>
    %select_n3A_620 = arith.select %eq3A_613, %add3A_617, %broadcast_in_dim3A_619 : vector<512x128xi1>, vector<512x128xf32>
    %reduce_min3A_621 = arith.constant dense<0x7F800000> : vector<512xf32>
    %reduce_min3A_622 = vector.multi_reduction <minimumf>, %select_n3A_620, %reduce_min3A_621 [1] : vector<512x128xf32> to vector<512xf32>
    %broadcast_in_dim3A_623 = vector.shape_cast %reduce_min3A_622 : vector<512xf32> to vector<512x1xf32>
    %reduce_sum3A_624 = vector.shape_cast %broadcast_in_dim3A_611 : vector<512x1xf32> to vector<1x512x1xf32>
    %reduce_sum3A_625 = arith.constant dense<0.000000e+00> : vector<1xf32>
    %reduce_sum3A_626 = vector.multi_reduction <add>, %reduce_sum3A_624, %reduce_sum3A_625 [1, 2] : vector<1x512x1xf32> to vector<1xf32>
    %reduce_sum3A_627 = vector.shape_cast %reduce_sum3A_626 : vector<1xf32> to vector<1x1x1xf32>
    %reduce_sum3A_628 = vector.extract %reduce_sum3A_627[0, 0, 0] : f32 from vector<1x1x1xf32>
    %add3A_629 = arith.addf %add3A_524, %reduce_sum3A_628 : f32
    %concatenate3A = tpu.concatenate %broadcast_in_dim3A_98, %broadcast_in_dim3A_203, %broadcast_in_dim3A_308, %broadcast_in_dim3A_413, %broadcast_in_dim3A_518, %broadcast_in_dim3A_623 in 1 : vector<512x1xf32>, vector<512x1xf32>, vector<512x1xf32>, vector<512x1xf32>, vector<512x1xf32>, vector<512x1xf32> -> vector<512x6xf32>
    %convert_element_type3A_630 = arith.fptosi %concatenate3A : vector<512x6xf32> to vector<512x6xi32>
    %swap3A = arith.constant 0 : index
    %swap3A_631 = arith.constant 0 : index
    %swap3A_632 = vector.load %arg4[%swap3A, %swap3A_631] : memref<512x6xi32, #tpu.memory_space<vmem>>, vector<512x6xi32>
    tpu.vector_store %arg4[%swap3A, %swap3A_631], %convert_element_type3A_630 {strides = array<i32>} : memref<512x6xi32, #tpu.memory_space<vmem>>, vector<512x6xi32>,
    %broadcast_in_dim3A_633 = vector.broadcast %add3A_629 : f32 to vector<1x1xf32>
    %eq3A_634 = arith.constant 0 : i32
    %eq3A_635 = arith.cmpi eq, %arg0, %eq3A_634 : i32
    %convert_element_type3A_636 = arith.extui %eq3A_635 : i1 to i32
    %cond3A = arith.constant 0 : i32
    %cond3A_637 = arith.cmpi ne, %convert_element_type3A_636, %cond3A : i32
    scf.if %cond3A_637 {
      %swap3A_642 = arith.constant 0 : index
      %swap3A_643 = arith.constant 0 : index
      %swap3A_644 = vector.load %arg5[%swap3A_642, %swap3A_643] : memref<1x1xf32, #tpu.memory_space<vmem>>, vector<1x1xf32>
      tpu.vector_store %arg5[%swap3A_642, %swap3A_643], %broadcast_in_dim3A_633 {strides = array<i32>} : memref<1x1xf32, #tpu.memory_space<vmem>>, vector<1x1xf32>,
    } else {
    }
    %ne3A = arith.constant 0 : i32
    %ne3A_638 = arith.cmpi ne, %arg0, %ne3A : i32
    %convert_element_type3A_639 = arith.extui %ne3A_638 : i1 to i32
    %cond3A_640 = arith.constant 0 : i32
    %cond3A_641 = arith.cmpi ne, %convert_element_type3A_639, %cond3A_640 : i32
    scf.if %cond3A_641 {
      %get3A_642 = arith.constant 0 : index
      %get3A_643 = arith.constant 0 : index
      %get3A_644 = vector.load %arg5[%get3A_642, %get3A_643] : memref<1x1xf32, #tpu.memory_space<vmem>>, vector<1x1xf32>
      %add3A_645 = arith.addf %get3A_644, %broadcast_in_dim3A_633 : vector<1x1xf32>
      %swap3A_646 = arith.constant 0 : index
      %swap3A_647 = arith.constant 0 : index
      %swap3A_648 = vector.load %arg5[%swap3A_646, %swap3A_647] : memref<1x1xf32, #tpu.memory_space<vmem>>, vector<1x1xf32>
      tpu.vector_store %arg5[%swap3A_646, %swap3A_647], %add3A_645 {strides = array<i32>} : memref<1x1xf32, #tpu.memory_space<vmem>>, vector<1x1xf32>,
    } else {
    }
    return
  }
  func.func @transform_0(%arg0: i32) -> (i32, i32) {
    %c0_i32 = arith.constant 0 : i32
    %c0_i32_0 = arith.constant 0 : i32
    return %arg0, %c0_i32 : i32, i32
  }
  func.func @transform_1(%arg0: i32) -> (i32, i32) {
    %c0_i32 = arith.constant 0 : i32
    %c0_i32_0 = arith.constant 0 : i32
    return %arg0, %c0_i32 : i32, i32
  }
  func.func @transform_2(%arg0: i32) -> (i32, i32, i32) {
    %c0_i32 = arith.constant 0 : i32
    %c0_i32_0 = arith.constant 0 : i32
    %c0_i32_1 = arith.constant 0 : i32
    %c0_i32_2 = arith.constant 0 : i32
    return %c0_i32, %c0_i32_0, %c0_i32_1 : i32, i32, i32
  }
  func.func @transform_3(%arg0: i32) -> (i32, i32) {
    %c0_i32 = arith.constant 0 : i32
    %c0_i32_0 = arith.constant 0 : i32
    return %arg0, %c0_i32 : i32, i32
  }
  func.func @transform_4(%arg0: i32) -> (i32, i32) {
    %c0_i32 = arith.constant 0 : i32
    %c0_i32_0 = arith.constant 0 : i32
    %c0_i32_1 = arith.constant 0 : i32
    return %c0_i32, %c0_i32_0 : i32, i32
  }
}

</mosaic_0001>

<sc_bundles>
// kernel: kernel.4.cloned.1.call-start
scs
__scs_entry_jumppad:
0x0: {  	(pc) =	sbr.rel $0x88, $3  }
0x1: {  	(tag) =	ssettag $0x0;
	lr =	simm.s32 $0x1  }
0x2: {  	[smem:$0x3F9E] =	sst lr;
	_ =	strace $0xD0000000  }
0x3: {  	_ = 	snop  }
0x4: {  	_ = 	snop  }
0x5: {  	_ = 	snop  }
0x6: {  	_ = 	snop  }
0x7: {  	_ = 	snop  }
__scs_overlays_trampoline_lowered:
0x8: {  	[smem:$0x3FAD] =	sst s0  }
0x9: {  	[smem:$0x3FAE] =	sst s1  }
0xa: {  	[smem:$0x3FAF] =	sst s2  }
0xb: {  	[smem:$0x3FB0] =	sst s3  }
0xc: {  	[smem:$0x3FB1] =	sst s4  }
0xd: {  	[smem:$0x3FB2] =	sst s5  }
0xe: {  	[smem:$0x3FB3] =	sst s6  }
0xf: {  	[smem:$0x3FB4] =	sst s7  }
0x10: {  	[smem:$0x3FB5] =	sst s8  }
0x11: {  	[smem:$0x3FB6] =	sst s9;
	s0 =	simm.s32 @!p0 $0x0  }
0x12: {  	s1 =	sld [smem:$0x3F9C];
	s0 =	simm.s32 @p0 $0x1  }
0x13: {  	[smem:$0x3FB7] =	sst s0;
	s0 =	simm.s32 @!p1 $0x0  }
0x14: {  	s2 =	sld [smem:$0x3F9B];
	s0 =	simm.s32 @p1 $0x1  }
0x15: {  	[smem:$0x3FB8] =	sst s0;
	s0 =	simm.s32 @!p2 $0x0  }
0x16: {  	s3 =	sld [smem:$0x3FDB];
	s0 =	simm.s32 @p2 $0x1  }
0x17: {  	s4 =	simm.s32 $0x1BF5;
	[smem:$0x3FBA] =	sst s0  }
0x18: {  	s0 =	sld [smem:$0x3F9D];
	_ =	swait.ge [sflag:s4], $0x0  }
0x19: {  	s7 =	sld [smem:$0x3F9E]  }
0x1a: {  	s8 =	sadd.s32 $0xFFFFE003, lr  }
0x1b: {  	s9 =	sadd.s32 $0xFFFFFEF7, lr;
	s5 =	simm.s32 $0xFFFFFFFF;
	p2 =	slt.u32 s8, $0xFFFFF086  }
0x1c: {  	p1 =	slt.u32 s9, $0xF7A;
	s5 =	simm.s32 @!p2 $0x0  }
0x1d: {  	s5 =	simm.s32 @p1 $0x1;
	p0 =	seq.s32 s7, s2  }
0x1e: {  	s7 =	smul.u32 @!p0 $0xF7A, s2;
	p2 =	seq.s32 @!p0 s5, $0x0  }
0x1f: {  	s9 =	smul.u32 $0xF7A, s1;
	s8 =	simm.s32 @!p0 $0x1BF5;
	p2 =	por !p2, p0  }
0x20: {  	[sflag:s8] =	ssyncset.s32 @!p0 $0xFFFFF086;
	s6 =	sadd.s32 @!p0 s3, s7;
	s7 =	simm.s32 @!p0 $0x108  }
0x21: {  	s3 =	sadd.s32 s3, s9;
	s6 =	sadd.s32 @!p0 $0x88, s6;
	s7 =	simm.s32 @p2 $0x1082  }
0x22: {  	[simem:s7], [sflag:s8] =	dma.local @!p0 [hbm:s6], $0xF7A  }
0x23: {  	s9 =	sor.u32 $0xD0000000, s2;
	s6 =	simm.s32 $0x108;
	_ =	swait.ge @!p0 [sflag:s8], $0x0  }
0x24: {  	s3 =	sadd.s32 $0x88, s3;
	s6 =	simm.s32 @!p1 $0x1082;
	[sflag:s4] =	ssyncset.s32 $0xFFFFF086  }
0x25: {  	[simem:s6], [sflag:s4] =	dma.local [hbm:s3], $0xF7A  }
0x26: {  	[smem:$0x3F9E] =	sst s1;
	(tag) =	ssettag s2;
	_ =	strace s9  }
0x27: {  	s1 =	sld [smem:$0x3FAE]  }
0x28: {  	s2 =	sld [smem:$0x3FAF]  }
0x29: {  	s4 =	sld [smem:$0x3FB1]  }
0x2a: {  	p0 =	seq.s32 s5, $0x0;
	s5 =	sld [smem:$0x3FB2]  }
0x2b: {  	s6 =	sld [smem:$0x3FB3]  }
0x2c: {  	s7 =	sld [smem:$0x3FB4]  }
0x2d: {  	s3 =	simm.s32 $0x108;
	s8 =	sld [smem:$0x3FB5]  }
0x2e: {  	s3 =	simm.s32 @!p0 $0x1082;
	s9 =	sld [smem:$0x3FB6]  }
0x2f: {  	lr =	sadd.s32 s0, s3;
	s0 =	sld [smem:$0x3FAD]  }
0x30: {  	s3 =	sld [smem:$0x3FB0]  }
0x31: {  	[smem:$0x3FB9] =	sst s10  }
0x32: {  	s10 =	sld [smem:$0x3FB7];
	_ =	sdelay $0x3  }
0x33: {  	p0 =	seq.s32 s10, $0x1;
	s10 =	sld [smem:$0x3FB9];
	_ =	sdelay $0x3  }
0x34: {  	[smem:$0x3FB9] =	sst s10  }
0x35: {  	s10 =	sld [smem:$0x3FB8];
	_ =	sdelay $0x3  }
0x36: {  	p1 =	seq.s32 s10, $0x1;
	s10 =	sld [smem:$0x3FB9];
	_ =	sdelay $0x3  }
0x37: {  	[smem:$0x3FB9] =	sst s10  }
0x38: {  	s10 =	sld [smem:$0x3FBA]  }
0x39: {  	_ = 	snop;
	(pc) =	sbr.ind lr, $3  }
0x3a: {  	_ = 	snop  }
0x3b: {  	_ = 	snop  }
0x3c: {  	p2 =	seq.s32 s10, $0x1;
	s10 =	sld [smem:$0x3FB9]  }
0x3d: {  	_ =	shalt  }
0x3e: {  	_ =	shalt  }
0x3f: {  	_ =	shalt  }
0x40: {  	_ =	shalt  }
0x41: {  	_ =	shalt  }
0x42: {  	_ =	shalt  }
0x43: {  	_ =	shalt  }
0x44: {  	_ =	shalt  }
0x45: {  	_ =	shalt  }
0x46: {  	_ =	shalt  }
0x47: {  	_ =	shalt  }
0x48: {  	_ =	shalt  }
0x49: {  	_ =	shalt  }
0x4a: {  	_ =	shalt  }
0x4b: {  	_ =	shalt  }
0x4c: {  	_ =	shalt  }
0x4d: {  	_ =	shalt  }
0x4e: {  	_ =	shalt  }
0x4f: {  	_ =	shalt  }
0x50: {  	_ =	shalt  }
0x51: {  	_ =	shalt  }
0x52: {  	_ =	shalt  }
0x53: {  	_ =	shalt  }
0x54: {  	_ =	shalt  }
0x55: {  	_ =	shalt  }
0x56: {  	_ =	shalt  }
0x57: {  	_ =	shalt  }
0x58: {  	_ =	shalt  }
0x59: {  	_ =	shalt  }
0x5a: {  	_ =	shalt  }
0x5b: {  	_ =	shalt  }
0x5c: {  	_ =	shalt  }
0x5d: {  	_ =	shalt  }
0x5e: {  	_ =	shalt  }
0x5f: {  	_ =	shalt  }
0x60: {  	_ =	shalt  }
0x61: {  	_ =	shalt  }
0x62: {  	_ =	shalt  }
0x63: {  	_ =	shalt  }
0x64: {  	_ =	shalt  }
0x65: {  	_ =	shalt  }
0x66: {  	_ =	shalt  }
0x67: {  	_ =	shalt  }
0x68: {  	_ =	shalt  }
0x69: {  	_ =	shalt  }
0x6a: {  	_ =	shalt  }
0x6b: {  	_ =	shalt  }
0x6c: {  	_ =	shalt  }
0x6d: {  	_ =	shalt  }
0x6e: {  	_ =	shalt  }
0x6f: {  	_ =	shalt  }
0x70: {  	_ =	shalt  }
0x71: {  	_ =	shalt  }
0x72: {  	_ =	shalt  }
0x73: {  	_ =	shalt  }
0x74: {  	_ =	shalt  }
0x75: {  	_ =	shalt  }
0x76: {  	_ =	shalt  }
0x77: {  	_ =	shalt  }
0x78: {  	_ =	shalt  }
0x79: {  	_ =	shalt  }
0x7a: {  	_ =	shalt  }
0x7b: {  	_ =	shalt  }
0x7c: {  	_ =	shalt  }
0x7d: {  	_ =	shalt  }
0x7e: {  	_ =	shalt  }
0x7f: {  	_ =	shalt  }
0x80: {  	_ =	shalt  }
0x81: {  	_ =	shalt  }
0x82: {  	_ =	shalt  }
0x83: {  	_ =	shalt  }
0x84: {  	_ =	shalt  }
0x85: {  	_ =	shalt  }
0x86: {  	_ =	shalt  }
0x87: {  	_ =	shalt  }
.Lfunc_end0:
.L_simem_size_0:
called_computation_lowered:
.L_overlay_start_0:
0x88: {  	s2 =	sld [smem:$0x3FD9]  }
0x89: {  	s3 =	sld [smem:$0x3FFE];
	_ =	sdelay $0x1  }
0x8a: {  	s1 =	srdreg.scid  }
0x8b: {  	s0 =	sand.u32 $0x1, s1  }
0x8c: {  	s14 =	sshll.u32 s0, $0xA;
	s2 =	sadd.s32 s3, s2  }
0x8d: {  	s2 =	sadd.s32 s2, s14  }
0x8e: {  	[smem:$0x3FC5] =	sst s2  }
0x8f: {  	_ = 	snop  }
0x90: {  	s2 =	sld [smem:$0x3FD0];
	_ =	sdelay $0x2  }
0x91: {  	s15 =	simm.s32 $0xA;
	s4 =	simm.s32 $0x10  }
0x92: {  	[smem:s4], [sflag:s15] =	dma.local [hbm:s2], $0x1  }
0x93: {  	_ =	swait.eq [sflag:s15], $0x1  }
0x94: {  	[sflag:s15] =	ssyncset.done $0x0  }
0x95: {  	[sflag:s15] =	ssyncadd.s32 $0xFFFFFFFF  }
0x96: {  	s16 =	sld [smem:$0x10];
	(tm) =	ssettm $0x1  }
0x97: {  	s17 =	sld [smem:$0x3FFB];
	_ =	sdelay $0x3  }
0x98: {  	_ =	strace s17  }
0x99: {  	s3 =	sld [smem:$0x3FFC];
	_ =	sdelay $0x3  }
0x9a: {  	_ =	strace s3  }
0x9b: {  	s3 =	sld [smem:$0x3FFD];
	_ =	sdelay $0x3  }
0x9c: {  	_ =	strace s3  }
0x9d: {  	_ =	strace $0x8FFFFFFF  }
0x9e: {  	s18 =	sld [smem:$0x3FDB];
	_ =	sdelay $0x1  }
0x9f: {  	s19 =	simm.s32 $_scs_section_size  }
0xa0: {  	s5 =	simm.s32 $_size__tile_overlayer_lowered;
	s6 =	simm.s32 $_tile_overlayer_lowered  }
0xa1: {  	s22 =	simm.s32 $0x1BFF;
	s21 =	sshll.u32 s6, $0x1;
	s3 =	sadd.s32 s19, s18  }
0xa2: {  	s7 =	simm.s32 $0x0;
	s20 =	sshll.u32 s5, $0x1;
	s5 =	sadd.s32 s21, s3  }
0xa3: {  	[timem:s7], [sflag:s22] =	dma.local [hbm:s5], s20  }
0xa4: {  	_ =	swait.ge [sflag:s22], s20  }
0xa5: {  	s4 =	ssub.s32 $0x0, s20;
	[sflag:s22] =	ssyncset.done $0x0  }
0xa6: {  	[sflag:s22] =	ssyncadd.s32 s4;
	_ =	sdelay $0x1  }
0xa7: {  	s23 =	simm.s32 $0x1B8B  }
0xa8: {  	_ =	swait.ge [sflag:s23], $0x1  }
0xa9: {  	[sflag:s23] =	ssyncset.done $0x0  }
0xaa: {  	s25 =	simm.s32 $0x1B8E;
	s24 =	sld [smem:$0x3FFE];
	[sflag:s23] =	ssyncadd.s32 $0xFFFFFFFF  }
0xab: {  	s26 =	simm.s32 $execute0_lowered;
	[smem:$0x3FD2] =	sst s25  }
0xac: {  	s5 =	sshll.u32 s26, $0x1;
	_ =	strace $0x80000046;
	[dreg:$0x1] =	wrdreg $0xFFFFFFFF  }
0xad: {  	s28 =	simm.s32 $_size_execute0_lowered;
	s3 =	sadd.s32 s3, s5;
	[dreg:$0x0] =	wrdreg $0x0  }
0xae: {  	s5 =	sshll.u32 s28, $0x1;
	[dreg:$0x2] =	wrdreg s3  }
0xaf: {  	[dreg:$0x3] =	wrdreg s5  }
0xb0: {  	[dreg:$0x4] =	wrdreg $0xC0  }
0xb1: {  	_ =	task [dreg:s7], $0x5FFFF  }
0xb2: {  	[dreg:$0x1] =	wrdreg $0xFFFFFFFF  }
0xb3: {  	[dreg:$0x0] =	wrdreg $0x60  }
0xb4: {  	[dreg:$0x2] =	wrdreg s24  }
0xb5: {  	[dreg:$0x3] =	wrdreg s16  }
0xb6: {  	[dreg:$0x4] =	wrdreg $0x9  }
0xb7: {  	_ =	task.clear_ibuf [dreg:s7], $0x5FFFF;
	_ =	strace $0x90000046  }
0xb8: {  	s29 =	simm.s32 $0x9;
	_ =	strace $0x80000048  }
0xb9: {  	_ =	swait.ge [sflag:s29], $0x1  }
0xba: {  	[sflag:s29] =	ssyncadd.s32 $0xFFFFFFFF  }
0xbb: {  	_ =	strace $0x90000048  }
0xbc: {  	_ =	sfence  }
0xbd: {  	s30 =	sld [smem:$0x0];
	_ =	sdelay $0x2  }
0xbe: {  	s31 =	sshll.u32 s1, $0xD;
	s1 =	sshrl.u32 s1, $0x2  }
0xbf: {  	s3 =	sand.u32 $0x4000, s31;
	s1 =	sadd.s32 s1, s30  }
0xc0: {  	s0 =	sor.u32 s3, s0;
	s1 =	sshll.u32 s1, $0x11  }
0xc1: {  	s0 =	sor.u32 s1, s0  }
0xc2: {  	s0 =	sadd.s32 $0x8F2B, s0  }
0xc3: {  	[sflag:s0] =	ssyncadd.remote.s32 $0x1  }
0xc4: {  	_ =	sfence.sel $0xFFFF  }
0xc5: {  	[dreg:$0x0] =	wrdreg $0xFFFFFFFF;
	(pc) =	sbr.abs _section_cstart, $3  }
0xc6: {  	[dreg:$0x1] =	wrdreg $0xFFFFFFFF  }
0xc7: {  	_ =	task.clear_ibuf [dreg:s7], $0x2FFFF;
	_ =	strace $0x9FFFFFFF  }
0xc8: {  	(tm) =	ssettm $0x7FFFFFFF  }
0xc9: {  	_ =	shalt  }
tec
execute0_lowered:
.L_overlay_start_1:
0x0: {  	(tag) =	ssettag $0x1  }
0x1: {  	s0 =	srdreg.scid;
	s1 =	stileid.u32  }
0x2: {  	s2 =	sand.u32 $0x1, s0;
	s6 =	sshll.u32 s1, $0x1  }
0x3: {  	s1 =	sor.u32 s2, s6  }
0x4: {  	s3 =	smul.u32 $0x600, s1  }
0x5: {  	v1 =	vlaneseq.u32  }
0x6: {  	v0 =	vor.u32 s3, v1  }
0x7: {  	s7 =	sor.u32 $0x10, s3;
	v2 =	vmulhi.u32 $0xAAAAAAAB, v0  }
0x8: {  	s8 =	sor.u32 $0x20, s3;
	v3 =	vor.u32 s7, v1  }
0x9: {  	v5 =	vor.u32 s8, v1;
	v4 =	vmulhi.u32 $0xAAAAAAAB, v3;
	v2 =	vshrl.u32 v2, $0x2  }
0xa: {  	s9 =	sor.u32 $0x30, s3;
	v6 =	vmulhi.u32 $0xAAAAAAAB, v5;
	v2 =	vmul.u32 $0x6, v2  }
0xb: {  	v7 =	vor.u32 s9, v1  }
0xc: {  	s10 =	sor.u32 $0x40, s3;
	v4 =	vshrl.u32 v4, $0x2;
	v6 =	vshrl.u32 v6, $0x2;
	v0 =	vsub.s32 v0, v2  }
0xd: {  	v4 =	vmul.u32 $0x6, v4;
	v2 =	vor.u32 s10, v1;
	[tilespmem:$0x1FB20] =	vst v0;
	v0 =	vmulhi.u32 $0xAAAAAAAB, v7  }
0xe: {  	s12 =	sor.u32 $0x60, s3;
	v6 =	vmul.u32 $0x6, v6;
	v8 =	vmulhi.u32 $0xAAAAAAAB, v2  }
0xf: {  	v11 =	vor.u32 s12, v1;
	v3 =	vsub.s32 v3, v4;
	v0 =	vshrl.u32 v0, $0x2  }
0x10: {  	s11 =	sor.u32 $0x50, s3;
	[tilespmem:$0x1FB40] =	vst v3;
	v3 =	vsub.s32 v5, v6;
	v8 =	vshrl.u32 v8, $0x2;
	v0 =	vmul.u32 $0x6, v0  }
0x11: {  	v9 =	vor.u32 s11, v1;
	[tilespmem:$0x1FB60] =	vst v3;
	v3 =	vmulhi.u32 $0xAAAAAAAB, v11;
	v8 =	vmul.u32 $0x6, v8  }
0x12: {  	s4 =	sor.u32 $0x80, s3;
	v10 =	vmulhi.u32 $0xAAAAAAAB, v9;
	v0 =	vsub.s32 v7, v0  }
0x13: {  	s13 =	sor.u32 $0x70, s3;
	v5 =	vor.u32 s4, v1;
	[tilespmem:$0x1FB80] =	vst v0;
	v0 =	vsub.s32 v2, v8;
	v2 =	vshrl.u32 v3, $0x2  }
0x14: {  	s15 =	sor.u32 $0xA0, s3;
	v3 =	vor.u32 s13, v1;
	[tilespmem:$0x1FBA0] =	vst v0;
	v0 =	vshrl.u32 v10, $0x2;
	v2 =	vmul.u32 $0x6, v2  }
0x15: {  	s14 =	sor.u32 $0x90, s3;
	v7 =	vor.u32 s15, v1;
	v4 =	vmulhi.u32 $0xAAAAAAAB, v3;
	v0 =	vmul.u32 $0x6, v0  }
0x16: {  	v6 =	vor.u32 s14, v1;
	v8 =	vmulhi.u32 $0xAAAAAAAB, v7;
	v2 =	vsub.s32 v11, v2  }
0x17: {  	v4 =	vshrl.u32 v4, $0x2;
	v0 =	vsub.s32 v9, v0;
	[tilespmem:$0x1FBE0] =	vst v2;
	v2 =	vmulhi.u32 $0xAAAAAAAB, v6  }
0x18: {  	v4 =	vmul.u32 $0x6, v4;
	[tilespmem:$0x1FBC0] =	vst v0;
	v0 =	vmulhi.u32 $0xAAAAAAAB, v5  }
0x19: {  	v8 =	vshrl.u32 v8, $0x2;
	v2 =	vshrl.u32 v2, $0x2  }
0x1a: {  	s18 =	sor.u32 $0xD0, s3;
	v3 =	vsub.s32 v3, v4;
	v0 =	vshrl.u32 v0, $0x2;
	v2 =	vmul.u32 $0x6, v2  }
0x1b: {  	s16 =	sor.u32 $0xB0, s3;
	v8 =	vmul.u32 $0x6, v8;
	[tilespmem:$0x1FC00] =	vst v3;
	v3 =	vor.u32 s18, v1;
	v0 =	vmul.u32 $0x6, v0  }
0x1c: {  	v9 =	vor.u32 s16, v1;
	v4 =	vmulhi.u32 $0xAAAAAAAB, v3;
	v2 =	vsub.s32 v6, v2  }
0x1d: {  	s17 =	sor.u32 $0xC0, s3;
	v10 =	vmulhi.u32 $0xAAAAAAAB, v9;
	v0 =	vsub.s32 v5, v0;
	[tilespmem:$0x1FC40] =	vst v2  }
0x1e: {  	v11 =	vor.u32 s17, v1;
	v2 =	vsub.s32 v7, v8;
	v4 =	vshrl.u32 v4, $0x2;
	[tilespmem:$0x1FC20] =	vst v0  }
0x1f: {  	s19 =	sor.u32 $0xE0, s3;
	v0 =	vmulhi.u32 $0xAAAAAAAB, v11;
	[tilespmem:$0x1FC60] =	vst v2;
	v2 =	vshrl.u32 v10, $0x2;
	v4 =	vmul.u32 $0x6, v4  }
0x20: {  	s7 =	sor.u32 $0x100, s3;
	v5 =	vor.u32 s19, v1;
	v2 =	vmul.u32 $0x6, v2  }
0x21: {  	v7 =	vor.u32 s7, v1;
	v0 =	vshrl.u32 v0, $0x2;
	v3 =	vsub.s32 v3, v4  }
0x22: {  	s23 =	sor.u32 $0x130, s3;
	v8 =	vmulhi.u32 $0xAAAAAAAB, v7;
	v0 =	vmul.u32 $0x6, v0;
	v2 =	vsub.s32 v9, v2;
	[tilespmem:$0x1FCC0] =	vst v3  }
0x23: {  	s20 =	sor.u32 $0xF0, s3;
	v3 =	vor.u32 s23, v1;
	[tilespmem:$0x1FC80] =	vst v2;
	v2 =	vmulhi.u32 $0xAAAAAAAB, v5  }
0x24: {  	v6 =	vor.u32 s20, v1;
	v4 =	vmulhi.u32 $0xAAAAAAAB, v3;
	v0 =	vsub.s32 v11, v0  }
0x25: {  	[tilespmem:$0x1FCA0] =	vst v0;
	v0 =	vmulhi.u32 $0xAAAAAAAB, v6;
	v2 =	vshrl.u32 v2, $0x2  }
0x26: {  	s21 =	sor.u32 $0x110, s3;
	v8 =	vshrl.u32 v8, $0x2;
	v4 =	vshrl.u32 v4, $0x2;
	v2 =	vmul.u32 $0x6, v2  }
0x27: {  	s22 =	sor.u32 $0x120, s3;
	v9 =	vor.u32 s21, v1;
	v4 =	vmul.u32 $0x6, v4;
	v0 =	vshrl.u32 v0, $0x2  }
0x28: {  	v11 =	vor.u32 s22, v1;
	v0 =	vmul.u32 $0x6, v0;
	v2 =	vsub.s32 v5, v2  }
0x29: {  	v8 =	vmul.u32 $0x6, v8;
	v3 =	vsub.s32 v3, v4;
	[tilespmem:$0x1FCE0] =	vst v2;
	v2 =	vmulhi.u32 $0xAAAAAAAB, v11  }
0x2a: {  	v10 =	vmulhi.u32 $0xAAAAAAAB, v9;
	[tilespmem:$0x1FD80] =	vst v3;
	v0 =	vsub.s32 v6, v0  }
0x2b: {  	s6 =	sor.u32 $0x190, s3;
	[tilespmem:$0x1FD00] =	vst v0;
	v0 =	vsub.s32 v7, v8;
	v2 =	vshrl.u32 v2, $0x2  }
0x2c: {  	s26 =	sor.u32 $0x160, s3;
	v3 =	vor.u32 s6, v1;
	[tilespmem:$0x1FD20] =	vst v0;
	v0 =	vshrl.u32 v10, $0x2;
	v2 =	vmul.u32 $0x6, v2  }
0x2d: {  	s25 =	sor.u32 $0x150, s3;
	v4 =	vmulhi.u32 $0xAAAAAAAB, v3;
	v7 =	vor.u32 s26, v1;
	v0 =	vmul.u32 $0x6, v0  }
0x2e: {  	s24 =	sor.u32 $0x140, s3;
	v6 =	vor.u32 s25, v1;
	v8 =	vmulhi.u32 $0xAAAAAAAB, v7;
	v2 =	vsub.s32 v11, v2  }
0x2f: {  	v5 =	vor.u32 s24, v1;
	v0 =	vsub.s32 v9, v0;
	[tilespmem:$0x1FD60] =	vst v2;
	v2 =	vmulhi.u32 $0xAAAAAAAB, v6  }
0x30: {  	v4 =	vshrl.u32 v4, $0x2;
	[tilespmem:$0x1FD40] =	vst v0;
	v0 =	vmulhi.u32 $0xAAAAAAAB, v5  }
0x31: {  	s5 =	sor.u32 $0x170, s3;
	v4 =	vmul.u32 $0x6, v4;
	v8 =	vshrl.u32 v8, $0x2;
	v2 =	vshrl.u32 v2, $0x2  }
0x32: {  	v9 =	vor.u32 s5, v1;
	v0 =	vshrl.u32 v0, $0x2;
	v2 =	vmul.u32 $0x6, v2  }
0x33: {  	s14 =	sor.u32 $0x1F0, s3;
	v8 =	vmul.u32 $0x6, v8;
	v3 =	vsub.s32 v3, v4;
	v0 =	vmul.u32 $0x6, v0  }
0x34: {  	v10 =	vmulhi.u32 $0xAAAAAAAB, v9;
	[tilespmem:$0x1FE40] =	vst v3;
	v3 =	vor.u32 s14, v1;
	v2 =	vsub.s32 v6, v2  }
0x35: {  	s8 =	sor.u32 $0x180, s3;
	v4 =	vmulhi.u32 $0xAAAAAAAB, v3;
	v0 =	vsub.s32 v5, v0;
	[tilespmem:$0x1FDC0] =	vst v2  }
0x36: {  	v11 =	vor.u32 s8, v1;
	v2 =	vsub.s32 v7, v8;
	[tilespmem:$0x1FDA0] =	vst v0  }
0x37: {  	v4 =	vshrl.u32 v4, $0x2;
	v0 =	vmulhi.u32 $0xAAAAAAAB, v11;
	[tilespmem:$0x1FDE0] =	vst v2;
	v2 =	vshrl.u32 v10, $0x2  }
0x38: {  	s9 =	sor.u32 $0x1A0, s3;
	s11 =	sor.u32 $0x1C0, s3;
	v4 =	vmul.u32 $0x6, v4;
	v2 =	vmul.u32 $0x6, v2  }
0x39: {  	v5 =	vor.u32 s9, v1;
	v7 =	vor.u32 s11, v1;
	v0 =	vshrl.u32 v0, $0x2  }
0x3a: {  	s19 =	sadd.s32 $0x250, s3;
	v8 =	vmulhi.u32 $0xAAAAAAAB, v7;
	v0 =	vmul.u32 $0x6, v0;
	v2 =	vsub.s32 v9, v2  }
0x3b: {  	s10 =	sor.u32 $0x1B0, s3;
	v32 =	vsub.s32 v3, v4;
	v3 =	vor.u32 s19, v1;
	[tilespmem:$0x1FE00] =	vst v2;
	v2 =	vmulhi.u32 $0xAAAAAAAB, v5  }
0x3c: {  	v6 =	vor.u32 s10, v1;
	v4 =	vmulhi.u32 $0xAAAAAAAB, v3;
	v0 =	vsub.s32 v11, v0  }
0x3d: {  	[tilespmem:$0x1FE20] =	vst v0;
	v0 =	vmulhi.u32 $0xAAAAAAAB, v6;
	v2 =	vshrl.u32 v2, $0x2  }
0x3e: {  	s12 =	sor.u32 $0x1D0, s3;
	v8 =	vshrl.u32 v8, $0x2;
	v2 =	vmul.u32 $0x6, v2  }
0x3f: {  	s13 =	sor.u32 $0x1E0, s3;
	v9 =	vor.u32 s12, v1;
	v4 =	vshrl.u32 v4, $0x2;
	v0 =	vshrl.u32 v0, $0x2  }
0x40: {  	v11 =	vor.u32 s13, v1;
	v0 =	vmul.u32 $0x6, v0;
	v2 =	vsub.s32 v5, v2  }
0x41: {  	v8 =	vmul.u32 $0x6, v8;
	v4 =	vmul.u32 $0x6, v4;
	[tilespmem:$0x1FE60] =	vst v2;
	v2 =	vmulhi.u32 $0xAAAAAAAB, v11  }
0x42: {  	v10 =	vmulhi.u32 $0xAAAAAAAB, v9;
	v0 =	vsub.s32 v6, v0  }
0x43: {  	s24 =	sadd.s32 $0x2B0, s3;
	v38 =	vsub.s32 v3, v4;
	[tilespmem:$0x1FE80] =	vst v0;
	v0 =	vsub.s32 v7, v8;
	v2 =	vshrl.u32 v2, $0x2  }
0x44: {  	s16 =	sadd.s32 $0x220, s3;
	v3 =	vor.u32 s24, v1;
	[tilespmem:$0x1FEA0] =	vst v0;
	v0 =	vshrl.u32 v10, $0x2;
	v2 =	vmul.u32 $0x6, v2  }
0x45: {  	s15 =	sadd.s32 $0x210, s3;
	v4 =	vmulhi.u32 $0xAAAAAAAB, v3;
	v7 =	vor.u32 s16, v1;
	v0 =	vmul.u32 $0x6, v0  }
0x46: {  	s9 =	sadd.s32 $0x200, s3;
	v6 =	vor.u32 s15, v1;
	v8 =	vmulhi.u32 $0xAAAAAAAB, v7;
	v2 =	vsub.s32 v11, v2  }
0x47: {  	v5 =	vor.u32 s9, v1;
	v0 =	vsub.s32 v9, v0;
	[tilespmem:$0x1FEE0] =	vst v2;
	v2 =	vmulhi.u32 $0xAAAAAAAB, v6  }
0x48: {  	s17 =	sadd.s32 $0x230, s3;
	v4 =	vshrl.u32 v4, $0x2;
	v8 =	vshrl.u32 v8, $0x2;
	[tilespmem:$0x1FEC0] =	vst v0;
	v0 =	vmulhi.u32 $0xAAAAAAAB, v5  }
0x49: {  	v9 =	vor.u32 s17, v1;
	v8 =	vmul.u32 $0x6, v8;
	v2 =	vshrl.u32 v2, $0x2  }
0x4a: {  	s18 =	sadd.s32 $0x240, s3;
	v10 =	vmulhi.u32 $0xAAAAAAAB, v9;
	v0 =	vshrl.u32 v0, $0x2;
	v2 =	vmul.u32 $0x6, v2  }
0x4b: {  	s10 =	sadd.s32 $0x280, s3;
	v11 =	vor.u32 s18, v1;
	v35 =	vsub.s32 v7, v8;
	v0 =	vmul.u32 $0x6, v0  }
0x4c: {  	v7 =	vor.u32 s10, v1;
	v34 =	vsub.s32 v6, v2;
	v2 =	vshrl.u32 v10, $0x2  }
0x4d: {  	s20 =	sadd.s32 $0x260, s3;
	v33 =	vsub.s32 v5, v0;
	v0 =	vmulhi.u32 $0xAAAAAAAB, v11;
	v2 =	vmul.u32 $0x6, v2  }
0x4e: {  	v4 =	vmul.u32 $0x6, v4;
	v8 =	vmulhi.u32 $0xAAAAAAAB, v7;
	v5 =	vor.u32 s20, v1  }
0x4f: {  	v0 =	vshrl.u32 v0, $0x2;
	v36 =	vsub.s32 v9, v2;
	v2 =	vmulhi.u32 $0xAAAAAAAB, v5  }
0x50: {  	s21 =	sadd.s32 $0x270, s3;
	v44 =	vsub.s32 v3, v4;
	v8 =	vshrl.u32 v8, $0x2;
	v0 =	vmul.u32 $0x6, v0  }
0x51: {  	v6 =	vor.u32 s21, v1;
	v8 =	vmul.u32 $0x6, v8;
	v2 =	vshrl.u32 v2, $0x2  }
0x52: {  	s23 =	sadd.s32 $0x2A0, s3;
	s22 =	sadd.s32 $0x290, s3;
	v37 =	vsub.s32 v11, v0;
	v0 =	vmulhi.u32 $0xAAAAAAAB, v6;
	v2 =	vmul.u32 $0x6, v2  }
0x53: {  	v9 =	vor.u32 s22, v1;
	v40 =	vsub.s32 v7, v8;
	v11 =	vor.u32 s23, v1  }
0x54: {  	s5 =	sadd.s32 $0x2E0, s3;
	v0 =	vshrl.u32 v0, $0x2;
	v41 =	vsub.s32 v5, v2;
	v2 =	vmulhi.u32 $0xAAAAAAAB, v11  }
0x55: {  	v7 =	vor.u32 s5, v1;
	s5 =	sadd.s32 $0x310, s3;
	v10 =	vmulhi.u32 $0xAAAAAAAB, v9;
	v0 =	vmul.u32 $0x6, v0  }
0x56: {  	v8 =	vmulhi.u32 $0xAAAAAAAB, v7;
	v3 =	vor.u32 s5, v1;
	v2 =	vshrl.u32 v2, $0x2  }
0x57: {  	s26 =	sadd.s32 $0x2D0, s3;
	v39 =	vsub.s32 v6, v0;
	v0 =	vshrl.u32 v10, $0x2;
	v2 =	vmul.u32 $0x6, v2  }
0x58: {  	s25 =	sadd.s32 $0x2C0, s3;
	v4 =	vmulhi.u32 $0xAAAAAAAB, v3;
	v6 =	vor.u32 s26, v1;
	v0 =	vmul.u32 $0x6, v0  }
0x59: {  	v5 =	vor.u32 s25, v1;
	v43 =	vsub.s32 v11, v2;
	v2 =	vmulhi.u32 $0xAAAAAAAB, v6  }
0x5a: {  	s6 =	sadd.s32 $0x2F0, s3;
	v8 =	vshrl.u32 v8, $0x2;
	v42 =	vsub.s32 v9, v0;
	v0 =	vmulhi.u32 $0xAAAAAAAB, v5  }
0x5b: {  	v4 =	vshrl.u32 v4, $0x2;
	v9 =	vor.u32 s6, v1;
	v2 =	vshrl.u32 v2, $0x2  }
0x5c: {  	v10 =	vmulhi.u32 $0xAAAAAAAB, v9;
	v0 =	vshrl.u32 v0, $0x2;
	v2 =	vmul.u32 $0x6, v2  }
0x5d: {  	s0 =	sadd.s32 $0x300, s3;
	v8 =	vmul.u32 $0x6, v8;
	v4 =	vmul.u32 $0x6, v4;
	v0 =	vmul.u32 $0x6, v0  }
0x5e: {  	v11 =	vor.u32 s0, v1;
	v45 =	vsub.s32 v6, v2;
	v2 =	vshrl.u32 v10, $0x2  }
0x5f: {  	s11 =	sadd.s32 $0x320, s3;
	s13 =	sadd.s32 $0x340, s3;
	v47 =	vsub.s32 v5, v0;
	v0 =	vmulhi.u32 $0xAAAAAAAB, v11;
	v2 =	vmul.u32 $0x6, v2  }
0x60: {  	v46 =	vsub.s32 v7, v8;
	v7 =	vor.u32 s13, v1;
	v5 =	vor.u32 s11, v1  }
0x61: {  	v0 =	vshrl.u32 v0, $0x2;
	v48 =	vsub.s32 v9, v2;
	v2 =	vmulhi.u32 $0xAAAAAAAB, v5  }
0x62: {  	s12 =	sadd.s32 $0x330, s3;
	s16 =	sadd.s32 $0x370, s3;
	v8 =	vmulhi.u32 $0xAAAAAAAB, v7;
	v50 =	vsub.s32 v3, v4;
	v0 =	vmul.u32 $0x6, v0  }
0x63: {  	v3 =	vor.u32 s16, v1;
	v6 =	vor.u32 s12, v1;
	v2 =	vshrl.u32 v2, $0x2  }
0x64: {  	s14 =	sadd.s32 $0x350, s3;
	s15 =	sadd.s32 $0x360, s3;
	v49 =	vsub.s32 v11, v0;
	v0 =	vmulhi.u32 $0xAAAAAAAB, v6;
	v2 =	vmul.u32 $0x6, v2  }
0x65: {  	v4 =	vmulhi.u32 $0xAAAAAAAB, v3;
	v9 =	vor.u32 s14, v1;
	v11 =	vor.u32 s15, v1  }
0x66: {  	v0 =	vshrl.u32 v0, $0x2;
	v53 =	vsub.s32 v5, v2;
	v2 =	vmulhi.u32 $0xAAAAAAAB, v11  }
0x67: {  	v8 =	vshrl.u32 v8, $0x2;
	v10 =	vmulhi.u32 $0xAAAAAAAB, v9;
	v0 =	vmul.u32 $0x6, v0  }
0x68: {  	v8 =	vmul.u32 $0x6, v8;
	v4 =	vshrl.u32 v4, $0x2;
	v2 =	vshrl.u32 v2, $0x2  }
0x69: {  	s17 =	sadd.s32 $0x390, s3;
	v51 =	vsub.s32 v6, v0;
	v0 =	vshrl.u32 v10, $0x2;
	v2 =	vmul.u32 $0x6, v2  }
0x6a: {  	v52 =	vsub.s32 v7, v8;
	s11 =	sadd.s32 $0x380, s3;
	v6 =	vor.u32 s17, v1;
	v0 =	vmul.u32 $0x6, v0  }
0x6b: {  	s18 =	sadd.s32 $0x3A0, s3;
	v5 =	vor.u32 s11, v1;
	v55 =	vsub.s32 v11, v2;
	v2 =	vmulhi.u32 $0xAAAAAAAB, v6  }
0x6c: {  	v7 =	vor.u32 s18, v1;
	v54 =	vsub.s32 v9, v0;
	v0 =	vmulhi.u32 $0xAAAAAAAB, v5  }
0x6d: {  	s19 =	sadd.s32 $0x3B0, s3;
	v4 =	vmul.u32 $0x6, v4;
	v8 =	vmulhi.u32 $0xAAAAAAAB, v7;
	v2 =	vshrl.u32 v2, $0x2  }
0x6e: {  	v9 =	vor.u32 s19, v1;
	v0 =	vshrl.u32 v0, $0x2;
	v2 =	vmul.u32 $0x6, v2  }
0x6f: {  	s20 =	sadd.s32 $0x3D0, s3;
	s6 =	sadd.s32 $0x3C0, s3;
	v56 =	vsub.s32 v3, v4;
	v10 =	vmulhi.u32 $0xAAAAAAAB, v9;
	v0 =	vmul.u32 $0x6, v0  }
0x70: {  	v3 =	vor.u32 s20, v1;
	v11 =	vor.u32 s6, v1;
	v57 =	vsub.s32 v6, v2  }
0x71: {  	v2 =	vshrl.u32 v10, $0x2;
	v59 =	vsub.s32 v5, v0;
	v0 =	vmulhi.u32 $0xAAAAAAAB, v11  }
0x72: {  	s21 =	sadd.s32 $0x3E0, s3;
	v4 =	vmulhi.u32 $0xAAAAAAAB, v3;
	v8 =	vshrl.u32 v8, $0x2;
	v2 =	vmul.u32 $0x6, v2  }
0x73: {  	v8 =	vmul.u32 $0x6, v8;
	v5 =	vor.u32 s21, v1;
	v0 =	vshrl.u32 v0, $0x2  }
0x74: {  	v60 =	vsub.s32 v9, v2;
	v2 =	vmulhi.u32 $0xAAAAAAAB, v5;
	v0 =	vmul.u32 $0x6, v0  }
0x75: {  	s22 =	sadd.s32 $0x3F0, s3;
	v4 =	vshrl.u32 v4, $0x2;
	v58 =	vsub.s32 v7, v8  }
0x76: {  	s12 =	sadd.s32 $0x400, s3;
	v6 =	vor.u32 s22, v1;
	v2 =	vshrl.u32 v2, $0x2;
	v0 =	vsub.s32 v11, v0  }
0x77: {  	s24 =	sadd.s32 $0x420, s3;
	v7 =	vor.u32 s12, v1;
	v2 =	vmul.u32 $0x6, v2;
	[tilespmem:$0x1FF70] =	vst v0;
	v0 =	vmulhi.u32 $0xAAAAAAAB, v6  }
0x78: {  	v12 =	vor.u32 s24, v1;
	v4 =	vmul.u32 $0x6, v4;
	v8 =	vmulhi.u32 $0xAAAAAAAB, v7  }
0x79: {  	s23 =	sadd.s32 $0x410, s3;
	v62 =	vsub.s32 v5, v2;
	v2 =	vmulhi.u32 $0xAAAAAAAB, v12;
	v0 =	vshrl.u32 v0, $0x2  }
0x7a: {  	v9 =	vmul.u32 $0x6, v0;
	v0 =	vshrl.u32 v8, $0x2;
	v8 =	vor.u32 s23, v1  }
0x7b: {  	s25 =	sadd.s32 $0x430, s3;
	v11 =	vmulhi.u32 $0xAAAAAAAB, v8  }
0x7c: {  	v61 =	vsub.s32 v3, v4;
	v4 =	vor.u32 s25, v1  }
0x7d: {  	v2 =	vshrl.u32 v2, $0x2;
	v10 =	vmul.u32 $0x6, v0;
	v3 =	vshrl.u32 v11, $0x2  }
0x7e: {  	s26 =	sadd.s32 $0x440, s3;
	v5 =	vmul.u32 $0x6, v2;
	v63 =	vsub.s32 v6, v9;
	v3 =	vmul.u32 $0x6, v3  }
0x7f: {  	s13 =	sadd.s32 $0x450, s3;
	v6 =	vmulhi.u32 $0xAAAAAAAB, v4;
	v0 =	vsub.s32 v7, v10;
	v7 =	vor.u32 s26, v1  }
0x80: {  	s14 =	sadd.s32 $0x460, s3;
	[tilespmem:$0x1FF80] =	vst v0;
	v0 =	vsub.s32 v8, v3;
	v3 =	vmulhi.u32 $0xAAAAAAAB, v7;
	v8 =	vor.u32 s13, v1  }
0x81: {  	v9 =	vor.u32 s14, v1;
	[tilespmem:$0x1FF90] =	vst v0;
	v0 =	vsub.s32 v12, v5;
	v5 =	vmulhi.u32 $0xAAAAAAAB, v8  }
0x82: {  	v10 =	vmulhi.u32 $0xAAAAAAAB, v9;
	v6 =	vshrl.u32 v6, $0x2;
	v3 =	vshrl.u32 v3, $0x2  }
0x83: {  	s15 =	sadd.s32 $0x470, s3;
	v6 =	vmul.u32 $0x6, v6;
	v11 =	vmul.u32 $0x6, v3;
	v3 =	vshrl.u32 v5, $0x2  }
0x84: {  	s13 =	sadd.s32 $0x480, s3;
	v5 =	vmul.u32 $0x6, v3;
	v3 =	vshrl.u32 v10, $0x2;
	v10 =	vor.u32 s15, v1  }
0x85: {  	s20 =	sadd.s32 $0x4D0, s3;
	v14 =	vor.u32 s13, v1;
	[tilespmem:$0x1FFA0] =	vst v0;
	v0 =	vsub.s32 v4, v6;
	v13 =	vmulhi.u32 $0xAAAAAAAB, v10  }
0x86: {  	v17 =	vor.u32 s20, v1;
	[tilespmem:$0x1FFB0] =	vst v0;
	v0 =	vsub.s32 v7, v11;
	v7 =	vmulhi.u32 $0xAAAAAAAB, v14  }
0x87: {  	v12 =	vmul.u32 $0x6, v3;
	[tilespmem:$0x1FFC0] =	vst v0;
	v0 =	vsub.s32 v8, v5;
	v8 =	vshrl.u32 v13, $0x2  }
0x88: {  	s16 =	sadd.s32 $0x490, s3;
	v18 =	vmulhi.u32 $0xAAAAAAAB, v17;
	v7 =	vshrl.u32 v7, $0x2;
	v8 =	vmul.u32 $0x6, v8  }
0x89: {  	s17 =	sadd.s32 $0x4A0, s3;
	[tilespmem:$0x1FFD0] =	vst v0;
	v0 =	vsub.s32 v9, v12;
	v9 =	vor.u32 s16, v1;
	v11 =	vmul.u32 $0x6, v7  }
0x8a: {  	s19 =	sadd.s32 $0x4C0, s3;
	v13 =	vor.u32 s17, v1;
	[tilespmem:$0x1FFE0] =	vst v0;
	v12 =	vmulhi.u32 $0xAAAAAAAB, v9;
	v0 =	vsub.s32 v10, v8  }
0x8b: {  	s18 =	sadd.s32 $0x4B0, s3;
	v10 =	vmulhi.u32 $0xAAAAAAAB, v13;
	v8 =	vsub.s32 v14, v11;
	v14 =	vor.u32 s19, v1  }
0x8c: {  	v15 =	vor.u32 s18, v1;
	s21 =	sadd.s32 $0x4E0, s3;
	v16 =	vmulhi.u32 $0xAAAAAAAB, v14  }
0x8d: {  	v19 =	vor.u32 s21, v1;
	v11 =	vmulhi.u32 $0xAAAAAAAB, v15;
	v10 =	vshrl.u32 v10, $0x2  }
0x8e: {  	v12 =	vshrl.u32 v12, $0x2;
	v10 =	vmul.u32 $0x6, v10;
	v16 =	vshrl.u32 v16, $0x2  }
0x8f: {  	v12 =	vmul.u32 $0x6, v12;
	v11 =	vshrl.u32 v11, $0x2;
	v16 =	vmul.u32 $0x6, v16  }
0x90: {  	v11 =	vmul.u32 $0x6, v11;
	v10 =	vsub.s32 v13, v10;
	v13 =	vmulhi.u32 $0xAAAAAAAB, v19  }
0x91: {  	v9 =	vsub.s32 v9, v12;
	v12 =	vsub.s32 v14, v16;
	v14 =	vshrl.u32 v18, $0x2  }
0x92: {  	s22 =	sadd.s32 $0x4F0, s3;
	v14 =	vmul.u32 $0x6, v14;
	v13 =	vshrl.u32 v13, $0x2  }
0x93: {  	s23 =	sadd.s32 $0x510, s3;
	v11 =	vsub.s32 v15, v11;
	v15 =	vor.u32 s22, v1;
	v16 =	vmul.u32 $0x6, v13  }
0x94: {  	s24 =	sadd.s32 $0x520, s3;
	v21 =	vor.u32 s23, v1;
	v18 =	vmulhi.u32 $0xAAAAAAAB, v15;
	v13 =	vsub.s32 v17, v14  }
0x95: {  	v14 =	vsub.s32 v19, v16;
	v16 =	vmulhi.u32 $0xAAAAAAAB, v21;
	v19 =	vor.u32 s24, v1  }
0x96: {  	v22 =	vmulhi.u32 $0xAAAAAAAB, v19  }
0x97: {  	s25 =	sadd.s32 $0x530, s3;
	v18 =	vshrl.u32 v18, $0x2;
	v16 =	vshrl.u32 v16, $0x2  }
0x98: {  	v23 =	vmul.u32 $0x6, v16;
	v16 =	vshrl.u32 v22, $0x2;
	v22 =	vor.u32 s25, v1  }
0x99: {  	v18 =	vmul.u32 $0x6, v18;
	v24 =	vmul.u32 $0x6, v16;
	v25 =	vmulhi.u32 $0xAAAAAAAB, v22;
	_ =	sdelay $0x1  }
0x9a: {  	v15 =	vsub.s32 v15, v18;
	v18 =	vsub.s32 v19, v24;
	v19 =	vshrl.u32 v25, $0x2  }
0x9b: {  	s15 =	sadd.s32 $0x560, s3;
	v19 =	vmul.u32 $0x6, v19  }
0x9c: {  	v24 =	vor.u32 s15, v1  }
0x9d: {  	v19 =	vsub.s32 v22, v19;
	v22 =	vmulhi.u32 $0xAAAAAAAB, v24  }
0x9e: {  	s15 =	sadd.s32 $0x580, s3  }
0x9f: {  	s19 =	sadd.s32 $0x5B0, s3;
	v27 =	vor.u32 s15, v1;
	v22 =	vshrl.u32 v22, $0x2  }
0xa0: {  	v30 =	vor.u32 s19, v1;
	v28 =	vmulhi.u32 $0xAAAAAAAB, v27;
	v22 =	vmul.u32 $0x6, v22  }
0xa1: {  	v31 =	vmulhi.u32 $0xAAAAAAAB, v30;
	s22 =	sadd.s32 $0x5E0, s3  }
0xa2: {  	[tilespmem:$0x1FFF0] =	vst v0;
	v0 =	vor.u32 s22, v1;
	v22 =	vsub.s32 v24, v22;
	v24 =	vshrl.u32 v28, $0x2  }
0xa3: {  	s20 =	sadd.s32 $0x5C0, s3;
	v4 =	vmulhi.u32 $0xAAAAAAAB, v0;
	v24 =	vmul.u32 $0x6, v24  }
0xa4: {  	v7 =	vor.u32 s20, v1;
	v31 =	vshrl.u32 v31, $0x2  }
0xa5: {  	v4 =	vshrl.u32 v4, $0x2;
	v24 =	vsub.s32 v27, v24;
	v27 =	vmulhi.u32 $0xAAAAAAAB, v7  }
0xa6: {  	v31 =	vmul.u32 $0x6, v31;
	v4 =	vmul.u32 $0x6, v4  }
0xa7: {  	v27 =	vshrl.u32 v27, $0x2  }
0xa8: {  	v6 =	vmul.u32 $0x6, v27;
	v27 =	vsub.s32 v30, v31;
	v30 =	vsub.s32 v0, v4;
	v0 =	vld [tilespmem:$0x1FB20];
	_ =	sdelay $0x4  }
0xa9: {  	v0 =	vshll.u32 v0, $0xA  }
0xaa: {  	[tilespmem:$0x1FB30] =	vst v0;
	v0 =	vld [tilespmem:$0x1FB40];
	_ =	sdelay $0x4  }
0xab: {  	v0 =	vshll.u32 v0, $0xA  }
0xac: {  	[tilespmem:$0x1FB50] =	vst v0;
	v0 =	vld [tilespmem:$0x1FB60];
	_ =	sdelay $0x4  }
0xad: {  	v0 =	vshll.u32 v0, $0xA  }
0xae: {  	[tilespmem:$0x1FB70] =	vst v0;
	v0 =	vld [tilespmem:$0x1FB80];
	_ =	sdelay $0x4  }
0xaf: {  	v0 =	vshll.u32 v0, $0xA  }
0xb0: {  	[tilespmem:$0x1FB90] =	vst v0;
	v0 =	vld [tilespmem:$0x1FBA0];
	_ =	sdelay $0x4  }
0xb1: {  	v0 =	vshll.u32 v0, $0xA  }
0xb2: {  	[tilespmem:$0x1FBB0] =	vst v0;
	v0 =	vld [tilespmem:$0x1FBC0];
	_ =	sdelay $0x4  }
0xb3: {  	v0 =	vshll.u32 v0, $0xA  }
0xb4: {  	[tilespmem:$0x1FBD0] =	vst v0;
	v0 =	vld [tilespmem:$0x1FBE0];
	_ =	sdelay $0x4  }
0xb5: {  	v0 =	vshll.u32 v0, $0xA  }
0xb6: {  	[tilespmem:$0x1FBF0] =	vst v0;
	v0 =	vld [tilespmem:$0x1FC00];
	_ =	sdelay $0x4  }
0xb7: {  	v0 =	vshll.u32 v0, $0xA  }
0xb8: {  	[tilespmem:$0x1FC10] =	vst v0;
	v0 =	vld [tilespmem:$0x1FC20];
	_ =	sdelay $0x4  }
0xb9: {  	v0 =	vshll.u32 v0, $0xA  }
0xba: {  	[tilespmem:$0x1FC30] =	vst v0;
	v0 =	vld [tilespmem:$0x1FC40];
	_ =	sdelay $0x4  }
0xbb: {  	v0 =	vshll.u32 v0, $0xA  }
0xbc: {  	[tilespmem:$0x1FC50] =	vst v0;
	v0 =	vld [tilespmem:$0x1FC60];
	_ =	sdelay $0x4  }
0xbd: {  	v0 =	vshll.u32 v0, $0xA  }
0xbe: {  	[tilespmem:$0x1FC70] =	vst v0;
	v0 =	vld [tilespmem:$0x1FC80];
	_ =	sdelay $0x4  }
0xbf: {  	v0 =	vshll.u32 v0, $0xA  }
0xc0: {  	[tilespmem:$0x1FC90] =	vst v0;
	v0 =	vld [tilespmem:$0x1FCA0];
	_ =	sdelay $0x4  }
0xc1: {  	v0 =	vshll.u32 v0, $0xA  }
0xc2: {  	[tilespmem:$0x1FCB0] =	vst v0;
	v0 =	vld [tilespmem:$0x1FCC0];
	_ =	sdelay $0x4  }
0xc3: {  	v0 =	vshll.u32 v0, $0xA  }
0xc4: {  	[tilespmem:$0x1FCD0] =	vst v0;
	v0 =	vld [tilespmem:$0x1FCE0];
	_ =	sdelay $0x4  }
0xc5: {  	v0 =	vshll.u32 v0, $0xA  }
0xc6: {  	[tilespmem:$0x1FCF0] =	vst v0;
	v0 =	vld [tilespmem:$0x1FD00];
	_ =	sdelay $0x4  }
0xc7: {  	v0 =	vshll.u32 v0, $0xA  }
0xc8: {  	[tilespmem:$0x1FD10] =	vst v0;
	v0 =	vld [tilespmem:$0x1FD20];
	_ =	sdelay $0x4  }
0xc9: {  	v0 =	vshll.u32 v0, $0xA  }
0xca: {  	[tilespmem:$0x1FD30] =	vst v0;
	v0 =	vld [tilespmem:$0x1FD40];
	_ =	sdelay $0x4  }
0xcb: {  	v0 =	vshll.u32 v0, $0xA  }
0xcc: {  	[tilespmem:$0x1FD50] =	vst v0;
	v0 =	vld [tilespmem:$0x1FD60];
	_ =	sdelay $0x4  }
0xcd: {  	v0 =	vshll.u32 v0, $0xA  }
0xce: {  	[tilespmem:$0x1FD70] =	vst v0;
	v0 =	vld [tilespmem:$0x1FD80];
	_ =	sdelay $0x4  }
0xcf: {  	v0 =	vshll.u32 v0, $0xA  }
0xd0: {  	[tilespmem:$0x1FD90] =	vst v0;
	v0 =	vld [tilespmem:$0x1FDA0];
	_ =	sdelay $0x4  }
0xd1: {  	v0 =	vshll.u32 v0, $0xA  }
0xd2: {  	[tilespmem:$0x1FDB0] =	vst v0;
	v0 =	vld [tilespmem:$0x1FDC0];
	_ =	sdelay $0x3  }
0xd3: {  	s14 =	sadd.s32 $0x500, s3  }
0xd4: {  	v20 =	vor.u32 s14, v1;
	v0 =	vshll.u32 v0, $0xA  }
0xd5: {  	v17 =	vmulhi.u32 $0xAAAAAAAB, v20;
	[tilespmem:$0x1FDD0] =	vst v0;
	v0 =	vld [tilespmem:$0x1FDE0];
	_ =	sdelay $0x1  }
0xd6: {  	v17 =	vshrl.u32 v17, $0x2  }
0xd7: {  	s26 =	sadd.s32 $0x540, s3;
	v17 =	vmul.u32 $0x6, v17  }
0xd8: {  	v26 =	vor.u32 s26, v1  }
0xd9: {  	v16 =	vsub.s32 v20, v17;
	v20 =	vmulhi.u32 $0xAAAAAAAB, v26;
	v0 =	vshll.u32 v0, $0xA  }
0xda: {  	s6 =	sadd.s32 $0x550, s3;
	[tilespmem:$0x1FDF0] =	vst v0;
	v0 =	vld [tilespmem:$0x1FE00]  }
0xdb: {  	v17 =	vsub.s32 v21, v23;
	v21 =	vor.u32 s6, v1;
	v20 =	vshrl.u32 v20, $0x2  }
0xdc: {  	s16 =	sadd.s32 $0x570, s3;
	v23 =	vmulhi.u32 $0xAAAAAAAB, v21;
	v20 =	vmul.u32 $0x6, v20  }
0xdd: {  	v25 =	vor.u32 s16, v1  }
0xde: {  	v23 =	vshrl.u32 v23, $0x2;
	v20 =	vsub.s32 v26, v20;
	v26 =	vmulhi.u32 $0xAAAAAAAB, v25  }
0xdf: {  	s6 =	simm.s32 $0x0;
	s16 =	rddreg [dreg:$0x1];
	v23 =	vmul.u32 $0x6, v23;
	v0 =	vshll.u32 v0, $0xA  }
0xe0: {  	s17 =	sadd.s32 $0x590, s3;
	[smem:$0x7FF] =	sst s6;
	v26 =	vshrl.u32 v26, $0x2;
	[tilespmem:$0x1FE10] =	vst v0  }
0xe1: {  	v21 =	vsub.s32 v21, v23;
	v23 =	vmul.u32 $0x6, v26;
	v26 =	vor.u32 s17, v1;
	s17 =	rddreg [dreg:$0x0];
	_ =	strace $0x80000047  }
0xe2: {  	v0 =	vld [tilespmem:$0x1FE20];
	_ =	sdelay $0x4  }
0xe3: {  	v0 =	vshll.u32 v0, $0xA  }
0xe4: {  	[tilespmem:$0x1FE30] =	vst v0;
	v0 =	vld [tilespmem:$0x1FE40];
	_ =	sdelay $0x4  }
0xe5: {  	v0 =	vshll.u32 v0, $0xA  }
0xe6: {  	[tilespmem:$0x1FE50] =	vst v0;
	v0 =	vld [tilespmem:$0x1FE60];
	_ =	sdelay $0x4  }
0xe7: {  	v0 =	vshll.u32 v0, $0xA  }
0xe8: {  	[tilespmem:$0x1FE70] =	vst v0;
	v0 =	vld [tilespmem:$0x1FE80];
	_ =	sdelay $0x4  }
0xe9: {  	v0 =	vshll.u32 v0, $0xA  }
0xea: {  	[tilespmem:$0x1FE90] =	vst v0;
	v0 =	vld [tilespmem:$0x1FEA0];
	_ =	sdelay $0x4  }
0xeb: {  	v0 =	vshll.u32 v0, $0xA  }
0xec: {  	v40 =	vshll.u32 v40, $0xA;
	[tilespmem:$0x1FEB0] =	vst v0;
	v0 =	vld [tilespmem:$0x1FEC0]  }
0xed: {  	v46 =	vshll.u32 v46, $0xA;
	v39 =	vshll.u32 v39, $0xA;
	s18 =	sadd.s32 $0x5A0, s3;
	v52 =	vshll.u32 v52, $0xA  }
0xee: {  	v29 =	vor.u32 s18, v1;
	v45 =	vshll.u32 v45, $0xA;
	v58 =	vshll.u32 v58, $0xA  }
0xef: {  	v61 =	vshll.u32 v61, $0xA;
	v51 =	vshll.u32 v51, $0xA;
	v57 =	vshll.u32 v57, $0xA;
	s21 =	sadd.s32 $0x5D0, s3  }
0xf0: {  	v62 =	vshll.u32 v62, $0xA;
	v63 =	vshll.u32 v63, $0xA;
	v5 =	vor.u32 s21, v1  }
0xf1: {  	v8 =	vshll.u32 v8, $0xA;
	v9 =	vshll.u32 v9, $0xA;
	v0 =	vshll.u32 v0, $0xA  }
0xf2: {  	s28 =	simm.s32 $0x14600;
	s29 =	simm.s32 $0x580;
	v10 =	vshll.u32 v10, $0xA;
	v11 =	vshll.u32 v11, $0xA;
	v12 =	vshll.u32 v12, $0xA;
	[tilespmem:$0x1FED0] =	vst v0;
	v0 =	vld [tilespmem:$0x1FEE0]  }
0xf3: {  	s30 =	simm.s32 $0x16600;
	s31 =	simm.s32 $0x1;
	s2 =	ssub.s32 $0x2, s2;
	v13 =	vshll.u32 v13, $0xA;
	v14 =	vshll.u32 v14, $0xA;
	v15 =	vshll.u32 v15, $0xA  }
0xf4: {  	s4 =	sshll.u32 s4, $0x3;
	s7 =	sshll.u32 s7, $0x3;
	s23 =	sadd.s32 $0x5F0, s3;
	v16 =	vshll.u32 v16, $0xA;
	v17 =	vshll.u32 v17, $0xA;
	v28 =	vmulhi.u32 $0xAAAAAAAB, v26  }
0xf5: {  	s10 =	sshll.u32 s10, $0x3;
	s5 =	sshll.u32 s8, $0x3;
	s8 =	sshll.u32 s9, $0x3;
	v18 =	vshll.u32 v18, $0xA;
	v19 =	vshll.u32 v19, $0xA;
	v1 =	vor.u32 s23, v1  }
0xf6: {  	s0 =	sshll.u32 s0, $0x3;
	s20 =	sshll.u32 s12, $0x3;
	s3 =	sshrl.u32 s3, $0x3;
	v2 =	vmulhi.u32 $0xAAAAAAAB, v1;
	v23 =	vsub.s32 v25, v23;
	v25 =	vshrl.u32 v28, $0x2  }
0xf7: {  	s12 =	simm.s32 $0x180;
	s19 =	smul.u32 $0x3000, s1;
	v20 =	vshll.u32 v20, $0xA;
	s18 =	sadd.s32 s3, s17;
	v25 =	vmul.u32 $0x6, v25;
	v0 =	vshll.u32 v0, $0xA  }
0xf8: {  	s22 =	sshll.u32 s13, $0x3;
	s13 =	simm.s32 $0x6600;
	s24 =	sadd.s32 $0x1600, s18;
	v2 =	vshrl.u32 v2, $0x2;
	v28 =	vmulhi.u32 $0xAAAAAAAB, v29;
	[tilespmem:$0x1FEF0] =	vst v0;
	v0 =	vshll.u32 v32, $0xA  }
0xf9: {  	s25 =	sadd.s32 s16, s19;
	s4 =	sadd.s32 s16, s4;
	v25 =	vsub.s32 v26, v25;
	v26 =	vmulhi.u32 $0xAAAAAAAB, v5;
	[dreg:$0x3] =	wrdreg s24;
	[tilespmem:$0x1FF00] =	vst v0;
	v0 =	vshll.u32 v33, $0xA  }
0xfa: {  	s26 =	sadd.s32 s16, s7;
	s7 =	sadd.s32 s16, s5;
	v2 =	vmul.u32 $0x6, v2;
	v28 =	vshrl.u32 v28, $0x2;
	[dreg:$0x4] =	wrdreg s25;
	[tilespmem:$0x1FF10] =	vst v0;
	v0 =	vshll.u32 v34, $0xA  }
0xfb: {  	s9 =	sadd.s32 s16, s8;
	s0 =	sadd.s32 s16, s0;
	v28 =	vmul.u32 $0x6, v28;
	v26 =	vshrl.u32 v26, $0x2;
	[dreg:$0x5] =	wrdreg s4;
	[tilespmem:$0x1FF20] =	vst v0;
	v0 =	vshll.u32 v35, $0xA  }
0xfc: {  	s21 =	sadd.s32 s16, s20;
	s8 =	simm.s32 $0x600;
	v31 =	vsub.s32 v1, v2;
	v3 =	vmul.u32 $0x6, v26;
	[dreg:$0x6] =	wrdreg s26;
	v1 =	vld [tilespmem:$0x1FF90];
	[tilespmem:$0x1FF30] =	vst v0;
	v0 =	vshll.u32 v36, $0xA  }
0xfd: {  	s20 =	simm.s32 $0x380;
	s23 =	sadd.s32 s16, s22;
	v21 =	vshll.u32 v21, $0xA;
	v22 =	vshll.u32 v22, $0xA;
	[dreg:$0x7] =	wrdreg s7;
	v2 =	vld [tilespmem:$0x1FFA0];
	[tilespmem:$0x1FF40] =	vst v0;
	v0 =	vshll.u32 v37, $0xA  }
0xfe: {  	s1 =	sadd.s32 $0x2E00, s17;
	s17 =	sadd.s32 s16, s10;
	v26 =	vsub.s32 v29, v28;
	v29 =	vsub.s32 v5, v3;
	[dreg:$0x8] =	wrdreg s9;
	v3 =	vld [tilespmem:$0x1FFB0];
	[tilespmem:$0x1FF50] =	vst v0;
	v0 =	vshll.u32 v38, $0xA  }
0xff: {  	s22 =	simm.s32 $0x400;
	s18 =	sshll.u32 s11, $0x3;
	v23 =	vshll.u32 v23, $0xA;
	v24 =	vshll.u32 v24, $0xA;
	v28 =	vsub.s32 v7, v6;
	[dreg:$0x9] =	wrdreg s17;
	[tilespmem:$0x1FF60] =	vst v0;
	v0 =	vld [tilespmem:$0x1FF70]  }
0x100: {  	s3 =	sshrl.u32 s2, $0x1;
	s19 =	sadd.s32 s16, s18;
	[dreg:$0xa] =	wrdreg s0;
	v4 =	vld [tilespmem:$0x1FFC0];
	v38 =	vshll.u32 v41, $0xA;
	v41 =	vshll.u32 v42, $0xA;
	v42 =	vshll.u32 v43, $0xA  }
0x101: {  	s10 =	simm.s32 $0x100;
	s3 =	ssub.s32 s2, s3;
	[dreg:$0xb] =	wrdreg s19;
	v5 =	vld [tilespmem:$0x1FFD0];
	v43 =	vshll.u32 v44, $0xA;
	v44 =	vshll.u32 v47, $0xA;
	v47 =	vshll.u32 v48, $0xA  }
0x102: {  	s11 =	simm.s32 $0x4600;
	s3 =	smax.u32 s3, $0x1;
	[dreg:$0xc] =	wrdreg s21;
	v6 =	vld [tilespmem:$0x1FFE0];
	v48 =	vshll.u32 v49, $0xA;
	v49 =	vshll.u32 v50, $0xA;
	v50 =	vshll.u32 v53, $0xA  }
0x103: {  	s18 =	simm.s32 $0x300;
	s24 =	sshll.u32 s14, $0x3;
	[dreg:$0xd] =	wrdreg s23;
	v7 =	vld [tilespmem:$0x1FFF0];
	v53 =	vshll.u32 v54, $0xA;
	v54 =	vshll.u32 v55, $0xA;
	v55 =	vshll.u32 v56, $0xA  }
0x104: {  	s26 =	sshll.u32 s15, $0x3;
	s4 =	simm.s32 $0x3;
	s7 =	simm.s32 $0x80;
	v56 =	vshll.u32 v59, $0xA;
	v59 =	vshll.u32 v60, $0xA;
	v60 =	vshll.u32 v0, $0xA;
	v0 =	vld [tilespmem:$0x1FF80]  }
0x105: {  	v25 =	vshll.u32 v25, $0xA;
	v27 =	vshll.u32 v27, $0xA;
	v30 =	vshll.u32 v30, $0xA;
	s9 =	simm.s32 $0x2600;
	s14 =	simm.s32 $0x200;
	s15 =	simm.s32 $0x8600  }
0x106: {  	v31 =	vshll.u32 v31, $0xA;
	v26 =	vshll.u32 v26, $0xA;
	v28 =	vshll.u32 v28, $0xA;
	s17 =	simm.s32 $0xA600;
	s19 =	simm.s32 $0xC600;
	s21 =	simm.s32 $0xE600  }
0x107: {  	v29 =	vshll.u32 v29, $0xA;
	s23 =	simm.s32 $0x10600;
	s0 =	simm.s32 $0x2;
	s25 =	sadd.s32 s16, s24;
	v1 =	vshll.u32 v1, $0xA;
	v2 =	vshll.u32 v2, $0xA  }
0x108: {  	s2 =	sadd.s32 s16, s26;
	s16 =	simm.s32 $0x280;
	s24 =	simm.s32 $0x480;
	v3 =	vshll.u32 v3, $0xA;
	v4 =	vshll.u32 v4, $0xA;
	v5 =	vshll.u32 v5, $0xA  }
0x109: {  	s26 =	simm.s32 $0x500;
	[dreg:$0xe] =	wrdreg s25;
	s25 =	simm.s32 $0x12600;
	v6 =	vshll.u32 v6, $0xA;
	v7 =	vshll.u32 v7, $0xA;
	v0 =	vshll.u32 v0, $0xA  }
.LBB2_1:
0x10a: {  	s5 =	rddreg [dreg:$0x3]  }
0x10b: {  	[tilespmem:s6], [sflag:$0x3] =	stream.linear.gather [hbm4b:s5+s6], $0x600, $0x38;
	[tilespmem:$0x18600] =	vst v63  }
0x10c: {  	_ =	swait.ge [sflag:s4], $0x600  }
0x10d: {  	[sflag:s4] =	ssyncset.done $0x0  }
0x10e: {  	v37 =	vld [tilespmem:$0x1FB30];
	[sflag:s4] =	ssyncadd.s32 $0xFFFFFA00  }
0x10f: {  	v32 =	vld [tilespmem:$0x0];
	_ =	sdelay $0x4  }
0x110: {  	v33 =	vld [tilespmem:$0x10];
	v32 =	vadd.s32 v37, v32  }
0x111: {  	[tilespmem:$0x0] =	vst v32;
	v32 =	vld [tilespmem:$0x1FB50];
	_ =	sdelay $0x4  }
0x112: {  	v34 =	vld [tilespmem:$0x20];
	v32 =	vadd.s32 v32, v33  }
0x113: {  	[tilespmem:$0x10] =	vst v32;
	v32 =	vld [tilespmem:$0x1FB70];
	_ =	sdelay $0x4  }
0x114: {  	v35 =	vld [tilespmem:$0x30];
	v32 =	vadd.s32 v32, v34  }
0x115: {  	[tilespmem:$0x20] =	vst v32;
	v32 =	vld [tilespmem:$0x1FB90];
	_ =	sdelay $0x4  }
0x116: {  	v36 =	vld [tilespmem:$0x40];
	v32 =	vadd.s32 v32, v35  }
0x117: {  	[tilespmem:$0x30] =	vst v32;
	v32 =	vld [tilespmem:$0x1FBB0];
	_ =	sdelay $0x4  }
0x118: {  	v37 =	vld [tilespmem:$0x50];
	v32 =	vadd.s32 v32, v36  }
0x119: {  	[tilespmem:$0x40] =	vst v32;
	v32 =	vld [tilespmem:$0x1FBD0];
	_ =	sdelay $0x4  }
0x11a: {  	v33 =	vld [tilespmem:$0x60];
	v32 =	vadd.s32 v32, v37  }
0x11b: {  	[tilespmem:$0x50] =	vst v32;
	v32 =	vld [tilespmem:$0x1FBF0];
	_ =	sdelay $0x4  }
0x11c: {  	v34 =	vld [tilespmem:$0x70];
	v32 =	vadd.s32 v32, v33  }
0x11d: {  	[tilespmem:$0x60] =	vst v32;
	v32 =	vld [tilespmem:$0x1FC10];
	_ =	sdelay $0x4  }
0x11e: {  	v35 =	vld [tilespmem:$0x80];
	v32 =	vadd.s32 v32, v34  }
0x11f: {  	[tilespmem:$0x70] =	vst v32;
	v32 =	vld [tilespmem:$0x1FC30];
	_ =	sdelay $0x4  }
0x120: {  	v36 =	vld [tilespmem:$0x90];
	v32 =	vadd.s32 v32, v35  }
0x121: {  	[tilespmem:$0x80] =	vst v32;
	v32 =	vld [tilespmem:$0x1FC50];
	_ =	sdelay $0x4  }
0x122: {  	v37 =	vld [tilespmem:$0xA0];
	v32 =	vadd.s32 v32, v36  }
0x123: {  	[tilespmem:$0x90] =	vst v32;
	v32 =	vld [tilespmem:$0x1FC70];
	_ =	sdelay $0x4  }
0x124: {  	v33 =	vld [tilespmem:$0xB0];
	v32 =	vadd.s32 v32, v37  }
0x125: {  	[tilespmem:$0xA0] =	vst v32;
	v32 =	vld [tilespmem:$0x1FC90];
	_ =	sdelay $0x4  }
0x126: {  	v34 =	vld [tilespmem:$0xC0];
	v32 =	vadd.s32 v32, v33  }
0x127: {  	[tilespmem:$0xB0] =	vst v32;
	v32 =	vld [tilespmem:$0x1FCB0];
	_ =	sdelay $0x4  }
0x128: {  	v35 =	vld [tilespmem:$0xD0];
	v32 =	vadd.s32 v32, v34  }
0x129: {  	[tilespmem:$0xC0] =	vst v32;
	v32 =	vld [tilespmem:$0x1FCD0];
	_ =	sdelay $0x4  }
0x12a: {  	v36 =	vld [tilespmem:$0xE0];
	v32 =	vadd.s32 v32, v35  }
0x12b: {  	[tilespmem:$0xD0] =	vst v32;
	v32 =	vld [tilespmem:$0x1FCF0];
	_ =	sdelay $0x4  }
0x12c: {  	v37 =	vld [tilespmem:$0xF0];
	v32 =	vadd.s32 v32, v36  }
0x12d: {  	[tilespmem:$0xE0] =	vst v32;
	v32 =	vld [tilespmem:$0x1FD10];
	_ =	sdelay $0x4  }
0x12e: {  	v33 =	vld [tilespmem:$0x100];
	v32 =	vadd.s32 v32, v37  }
0x12f: {  	[tilespmem:$0xF0] =	vst v32;
	v32 =	vld [tilespmem:$0x1FD30];
	_ =	sdelay $0x4  }
0x130: {  	v34 =	vld [tilespmem:$0x110];
	v32 =	vadd.s32 v32, v33  }
0x131: {  	[tilespmem:$0x100] =	vst v32;
	v32 =	vld [tilespmem:$0x1FD50];
	_ =	sdelay $0x4  }
0x132: {  	v35 =	vld [tilespmem:$0x120];
	v32 =	vadd.s32 v32, v34  }
0x133: {  	[tilespmem:$0x110] =	vst v32;
	v32 =	vld [tilespmem:$0x1FD70];
	_ =	sdelay $0x4  }
0x134: {  	v36 =	vld [tilespmem:$0x130];
	v32 =	vadd.s32 v32, v35  }
0x135: {  	[tilespmem:$0x120] =	vst v32;
	v32 =	vld [tilespmem:$0x1FD90];
	_ =	sdelay $0x4  }
0x136: {  	v37 =	vld [tilespmem:$0x140];
	v32 =	vadd.s32 v32, v36  }
0x137: {  	[tilespmem:$0x130] =	vst v32;
	v32 =	vld [tilespmem:$0x1FDB0];
	_ =	sdelay $0x4  }
0x138: {  	v33 =	vld [tilespmem:$0x150];
	v32 =	vadd.s32 v32, v37  }
0x139: {  	[tilespmem:$0x140] =	vst v32;
	v32 =	vld [tilespmem:$0x1FDD0];
	_ =	sdelay $0x4  }
0x13a: {  	v34 =	vld [tilespmem:$0x160];
	v32 =	vadd.s32 v32, v33  }
0x13b: {  	[tilespmem:$0x150] =	vst v32;
	v32 =	vld [tilespmem:$0x1FDF0];
	_ =	sdelay $0x4  }
0x13c: {  	v35 =	vld [tilespmem:$0x170];
	v32 =	vadd.s32 v32, v34  }
0x13d: {  	[tilespmem:$0x160] =	vst v32;
	v32 =	vld [tilespmem:$0x1FE10];
	_ =	sdelay $0x4  }
0x13e: {  	v36 =	vld [tilespmem:$0x180];
	v32 =	vadd.s32 v32, v35  }
0x13f: {  	[tilespmem:$0x170] =	vst v32;
	v32 =	vld [tilespmem:$0x1FE30];
	_ =	sdelay $0x4  }
0x140: {  	v37 =	vld [tilespmem:$0x190];
	v32 =	vadd.s32 v32, v36  }
0x141: {  	[tilespmem:$0x180] =	vst v32;
	v32 =	vld [tilespmem:$0x1FE50];
	_ =	sdelay $0x4  }
0x142: {  	v33 =	vld [tilespmem:$0x1A0];
	v32 =	vadd.s32 v32, v37  }
0x143: {  	[tilespmem:$0x190] =	vst v32;
	v32 =	vld [tilespmem:$0x1FE70];
	_ =	sdelay $0x4  }
0x144: {  	v34 =	vld [tilespmem:$0x1B0];
	v32 =	vadd.s32 v32, v33  }
0x145: {  	[tilespmem:$0x1A0] =	vst v32;
	v32 =	vld [tilespmem:$0x1FE90];
	_ =	sdelay $0x4  }
0x146: {  	v35 =	vld [tilespmem:$0x1C0];
	v32 =	vadd.s32 v32, v34  }
0x147: {  	[tilespmem:$0x1B0] =	vst v32;
	v32 =	vld [tilespmem:$0x1FEB0];
	_ =	sdelay $0x4  }
0x148: {  	v36 =	vld [tilespmem:$0x1D0];
	v32 =	vadd.s32 v32, v35  }
0x149: {  	[tilespmem:$0x1C0] =	vst v32;
	v32 =	vld [tilespmem:$0x1FED0];
	_ =	sdelay $0x4  }
0x14a: {  	v37 =	vld [tilespmem:$0x1E0];
	v32 =	vadd.s32 v32, v36  }
0x14b: {  	[tilespmem:$0x1D0] =	vst v32;
	v32 =	vld [tilespmem:$0x1FEF0];
	_ =	sdelay $0x4  }
0x14c: {  	v33 =	vld [tilespmem:$0x1F0];
	v32 =	vadd.s32 v32, v37  }
0x14d: {  	[tilespmem:$0x1E0] =	vst v32;
	v32 =	vld [tilespmem:$0x1FF00];
	_ =	sdelay $0x4  }
0x14e: {  	v34 =	vld [tilespmem:$0x200];
	v32 =	vadd.s32 v32, v33  }
0x14f: {  	[tilespmem:$0x1F0] =	vst v32;
	v32 =	vld [tilespmem:$0x1FF10];
	_ =	sdelay $0x4  }
0x150: {  	v35 =	vld [tilespmem:$0x210];
	v32 =	vadd.s32 v32, v34  }
0x151: {  	[tilespmem:$0x200] =	vst v32;
	v32 =	vld [tilespmem:$0x1FF20];
	_ =	sdelay $0x4  }
0x152: {  	v36 =	vld [tilespmem:$0x220];
	v32 =	vadd.s32 v32, v35  }
0x153: {  	[tilespmem:$0x210] =	vst v32;
	v32 =	vld [tilespmem:$0x1FF30];
	_ =	sdelay $0x4  }
0x154: {  	v37 =	vld [tilespmem:$0x230];
	v32 =	vadd.s32 v32, v36  }
0x155: {  	[tilespmem:$0x220] =	vst v32;
	v32 =	vld [tilespmem:$0x1FF40];
	_ =	sdelay $0x4  }
0x156: {  	v33 =	vld [tilespmem:$0x240];
	v32 =	vadd.s32 v32, v37  }
0x157: {  	[tilespmem:$0x230] =	vst v32;
	v32 =	vld [tilespmem:$0x1FF50];
	_ =	sdelay $0x4  }
0x158: {  	v34 =	vld [tilespmem:$0x250];
	v32 =	vadd.s32 v32, v33  }
0x159: {  	[tilespmem:$0x240] =	vst v32;
	v32 =	vld [tilespmem:$0x1FF60]  }
0x15a: {  	v35 =	vld [tilespmem:$0x260]  }
0x15b: {  	v36 =	vld [tilespmem:$0x270]  }
0x15c: {  	v37 =	vld [tilespmem:$0x280]  }
0x15d: {  	v33 =	vld [tilespmem:$0x290]  }
0x15e: {  	v32 =	vadd.s32 v32, v34;
	v34 =	vld [tilespmem:$0x2A0]  }
0x15f: {  	[tilespmem:$0x250] =	vst v32;
	v32 =	vadd.s32 v38, v35;
	v35 =	vld [tilespmem:$0x2B0]  }
0x160: {  	[tilespmem:$0x260] =	vst v32;
	v32 =	vadd.s32 v39, v36;
	v36 =	vld [tilespmem:$0x2C0]  }
0x161: {  	[tilespmem:$0x270] =	vst v32;
	v32 =	vadd.s32 v40, v37;
	v37 =	vld [tilespmem:$0x2D0]  }
0x162: {  	[tilespmem:$0x280] =	vst v32;
	v32 =	vadd.s32 v41, v33;
	v33 =	vld [tilespmem:$0x2E0]  }
0x163: {  	[tilespmem:$0x290] =	vst v32;
	v32 =	vadd.s32 v42, v34;
	v34 =	vld [tilespmem:$0x2F0]  }
0x164: {  	[tilespmem:$0x2A0] =	vst v32;
	v32 =	vadd.s32 v43, v35;
	v35 =	vld [tilespmem:$0x300]  }
0x165: {  	[tilespmem:$0x2B0] =	vst v32;
	v32 =	vadd.s32 v44, v36;
	v36 =	vld [tilespmem:$0x310]  }
0x166: {  	[tilespmem:$0x2C0] =	vst v32;
	v32 =	vadd.s32 v45, v37;
	v37 =	vld [tilespmem:$0x320]  }
0x167: {  	[tilespmem:$0x2D0] =	vst v32;
	v32 =	vadd.s32 v46, v33;
	v33 =	vld [tilespmem:$0x330]  }
0x168: {  	[tilespmem:$0x2E0] =	vst v32;
	v32 =	vadd.s32 v47, v34;
	v34 =	vld [tilespmem:$0x340]  }
0x169: {  	[tilespmem:$0x2F0] =	vst v32;
	v32 =	vadd.s32 v48, v35;
	v35 =	vld [tilespmem:$0x350]  }
0x16a: {  	[tilespmem:$0x300] =	vst v32;
	v32 =	vadd.s32 v49, v36;
	v36 =	vld [tilespmem:$0x360]  }
0x16b: {  	[tilespmem:$0x310] =	vst v32;
	v32 =	vadd.s32 v50, v37;
	v37 =	vld [tilespmem:$0x370]  }
0x16c: {  	[tilespmem:$0x320] =	vst v32;
	v32 =	vadd.s32 v51, v33;
	v33 =	vld [tilespmem:$0x380]  }
0x16d: {  	[tilespmem:$0x330] =	vst v32;
	v32 =	vadd.s32 v52, v34;
	v34 =	vld [tilespmem:$0x390]  }
0x16e: {  	[tilespmem:$0x340] =	vst v32;
	v32 =	vadd.s32 v53, v35;
	v35 =	vld [tilespmem:$0x3A0]  }
0x16f: {  	[tilespmem:$0x350] =	vst v32;
	v32 =	vadd.s32 v54, v36;
	v36 =	vld [tilespmem:$0x3B0]  }
0x170: {  	[tilespmem:$0x360] =	vst v32;
	v32 =	vadd.s32 v55, v37;
	v37 =	vld [tilespmem:$0x3C0]  }
0x171: {  	[tilespmem:$0x370] =	vst v32;
	v32 =	vadd.s32 v56, v33;
	v33 =	vld [tilespmem:$0x3D0]  }
0x172: {  	[tilespmem:$0x380] =	vst v32;
	v32 =	vadd.s32 v57, v34;
	v34 =	vld [tilespmem:$0x3E0]  }
0x173: {  	[tilespmem:$0x390] =	vst v32;
	v32 =	vadd.s32 v58, v35;
	v35 =	vld [tilespmem:$0x3F0]  }
0x174: {  	[tilespmem:$0x3A0] =	vst v32;
	v32 =	vadd.s32 v59, v36;
	v36 =	vld [tilespmem:$0x400]  }
0x175: {  	[tilespmem:$0x3B0] =	vst v32;
	v32 =	vadd.s32 v60, v37;
	v37 =	vld [tilespmem:$0x410]  }
0x176: {  	[tilespmem:$0x3C0] =	vst v32;
	v32 =	vadd.s32 v61, v33;
	v33 =	vld [tilespmem:$0x420]  }
0x177: {  	[tilespmem:$0x3D0] =	vst v32;
	v32 =	vadd.s32 v62, v34;
	v34 =	vld [tilespmem:$0x430]  }
0x178: {  	[tilespmem:$0x3E0] =	vst v32;
	v32 =	vadd.s32 v63, v35;
	v35 =	vld [tilespmem:$0x440]  }
0x179: {  	[tilespmem:$0x3F0] =	vst v32;
	v32 =	vadd.s32 v0, v36;
	v36 =	vld [tilespmem:$0x450]  }
0x17a: {  	[tilespmem:$0x400] =	vst v32;
	v32 =	vadd.s32 v1, v37;
	v37 =	vld [tilespmem:$0x460]  }
0x17b: {  	[tilespmem:$0x410] =	vst v32;
	v32 =	vadd.s32 v2, v33;
	v33 =	vld [tilespmem:$0x470]  }
0x17c: {  	[tilespmem:$0x420] =	vst v32;
	v32 =	vadd.s32 v3, v34;
	v34 =	vld [tilespmem:$0x480]  }
0x17d: {  	[tilespmem:$0x430] =	vst v32;
	v32 =	vadd.s32 v4, v35;
	v35 =	vld [tilespmem:$0x490]  }
0x17e: {  	[tilespmem:$0x440] =	vst v32;
	v32 =	vadd.s32 v5, v36;
	v36 =	vld [tilespmem:$0x4A0]  }
0x17f: {  	[tilespmem:$0x450] =	vst v32;
	v32 =	vadd.s32 v6, v37;
	v37 =	vld [tilespmem:$0x4B0]  }
0x180: {  	[tilespmem:$0x460] =	vst v32;
	v32 =	vadd.s32 v7, v33;
	v33 =	vld [tilespmem:$0x4C0]  }
0x181: {  	[tilespmem:$0x470] =	vst v32;
	v32 =	vadd.s32 v8, v34;
	v34 =	vld [tilespmem:$0x4D0]  }
0x182: {  	[tilespmem:$0x480] =	vst v32;
	v32 =	vadd.s32 v9, v35;
	v35 =	vld [tilespmem:$0x4E0]  }
0x183: {  	[tilespmem:$0x490] =	vst v32;
	v32 =	vadd.s32 v10, v36;
	v36 =	vld [tilespmem:$0x4F0]  }
0x184: {  	[tilespmem:$0x4A0] =	vst v32;
	v32 =	vadd.s32 v11, v37;
	v37 =	vld [tilespmem:$0x500]  }
0x185: {  	[tilespmem:$0x4B0] =	vst v32;
	v32 =	vadd.s32 v12, v33;
	v33 =	vld [tilespmem:$0x510]  }
0x186: {  	[tilespmem:$0x4C0] =	vst v32;
	v32 =	vadd.s32 v13, v34;
	v34 =	vld [tilespmem:$0x520]  }
0x187: {  	[tilespmem:$0x4D0] =	vst v32;
	v32 =	vadd.s32 v14, v35;
	v35 =	vld [tilespmem:$0x530]  }
0x188: {  	[tilespmem:$0x4E0] =	vst v32;
	v32 =	vadd.s32 v15, v36;
	v36 =	vld [tilespmem:$0x540]  }
0x189: {  	[tilespmem:$0x4F0] =	vst v32;
	v32 =	vadd.s32 v16, v37;
	v37 =	vld [tilespmem:$0x550]  }
0x18a: {  	[tilespmem:$0x500] =	vst v32;
	v32 =	vadd.s32 v17, v33;
	v33 =	vld [tilespmem:$0x560]  }
0x18b: {  	[tilespmem:$0x510] =	vst v32;
	v32 =	vadd.s32 v18, v34;
	v34 =	vld [tilespmem:$0x570]  }
0x18c: {  	[tilespmem:$0x520] =	vst v32;
	v32 =	vadd.s32 v19, v35;
	v35 =	vld [tilespmem:$0x580]  }
0x18d: {  	[tilespmem:$0x530] =	vst v32;
	v32 =	vadd.s32 v20, v36;
	v36 =	vld [tilespmem:$0x590]  }
0x18e: {  	[tilespmem:$0x540] =	vst v32;
	v32 =	vadd.s32 v21, v37;
	v37 =	vld [tilespmem:$0x5A0]  }
0x18f: {  	[tilespmem:$0x550] =	vst v32;
	v32 =	vadd.s32 v22, v33;
	v33 =	vld [tilespmem:$0x5B0]  }
0x190: {  	[tilespmem:$0x560] =	vst v32;
	v32 =	vadd.s32 v23, v34;
	v34 =	vld [tilespmem:$0x5C0]  }
0x191: {  	[tilespmem:$0x570] =	vst v32;
	v32 =	vadd.s32 v24, v35;
	v35 =	vld [tilespmem:$0x5D0]  }
0x192: {  	[tilespmem:$0x580] =	vst v32;
	v32 =	vadd.s32 v25, v36;
	v36 =	vld [tilespmem:$0x5E0]  }
0x193: {  	[tilespmem:$0x590] =	vst v32;
	v32 =	vadd.s32 v26, v37;
	v37 =	vld [tilespmem:$0x5F0]  }
0x194: {  	[tilespmem:$0x5A0] =	vst v32;
	v32 =	vadd.s32 v27, v33  }
0x195: {  	[tilespmem:$0x5B0] =	vst v32;
	v32 =	vadd.s32 v28, v34  }
0x196: {  	[tilespmem:$0x5C0] =	vst v32;
	v32 =	vadd.s32 v29, v35  }
0x197: {  	[tilespmem:$0x5D0] =	vst v32;
	v36 =	vadd.s32 v30, v36  }
0x198: {  	[tilespmem:$0x5E0] =	vst v36;
	v37 =	vadd.s32 v31, v37  }
0x199: {  	[tilespmem:$0x5F0] =	vst v37  }
0x19a: {  	[tilespmem:s8], [sflag:$0x1] =	stream.indirect.gather [hbm4b:s1+s7], $0x40, s6, s7, $0xb8;
	[tilespmem:$0x18600] =	vst v63  }
0x19b: {  	_ = 	snop  }
0x19c: {  	[tilespmem:s9], [sflag:$0x1] =	stream.indirect.gather [hbm4b:s1+s7], $0x40, s7, s7, $0xb8;
	[tilespmem:$0x18600] =	vst v63  }
0x19d: {  	_ = 	snop  }
0x19e: {  	[tilespmem:s11], [sflag:$0x1] =	stream.indirect.gather [hbm4b:s1+s7], $0x40, s10, s7, $0xb8;
	[tilespmem:$0x18600] =	vst v63  }
0x19f: {  	_ = 	snop  }
0x1a0: {  	[tilespmem:s13], [sflag:$0x1] =	stream.indirect.gather [hbm4b:s1+s7], $0x40, s12, s7, $0xb8;
	[tilespmem:$0x18600] =	vst v63  }
0x1a1: {  	_ = 	snop  }
0x1a2: {  	[tilespmem:s15], [sflag:$0x1] =	stream.indirect.gather [hbm4b:s1+s7], $0x40, s14, s7, $0xb8;
	[tilespmem:$0x18600] =	vst v63  }
0x1a3: {  	_ = 	snop  }
0x1a4: {  	[tilespmem:s17], [sflag:$0x1] =	stream.indirect.gather [hbm4b:s1+s7], $0x40, s16, s7, $0xb8;
	[tilespmem:$0x18600] =	vst v63  }
0x1a5: {  	_ = 	snop  }
0x1a6: {  	[tilespmem:s19], [sflag:$0x1] =	stream.indirect.gather [hbm4b:s1+s7], $0x40, s18, s7, $0xb8;
	[tilespmem:$0x18600] =	vst v63  }
0x1a7: {  	_ = 	snop  }
0x1a8: {  	[tilespmem:s21], [sflag:$0x1] =	stream.indirect.gather [hbm4b:s1+s7], $0x40, s20, s7, $0xb8;
	[tilespmem:$0x18600] =	vst v63  }
0x1a9: {  	_ = 	snop  }
0x1aa: {  	[tilespmem:s23], [sflag:$0x1] =	stream.indirect.gather [hbm4b:s1+s7], $0x40, s22, s7, $0xb8;
	[tilespmem:$0x18600] =	vst v63  }
0x1ab: {  	_ = 	snop  }
0x1ac: {  	[tilespmem:s25], [sflag:$0x1] =	stream.indirect.gather [hbm4b:s1+s7], $0x40, s24, s7, $0xb8;
	[tilespmem:$0x18600] =	vst v63  }
0x1ad: {  	_ = 	snop  }
0x1ae: {  	[tilespmem:s28], [sflag:$0x1] =	stream.indirect.gather [hbm4b:s1+s7], $0x40, s26, s7, $0xb8;
	[tilespmem:$0x18600] =	vst v63  }
0x1af: {  	_ = 	snop  }
0x1b0: {  	[tilespmem:s30], [sflag:$0x1] =	stream.indirect.gather [hbm4b:s1+s7], $0x40, s29, s7, $0xb8;
	[tilespmem:$0x18600] =	vst v63  }
0x1b1: {  	_ =	swait.ge [sflag:s31], $0x2000  }
0x1b2: {  	[sflag:s31] =	ssyncset.done $0x0  }
0x1b3: {  	s5 =	rddreg [dreg:$0x4];
	[sflag:s31] =	ssyncadd.s32 $0xFFFFE000  }
0x1b4: {  	[hbm4b:s5+s6] =	stream.linear.scatter [tilespmem:s8], [sflag:$0x2], $0x2000, $0x38;
	[tilespmem:$0x18600] =	vst v63  }
0x1b5: {  	_ =	swait.ge [sflag:s31], $0x2000  }
0x1b6: {  	[sflag:s31] =	ssyncset.done $0x0  }
0x1b7: {  	s5 =	rddreg [dreg:$0x5];
	[sflag:s31] =	ssyncadd.s32 $0xFFFFE000  }
0x1b8: {  	[hbm4b:s5+s6] =	stream.linear.scatter [tilespmem:s9], [sflag:$0x2], $0x2000, $0x38;
	[tilespmem:$0x18600] =	vst v63  }
0x1b9: {  	_ =	swait.ge [sflag:s31], $0x2000  }
0x1ba: {  	[sflag:s31] =	ssyncset.done $0x0  }
0x1bb: {  	s5 =	rddreg [dreg:$0x6];
	[sflag:s31] =	ssyncadd.s32 $0xFFFFE000  }
0x1bc: {  	[hbm4b:s5+s6] =	stream.linear.scatter [tilespmem:s11], [sflag:$0x2], $0x2000, $0x38;
	[tilespmem:$0x18600] =	vst v63  }
0x1bd: {  	_ =	swait.ge [sflag:s31], $0x2000  }
0x1be: {  	[sflag:s31] =	ssyncset.done $0x0  }
0x1bf: {  	s5 =	rddreg [dreg:$0x7];
	[sflag:s31] =	ssyncadd.s32 $0xFFFFE000  }
0x1c0: {  	[hbm4b:s5+s6] =	stream.linear.scatter [tilespmem:s13], [sflag:$0x2], $0x2000, $0x38;
	[tilespmem:$0x18600] =	vst v63  }
0x1c1: {  	_ =	swait.ge [sflag:s31], $0x2000  }
0x1c2: {  	[sflag:s31] =	ssyncset.done $0x0  }
0x1c3: {  	s5 =	rddreg [dreg:$0x8];
	[sflag:s31] =	ssyncadd.s32 $0xFFFFE000  }
0x1c4: {  	[hbm4b:s5+s6] =	stream.linear.scatter [tilespmem:s15], [sflag:$0x2], $0x2000, $0x38;
	[tilespmem:$0x18600] =	vst v63  }
0x1c5: {  	_ =	swait.ge [sflag:s31], $0x2000  }
0x1c6: {  	[sflag:s31] =	ssyncset.done $0x0  }
0x1c7: {  	s5 =	rddreg [dreg:$0x9];
	[sflag:s31] =	ssyncadd.s32 $0xFFFFE000  }
0x1c8: {  	[hbm4b:s5+s6] =	stream.linear.scatter [tilespmem:s17], [sflag:$0x2], $0x2000, $0x38;
	[tilespmem:$0x18600] =	vst v63  }
0x1c9: {  	_ =	swait.ge [sflag:s31], $0x2000  }
0x1ca: {  	[sflag:s31] =	ssyncset.done $0x0  }
0x1cb: {  	s5 =	rddreg [dreg:$0xa];
	[sflag:s31] =	ssyncadd.s32 $0xFFFFE000  }
0x1cc: {  	[hbm4b:s5+s6] =	stream.linear.scatter [tilespmem:s19], [sflag:$0x2], $0x2000, $0x38;
	[tilespmem:$0x18600] =	vst v63  }
0x1cd: {  	_ =	swait.ge [sflag:s31], $0x2000  }
0x1ce: {  	[sflag:s31] =	ssyncset.done $0x0  }
0x1cf: {  	s5 =	rddreg [dreg:$0xb];
	[sflag:s31] =	ssyncadd.s32 $0xFFFFE000  }
0x1d0: {  	[hbm4b:s5+s6] =	stream.linear.scatter [tilespmem:s21], [sflag:$0x2], $0x2000, $0x38;
	[tilespmem:$0x18600] =	vst v63  }
0x1d1: {  	_ =	swait.ge [sflag:s31], $0x2000  }
0x1d2: {  	[sflag:s31] =	ssyncset.done $0x0  }
0x1d3: {  	s5 =	rddreg [dreg:$0xc];
	[sflag:s31] =	ssyncadd.s32 $0xFFFFE000  }
0x1d4: {  	[hbm4b:s5+s6] =	stream.linear.scatter [tilespmem:s23], [sflag:$0x2], $0x2000, $0x38;
	[tilespmem:$0x18600] =	vst v63  }
0x1d5: {  	_ =	swait.ge [sflag:s31], $0x2000  }
0x1d6: {  	[sflag:s31] =	ssyncset.done $0x0  }
0x1d7: {  	s5 =	rddreg [dreg:$0xd];
	[sflag:s31] =	ssyncadd.s32 $0xFFFFE000  }
0x1d8: {  	[hbm4b:s5+s6] =	stream.linear.scatter [tilespmem:s25], [sflag:$0x2], $0x2000, $0x38;
	[tilespmem:$0x18600] =	vst v63  }
0x1d9: {  	_ =	swait.ge [sflag:s31], $0x2000  }
0x1da: {  	[sflag:s31] =	ssyncset.done $0x0  }
0x1db: {  	s5 =	rddreg [dreg:$0xe];
	[sflag:s31] =	ssyncadd.s32 $0xFFFFE000  }
0x1dc: {  	[hbm4b:s5+s6] =	stream.linear.scatter [tilespmem:s28], [sflag:$0x2], $0x2000, $0x38;
	[tilespmem:$0x18600] =	vst v63  }
0x1dd: {  	_ =	swait.ge [sflag:s31], $0x2000  }
0x1de: {  	[sflag:s31] =	ssyncset.done $0x0  }
0x1df: {  	[sflag:s31] =	ssyncadd.s32 $0xFFFFE000  }
0x1e0: {  	[hbm4b:s2+s6] =	stream.linear.scatter [tilespmem:s30], [sflag:$0x2], $0x2000, $0x38;
	[tilespmem:$0x18600] =	vst v63  }
0x1e1: {  	_ =	swait.ge [sflag:s0], $0x2000  }
0x1e2: {  	[sflag:s0] =	ssyncset.done $0x0  }
0x1e3: {  	[sflag:s0] =	ssyncadd.s32 $0xFFFFE000  }
0x1e4: {  	_ =	swait.ge [sflag:s0], $0x2000  }
0x1e5: {  	[sflag:s0] =	ssyncset.done $0x0  }
0x1e6: {  	[sflag:s0] =	ssyncadd.s32 $0xFFFFE000  }
0x1e7: {  	_ =	swait.ge [sflag:s0], $0x2000  }
0x1e8: {  	[sflag:s0] =	ssyncset.done $0x0  }
0x1e9: {  	[sflag:s0] =	ssyncadd.s32 $0xFFFFE000  }
0x1ea: {  	_ =	swait.ge [sflag:s0], $0x2000  }
0x1eb: {  	[sflag:s0] =	ssyncset.done $0x0  }
0x1ec: {  	[sflag:s0] =	ssyncadd.s32 $0xFFFFE000  }
0x1ed: {  	_ =	swait.ge [sflag:s0], $0x2000  }
0x1ee: {  	[sflag:s0] =	ssyncset.done $0x0  }
0x1ef: {  	[sflag:s0] =	ssyncadd.s32 $0xFFFFE000  }
0x1f0: {  	_ =	swait.ge [sflag:s0], $0x2000  }
0x1f1: {  	[sflag:s0] =	ssyncset.done $0x0  }
0x1f2: {  	[sflag:s0] =	ssyncadd.s32 $0xFFFFE000  }
0x1f3: {  	_ =	swait.ge [sflag:s0], $0x2000  }
0x1f4: {  	[sflag:s0] =	ssyncset.done $0x0  }
0x1f5: {  	[sflag:s0] =	ssyncadd.s32 $0xFFFFE000  }
0x1f6: {  	_ =	swait.ge [sflag:s0], $0x2000  }
0x1f7: {  	[sflag:s0] =	ssyncset.done $0x0  }
0x1f8: {  	[sflag:s0] =	ssyncadd.s32 $0xFFFFE000  }
0x1f9: {  	_ =	swait.ge [sflag:s0], $0x2000  }
0x1fa: {  	[sflag:s0] =	ssyncset.done $0x0  }
0x1fb: {  	[sflag:s0] =	ssyncadd.s32 $0xFFFFE000  }
0x1fc: {  	_ =	swait.ge [sflag:s0], $0x2000  }
0x1fd: {  	[sflag:s0] =	ssyncset.done $0x0  }
0x1fe: {  	[sflag:s0] =	ssyncadd.s32 $0xFFFFE000  }
0x1ff: {  	p0 =	sne.s32 s3, $0x1;
	_ =	swait.ge [sflag:s0], $0x2000  }
.Ltmp0:
0x200: {  	[sflag:s0] =	ssyncset.done $0x0;
	(pc) =	sbr.rel @p0 .LBB2_1-.Ltmp0, $4  }
0x201: {  	[sflag:s0] =	ssyncadd.s32 $0xFFFFE000  }
0x202: {  	_ =	swait.ge [sflag:s0], $0x2000  }
0x203: {  	[sflag:s0] =	ssyncset.done $0x0  }
0x204: {  	s3 =	sadd.s32 $0xFFFFFFFF, s3;
	[sflag:s0] =	ssyncadd.s32 $0xFFFFE000  }
0x205: {  	_ =	sfence.sel $0x180000  }
0x206: {  	[bflag:$0x0] =	sbarrier.arrive $0xFFFF  }
0x207: {  	_ =	strace $0x90000047  }
0x208: {  	s0 =	stileid.u32;
	[bflag:$0x2] =	sbarrier.arrive $0xFFFF  }
0x209: {  	p0 =	sne.s32 s0, $0x0;
	s0 =	rddreg [dreg:$0x2]  }
0x20a: {  	s0 =	sadd.s32 @!p0 $0x100000, s0  }
0x20b: {  	[sflag:s0] =	ssyncadd.tile.s32 @!p0 $0x1;
	_ =	shalt  }
.Lfunc_end2:
_tile_overlayer_lowered:
.L_overlay_start_2:
0x20c: {  	(tag) =	ssettag $0x2  }
0x20d: {  	s0 =	rddreg [dreg:$0x0];
	s2 =	stileid.u32  }
0x20e: {  	s1 =	rddreg [dreg:$0x1];
	p0 =	sne.s32 s2, $0x0  }
0x20f: {  	s3 =	rddreg [dreg:$0x2];
	[bflag:$0x3] =	sbarrier.arrive $0xFFFF;
	s2 =	simm.s32 @!p0 $0x1C03  }
0x210: {  	[timem:s3], [sflag:s2] =	dma.local @!p0 [hbm:s0], s1  }
0x211: {  	s0 =	simm.s32 @!p0 $0x3  }
0x212: {  	_ =	swait.ge @!p0 [sflag:s0], s1  }
0x213: {  	s1 =	ssub.s32 @!p0 $0x0, s1;
	[sflag:s0] =	ssyncset.done @!p0 $0x0  }
0x214: {  	[sflag:s0] =	ssyncadd.s32 @!p0 s1  }
0x215: {  	[bflag:$0x3] =	sbarrier.arrive $0xFFFF  }
0x216: {  	_ =	shalt  }

</sc_bundles>
